<compile_context>
chip_gen: v7x
topology: tpu7x:2x2x1
jax: 0.10.2.dev20260603
libtpu: 0.0.44.dev20260713+nightly
codegen_flags: <defaults>
</compile_context>

<pallas_src>
import jax
import jax.numpy as jnp
from jax import lax
from jax.experimental import pallas as pl
from jax.experimental.pallas import tpu as pltpu
from jax.experimental.pallas import tpu_sc as plsc

_K = 1024
_D = 64
_N = 16384
_COMMIT = 0.25

_BT = 8192
_NB = _N // _BT

_NC, _NS = 2, 16
_NW = _NC * _NS
_BW = _N // _NW
_CH = 128
_NCH = _BW // _CH


def _vq_tc_body(x_ref, c2_ref, cn_ref, idx_ref, acc_ref):
    x = x_ref[...]
    c2 = c2_ref[...]
    rn = jnp.sum(x * x, axis=1, keepdims=True)
    cn = cn_ref[0, :]
    mm2 = lax.dot_general(x, c2, (((1,), (1,)), ((), ())),
                          preferred_element_type=jnp.float32)
    d = (rn + cn[None, :]) - mm2
    lane = lax.broadcasted_iota(jnp.int32, (128, 128), 1).astype(jnp.float32)
    idx_parts = []
    gsum = None
    for g in range(_BT // 128):
        r0 = g * 128
        bestv = lax.slice(d, (r0, 0), (r0 + 128, 128))
        bestc = jnp.zeros((128, 128), jnp.float32)
        for ci in range(1, _K // 128):
            dc = lax.slice(d, (r0, ci * 128), (r0 + 128, (ci + 1) * 128))
            m = dc < bestv
            bestv = jnp.minimum(dc, bestv)
            bestc = jnp.where(m, float(ci), bestc)
        cand = bestc * 128.0 + lane
        bvt = bestv.T
        gmin_t = jnp.min(bvt, axis=0, keepdims=True)
        idxg = jnp.min(jnp.where(bvt == gmin_t, cand.T, float(_K)), axis=0)
        idx_parts.append(idxg)
        s = jnp.sum(gmin_t)
        gsum = s if gsum is None else gsum + s
    idx_f = jnp.concatenate(idx_parts)
    idx_ref[...] = idx_f.astype(jnp.int32)

    @pl.when(pl.program_id(0) == 0)
    def _init():
        acc_ref[...] = jnp.zeros_like(acc_ref)

    acc_ref[...] += gsum.reshape(1, 1)


_vq_tc = pl.pallas_call(
    _vq_tc_body,
    grid=(_NB,),
    in_specs=[
        pl.BlockSpec((_BT, _D), lambda i: (i, 0)),
        pl.BlockSpec((_K, _D), lambda i: (0, 0)),
        pl.BlockSpec((1, _K), lambda i: (0, 0)),
    ],
    out_specs=[
        pl.BlockSpec((_BT,), lambda i: (i,)),
        pl.BlockSpec((1, 1), lambda i: (0, 0)),
    ],
    out_shape=[
        jax.ShapeDtypeStruct((_N,), jnp.int32),
        jax.ShapeDtypeStruct((1, 1), jnp.float32),
    ],
    compiler_params=pltpu.CompilerParams(dimension_semantics=("arbitrary",)),
)


def _sc_gather_body(table_hbm, idx_hbm, out_hbm, idx_v, rows_v, sem, wsem):
    wid = lax.axis_index("s") * _NC + lax.axis_index("c")
    base = wid * _BW
    pltpu.sync_copy(idx_hbm.at[pl.ds(base, _BW)], idx_v)
    copies = [
        pltpu.async_copy(table_hbm.at[idx_v.at[pl.ds(j * _CH, _CH)]],
                         rows_v.at[j], sem)
        for j in range(_NCH)
    ]
    wbacks = []
    for j, cp in enumerate(copies):
        cp.wait()
        wbacks.append(
            pltpu.async_copy(rows_v.at[j],
                             out_hbm.at[pl.ds(base + j * _CH, _CH)], wsem))
    for wb in wbacks:
        wb.wait()


import functools


@functools.lru_cache(maxsize=1)
def _sc_gather():
    return pl.kernel(
        _sc_gather_body,
        mesh=plsc.VectorSubcoreMesh(core_axis_name="c", subcore_axis_name="s"),
        out_type=jax.ShapeDtypeStruct((_N, 2 * _D), jnp.float32),
        scratch_types=[
            pltpu.VMEM((_BW,), jnp.int32),
            pltpu.VMEM((_NCH, _CH, 2 * _D), jnp.float32),
            pltpu.SemaphoreType.DMA,
            pltpu.SemaphoreType.DMA,
        ],
    )


def kernel(inputs, codebook):
    cn = jnp.sum(codebook ** 2, axis=1)[None, :]
    idx, acc = _vq_tc(inputs, codebook + codebook, cn)
    cb_pad = jnp.pad(codebook, ((0, 0), (0, _D)))
    quantized = _sc_gather()(cb_pad, idx)[:, :_D]
    mean_d = acc[0, 0] / (_N * _D)
    loss = mean_d + _COMMIT * mean_d
    return quantized, loss, idx

# --- scband reference (transcript-rebuilt; emitter-appended) ---
"""Pipeline reference for scband-vector-quantizer-59227599012564 (READ-ONLY COPY).

The authoritative reference and input builder live on the scoring server;
editing this copy changes nothing except your own understanding.
"""

import jax, jax.numpy as jnp
import numpy as np

CODEBOOK_SIZE = 1024
EMBEDDING_DIM = 64
COMMITMENT_COST = 0.25
N_TOKENS = 16384


def setup_inputs(seed: int = 0) -> dict:
    key = jax.random.key(seed)
    k_in, k_cb = jax.random.split(key)
    inputs = jax.random.normal(k_in, (N_TOKENS, EMBEDDING_DIM), dtype=jnp.float32)
    codebook = jax.random.uniform(
        k_cb, (CODEBOOK_SIZE, EMBEDDING_DIM), dtype=jnp.float32,
        minval=-1.0 / CODEBOOK_SIZE, maxval=1.0 / CODEBOOK_SIZE)
    return {"inputs": inputs, "codebook": codebook}


def reference(inputs, codebook):
    # distances[n, k] = ||inputs[n]||^2 + ||codebook[k]||^2 - 2 <inputs[n], codebook[k]>
    distances = (jnp.sum(inputs ** 2, axis=1, keepdims=True)
                 + jnp.sum(codebook ** 2, axis=1)
                 - 2.0 * jnp.matmul(inputs, codebook.T))
    encoding_indices = jnp.argmin(distances, axis=1)
    # one-hot scatter (mirrors torch scatter_ of ones into zeros)
    n = inputs.shape[0]
    encodings = jnp.zeros((n, CODEBOOK_SIZE), dtype=inputs.dtype)
    encodings = encodings.at[jnp.arange(n), encoding_indices].set(1.0)
    quantized = jnp.matmul(encodings, codebook)
    e_latent_loss = jnp.mean((jax.lax.stop_gradient(quantized) - inputs) ** 2)
    q_latent_loss = jnp.mean((quantized - jax.lax.stop_gradient(inputs)) ** 2)
    loss = q_latent_loss + COMMITMENT_COST * e_latent_loss
    # straight-through estimator
    quantized_st = inputs + jax.lax.stop_gradient(quantized - inputs)
    return quantized_st, loss, encoding_indices

if __name__ == "__main__":
    import jax
    _d = setup_inputs()
    print(jax.jit(kernel)(*tuple(_d.values())))

</pallas_src>

<mosaic_0001>
#map = affine_map<(d0, d1) -> (0, 0)>
#map1 = affine_map<(d0, d1) -> (0)>
module attributes {stable_mosaic.version = 14 : i64} {
  func.func @_sc_gather_body(%arg0: i32, %arg1: i32, %arg2: memref<1024x128xf32, #tpu.memory_space<hbm>>, %arg3: memref<16384xi32, #tpu.memory_space<hbm>>, %arg4: memref<16384x128xf32, #tpu.memory_space<hbm>>, %arg5: memref<512xi32, #tpu.memory_space<vmem>>, %arg6: memref<4x128x128xf32, #tpu.memory_space<vmem>>, %arg7: memref<!tpu.dma_semaphore, #tpu.memory_space<semaphore_mem>>, %arg8: memref<!tpu.dma_semaphore, #tpu.memory_space<semaphore_mem>>) attributes {dimension_semantics = [#tpu.dimension_semantics<core_parallel>, #tpu.dimension_semantics<subcore_parallel>], iteration_bounds = array<i64: 2, 16>, scalar_prefetch = 0 : i64, scratch_operands = 4 : i64, tpu.core_type = #tpu.core_type<sc_vector_subcore>, window_params = [{transform_indices = #map}, {transform_indices = #map1}, {transform_indices = #map}]} {
    %mul3A = arith.constant 2 : i32
    %mul3A_0 = arith.muli %arg1, %mul3A : i32
    %add3A = arith.addi %mul3A_0, %arg0 : i32
    %mul3A_1 = arith.constant 512 : i32
    %mul3A_2 = arith.muli %add3A, %mul3A_1 : i32
    "tpu.region"() ({
      %run_scoped3A = tpu.sem_alloc : memref<!tpu.dma_semaphore, #tpu.memory_space<semaphore_mem>>
      %dma_start3A_193 = tpu.memref_slice %arg3[%mul3A_2] : memref<16384xi32, #tpu.memory_space<hbm>> -> memref<512xi32, #tpu.memory_space<hbm>>
      %dma_start3A_194 = tpu.memref_slice %arg3[%mul3A_2] : memref<16384xi32, #tpu.memory_space<hbm>> -> memref<512xi32, #tpu.memory_space<hbm>>
      tpu.enqueue_dma source(%dma_start3A_194 : memref<512xi32, #tpu.memory_space<hbm>>) target(%arg5 : memref<512xi32, #tpu.memory_space<vmem>>) target_semaphore(%run_scoped3A : memref<!tpu.dma_semaphore, #tpu.memory_space<semaphore_mem>>)
      %dma_wait3A_195 = tpu.memref_slice %arg3[%mul3A_2] : memref<16384xi32, #tpu.memory_space<hbm>> -> memref<512xi32, #tpu.memory_space<hbm>>
      %dma_wait3A_196 = tpu.memref_slice %arg3[%mul3A_2] : memref<16384xi32, #tpu.memory_space<hbm>> -> memref<512xi32, #tpu.memory_space<hbm>>
      tpu.wait_dma2 semaphore(%run_scoped3A : memref<!tpu.dma_semaphore, #tpu.memory_space<semaphore_mem>>) src(%dma_wait3A_196 : memref<512xi32, #tpu.memory_space<hbm>>) dst(%arg5 : memref<512xi32, #tpu.memory_space<vmem>>)
      tpu.yield
    }) : () -> ()
    %dma_start3A = arith.constant 0 : i32
    %dma_start3A_3 = arith.constant 0 : i32
    %dma_start3A_4 = arith.constant 0 : i32
    %dma_start3A_5 = tpu.memref_slice %arg6[%dma_start3A, %dma_start3A_3, %dma_start3A_4] : memref<4x128x128xf32, #tpu.memory_space<vmem>> -> memref<1x128x128xf32, #tpu.memory_space<vmem>>
    %dma_start3A_6 = tpu.memref_squeeze %dma_start3A_5 : memref<1x128x128xf32, #tpu.memory_space<vmem>> -> memref<128x128xf32, #tpu.memory_space<vmem>>
    %dma_start3A_7 = arith.constant 0 : i32
    %dma_start3A_8 = tpu.memref_slice %arg5[%dma_start3A_7] : memref<512xi32, #tpu.memory_space<vmem>> -> memref<128xi32, #tpu.memory_space<vmem>>
    %dma_start3A_9 = arith.constant 0 : i32
    %dma_start3A_10 = arith.constant 0 : i32
    %dma_start3A_11 = tpu.memref_slice %arg2[%dma_start3A_9, %dma_start3A_10] : memref<1024x128xf32, #tpu.memory_space<hbm>> -> memref<1024x128xf32, #tpu.memory_space<hbm>>
    tpu.enqueue_indirect_dma source(%dma_start3A_11 : memref<1024x128xf32, #tpu.memory_space<hbm>>) target(%dma_start3A_6 : memref<128x128xf32, #tpu.memory_space<vmem>>) offsets(%dma_start3A_8 : memref<128xi32, #tpu.memory_space<vmem>>) semaphore(%arg7 : memref<!tpu.dma_semaphore, #tpu.memory_space<semaphore_mem>>)
    %dma_start3A_12 = arith.constant 1 : i32
    %dma_start3A_13 = arith.constant 0 : i32
    %dma_start3A_14 = arith.constant 0 : i32
    %dma_start3A_15 = tpu.memref_slice %arg6[%dma_start3A_12, %dma_start3A_13, %dma_start3A_14] : memref<4x128x128xf32, #tpu.memory_space<vmem>> -> memref<1x128x128xf32, #tpu.memory_space<vmem>>
    %dma_start3A_16 = tpu.memref_squeeze %dma_start3A_15 : memref<1x128x128xf32, #tpu.memory_space<vmem>> -> memref<128x128xf32, #tpu.memory_space<vmem>>
    %dma_start3A_17 = arith.constant 128 : i32
    %dma_start3A_18 = tpu.memref_slice %arg5[%dma_start3A_17] : memref<512xi32, #tpu.memory_space<vmem>> -> memref<128xi32, #tpu.memory_space<vmem>>
    %dma_start3A_19 = arith.constant 0 : i32
    %dma_start3A_20 = arith.constant 0 : i32
    %dma_start3A_21 = tpu.memref_slice %arg2[%dma_start3A_19, %dma_start3A_20] : memref<1024x128xf32, #tpu.memory_space<hbm>> -> memref<1024x128xf32, #tpu.memory_space<hbm>>
    tpu.enqueue_indirect_dma source(%dma_start3A_21 : memref<1024x128xf32, #tpu.memory_space<hbm>>) target(%dma_start3A_16 : memref<128x128xf32, #tpu.memory_space<vmem>>) offsets(%dma_start3A_18 : memref<128xi32, #tpu.memory_space<vmem>>) semaphore(%arg7 : memref<!tpu.dma_semaphore, #tpu.memory_space<semaphore_mem>>)
    %dma_start3A_22 = arith.constant 2 : i32
    %dma_start3A_23 = arith.constant 0 : i32
    %dma_start3A_24 = arith.constant 0 : i32
    %dma_start3A_25 = tpu.memref_slice %arg6[%dma_start3A_22, %dma_start3A_23, %dma_start3A_24] : memref<4x128x128xf32, #tpu.memory_space<vmem>> -> memref<1x128x128xf32, #tpu.memory_space<vmem>>
    %dma_start3A_26 = tpu.memref_squeeze %dma_start3A_25 : memref<1x128x128xf32, #tpu.memory_space<vmem>> -> memref<128x128xf32, #tpu.memory_space<vmem>>
    %dma_start3A_27 = arith.constant 256 : i32
    %dma_start3A_28 = tpu.memref_slice %arg5[%dma_start3A_27] : memref<512xi32, #tpu.memory_space<vmem>> -> memref<128xi32, #tpu.memory_space<vmem>>
    %dma_start3A_29 = arith.constant 0 : i32
    %dma_start3A_30 = arith.constant 0 : i32
    %dma_start3A_31 = tpu.memref_slice %arg2[%dma_start3A_29, %dma_start3A_30] : memref<1024x128xf32, #tpu.memory_space<hbm>> -> memref<1024x128xf32, #tpu.memory_space<hbm>>
    tpu.enqueue_indirect_dma source(%dma_start3A_31 : memref<1024x128xf32, #tpu.memory_space<hbm>>) target(%dma_start3A_26 : memref<128x128xf32, #tpu.memory_space<vmem>>) offsets(%dma_start3A_28 : memref<128xi32, #tpu.memory_space<vmem>>) semaphore(%arg7 : memref<!tpu.dma_semaphore, #tpu.memory_space<semaphore_mem>>)
    %dma_start3A_32 = arith.constant 3 : i32
    %dma_start3A_33 = arith.constant 0 : i32
    %dma_start3A_34 = arith.constant 0 : i32
    %dma_start3A_35 = tpu.memref_slice %arg6[%dma_start3A_32, %dma_start3A_33, %dma_start3A_34] : memref<4x128x128xf32, #tpu.memory_space<vmem>> -> memref<1x128x128xf32, #tpu.memory_space<vmem>>
    %dma_start3A_36 = tpu.memref_squeeze %dma_start3A_35 : memref<1x128x128xf32, #tpu.memory_space<vmem>> -> memref<128x128xf32, #tpu.memory_space<vmem>>
    %dma_start3A_37 = arith.constant 384 : i32
    %dma_start3A_38 = tpu.memref_slice %arg5[%dma_start3A_37] : memref<512xi32, #tpu.memory_space<vmem>> -> memref<128xi32, #tpu.memory_space<vmem>>
    %dma_start3A_39 = arith.constant 0 : i32
    %dma_start3A_40 = arith.constant 0 : i32
    %dma_start3A_41 = tpu.memref_slice %arg2[%dma_start3A_39, %dma_start3A_40] : memref<1024x128xf32, #tpu.memory_space<hbm>> -> memref<1024x128xf32, #tpu.memory_space<hbm>>
    tpu.enqueue_indirect_dma source(%dma_start3A_41 : memref<1024x128xf32, #tpu.memory_space<hbm>>) target(%dma_start3A_36 : memref<128x128xf32, #tpu.memory_space<vmem>>) offsets(%dma_start3A_38 : memref<128xi32, #tpu.memory_space<vmem>>) semaphore(%arg7 : memref<!tpu.dma_semaphore, #tpu.memory_space<semaphore_mem>>)
    %dma_wait3A = arith.constant 0 : i32
    %dma_wait3A_42 = arith.constant 0 : i32
    %dma_wait3A_43 = arith.constant 0 : i32
    %dma_wait3A_44 = tpu.memref_slice %arg6[%dma_wait3A, %dma_wait3A_42, %dma_wait3A_43] : memref<4x128x128xf32, #tpu.memory_space<vmem>> -> memref<1x128x128xf32, #tpu.memory_space<vmem>>
    %dma_wait3A_45 = tpu.memref_squeeze %dma_wait3A_44 : memref<1x128x128xf32, #tpu.memory_space<vmem>> -> memref<128x128xf32, #tpu.memory_space<vmem>>
    %dma_wait3A_46 = arith.constant 0 : i32
    %dma_wait3A_47 = tpu.memref_slice %arg5[%dma_wait3A_46] : memref<512xi32, #tpu.memory_space<vmem>> -> memref<128xi32, #tpu.memory_space<vmem>>
    %dma_wait3A_48 = arith.constant 0 : i32
    %dma_wait3A_49 = arith.constant 0 : i32
    %dma_wait3A_50 = tpu.memref_slice %arg2[%dma_wait3A_48, %dma_wait3A_49] : memref<1024x128xf32, #tpu.memory_space<hbm>> -> memref<1024x128xf32, #tpu.memory_space<hbm>>
    tpu.wait_indirect_dma semaphore(%arg7 : memref<!tpu.dma_semaphore, #tpu.memory_space<semaphore_mem>>) src(%dma_wait3A_50 : memref<1024x128xf32, #tpu.memory_space<hbm>>) dst(%dma_wait3A_45 : memref<128x128xf32, #tpu.memory_space<vmem>>)
    %add3A_51 = arith.constant 0 : i32
    %add3A_52 = arith.addi %mul3A_2, %add3A_51 : i32
    %dma_start3A_53 = arith.constant 0 : i32
    %dma_start3A_54 = arith.constant 0 : i32
    %dma_start3A_55 = arith.constant 0 : i32
    %dma_start3A_56 = tpu.memref_slice %arg6[%dma_start3A_53, %dma_start3A_54, %dma_start3A_55] : memref<4x128x128xf32, #tpu.memory_space<vmem>> -> memref<1x128x128xf32, #tpu.memory_space<vmem>>
    %dma_start3A_57 = tpu.memref_squeeze %dma_start3A_56 : memref<1x128x128xf32, #tpu.memory_space<vmem>> -> memref<128x128xf32, #tpu.memory_space<vmem>>
    %dma_start3A_58 = arith.constant 0 : i32
    %dma_start3A_59 = tpu.memref_slice %arg4[%add3A_52, %dma_start3A_58] : memref<16384x128xf32, #tpu.memory_space<hbm>> -> memref<128x128xf32, #tpu.memory_space<hbm>>
    %dma_start3A_60 = arith.constant 0 : i32
    %dma_start3A_61 = tpu.memref_slice %arg4[%add3A_52, %dma_start3A_60] : memref<16384x128xf32, #tpu.memory_space<hbm>> -> memref<128x128xf32, #tpu.memory_space<hbm>>
    %dma_start3A_62 = arith.constant 0 : i32
    %dma_start3A_63 = arith.constant 0 : i32
    %dma_start3A_64 = tpu.memref_slice %arg6[%dma_start3A_53, %dma_start3A_62, %dma_start3A_63] : memref<4x128x128xf32, #tpu.memory_space<vmem>> -> memref<1x128x128xf32, #tpu.memory_space<vmem>>
    %dma_start3A_65 = tpu.memref_squeeze %dma_start3A_64 : memref<1x128x128xf32, #tpu.memory_space<vmem>> -> memref<128x128xf32, #tpu.memory_space<vmem>>
    tpu.enqueue_dma source(%dma_start3A_65 : memref<128x128xf32, #tpu.memory_space<vmem>>) target(%dma_start3A_61 : memref<128x128xf32, #tpu.memory_space<hbm>>) target_semaphore(%arg8 : memref<!tpu.dma_semaphore, #tpu.memory_space<semaphore_mem>>)
    %dma_wait3A_66 = arith.constant 1 : i32
    %dma_wait3A_67 = arith.constant 0 : i32
    %dma_wait3A_68 = arith.constant 0 : i32
    %dma_wait3A_69 = tpu.memref_slice %arg6[%dma_wait3A_66, %dma_wait3A_67, %dma_wait3A_68] : memref<4x128x128xf32, #tpu.memory_space<vmem>> -> memref<1x128x128xf32, #tpu.memory_space<vmem>>
    %dma_wait3A_70 = tpu.memref_squeeze %dma_wait3A_69 : memref<1x128x128xf32, #tpu.memory_space<vmem>> -> memref<128x128xf32, #tpu.memory_space<vmem>>
    %dma_wait3A_71 = arith.constant 128 : i32
    %dma_wait3A_72 = tpu.memref_slice %arg5[%dma_wait3A_71] : memref<512xi32, #tpu.memory_space<vmem>> -> memref<128xi32, #tpu.memory_space<vmem>>
    %dma_wait3A_73 = arith.constant 0 : i32
    %dma_wait3A_74 = arith.constant 0 : i32
    %dma_wait3A_75 = tpu.memref_slice %arg2[%dma_wait3A_73, %dma_wait3A_74] : memref<1024x128xf32, #tpu.memory_space<hbm>> -> memref<1024x128xf32, #tpu.memory_space<hbm>>
    tpu.wait_indirect_dma semaphore(%arg7 : memref<!tpu.dma_semaphore, #tpu.memory_space<semaphore_mem>>) src(%dma_wait3A_75 : memref<1024x128xf32, #tpu.memory_space<hbm>>) dst(%dma_wait3A_70 : memref<128x128xf32, #tpu.memory_space<vmem>>)
    %add3A_76 = arith.constant 128 : i32
    %add3A_77 = arith.addi %mul3A_2, %add3A_76 : i32
    %dma_start3A_78 = arith.constant 1 : i32
    %dma_start3A_79 = arith.constant 0 : i32
    %dma_start3A_80 = arith.constant 0 : i32
    %dma_start3A_81 = tpu.memref_slice %arg6[%dma_start3A_78, %dma_start3A_79, %dma_start3A_80] : memref<4x128x128xf32, #tpu.memory_space<vmem>> -> memref<1x128x128xf32, #tpu.memory_space<vmem>>
    %dma_start3A_82 = tpu.memref_squeeze %dma_start3A_81 : memref<1x128x128xf32, #tpu.memory_space<vmem>> -> memref<128x128xf32, #tpu.memory_space<vmem>>
    %dma_start3A_83 = arith.constant 0 : i32
    %dma_start3A_84 = tpu.memref_slice %arg4[%add3A_77, %dma_start3A_83] : memref<16384x128xf32, #tpu.memory_space<hbm>> -> memref<128x128xf32, #tpu.memory_space<hbm>>
    %dma_start3A_85 = arith.constant 0 : i32
    %dma_start3A_86 = tpu.memref_slice %arg4[%add3A_77, %dma_start3A_85] : memref<16384x128xf32, #tpu.memory_space<hbm>> -> memref<128x128xf32, #tpu.memory_space<hbm>>
    %dma_start3A_87 = arith.constant 0 : i32
    %dma_start3A_88 = arith.constant 0 : i32
    %dma_start3A_89 = tpu.memref_slice %arg6[%dma_start3A_78, %dma_start3A_87, %dma_start3A_88] : memref<4x128x128xf32, #tpu.memory_space<vmem>> -> memref<1x128x128xf32, #tpu.memory_space<vmem>>
    %dma_start3A_90 = tpu.memref_squeeze %dma_start3A_89 : memref<1x128x128xf32, #tpu.memory_space<vmem>> -> memref<128x128xf32, #tpu.memory_space<vmem>>
    tpu.enqueue_dma source(%dma_start3A_90 : memref<128x128xf32, #tpu.memory_space<vmem>>) target(%dma_start3A_86 : memref<128x128xf32, #tpu.memory_space<hbm>>) target_semaphore(%arg8 : memref<!tpu.dma_semaphore, #tpu.memory_space<semaphore_mem>>)
    %dma_wait3A_91 = arith.constant 2 : i32
    %dma_wait3A_92 = arith.constant 0 : i32
    %dma_wait3A_93 = arith.constant 0 : i32
    %dma_wait3A_94 = tpu.memref_slice %arg6[%dma_wait3A_91, %dma_wait3A_92, %dma_wait3A_93] : memref<4x128x128xf32, #tpu.memory_space<vmem>> -> memref<1x128x128xf32, #tpu.memory_space<vmem>>
    %dma_wait3A_95 = tpu.memref_squeeze %dma_wait3A_94 : memref<1x128x128xf32, #tpu.memory_space<vmem>> -> memref<128x128xf32, #tpu.memory_space<vmem>>
    %dma_wait3A_96 = arith.constant 256 : i32
    %dma_wait3A_97 = tpu.memref_slice %arg5[%dma_wait3A_96] : memref<512xi32, #tpu.memory_space<vmem>> -> memref<128xi32, #tpu.memory_space<vmem>>
    %dma_wait3A_98 = arith.constant 0 : i32
    %dma_wait3A_99 = arith.constant 0 : i32
    %dma_wait3A_100 = tpu.memref_slice %arg2[%dma_wait3A_98, %dma_wait3A_99] : memref<1024x128xf32, #tpu.memory_space<hbm>> -> memref<1024x128xf32, #tpu.memory_space<hbm>>
    tpu.wait_indirect_dma semaphore(%arg7 : memref<!tpu.dma_semaphore, #tpu.memory_space<semaphore_mem>>) src(%dma_wait3A_100 : memref<1024x128xf32, #tpu.memory_space<hbm>>) dst(%dma_wait3A_95 : memref<128x128xf32, #tpu.memory_space<vmem>>)
    %add3A_101 = arith.constant 256 : i32
    %add3A_102 = arith.addi %mul3A_2, %add3A_101 : i32
    %dma_start3A_103 = arith.constant 2 : i32
    %dma_start3A_104 = arith.constant 0 : i32
    %dma_start3A_105 = arith.constant 0 : i32
    %dma_start3A_106 = tpu.memref_slice %arg6[%dma_start3A_103, %dma_start3A_104, %dma_start3A_105] : memref<4x128x128xf32, #tpu.memory_space<vmem>> -> memref<1x128x128xf32, #tpu.memory_space<vmem>>
    %dma_start3A_107 = tpu.memref_squeeze %dma_start3A_106 : memref<1x128x128xf32, #tpu.memory_space<vmem>> -> memref<128x128xf32, #tpu.memory_space<vmem>>
    %dma_start3A_108 = arith.constant 0 : i32
    %dma_start3A_109 = tpu.memref_slice %arg4[%add3A_102, %dma_start3A_108] : memref<16384x128xf32, #tpu.memory_space<hbm>> -> memref<128x128xf32, #tpu.memory_space<hbm>>
    %dma_start3A_110 = arith.constant 0 : i32
    %dma_start3A_111 = tpu.memref_slice %arg4[%add3A_102, %dma_start3A_110] : memref<16384x128xf32, #tpu.memory_space<hbm>> -> memref<128x128xf32, #tpu.memory_space<hbm>>
    %dma_start3A_112 = arith.constant 0 : i32
    %dma_start3A_113 = arith.constant 0 : i32
    %dma_start3A_114 = tpu.memref_slice %arg6[%dma_start3A_103, %dma_start3A_112, %dma_start3A_113] : memref<4x128x128xf32, #tpu.memory_space<vmem>> -> memref<1x128x128xf32, #tpu.memory_space<vmem>>
    %dma_start3A_115 = tpu.memref_squeeze %dma_start3A_114 : memref<1x128x128xf32, #tpu.memory_space<vmem>> -> memref<128x128xf32, #tpu.memory_space<vmem>>
    tpu.enqueue_dma source(%dma_start3A_115 : memref<128x128xf32, #tpu.memory_space<vmem>>) target(%dma_start3A_111 : memref<128x128xf32, #tpu.memory_space<hbm>>) target_semaphore(%arg8 : memref<!tpu.dma_semaphore, #tpu.memory_space<semaphore_mem>>)
    %dma_wait3A_116 = arith.constant 3 : i32
    %dma_wait3A_117 = arith.constant 0 : i32
    %dma_wait3A_118 = arith.constant 0 : i32
    %dma_wait3A_119 = tpu.memref_slice %arg6[%dma_wait3A_116, %dma_wait3A_117, %dma_wait3A_118] : memref<4x128x128xf32, #tpu.memory_space<vmem>> -> memref<1x128x128xf32, #tpu.memory_space<vmem>>
    %dma_wait3A_120 = tpu.memref_squeeze %dma_wait3A_119 : memref<1x128x128xf32, #tpu.memory_space<vmem>> -> memref<128x128xf32, #tpu.memory_space<vmem>>
    %dma_wait3A_121 = arith.constant 384 : i32
    %dma_wait3A_122 = tpu.memref_slice %arg5[%dma_wait3A_121] : memref<512xi32, #tpu.memory_space<vmem>> -> memref<128xi32, #tpu.memory_space<vmem>>
    %dma_wait3A_123 = arith.constant 0 : i32
    %dma_wait3A_124 = arith.constant 0 : i32
    %dma_wait3A_125 = tpu.memref_slice %arg2[%dma_wait3A_123, %dma_wait3A_124] : memref<1024x128xf32, #tpu.memory_space<hbm>> -> memref<1024x128xf32, #tpu.memory_space<hbm>>
    tpu.wait_indirect_dma semaphore(%arg7 : memref<!tpu.dma_semaphore, #tpu.memory_space<semaphore_mem>>) src(%dma_wait3A_125 : memref<1024x128xf32, #tpu.memory_space<hbm>>) dst(%dma_wait3A_120 : memref<128x128xf32, #tpu.memory_space<vmem>>)
    %add3A_126 = arith.constant 384 : i32
    %add3A_127 = arith.addi %mul3A_2, %add3A_126 : i32
    %dma_start3A_128 = arith.constant 3 : i32
    %dma_start3A_129 = arith.constant 0 : i32
    %dma_start3A_130 = arith.constant 0 : i32
    %dma_start3A_131 = tpu.memref_slice %arg6[%dma_start3A_128, %dma_start3A_129, %dma_start3A_130] : memref<4x128x128xf32, #tpu.memory_space<vmem>> -> memref<1x128x128xf32, #tpu.memory_space<vmem>>
    %dma_start3A_132 = tpu.memref_squeeze %dma_start3A_131 : memref<1x128x128xf32, #tpu.memory_space<vmem>> -> memref<128x128xf32, #tpu.memory_space<vmem>>
    %dma_start3A_133 = arith.constant 0 : i32
    %dma_start3A_134 = tpu.memref_slice %arg4[%add3A_127, %dma_start3A_133] : memref<16384x128xf32, #tpu.memory_space<hbm>> -> memref<128x128xf32, #tpu.memory_space<hbm>>
    %dma_start3A_135 = arith.constant 0 : i32
    %dma_start3A_136 = tpu.memref_slice %arg4[%add3A_127, %dma_start3A_135] : memref<16384x128xf32, #tpu.memory_space<hbm>> -> memref<128x128xf32, #tpu.memory_space<hbm>>
    %dma_start3A_137 = arith.constant 0 : i32
    %dma_start3A_138 = arith.constant 0 : i32
    %dma_start3A_139 = tpu.memref_slice %arg6[%dma_start3A_128, %dma_start3A_137, %dma_start3A_138] : memref<4x128x128xf32, #tpu.memory_space<vmem>> -> memref<1x128x128xf32, #tpu.memory_space<vmem>>
    %dma_start3A_140 = tpu.memref_squeeze %dma_start3A_139 : memref<1x128x128xf32, #tpu.memory_space<vmem>> -> memref<128x128xf32, #tpu.memory_space<vmem>>
    tpu.enqueue_dma source(%dma_start3A_140 : memref<128x128xf32, #tpu.memory_space<vmem>>) target(%dma_start3A_136 : memref<128x128xf32, #tpu.memory_space<hbm>>) target_semaphore(%arg8 : memref<!tpu.dma_semaphore, #tpu.memory_space<semaphore_mem>>)
    %dma_wait3A_141 = arith.constant 0 : i32
    %dma_wait3A_142 = arith.constant 0 : i32
    %dma_wait3A_143 = arith.constant 0 : i32
    %dma_wait3A_144 = tpu.memref_slice %arg6[%dma_wait3A_141, %dma_wait3A_142, %dma_wait3A_143] : memref<4x128x128xf32, #tpu.memory_space<vmem>> -> memref<1x128x128xf32, #tpu.memory_space<vmem>>
    %dma_wait3A_145 = tpu.memref_squeeze %dma_wait3A_144 : memref<1x128x128xf32, #tpu.memory_space<vmem>> -> memref<128x128xf32, #tpu.memory_space<vmem>>
    %dma_wait3A_146 = arith.constant 0 : i32
    %dma_wait3A_147 = tpu.memref_slice %arg4[%add3A_52, %dma_wait3A_146] : memref<16384x128xf32, #tpu.memory_space<hbm>> -> memref<128x128xf32, #tpu.memory_space<hbm>>
    %dma_wait3A_148 = arith.constant 0 : i32
    %dma_wait3A_149 = tpu.memref_slice %arg4[%add3A_52, %dma_wait3A_148] : memref<16384x128xf32, #tpu.memory_space<hbm>> -> memref<128x128xf32, #tpu.memory_space<hbm>>
    %dma_wait3A_150 = arith.constant 0 : i32
    %dma_wait3A_151 = arith.constant 0 : i32
    %dma_wait3A_152 = tpu.memref_slice %arg6[%dma_wait3A_141, %dma_wait3A_150, %dma_wait3A_151] : memref<4x128x128xf32, #tpu.memory_space<vmem>> -> memref<1x128x128xf32, #tpu.memory_space<vmem>>
    %dma_wait3A_153 = tpu.memref_squeeze %dma_wait3A_152 : memref<1x128x128xf32, #tpu.memory_space<vmem>> -> memref<128x128xf32, #tpu.memory_space<vmem>>
    tpu.wait_dma2 semaphore(%arg8 : memref<!tpu.dma_semaphore, #tpu.memory_space<semaphore_mem>>) src(%dma_wait3A_153 : memref<128x128xf32, #tpu.memory_space<vmem>>) dst(%dma_wait3A_149 : memref<128x128xf32, #tpu.memory_space<hbm>>)
    %dma_wait3A_154 = arith.constant 1 : i32
    %dma_wait3A_155 = arith.constant 0 : i32
    %dma_wait3A_156 = arith.constant 0 : i32
    %dma_wait3A_157 = tpu.memref_slice %arg6[%dma_wait3A_154, %dma_wait3A_155, %dma_wait3A_156] : memref<4x128x128xf32, #tpu.memory_space<vmem>> -> memref<1x128x128xf32, #tpu.memory_space<vmem>>
    %dma_wait3A_158 = tpu.memref_squeeze %dma_wait3A_157 : memref<1x128x128xf32, #tpu.memory_space<vmem>> -> memref<128x128xf32, #tpu.memory_space<vmem>>
    %dma_wait3A_159 = arith.constant 0 : i32
    %dma_wait3A_160 = tpu.memref_slice %arg4[%add3A_77, %dma_wait3A_159] : memref<16384x128xf32, #tpu.memory_space<hbm>> -> memref<128x128xf32, #tpu.memory_space<hbm>>
    %dma_wait3A_161 = arith.constant 0 : i32
    %dma_wait3A_162 = tpu.memref_slice %arg4[%add3A_77, %dma_wait3A_161] : memref<16384x128xf32, #tpu.memory_space<hbm>> -> memref<128x128xf32, #tpu.memory_space<hbm>>
    %dma_wait3A_163 = arith.constant 0 : i32
    %dma_wait3A_164 = arith.constant 0 : i32
    %dma_wait3A_165 = tpu.memref_slice %arg6[%dma_wait3A_154, %dma_wait3A_163, %dma_wait3A_164] : memref<4x128x128xf32, #tpu.memory_space<vmem>> -> memref<1x128x128xf32, #tpu.memory_space<vmem>>
    %dma_wait3A_166 = tpu.memref_squeeze %dma_wait3A_165 : memref<1x128x128xf32, #tpu.memory_space<vmem>> -> memref<128x128xf32, #tpu.memory_space<vmem>>
    tpu.wait_dma2 semaphore(%arg8 : memref<!tpu.dma_semaphore, #tpu.memory_space<semaphore_mem>>) src(%dma_wait3A_166 : memref<128x128xf32, #tpu.memory_space<vmem>>) dst(%dma_wait3A_162 : memref<128x128xf32, #tpu.memory_space<hbm>>)
    %dma_wait3A_167 = arith.constant 2 : i32
    %dma_wait3A_168 = arith.constant 0 : i32
    %dma_wait3A_169 = arith.constant 0 : i32
    %dma_wait3A_170 = tpu.memref_slice %arg6[%dma_wait3A_167, %dma_wait3A_168, %dma_wait3A_169] : memref<4x128x128xf32, #tpu.memory_space<vmem>> -> memref<1x128x128xf32, #tpu.memory_space<vmem>>
    %dma_wait3A_171 = tpu.memref_squeeze %dma_wait3A_170 : memref<1x128x128xf32, #tpu.memory_space<vmem>> -> memref<128x128xf32, #tpu.memory_space<vmem>>
    %dma_wait3A_172 = arith.constant 0 : i32
    %dma_wait3A_173 = tpu.memref_slice %arg4[%add3A_102, %dma_wait3A_172] : memref<16384x128xf32, #tpu.memory_space<hbm>> -> memref<128x128xf32, #tpu.memory_space<hbm>>
    %dma_wait3A_174 = arith.constant 0 : i32
    %dma_wait3A_175 = tpu.memref_slice %arg4[%add3A_102, %dma_wait3A_174] : memref<16384x128xf32, #tpu.memory_space<hbm>> -> memref<128x128xf32, #tpu.memory_space<hbm>>
    %dma_wait3A_176 = arith.constant 0 : i32
    %dma_wait3A_177 = arith.constant 0 : i32
    %dma_wait3A_178 = tpu.memref_slice %arg6[%dma_wait3A_167, %dma_wait3A_176, %dma_wait3A_177] : memref<4x128x128xf32, #tpu.memory_space<vmem>> -> memref<1x128x128xf32, #tpu.memory_space<vmem>>
    %dma_wait3A_179 = tpu.memref_squeeze %dma_wait3A_178 : memref<1x128x128xf32, #tpu.memory_space<vmem>> -> memref<128x128xf32, #tpu.memory_space<vmem>>
    tpu.wait_dma2 semaphore(%arg8 : memref<!tpu.dma_semaphore, #tpu.memory_space<semaphore_mem>>) src(%dma_wait3A_179 : memref<128x128xf32, #tpu.memory_space<vmem>>) dst(%dma_wait3A_175 : memref<128x128xf32, #tpu.memory_space<hbm>>)
    %dma_wait3A_180 = arith.constant 3 : i32
    %dma_wait3A_181 = arith.constant 0 : i32
    %dma_wait3A_182 = arith.constant 0 : i32
    %dma_wait3A_183 = tpu.memref_slice %arg6[%dma_wait3A_180, %dma_wait3A_181, %dma_wait3A_182] : memref<4x128x128xf32, #tpu.memory_space<vmem>> -> memref<1x128x128xf32, #tpu.memory_space<vmem>>
    %dma_wait3A_184 = tpu.memref_squeeze %dma_wait3A_183 : memref<1x128x128xf32, #tpu.memory_space<vmem>> -> memref<128x128xf32, #tpu.memory_space<vmem>>
    %dma_wait3A_185 = arith.constant 0 : i32
    %dma_wait3A_186 = tpu.memref_slice %arg4[%add3A_127, %dma_wait3A_185] : memref<16384x128xf32, #tpu.memory_space<hbm>> -> memref<128x128xf32, #tpu.memory_space<hbm>>
    %dma_wait3A_187 = arith.constant 0 : i32
    %dma_wait3A_188 = tpu.memref_slice %arg4[%add3A_127, %dma_wait3A_187] : memref<16384x128xf32, #tpu.memory_space<hbm>> -> memref<128x128xf32, #tpu.memory_space<hbm>>
    %dma_wait3A_189 = arith.constant 0 : i32
    %dma_wait3A_190 = arith.constant 0 : i32
    %dma_wait3A_191 = tpu.memref_slice %arg6[%dma_wait3A_180, %dma_wait3A_189, %dma_wait3A_190] : memref<4x128x128xf32, #tpu.memory_space<vmem>> -> memref<1x128x128xf32, #tpu.memory_space<vmem>>
    %dma_wait3A_192 = tpu.memref_squeeze %dma_wait3A_191 : memref<1x128x128xf32, #tpu.memory_space<vmem>> -> memref<128x128xf32, #tpu.memory_space<vmem>>
    tpu.wait_dma2 semaphore(%arg8 : memref<!tpu.dma_semaphore, #tpu.memory_space<semaphore_mem>>) src(%dma_wait3A_192 : memref<128x128xf32, #tpu.memory_space<vmem>>) dst(%dma_wait3A_188 : memref<128x128xf32, #tpu.memory_space<hbm>>)
    return
  }
}

module attributes {stable_mosaic.version = 14 : i64} {
  func.func @_vq_tc_body(%arg0: i32, %arg1: memref<8192x64xf32, #tpu.memory_space<vmem>>, %arg2: memref<1024x64xf32, #tpu.memory_space<vmem>>, %arg3: memref<1x1024xf32, #tpu.memory_space<vmem>>, %arg4: memref<8192xi32, #tpu.memory_space<vmem>>, %arg5: memref<1x1xf32, #tpu.memory_space<vmem>>) attributes {dimension_semantics = [#tpu.dimension_semantics<arbitrary>], iteration_bounds = array<i64: 2>, scalar_prefetch = 0 : i64, scratch_operands = 0 : i64, tpu.core_type = #tpu.core_type<tc>, window_params = [{transform_indices = @transform_0, window_bounds = array<i64: 8192, 64>}, {pipeline_mode = #tpu.pipeline_mode<synchronous>, transform_indices = @transform_1, window_bounds = array<i64: 1024, 64>}, {pipeline_mode = #tpu.pipeline_mode<synchronous>, transform_indices = @transform_2, window_bounds = array<i64: 1, 1024>}, {transform_indices = @transform_3, window_bounds = array<i64: 8192>}, {pipeline_mode = #tpu.pipeline_mode<synchronous>, transform_indices = @transform_4, window_bounds = array<i64: 1, 1>}]} {
    %get3A = arith.constant 0 : index
    %get3A_0 = arith.constant 0 : index
    %get3A_1 = vector.load %arg1[%get3A, %get3A_0] : memref<8192x64xf32, #tpu.memory_space<vmem>>, vector<8192x64xf32>
    %get3A_2 = arith.constant 0 : index
    %get3A_3 = arith.constant 0 : index
    %get3A_4 = vector.load %arg2[%get3A_2, %get3A_3] : memref<1024x64xf32, #tpu.memory_space<vmem>>, vector<1024x64xf32>
    %mul3A = arith.mulf %get3A_1, %get3A_1 : vector<8192x64xf32>
    %reduce_sum3A = arith.constant dense<0.000000e+00> : vector<8192xf32>
    %reduce_sum3A_5 = vector.multi_reduction <add>, %mul3A, %reduce_sum3A [1] : vector<8192x64xf32> to vector<8192xf32>
    %broadcast_in_dim3A = vector.shape_cast %reduce_sum3A_5 : vector<8192xf32> to vector<8192x1xf32>
    %get3A_6 = arith.constant 0 : index
    %get3A_7 = arith.constant 0 : index
    %get3A_8 = vector.load %arg3[%get3A_6, %get3A_7] : memref<1x1024xf32, #tpu.memory_space<vmem>>, vector<1x1024xf32>
    %get3A_9 = vector.shape_cast %get3A_8 : vector<1x1024xf32> to vector<1024xf32>
    %dot_general3A = arith.constant dense<0.000000e+00> : vector<8192x1024xf32>
    %dot_general3A_10 = tpu.matmul %get3A_1, %get3A_4, %dot_general3A {dimension_numbers = #tpu.dot_dimension_numbers<[1], [1], [0], [0], [0, 0, 1, 0], [], []>, transpose_lhs_hint = false} : vector<8192x64xf32>, vector<1024x64xf32>, vector<8192x1024xf32> -> vector<8192x1024xf32>
    %broadcast_in_dim3A_11 = vector.shape_cast %get3A_9 : vector<1024xf32> to vector<1x1024xf32>
    %add3A = vector.broadcast %broadcast_in_dim3A : vector<8192x1xf32> to vector<8192x1024xf32>
    %add3A_12 = vector.broadcast %broadcast_in_dim3A_11 : vector<1x1024xf32> to vector<8192x1024xf32>
    %add3A_13 = arith.addf %add3A, %add3A_12 : vector<8192x1024xf32>
    %sub3A = arith.subf %add3A_13, %dot_general3A_10 : vector<8192x1024xf32>
    %iota3A = tpu.iota {dimensions = array<i32: 1>} : vector<128x128xi32>
    %convert_element_type3A = arith.sitofp %iota3A : vector<128x128xi32> to vector<128x128xf32>
    %slice3A = vector.extract_strided_slice %sub3A {offsets = [0, 0], sizes = [128, 128], strides = [1, 1]} : vector<8192x1024xf32> to vector<128x128xf32>
    %broadcast_in_dim3A_14 = arith.constant 0.000000e+00 : f32
    %broadcast_in_dim3A_15 = vector.broadcast %broadcast_in_dim3A_14 : f32 to vector<128x128xf32>
    %slice3A_16 = vector.extract_strided_slice %sub3A {offsets = [0, 128], sizes = [128, 128], strides = [1, 1]} : vector<8192x1024xf32> to vector<128x128xf32>
    %lt3A = arith.cmpf olt, %slice3A_16, %slice3A : vector<128x128xf32>
    %min3A = arith.minimumf %slice3A_16, %slice3A : vector<128x128xf32>
    %jit3A = arith.constant 1.000000e+00 : f32
    %broadcast_in_dim3A_17 = vector.broadcast %jit3A : f32 to vector<128x128xf32>
    %select_n3A = arith.select %lt3A, %broadcast_in_dim3A_17, %broadcast_in_dim3A_15 : vector<128x128xi1>, vector<128x128xf32>
    %slice3A_18 = vector.extract_strided_slice %sub3A {offsets = [0, 256], sizes = [128, 128], strides = [1, 1]} : vector<8192x1024xf32> to vector<128x128xf32>
    %lt3A_19 = arith.cmpf olt, %slice3A_18, %min3A : vector<128x128xf32>
    %min3A_20 = arith.minimumf %slice3A_18, %min3A : vector<128x128xf32>
    %jit3A_21 = arith.constant 2.000000e+00 : f32
    %broadcast_in_dim3A_22 = vector.broadcast %jit3A_21 : f32 to vector<128x128xf32>
    %select_n3A_23 = arith.select %lt3A_19, %broadcast_in_dim3A_22, %select_n3A : vector<128x128xi1>, vector<128x128xf32>
    %slice3A_24 = vector.extract_strided_slice %sub3A {offsets = [0, 384], sizes = [128, 128], strides = [1, 1]} : vector<8192x1024xf32> to vector<128x128xf32>
    %lt3A_25 = arith.cmpf olt, %slice3A_24, %min3A_20 : vector<128x128xf32>
    %min3A_26 = arith.minimumf %slice3A_24, %min3A_20 : vector<128x128xf32>
    %jit3A_27 = arith.constant 3.000000e+00 : f32
    %broadcast_in_dim3A_28 = vector.broadcast %jit3A_27 : f32 to vector<128x128xf32>
    %select_n3A_29 = arith.select %lt3A_25, %broadcast_in_dim3A_28, %select_n3A_23 : vector<128x128xi1>, vector<128x128xf32>
    %slice3A_30 = vector.extract_strided_slice %sub3A {offsets = [0, 512], sizes = [128, 128], strides = [1, 1]} : vector<8192x1024xf32> to vector<128x128xf32>
    %lt3A_31 = arith.cmpf olt, %slice3A_30, %min3A_26 : vector<128x128xf32>
    %min3A_32 = arith.minimumf %slice3A_30, %min3A_26 : vector<128x128xf32>
    %jit3A_33 = arith.constant 4.000000e+00 : f32
    %broadcast_in_dim3A_34 = vector.broadcast %jit3A_33 : f32 to vector<128x128xf32>
    %select_n3A_35 = arith.select %lt3A_31, %broadcast_in_dim3A_34, %select_n3A_29 : vector<128x128xi1>, vector<128x128xf32>
    %slice3A_36 = vector.extract_strided_slice %sub3A {offsets = [0, 640], sizes = [128, 128], strides = [1, 1]} : vector<8192x1024xf32> to vector<128x128xf32>
    %lt3A_37 = arith.cmpf olt, %slice3A_36, %min3A_32 : vector<128x128xf32>
    %min3A_38 = arith.minimumf %slice3A_36, %min3A_32 : vector<128x128xf32>
    %jit3A_39 = arith.constant 5.000000e+00 : f32
    %broadcast_in_dim3A_40 = vector.broadcast %jit3A_39 : f32 to vector<128x128xf32>
    %select_n3A_41 = arith.select %lt3A_37, %broadcast_in_dim3A_40, %select_n3A_35 : vector<128x128xi1>, vector<128x128xf32>
    %slice3A_42 = vector.extract_strided_slice %sub3A {offsets = [0, 768], sizes = [128, 128], strides = [1, 1]} : vector<8192x1024xf32> to vector<128x128xf32>
    %lt3A_43 = arith.cmpf olt, %slice3A_42, %min3A_38 : vector<128x128xf32>
    %min3A_44 = arith.minimumf %slice3A_42, %min3A_38 : vector<128x128xf32>
    %jit3A_45 = arith.constant 6.000000e+00 : f32
    %broadcast_in_dim3A_46 = vector.broadcast %jit3A_45 : f32 to vector<128x128xf32>
    %select_n3A_47 = arith.select %lt3A_43, %broadcast_in_dim3A_46, %select_n3A_41 : vector<128x128xi1>, vector<128x128xf32>
    %slice3A_48 = vector.extract_strided_slice %sub3A {offsets = [0, 896], sizes = [128, 128], strides = [1, 1]} : vector<8192x1024xf32> to vector<128x128xf32>
    %lt3A_49 = arith.cmpf olt, %slice3A_48, %min3A_44 : vector<128x128xf32>
    %min3A_50 = arith.minimumf %slice3A_48, %min3A_44 : vector<128x128xf32>
    %jit3A_51 = arith.constant 7.000000e+00 : f32
    %broadcast_in_dim3A_52 = vector.broadcast %jit3A_51 : f32 to vector<128x128xf32>
    %select_n3A_53 = arith.select %lt3A_49, %broadcast_in_dim3A_52, %select_n3A_47 : vector<128x128xi1>, vector<128x128xf32>
    %mul3A_54 = arith.constant 1.280000e+02 : f32
    %mul3A_55 = vector.broadcast %mul3A_54 : f32 to vector<128x128xf32>
    %mul3A_56 = arith.mulf %select_n3A_53, %mul3A_55 : vector<128x128xf32>
    %add3A_57 = arith.addf %mul3A_56, %convert_element_type3A : vector<128x128xf32>
    %transpose3A = tpu.transpose %min3A_50, [1, 0] : vector<128x128xf32> -> vector<128x128xf32>
    %reduce_min3A = arith.constant dense<0x7F800000> : vector<128xf32>
    %reduce_min3A_58 = vector.multi_reduction <minimumf>, %transpose3A, %reduce_min3A [0] : vector<128x128xf32> to vector<128xf32>
    %broadcast_in_dim3A_59 = vector.shape_cast %reduce_min3A_58 : vector<128xf32> to vector<1x128xf32>
    %eq3A = vector.broadcast %broadcast_in_dim3A_59 : vector<1x128xf32> to vector<128x128xf32>
    %eq3A_60 = arith.cmpf oeq, %transpose3A, %eq3A : vector<128x128xf32>
    %transpose3A_61 = tpu.transpose %add3A_57, [1, 0] : vector<128x128xf32> -> vector<128x128xf32>
    %jit3A_62 = arith.constant 1.024000e+03 : f32
    %broadcast_in_dim3A_63 = vector.broadcast %jit3A_62 : f32 to vector<128x128xf32>
    %select_n3A_64 = arith.select %eq3A_60, %transpose3A_61, %broadcast_in_dim3A_63 : vector<128x128xi1>, vector<128x128xf32>
    %reduce_min3A_65 = arith.constant dense<0x7F800000> : vector<128xf32>
    %reduce_min3A_66 = vector.multi_reduction <minimumf>, %select_n3A_64, %reduce_min3A_65 [0] : vector<128x128xf32> to vector<128xf32>
    %reduce_sum3A_67 = vector.shape_cast %broadcast_in_dim3A_59 : vector<1x128xf32> to vector<1x1x128xf32>
    %reduce_sum3A_68 = arith.constant dense<0.000000e+00> : vector<1xf32>
    %reduce_sum3A_69 = vector.multi_reduction <add>, %reduce_sum3A_67, %reduce_sum3A_68 [1, 2] : vector<1x1x128xf32> to vector<1xf32>
    %reduce_sum3A_70 = vector.shape_cast %reduce_sum3A_69 : vector<1xf32> to vector<1x1x1xf32>
    %reduce_sum3A_71 = vector.extract %reduce_sum3A_70[0, 0, 0] : f32 from vector<1x1x1xf32>
    %slice3A_72 = vector.extract_strided_slice %sub3A {offsets = [128, 0], sizes = [128, 128], strides = [1, 1]} : vector<8192x1024xf32> to vector<128x128xf32>
    %broadcast_in_dim3A_73 = arith.constant 0.000000e+00 : f32
    %broadcast_in_dim3A_74 = vector.broadcast %broadcast_in_dim3A_73 : f32 to vector<128x128xf32>
    %slice3A_75 = vector.extract_strided_slice %sub3A {offsets = [128, 128], sizes = [128, 128], strides = [1, 1]} : vector<8192x1024xf32> to vector<128x128xf32>
    %lt3A_76 = arith.cmpf olt, %slice3A_75, %slice3A_72 : vector<128x128xf32>
    %min3A_77 = arith.minimumf %slice3A_75, %slice3A_72 : vector<128x128xf32>
    %jit3A_78 = arith.constant 1.000000e+00 : f32
    %broadcast_in_dim3A_79 = vector.broadcast %jit3A_78 : f32 to vector<128x128xf32>
    %select_n3A_80 = arith.select %lt3A_76, %broadcast_in_dim3A_79, %broadcast_in_dim3A_74 : vector<128x128xi1>, vector<128x128xf32>
    %slice3A_81 = vector.extract_strided_slice %sub3A {offsets = [128, 256], sizes = [128, 128], strides = [1, 1]} : vector<8192x1024xf32> to vector<128x128xf32>
    %lt3A_82 = arith.cmpf olt, %slice3A_81, %min3A_77 : vector<128x128xf32>
    %min3A_83 = arith.minimumf %slice3A_81, %min3A_77 : vector<128x128xf32>
    %jit3A_84 = arith.constant 2.000000e+00 : f32
    %broadcast_in_dim3A_85 = vector.broadcast %jit3A_84 : f32 to vector<128x128xf32>
    %select_n3A_86 = arith.select %lt3A_82, %broadcast_in_dim3A_85, %select_n3A_80 : vector<128x128xi1>, vector<128x128xf32>
    %slice3A_87 = vector.extract_strided_slice %sub3A {offsets = [128, 384], sizes = [128, 128], strides = [1, 1]} : vector<8192x1024xf32> to vector<128x128xf32>
    %lt3A_88 = arith.cmpf olt, %slice3A_87, %min3A_83 : vector<128x128xf32>
    %min3A_89 = arith.minimumf %slice3A_87, %min3A_83 : vector<128x128xf32>
    %jit3A_90 = arith.constant 3.000000e+00 : f32
    %broadcast_in_dim3A_91 = vector.broadcast %jit3A_90 : f32 to vector<128x128xf32>
    %select_n3A_92 = arith.select %lt3A_88, %broadcast_in_dim3A_91, %select_n3A_86 : vector<128x128xi1>, vector<128x128xf32>
    %slice3A_93 = vector.extract_strided_slice %sub3A {offsets = [128, 512], sizes = [128, 128], strides = [1, 1]} : vector<8192x1024xf32> to vector<128x128xf32>
    %lt3A_94 = arith.cmpf olt, %slice3A_93, %min3A_89 : vector<128x128xf32>
    %min3A_95 = arith.minimumf %slice3A_93, %min3A_89 : vector<128x128xf32>
    %jit3A_96 = arith.constant 4.000000e+00 : f32
    %broadcast_in_dim3A_97 = vector.broadcast %jit3A_96 : f32 to vector<128x128xf32>
    %select_n3A_98 = arith.select %lt3A_94, %broadcast_in_dim3A_97, %select_n3A_92 : vector<128x128xi1>, vector<128x128xf32>
    %slice3A_99 = vector.extract_strided_slice %sub3A {offsets = [128, 640], sizes = [128, 128], strides = [1, 1]} : vector<8192x1024xf32> to vector<128x128xf32>
    %lt3A_100 = arith.cmpf olt, %slice3A_99, %min3A_95 : vector<128x128xf32>
    %min3A_101 = arith.minimumf %slice3A_99, %min3A_95 : vector<128x128xf32>
    %jit3A_102 = arith.constant 5.000000e+00 : f32
    %broadcast_in_dim3A_103 = vector.broadcast %jit3A_102 : f32 to vector<128x128xf32>
    %select_n3A_104 = arith.select %lt3A_100, %broadcast_in_dim3A_103, %select_n3A_98 : vector<128x128xi1>, vector<128x128xf32>
    %slice3A_105 = vector.extract_strided_slice %sub3A {offsets = [128, 768], sizes = [128, 128], strides = [1, 1]} : vector<8192x1024xf32> to vector<128x128xf32>
    %lt3A_106 = arith.cmpf olt, %slice3A_105, %min3A_101 : vector<128x128xf32>
    %min3A_107 = arith.minimumf %slice3A_105, %min3A_101 : vector<128x128xf32>
    %jit3A_108 = arith.constant 6.000000e+00 : f32
    %broadcast_in_dim3A_109 = vector.broadcast %jit3A_108 : f32 to vector<128x128xf32>
    %select_n3A_110 = arith.select %lt3A_106, %broadcast_in_dim3A_109, %select_n3A_104 : vector<128x128xi1>, vector<128x128xf32>
    %slice3A_111 = vector.extract_strided_slice %sub3A {offsets = [128, 896], sizes = [128, 128], strides = [1, 1]} : vector<8192x1024xf32> to vector<128x128xf32>
    %lt3A_112 = arith.cmpf olt, %slice3A_111, %min3A_107 : vector<128x128xf32>
    %min3A_113 = arith.minimumf %slice3A_111, %min3A_107 : vector<128x128xf32>
    %jit3A_114 = arith.constant 7.000000e+00 : f32
    %broadcast_in_dim3A_115 = vector.broadcast %jit3A_114 : f32 to vector<128x128xf32>
    %select_n3A_116 = arith.select %lt3A_112, %broadcast_in_dim3A_115, %select_n3A_110 : vector<128x128xi1>, vector<128x128xf32>
    %mul3A_117 = arith.constant 1.280000e+02 : f32
    %mul3A_118 = vector.broadcast %mul3A_117 : f32 to vector<128x128xf32>
    %mul3A_119 = arith.mulf %select_n3A_116, %mul3A_118 : vector<128x128xf32>
    %add3A_120 = arith.addf %mul3A_119, %convert_element_type3A : vector<128x128xf32>
    %transpose3A_121 = tpu.transpose %min3A_113, [1, 0] : vector<128x128xf32> -> vector<128x128xf32>
    %reduce_min3A_122 = arith.constant dense<0x7F800000> : vector<128xf32>
    %reduce_min3A_123 = vector.multi_reduction <minimumf>, %transpose3A_121, %reduce_min3A_122 [0] : vector<128x128xf32> to vector<128xf32>
    %broadcast_in_dim3A_124 = vector.shape_cast %reduce_min3A_123 : vector<128xf32> to vector<1x128xf32>
    %eq3A_125 = vector.broadcast %broadcast_in_dim3A_124 : vector<1x128xf32> to vector<128x128xf32>
    %eq3A_126 = arith.cmpf oeq, %transpose3A_121, %eq3A_125 : vector<128x128xf32>
    %transpose3A_127 = tpu.transpose %add3A_120, [1, 0] : vector<128x128xf32> -> vector<128x128xf32>
    %jit3A_128 = arith.constant 1.024000e+03 : f32
    %broadcast_in_dim3A_129 = vector.broadcast %jit3A_128 : f32 to vector<128x128xf32>
    %select_n3A_130 = arith.select %eq3A_126, %transpose3A_127, %broadcast_in_dim3A_129 : vector<128x128xi1>, vector<128x128xf32>
    %reduce_min3A_131 = arith.constant dense<0x7F800000> : vector<128xf32>
    %reduce_min3A_132 = vector.multi_reduction <minimumf>, %select_n3A_130, %reduce_min3A_131 [0] : vector<128x128xf32> to vector<128xf32>
    %reduce_sum3A_133 = vector.shape_cast %broadcast_in_dim3A_124 : vector<1x128xf32> to vector<1x1x128xf32>
    %reduce_sum3A_134 = arith.constant dense<0.000000e+00> : vector<1xf32>
    %reduce_sum3A_135 = vector.multi_reduction <add>, %reduce_sum3A_133, %reduce_sum3A_134 [1, 2] : vector<1x1x128xf32> to vector<1xf32>
    %reduce_sum3A_136 = vector.shape_cast %reduce_sum3A_135 : vector<1xf32> to vector<1x1x1xf32>
    %reduce_sum3A_137 = vector.extract %reduce_sum3A_136[0, 0, 0] : f32 from vector<1x1x1xf32>
    %add3A_138 = arith.addf %reduce_sum3A_71, %reduce_sum3A_137 : f32
    %slice3A_139 = vector.extract_strided_slice %sub3A {offsets = [256, 0], sizes = [128, 128], strides = [1, 1]} : vector<8192x1024xf32> to vector<128x128xf32>
    %broadcast_in_dim3A_140 = arith.constant 0.000000e+00 : f32
    %broadcast_in_dim3A_141 = vector.broadcast %broadcast_in_dim3A_140 : f32 to vector<128x128xf32>
    %slice3A_142 = vector.extract_strided_slice %sub3A {offsets = [256, 128], sizes = [128, 128], strides = [1, 1]} : vector<8192x1024xf32> to vector<128x128xf32>
    %lt3A_143 = arith.cmpf olt, %slice3A_142, %slice3A_139 : vector<128x128xf32>
    %min3A_144 = arith.minimumf %slice3A_142, %slice3A_139 : vector<128x128xf32>
    %jit3A_145 = arith.constant 1.000000e+00 : f32
    %broadcast_in_dim3A_146 = vector.broadcast %jit3A_145 : f32 to vector<128x128xf32>
    %select_n3A_147 = arith.select %lt3A_143, %broadcast_in_dim3A_146, %broadcast_in_dim3A_141 : vector<128x128xi1>, vector<128x128xf32>
    %slice3A_148 = vector.extract_strided_slice %sub3A {offsets = [256, 256], sizes = [128, 128], strides = [1, 1]} : vector<8192x1024xf32> to vector<128x128xf32>
    %lt3A_149 = arith.cmpf olt, %slice3A_148, %min3A_144 : vector<128x128xf32>
    %min3A_150 = arith.minimumf %slice3A_148, %min3A_144 : vector<128x128xf32>
    %jit3A_151 = arith.constant 2.000000e+00 : f32
    %broadcast_in_dim3A_152 = vector.broadcast %jit3A_151 : f32 to vector<128x128xf32>
    %select_n3A_153 = arith.select %lt3A_149, %broadcast_in_dim3A_152, %select_n3A_147 : vector<128x128xi1>, vector<128x128xf32>
    %slice3A_154 = vector.extract_strided_slice %sub3A {offsets = [256, 384], sizes = [128, 128], strides = [1, 1]} : vector<8192x1024xf32> to vector<128x128xf32>
    %lt3A_155 = arith.cmpf olt, %slice3A_154, %min3A_150 : vector<128x128xf32>
    %min3A_156 = arith.minimumf %slice3A_154, %min3A_150 : vector<128x128xf32>
    %jit3A_157 = arith.constant 3.000000e+00 : f32
    %broadcast_in_dim3A_158 = vector.broadcast %jit3A_157 : f32 to vector<128x128xf32>
    %select_n3A_159 = arith.select %lt3A_155, %broadcast_in_dim3A_158, %select_n3A_153 : vector<128x128xi1>, vector<128x128xf32>
    %slice3A_160 = vector.extract_strided_slice %sub3A {offsets = [256, 512], sizes = [128, 128], strides = [1, 1]} : vector<8192x1024xf32> to vector<128x128xf32>
    %lt3A_161 = arith.cmpf olt, %slice3A_160, %min3A_156 : vector<128x128xf32>
    %min3A_162 = arith.minimumf %slice3A_160, %min3A_156 : vector<128x128xf32>
    %jit3A_163 = arith.constant 4.000000e+00 : f32
    %broadcast_in_dim3A_164 = vector.broadcast %jit3A_163 : f32 to vector<128x128xf32>
    %select_n3A_165 = arith.select %lt3A_161, %broadcast_in_dim3A_164, %select_n3A_159 : vector<128x128xi1>, vector<128x128xf32>
    %slice3A_166 = vector.extract_strided_slice %sub3A {offsets = [256, 640], sizes = [128, 128], strides = [1, 1]} : vector<8192x1024xf32> to vector<128x128xf32>
    %lt3A_167 = arith.cmpf olt, %slice3A_166, %min3A_162 : vector<128x128xf32>
    %min3A_168 = arith.minimumf %slice3A_166, %min3A_162 : vector<128x128xf32>
    %jit3A_169 = arith.constant 5.000000e+00 : f32
    %broadcast_in_dim3A_170 = vector.broadcast %jit3A_169 : f32 to vector<128x128xf32>
    %select_n3A_171 = arith.select %lt3A_167, %broadcast_in_dim3A_170, %select_n3A_165 : vector<128x128xi1>, vector<128x128xf32>
    %slice3A_172 = vector.extract_strided_slice %sub3A {offsets = [256, 768], sizes = [128, 128], strides = [1, 1]} : vector<8192x1024xf32> to vector<128x128xf32>
    %lt3A_173 = arith.cmpf olt, %slice3A_172, %min3A_168 : vector<128x128xf32>
    %min3A_174 = arith.minimumf %slice3A_172, %min3A_168 : vector<128x128xf32>
    %jit3A_175 = arith.constant 6.000000e+00 : f32
    %broadcast_in_dim3A_176 = vector.broadcast %jit3A_175 : f32 to vector<128x128xf32>
    %select_n3A_177 = arith.select %lt3A_173, %broadcast_in_dim3A_176, %select_n3A_171 : vector<128x128xi1>, vector<128x128xf32>
    %slice3A_178 = vector.extract_strided_slice %sub3A {offsets = [256, 896], sizes = [128, 128], strides = [1, 1]} : vector<8192x1024xf32> to vector<128x128xf32>
    %lt3A_179 = arith.cmpf olt, %slice3A_178, %min3A_174 : vector<128x128xf32>
    %min3A_180 = arith.minimumf %slice3A_178, %min3A_174 : vector<128x128xf32>
    %jit3A_181 = arith.constant 7.000000e+00 : f32
    %broadcast_in_dim3A_182 = vector.broadcast %jit3A_181 : f32 to vector<128x128xf32>
    %select_n3A_183 = arith.select %lt3A_179, %broadcast_in_dim3A_182, %select_n3A_177 : vector<128x128xi1>, vector<128x128xf32>
    %mul3A_184 = arith.constant 1.280000e+02 : f32
    %mul3A_185 = vector.broadcast %mul3A_184 : f32 to vector<128x128xf32>
    %mul3A_186 = arith.mulf %select_n3A_183, %mul3A_185 : vector<128x128xf32>
    %add3A_187 = arith.addf %mul3A_186, %convert_element_type3A : vector<128x128xf32>
    %transpose3A_188 = tpu.transpose %min3A_180, [1, 0] : vector<128x128xf32> -> vector<128x128xf32>
    %reduce_min3A_189 = arith.constant dense<0x7F800000> : vector<128xf32>
    %reduce_min3A_190 = vector.multi_reduction <minimumf>, %transpose3A_188, %reduce_min3A_189 [0] : vector<128x128xf32> to vector<128xf32>
    %broadcast_in_dim3A_191 = vector.shape_cast %reduce_min3A_190 : vector<128xf32> to vector<1x128xf32>
    %eq3A_192 = vector.broadcast %broadcast_in_dim3A_191 : vector<1x128xf32> to vector<128x128xf32>
    %eq3A_193 = arith.cmpf oeq, %transpose3A_188, %eq3A_192 : vector<128x128xf32>
    %transpose3A_194 = tpu.transpose %add3A_187, [1, 0] : vector<128x128xf32> -> vector<128x128xf32>
    %jit3A_195 = arith.constant 1.024000e+03 : f32
    %broadcast_in_dim3A_196 = vector.broadcast %jit3A_195 : f32 to vector<128x128xf32>
    %select_n3A_197 = arith.select %eq3A_193, %transpose3A_194, %broadcast_in_dim3A_196 : vector<128x128xi1>, vector<128x128xf32>
    %reduce_min3A_198 = arith.constant dense<0x7F800000> : vector<128xf32>
    %reduce_min3A_199 = vector.multi_reduction <minimumf>, %select_n3A_197, %reduce_min3A_198 [0] : vector<128x128xf32> to vector<128xf32>
    %reduce_sum3A_200 = vector.shape_cast %broadcast_in_dim3A_191 : vector<1x128xf32> to vector<1x1x128xf32>
    %reduce_sum3A_201 = arith.constant dense<0.000000e+00> : vector<1xf32>
    %reduce_sum3A_202 = vector.multi_reduction <add>, %reduce_sum3A_200, %reduce_sum3A_201 [1, 2] : vector<1x1x128xf32> to vector<1xf32>
    %reduce_sum3A_203 = vector.shape_cast %reduce_sum3A_202 : vector<1xf32> to vector<1x1x1xf32>
    %reduce_sum3A_204 = vector.extract %reduce_sum3A_203[0, 0, 0] : f32 from vector<1x1x1xf32>
    %add3A_205 = arith.addf %add3A_138, %reduce_sum3A_204 : f32
    %slice3A_206 = vector.extract_strided_slice %sub3A {offsets = [384, 0], sizes = [128, 128], strides = [1, 1]} : vector<8192x1024xf32> to vector<128x128xf32>
    %broadcast_in_dim3A_207 = arith.constant 0.000000e+00 : f32
    %broadcast_in_dim3A_208 = vector.broadcast %broadcast_in_dim3A_207 : f32 to vector<128x128xf32>
    %slice3A_209 = vector.extract_strided_slice %sub3A {offsets = [384, 128], sizes = [128, 128], strides = [1, 1]} : vector<8192x1024xf32> to vector<128x128xf32>
    %lt3A_210 = arith.cmpf olt, %slice3A_209, %slice3A_206 : vector<128x128xf32>
    %min3A_211 = arith.minimumf %slice3A_209, %slice3A_206 : vector<128x128xf32>
    %jit3A_212 = arith.constant 1.000000e+00 : f32
    %broadcast_in_dim3A_213 = vector.broadcast %jit3A_212 : f32 to vector<128x128xf32>
    %select_n3A_214 = arith.select %lt3A_210, %broadcast_in_dim3A_213, %broadcast_in_dim3A_208 : vector<128x128xi1>, vector<128x128xf32>
    %slice3A_215 = vector.extract_strided_slice %sub3A {offsets = [384, 256], sizes = [128, 128], strides = [1, 1]} : vector<8192x1024xf32> to vector<128x128xf32>
    %lt3A_216 = arith.cmpf olt, %slice3A_215, %min3A_211 : vector<128x128xf32>
    %min3A_217 = arith.minimumf %slice3A_215, %min3A_211 : vector<128x128xf32>
    %jit3A_218 = arith.constant 2.000000e+00 : f32
    %broadcast_in_dim3A_219 = vector.broadcast %jit3A_218 : f32 to vector<128x128xf32>
    %select_n3A_220 = arith.select %lt3A_216, %broadcast_in_dim3A_219, %select_n3A_214 : vector<128x128xi1>, vector<128x128xf32>
    %slice3A_221 = vector.extract_strided_slice %sub3A {offsets = [384, 384], sizes = [128, 128], strides = [1, 1]} : vector<8192x1024xf32> to vector<128x128xf32>
    %lt3A_222 = arith.cmpf olt, %slice3A_221, %min3A_217 : vector<128x128xf32>
    %min3A_223 = arith.minimumf %slice3A_221, %min3A_217 : vector<128x128xf32>
    %jit3A_224 = arith.constant 3.000000e+00 : f32
    %broadcast_in_dim3A_225 = vector.broadcast %jit3A_224 : f32 to vector<128x128xf32>
    %select_n3A_226 = arith.select %lt3A_222, %broadcast_in_dim3A_225, %select_n3A_220 : vector<128x128xi1>, vector<128x128xf32>
    %slice3A_227 = vector.extract_strided_slice %sub3A {offsets = [384, 512], sizes = [128, 128], strides = [1, 1]} : vector<8192x1024xf32> to vector<128x128xf32>
    %lt3A_228 = arith.cmpf olt, %slice3A_227, %min3A_223 : vector<128x128xf32>
    %min3A_229 = arith.minimumf %slice3A_227, %min3A_223 : vector<128x128xf32>
    %jit3A_230 = arith.constant 4.000000e+00 : f32
    %broadcast_in_dim3A_231 = vector.broadcast %jit3A_230 : f32 to vector<128x128xf32>
    %select_n3A_232 = arith.select %lt3A_228, %broadcast_in_dim3A_231, %select_n3A_226 : vector<128x128xi1>, vector<128x128xf32>
    %slice3A_233 = vector.extract_strided_slice %sub3A {offsets = [384, 640], sizes = [128, 128], strides = [1, 1]} : vector<8192x1024xf32> to vector<128x128xf32>
    %lt3A_234 = arith.cmpf olt, %slice3A_233, %min3A_229 : vector<128x128xf32>
    %min3A_235 = arith.minimumf %slice3A_233, %min3A_229 : vector<128x128xf32>
    %jit3A_236 = arith.constant 5.000000e+00 : f32
    %broadcast_in_dim3A_237 = vector.broadcast %jit3A_236 : f32 to vector<128x128xf32>
    %select_n3A_238 = arith.select %lt3A_234, %broadcast_in_dim3A_237, %select_n3A_232 : vector<128x128xi1>, vector<128x128xf32>
    %slice3A_239 = vector.extract_strided_slice %sub3A {offsets = [384, 768], sizes = [128, 128], strides = [1, 1]} : vector<8192x1024xf32> to vector<128x128xf32>
    %lt3A_240 = arith.cmpf olt, %slice3A_239, %min3A_235 : vector<128x128xf32>
    %min3A_241 = arith.minimumf %slice3A_239, %min3A_235 : vector<128x128xf32>
    %jit3A_242 = arith.constant 6.000000e+00 : f32
    %broadcast_in_dim3A_243 = vector.broadcast %jit3A_242 : f32 to vector<128x128xf32>
    %select_n3A_244 = arith.select %lt3A_240, %broadcast_in_dim3A_243, %select_n3A_238 : vector<128x128xi1>, vector<128x128xf32>
    %slice3A_245 = vector.extract_strided_slice %sub3A {offsets = [384, 896], sizes = [128, 128], strides = [1, 1]} : vector<8192x1024xf32> to vector<128x128xf32>
    %lt3A_246 = arith.cmpf olt, %slice3A_245, %min3A_241 : vector<128x128xf32>
    %min3A_247 = arith.minimumf %slice3A_245, %min3A_241 : vector<128x128xf32>
    %jit3A_248 = arith.constant 7.000000e+00 : f32
    %broadcast_in_dim3A_249 = vector.broadcast %jit3A_248 : f32 to vector<128x128xf32>
    %select_n3A_250 = arith.select %lt3A_246, %broadcast_in_dim3A_249, %select_n3A_244 : vector<128x128xi1>, vector<128x128xf32>
    %mul3A_251 = arith.constant 1.280000e+02 : f32
    %mul3A_252 = vector.broadcast %mul3A_251 : f32 to vector<128x128xf32>
    %mul3A_253 = arith.mulf %select_n3A_250, %mul3A_252 : vector<128x128xf32>
    %add3A_254 = arith.addf %mul3A_253, %convert_element_type3A : vector<128x128xf32>
    %transpose3A_255 = tpu.transpose %min3A_247, [1, 0] : vector<128x128xf32> -> vector<128x128xf32>
    %reduce_min3A_256 = arith.constant dense<0x7F800000> : vector<128xf32>
    %reduce_min3A_257 = vector.multi_reduction <minimumf>, %transpose3A_255, %reduce_min3A_256 [0] : vector<128x128xf32> to vector<128xf32>
    %broadcast_in_dim3A_258 = vector.shape_cast %reduce_min3A_257 : vector<128xf32> to vector<1x128xf32>
    %eq3A_259 = vector.broadcast %broadcast_in_dim3A_258 : vector<1x128xf32> to vector<128x128xf32>
    %eq3A_260 = arith.cmpf oeq, %transpose3A_255, %eq3A_259 : vector<128x128xf32>
    %transpose3A_261 = tpu.transpose %add3A_254, [1, 0] : vector<128x128xf32> -> vector<128x128xf32>
    %jit3A_262 = arith.constant 1.024000e+03 : f32
    %broadcast_in_dim3A_263 = vector.broadcast %jit3A_262 : f32 to vector<128x128xf32>
    %select_n3A_264 = arith.select %eq3A_260, %transpose3A_261, %broadcast_in_dim3A_263 : vector<128x128xi1>, vector<128x128xf32>
    %reduce_min3A_265 = arith.constant dense<0x7F800000> : vector<128xf32>
    %reduce_min3A_266 = vector.multi_reduction <minimumf>, %select_n3A_264, %reduce_min3A_265 [0] : vector<128x128xf32> to vector<128xf32>
    %reduce_sum3A_267 = vector.shape_cast %broadcast_in_dim3A_258 : vector<1x128xf32> to vector<1x1x128xf32>
    %reduce_sum3A_268 = arith.constant dense<0.000000e+00> : vector<1xf32>
    %reduce_sum3A_269 = vector.multi_reduction <add>, %reduce_sum3A_267, %reduce_sum3A_268 [1, 2] : vector<1x1x128xf32> to vector<1xf32>
    %reduce_sum3A_270 = vector.shape_cast %reduce_sum3A_269 : vector<1xf32> to vector<1x1x1xf32>
    %reduce_sum3A_271 = vector.extract %reduce_sum3A_270[0, 0, 0] : f32 from vector<1x1x1xf32>
    %add3A_272 = arith.addf %add3A_205, %reduce_sum3A_271 : f32
    %slice3A_273 = vector.extract_strided_slice %sub3A {offsets = [512, 0], sizes = [128, 128], strides = [1, 1]} : vector<8192x1024xf32> to vector<128x128xf32>
    %broadcast_in_dim3A_274 = arith.constant 0.000000e+00 : f32
    %broadcast_in_dim3A_275 = vector.broadcast %broadcast_in_dim3A_274 : f32 to vector<128x128xf32>
    %slice3A_276 = vector.extract_strided_slice %sub3A {offsets = [512, 128], sizes = [128, 128], strides = [1, 1]} : vector<8192x1024xf32> to vector<128x128xf32>
    %lt3A_277 = arith.cmpf olt, %slice3A_276, %slice3A_273 : vector<128x128xf32>
    %min3A_278 = arith.minimumf %slice3A_276, %slice3A_273 : vector<128x128xf32>
    %jit3A_279 = arith.constant 1.000000e+00 : f32
    %broadcast_in_dim3A_280 = vector.broadcast %jit3A_279 : f32 to vector<128x128xf32>
    %select_n3A_281 = arith.select %lt3A_277, %broadcast_in_dim3A_280, %broadcast_in_dim3A_275 : vector<128x128xi1>, vector<128x128xf32>
    %slice3A_282 = vector.extract_strided_slice %sub3A {offsets = [512, 256], sizes = [128, 128], strides = [1, 1]} : vector<8192x1024xf32> to vector<128x128xf32>
    %lt3A_283 = arith.cmpf olt, %slice3A_282, %min3A_278 : vector<128x128xf32>
    %min3A_284 = arith.minimumf %slice3A_282, %min3A_278 : vector<128x128xf32>
    %jit3A_285 = arith.constant 2.000000e+00 : f32
    %broadcast_in_dim3A_286 = vector.broadcast %jit3A_285 : f32 to vector<128x128xf32>
    %select_n3A_287 = arith.select %lt3A_283, %broadcast_in_dim3A_286, %select_n3A_281 : vector<128x128xi1>, vector<128x128xf32>
    %slice3A_288 = vector.extract_strided_slice %sub3A {offsets = [512, 384], sizes = [128, 128], strides = [1, 1]} : vector<8192x1024xf32> to vector<128x128xf32>
    %lt3A_289 = arith.cmpf olt, %slice3A_288, %min3A_284 : vector<128x128xf32>
    %min3A_290 = arith.minimumf %slice3A_288, %min3A_284 : vector<128x128xf32>
    %jit3A_291 = arith.constant 3.000000e+00 : f32
    %broadcast_in_dim3A_292 = vector.broadcast %jit3A_291 : f32 to vector<128x128xf32>
    %select_n3A_293 = arith.select %lt3A_289, %broadcast_in_dim3A_292, %select_n3A_287 : vector<128x128xi1>, vector<128x128xf32>
    %slice3A_294 = vector.extract_strided_slice %sub3A {offsets = [512, 512], sizes = [128, 128], strides = [1, 1]} : vector<8192x1024xf32> to vector<128x128xf32>
    %lt3A_295 = arith.cmpf olt, %slice3A_294, %min3A_290 : vector<128x128xf32>
    %min3A_296 = arith.minimumf %slice3A_294, %min3A_290 : vector<128x128xf32>
    %jit3A_297 = arith.constant 4.000000e+00 : f32
    %broadcast_in_dim3A_298 = vector.broadcast %jit3A_297 : f32 to vector<128x128xf32>
    %select_n3A_299 = arith.select %lt3A_295, %broadcast_in_dim3A_298, %select_n3A_293 : vector<128x128xi1>, vector<128x128xf32>
    %slice3A_300 = vector.extract_strided_slice %sub3A {offsets = [512, 640], sizes = [128, 128], strides = [1, 1]} : vector<8192x1024xf32> to vector<128x128xf32>
    %lt3A_301 = arith.cmpf olt, %slice3A_300, %min3A_296 : vector<128x128xf32>
    %min3A_302 = arith.minimumf %slice3A_300, %min3A_296 : vector<128x128xf32>
    %jit3A_303 = arith.constant 5.000000e+00 : f32
    %broadcast_in_dim3A_304 = vector.broadcast %jit3A_303 : f32 to vector<128x128xf32>
    %select_n3A_305 = arith.select %lt3A_301, %broadcast_in_dim3A_304, %select_n3A_299 : vector<128x128xi1>, vector<128x128xf32>
    %slice3A_306 = vector.extract_strided_slice %sub3A {offsets = [512, 768], sizes = [128, 128], strides = [1, 1]} : vector<8192x1024xf32> to vector<128x128xf32>
    %lt3A_307 = arith.cmpf olt, %slice3A_306, %min3A_302 : vector<128x128xf32>
    %min3A_308 = arith.minimumf %slice3A_306, %min3A_302 : vector<128x128xf32>
    %jit3A_309 = arith.constant 6.000000e+00 : f32
    %broadcast_in_dim3A_310 = vector.broadcast %jit3A_309 : f32 to vector<128x128xf32>
    %select_n3A_311 = arith.select %lt3A_307, %broadcast_in_dim3A_310, %select_n3A_305 : vector<128x128xi1>, vector<128x128xf32>
    %slice3A_312 = vector.extract_strided_slice %sub3A {offsets = [512, 896], sizes = [128, 128], strides = [1, 1]} : vector<8192x1024xf32> to vector<128x128xf32>
    %lt3A_313 = arith.cmpf olt, %slice3A_312, %min3A_308 : vector<128x128xf32>
    %min3A_314 = arith.minimumf %slice3A_312, %min3A_308 : vector<128x128xf32>
    %jit3A_315 = arith.constant 7.000000e+00 : f32
    %broadcast_in_dim3A_316 = vector.broadcast %jit3A_315 : f32 to vector<128x128xf32>
    %select_n3A_317 = arith.select %lt3A_313, %broadcast_in_dim3A_316, %select_n3A_311 : vector<128x128xi1>, vector<128x128xf32>
    %mul3A_318 = arith.constant 1.280000e+02 : f32
    %mul3A_319 = vector.broadcast %mul3A_318 : f32 to vector<128x128xf32>
    %mul3A_320 = arith.mulf %select_n3A_317, %mul3A_319 : vector<128x128xf32>
    %add3A_321 = arith.addf %mul3A_320, %convert_element_type3A : vector<128x128xf32>
    %transpose3A_322 = tpu.transpose %min3A_314, [1, 0] : vector<128x128xf32> -> vector<128x128xf32>
    %reduce_min3A_323 = arith.constant dense<0x7F800000> : vector<128xf32>
    %reduce_min3A_324 = vector.multi_reduction <minimumf>, %transpose3A_322, %reduce_min3A_323 [0] : vector<128x128xf32> to vector<128xf32>
    %broadcast_in_dim3A_325 = vector.shape_cast %reduce_min3A_324 : vector<128xf32> to vector<1x128xf32>
    %eq3A_326 = vector.broadcast %broadcast_in_dim3A_325 : vector<1x128xf32> to vector<128x128xf32>
    %eq3A_327 = arith.cmpf oeq, %transpose3A_322, %eq3A_326 : vector<128x128xf32>
    %transpose3A_328 = tpu.transpose %add3A_321, [1, 0] : vector<128x128xf32> -> vector<128x128xf32>
    %jit3A_329 = arith.constant 1.024000e+03 : f32
    %broadcast_in_dim3A_330 = vector.broadcast %jit3A_329 : f32 to vector<128x128xf32>
    %select_n3A_331 = arith.select %eq3A_327, %transpose3A_328, %broadcast_in_dim3A_330 : vector<128x128xi1>, vector<128x128xf32>
    %reduce_min3A_332 = arith.constant dense<0x7F800000> : vector<128xf32>
    %reduce_min3A_333 = vector.multi_reduction <minimumf>, %select_n3A_331, %reduce_min3A_332 [0] : vector<128x128xf32> to vector<128xf32>
    %reduce_sum3A_334 = vector.shape_cast %broadcast_in_dim3A_325 : vector<1x128xf32> to vector<1x1x128xf32>
    %reduce_sum3A_335 = arith.constant dense<0.000000e+00> : vector<1xf32>
    %reduce_sum3A_336 = vector.multi_reduction <add>, %reduce_sum3A_334, %reduce_sum3A_335 [1, 2] : vector<1x1x128xf32> to vector<1xf32>
    %reduce_sum3A_337 = vector.shape_cast %reduce_sum3A_336 : vector<1xf32> to vector<1x1x1xf32>
    %reduce_sum3A_338 = vector.extract %reduce_sum3A_337[0, 0, 0] : f32 from vector<1x1x1xf32>
    %add3A_339 = arith.addf %add3A_272, %reduce_sum3A_338 : f32
    %slice3A_340 = vector.extract_strided_slice %sub3A {offsets = [640, 0], sizes = [128, 128], strides = [1, 1]} : vector<8192x1024xf32> to vector<128x128xf32>
    %broadcast_in_dim3A_341 = arith.constant 0.000000e+00 : f32
    %broadcast_in_dim3A_342 = vector.broadcast %broadcast_in_dim3A_341 : f32 to vector<128x128xf32>
    %slice3A_343 = vector.extract_strided_slice %sub3A {offsets = [640, 128], sizes = [128, 128], strides = [1, 1]} : vector<8192x1024xf32> to vector<128x128xf32>
    %lt3A_344 = arith.cmpf olt, %slice3A_343, %slice3A_340 : vector<128x128xf32>
    %min3A_345 = arith.minimumf %slice3A_343, %slice3A_340 : vector<128x128xf32>
    %jit3A_346 = arith.constant 1.000000e+00 : f32
    %broadcast_in_dim3A_347 = vector.broadcast %jit3A_346 : f32 to vector<128x128xf32>
    %select_n3A_348 = arith.select %lt3A_344, %broadcast_in_dim3A_347, %broadcast_in_dim3A_342 : vector<128x128xi1>, vector<128x128xf32>
    %slice3A_349 = vector.extract_strided_slice %sub3A {offsets = [640, 256], sizes = [128, 128], strides = [1, 1]} : vector<8192x1024xf32> to vector<128x128xf32>
    %lt3A_350 = arith.cmpf olt, %slice3A_349, %min3A_345 : vector<128x128xf32>
    %min3A_351 = arith.minimumf %slice3A_349, %min3A_345 : vector<128x128xf32>
    %jit3A_352 = arith.constant 2.000000e+00 : f32
    %broadcast_in_dim3A_353 = vector.broadcast %jit3A_352 : f32 to vector<128x128xf32>
    %select_n3A_354 = arith.select %lt3A_350, %broadcast_in_dim3A_353, %select_n3A_348 : vector<128x128xi1>, vector<128x128xf32>
    %slice3A_355 = vector.extract_strided_slice %sub3A {offsets = [640, 384], sizes = [128, 128], strides = [1, 1]} : vector<8192x1024xf32> to vector<128x128xf32>
    %lt3A_356 = arith.cmpf olt, %slice3A_355, %min3A_351 : vector<128x128xf32>
    %min3A_357 = arith.minimumf %slice3A_355, %min3A_351 : vector<128x128xf32>
    %jit3A_358 = arith.constant 3.000000e+00 : f32
    %broadcast_in_dim3A_359 = vector.broadcast %jit3A_358 : f32 to vector<128x128xf32>
    %select_n3A_360 = arith.select %lt3A_356, %broadcast_in_dim3A_359, %select_n3A_354 : vector<128x128xi1>, vector<128x128xf32>
    %slice3A_361 = vector.extract_strided_slice %sub3A {offsets = [640, 512], sizes = [128, 128], strides = [1, 1]} : vector<8192x1024xf32> to vector<128x128xf32>
    %lt3A_362 = arith.cmpf olt, %slice3A_361, %min3A_357 : vector<128x128xf32>
    %min3A_363 = arith.minimumf %slice3A_361, %min3A_357 : vector<128x128xf32>
    %jit3A_364 = arith.constant 4.000000e+00 : f32
    %broadcast_in_dim3A_365 = vector.broadcast %jit3A_364 : f32 to vector<128x128xf32>
    %select_n3A_366 = arith.select %lt3A_362, %broadcast_in_dim3A_365, %select_n3A_360 : vector<128x128xi1>, vector<128x128xf32>
    %slice3A_367 = vector.extract_strided_slice %sub3A {offsets = [640, 640], sizes = [128, 128], strides = [1, 1]} : vector<8192x1024xf32> to vector<128x128xf32>
    %lt3A_368 = arith.cmpf olt, %slice3A_367, %min3A_363 : vector<128x128xf32>
    %min3A_369 = arith.minimumf %slice3A_367, %min3A_363 : vector<128x128xf32>
    %jit3A_370 = arith.constant 5.000000e+00 : f32
    %broadcast_in_dim3A_371 = vector.broadcast %jit3A_370 : f32 to vector<128x128xf32>
    %select_n3A_372 = arith.select %lt3A_368, %broadcast_in_dim3A_371, %select_n3A_366 : vector<128x128xi1>, vector<128x128xf32>
    %slice3A_373 = vector.extract_strided_slice %sub3A {offsets = [640, 768], sizes = [128, 128], strides = [1, 1]} : vector<8192x1024xf32> to vector<128x128xf32>
    %lt3A_374 = arith.cmpf olt, %slice3A_373, %min3A_369 : vector<128x128xf32>
    %min3A_375 = arith.minimumf %slice3A_373, %min3A_369 : vector<128x128xf32>
    %jit3A_376 = arith.constant 6.000000e+00 : f32
    %broadcast_in_dim3A_377 = vector.broadcast %jit3A_376 : f32 to vector<128x128xf32>
    %select_n3A_378 = arith.select %lt3A_374, %broadcast_in_dim3A_377, %select_n3A_372 : vector<128x128xi1>, vector<128x128xf32>
    %slice3A_379 = vector.extract_strided_slice %sub3A {offsets = [640, 896], sizes = [128, 128], strides = [1, 1]} : vector<8192x1024xf32> to vector<128x128xf32>
    %lt3A_380 = arith.cmpf olt, %slice3A_379, %min3A_375 : vector<128x128xf32>
    %min3A_381 = arith.minimumf %slice3A_379, %min3A_375 : vector<128x128xf32>
    %jit3A_382 = arith.constant 7.000000e+00 : f32
    %broadcast_in_dim3A_383 = vector.broadcast %jit3A_382 : f32 to vector<128x128xf32>
    %select_n3A_384 = arith.select %lt3A_380, %broadcast_in_dim3A_383, %select_n3A_378 : vector<128x128xi1>, vector<128x128xf32>
    %mul3A_385 = arith.constant 1.280000e+02 : f32
    %mul3A_386 = vector.broadcast %mul3A_385 : f32 to vector<128x128xf32>
    %mul3A_387 = arith.mulf %select_n3A_384, %mul3A_386 : vector<128x128xf32>
    %add3A_388 = arith.addf %mul3A_387, %convert_element_type3A : vector<128x128xf32>
    %transpose3A_389 = tpu.transpose %min3A_381, [1, 0] : vector<128x128xf32> -> vector<128x128xf32>
    %reduce_min3A_390 = arith.constant dense<0x7F800000> : vector<128xf32>
    %reduce_min3A_391 = vector.multi_reduction <minimumf>, %transpose3A_389, %reduce_min3A_390 [0] : vector<128x128xf32> to vector<128xf32>
    %broadcast_in_dim3A_392 = vector.shape_cast %reduce_min3A_391 : vector<128xf32> to vector<1x128xf32>
    %eq3A_393 = vector.broadcast %broadcast_in_dim3A_392 : vector<1x128xf32> to vector<128x128xf32>
    %eq3A_394 = arith.cmpf oeq, %transpose3A_389, %eq3A_393 : vector<128x128xf32>
    %transpose3A_395 = tpu.transpose %add3A_388, [1, 0] : vector<128x128xf32> -> vector<128x128xf32>
    %jit3A_396 = arith.constant 1.024000e+03 : f32
    %broadcast_in_dim3A_397 = vector.broadcast %jit3A_396 : f32 to vector<128x128xf32>
    %select_n3A_398 = arith.select %eq3A_394, %transpose3A_395, %broadcast_in_dim3A_397 : vector<128x128xi1>, vector<128x128xf32>
    %reduce_min3A_399 = arith.constant dense<0x7F800000> : vector<128xf32>
    %reduce_min3A_400 = vector.multi_reduction <minimumf>, %select_n3A_398, %reduce_min3A_399 [0] : vector<128x128xf32> to vector<128xf32>
    %reduce_sum3A_401 = vector.shape_cast %broadcast_in_dim3A_392 : vector<1x128xf32> to vector<1x1x128xf32>
    %reduce_sum3A_402 = arith.constant dense<0.000000e+00> : vector<1xf32>
    %reduce_sum3A_403 = vector.multi_reduction <add>, %reduce_sum3A_401, %reduce_sum3A_402 [1, 2] : vector<1x1x128xf32> to vector<1xf32>
    %reduce_sum3A_404 = vector.shape_cast %reduce_sum3A_403 : vector<1xf32> to vector<1x1x1xf32>
    %reduce_sum3A_405 = vector.extract %reduce_sum3A_404[0, 0, 0] : f32 from vector<1x1x1xf32>
    %add3A_406 = arith.addf %add3A_339, %reduce_sum3A_405 : f32
    %slice3A_407 = vector.extract_strided_slice %sub3A {offsets = [768, 0], sizes = [128, 128], strides = [1, 1]} : vector<8192x1024xf32> to vector<128x128xf32>
    %broadcast_in_dim3A_408 = arith.constant 0.000000e+00 : f32
    %broadcast_in_dim3A_409 = vector.broadcast %broadcast_in_dim3A_408 : f32 to vector<128x128xf32>
    %slice3A_410 = vector.extract_strided_slice %sub3A {offsets = [768, 128], sizes = [128, 128], strides = [1, 1]} : vector<8192x1024xf32> to vector<128x128xf32>
    %lt3A_411 = arith.cmpf olt, %slice3A_410, %slice3A_407 : vector<128x128xf32>
    %min3A_412 = arith.minimumf %slice3A_410, %slice3A_407 : vector<128x128xf32>
    %jit3A_413 = arith.constant 1.000000e+00 : f32
    %broadcast_in_dim3A_414 = vector.broadcast %jit3A_413 : f32 to vector<128x128xf32>
    %select_n3A_415 = arith.select %lt3A_411, %broadcast_in_dim3A_414, %broadcast_in_dim3A_409 : vector<128x128xi1>, vector<128x128xf32>
    %slice3A_416 = vector.extract_strided_slice %sub3A {offsets = [768, 256], sizes = [128, 128], strides = [1, 1]} : vector<8192x1024xf32> to vector<128x128xf32>
    %lt3A_417 = arith.cmpf olt, %slice3A_416, %min3A_412 : vector<128x128xf32>
    %min3A_418 = arith.minimumf %slice3A_416, %min3A_412 : vector<128x128xf32>
    %jit3A_419 = arith.constant 2.000000e+00 : f32
    %broadcast_in_dim3A_420 = vector.broadcast %jit3A_419 : f32 to vector<128x128xf32>
    %select_n3A_421 = arith.select %lt3A_417, %broadcast_in_dim3A_420, %select_n3A_415 : vector<128x128xi1>, vector<128x128xf32>
    %slice3A_422 = vector.extract_strided_slice %sub3A {offsets = [768, 384], sizes = [128, 128], strides = [1, 1]} : vector<8192x1024xf32> to vector<128x128xf32>
    %lt3A_423 = arith.cmpf olt, %slice3A_422, %min3A_418 : vector<128x128xf32>
    %min3A_424 = arith.minimumf %slice3A_422, %min3A_418 : vector<128x128xf32>
    %jit3A_425 = arith.constant 3.000000e+00 : f32
    %broadcast_in_dim3A_426 = vector.broadcast %jit3A_425 : f32 to vector<128x128xf32>
    %select_n3A_427 = arith.select %lt3A_423, %broadcast_in_dim3A_426, %select_n3A_421 : vector<128x128xi1>, vector<128x128xf32>
    %slice3A_428 = vector.extract_strided_slice %sub3A {offsets = [768, 512], sizes = [128, 128], strides = [1, 1]} : vector<8192x1024xf32> to vector<128x128xf32>
    %lt3A_429 = arith.cmpf olt, %slice3A_428, %min3A_424 : vector<128x128xf32>
    %min3A_430 = arith.minimumf %slice3A_428, %min3A_424 : vector<128x128xf32>
    %jit3A_431 = arith.constant 4.000000e+00 : f32
    %broadcast_in_dim3A_432 = vector.broadcast %jit3A_431 : f32 to vector<128x128xf32>
    %select_n3A_433 = arith.select %lt3A_429, %broadcast_in_dim3A_432, %select_n3A_427 : vector<128x128xi1>, vector<128x128xf32>
    %slice3A_434 = vector.extract_strided_slice %sub3A {offsets = [768, 640], sizes = [128, 128], strides = [1, 1]} : vector<8192x1024xf32> to vector<128x128xf32>
    %lt3A_435 = arith.cmpf olt, %slice3A_434, %min3A_430 : vector<128x128xf32>
    %min3A_436 = arith.minimumf %slice3A_434, %min3A_430 : vector<128x128xf32>
    %jit3A_437 = arith.constant 5.000000e+00 : f32
    %broadcast_in_dim3A_438 = vector.broadcast %jit3A_437 : f32 to vector<128x128xf32>
    %select_n3A_439 = arith.select %lt3A_435, %broadcast_in_dim3A_438, %select_n3A_433 : vector<128x128xi1>, vector<128x128xf32>
    %slice3A_440 = vector.extract_strided_slice %sub3A {offsets = [768, 768], sizes = [128, 128], strides = [1, 1]} : vector<8192x1024xf32> to vector<128x128xf32>
    %lt3A_441 = arith.cmpf olt, %slice3A_440, %min3A_436 : vector<128x128xf32>
    %min3A_442 = arith.minimumf %slice3A_440, %min3A_436 : vector<128x128xf32>
    %jit3A_443 = arith.constant 6.000000e+00 : f32
    %broadcast_in_dim3A_444 = vector.broadcast %jit3A_443 : f32 to vector<128x128xf32>
    %select_n3A_445 = arith.select %lt3A_441, %broadcast_in_dim3A_444, %select_n3A_439 : vector<128x128xi1>, vector<128x128xf32>
    %slice3A_446 = vector.extract_strided_slice %sub3A {offsets = [768, 896], sizes = [128, 128], strides = [1, 1]} : vector<8192x1024xf32> to vector<128x128xf32>
    %lt3A_447 = arith.cmpf olt, %slice3A_446, %min3A_442 : vector<128x128xf32>
    %min3A_448 = arith.minimumf %slice3A_446, %min3A_442 : vector<128x128xf32>
    %jit3A_449 = arith.constant 7.000000e+00 : f32
    %broadcast_in_dim3A_450 = vector.broadcast %jit3A_449 : f32 to vector<128x128xf32>
    %select_n3A_451 = arith.select %lt3A_447, %broadcast_in_dim3A_450, %select_n3A_445 : vector<128x128xi1>, vector<128x128xf32>
    %mul3A_452 = arith.constant 1.280000e+02 : f32
    %mul3A_453 = vector.broadcast %mul3A_452 : f32 to vector<128x128xf32>
    %mul3A_454 = arith.mulf %select_n3A_451, %mul3A_453 : vector<128x128xf32>
    %add3A_455 = arith.addf %mul3A_454, %convert_element_type3A : vector<128x128xf32>
    %transpose3A_456 = tpu.transpose %min3A_448, [1, 0] : vector<128x128xf32> -> vector<128x128xf32>
    %reduce_min3A_457 = arith.constant dense<0x7F800000> : vector<128xf32>
    %reduce_min3A_458 = vector.multi_reduction <minimumf>, %transpose3A_456, %reduce_min3A_457 [0] : vector<128x128xf32> to vector<128xf32>
    %broadcast_in_dim3A_459 = vector.shape_cast %reduce_min3A_458 : vector<128xf32> to vector<1x128xf32>
    %eq3A_460 = vector.broadcast %broadcast_in_dim3A_459 : vector<1x128xf32> to vector<128x128xf32>
    %eq3A_461 = arith.cmpf oeq, %transpose3A_456, %eq3A_460 : vector<128x128xf32>
    %transpose3A_462 = tpu.transpose %add3A_455, [1, 0] : vector<128x128xf32> -> vector<128x128xf32>
    %jit3A_463 = arith.constant 1.024000e+03 : f32
    %broadcast_in_dim3A_464 = vector.broadcast %jit3A_463 : f32 to vector<128x128xf32>
    %select_n3A_465 = arith.select %eq3A_461, %transpose3A_462, %broadcast_in_dim3A_464 : vector<128x128xi1>, vector<128x128xf32>
    %reduce_min3A_466 = arith.constant dense<0x7F800000> : vector<128xf32>
    %reduce_min3A_467 = vector.multi_reduction <minimumf>, %select_n3A_465, %reduce_min3A_466 [0] : vector<128x128xf32> to vector<128xf32>
    %reduce_sum3A_468 = vector.shape_cast %broadcast_in_dim3A_459 : vector<1x128xf32> to vector<1x1x128xf32>
    %reduce_sum3A_469 = arith.constant dense<0.000000e+00> : vector<1xf32>
    %reduce_sum3A_470 = vector.multi_reduction <add>, %reduce_sum3A_468, %reduce_sum3A_469 [1, 2] : vector<1x1x128xf32> to vector<1xf32>
    %reduce_sum3A_471 = vector.shape_cast %reduce_sum3A_470 : vector<1xf32> to vector<1x1x1xf32>
    %reduce_sum3A_472 = vector.extract %reduce_sum3A_471[0, 0, 0] : f32 from vector<1x1x1xf32>
    %add3A_473 = arith.addf %add3A_406, %reduce_sum3A_472 : f32
    %slice3A_474 = vector.extract_strided_slice %sub3A {offsets = [896, 0], sizes = [128, 128], strides = [1, 1]} : vector<8192x1024xf32> to vector<128x128xf32>
    %broadcast_in_dim3A_475 = arith.constant 0.000000e+00 : f32
    %broadcast_in_dim3A_476 = vector.broadcast %broadcast_in_dim3A_475 : f32 to vector<128x128xf32>
    %slice3A_477 = vector.extract_strided_slice %sub3A {offsets = [896, 128], sizes = [128, 128], strides = [1, 1]} : vector<8192x1024xf32> to vector<128x128xf32>
    %lt3A_478 = arith.cmpf olt, %slice3A_477, %slice3A_474 : vector<128x128xf32>
    %min3A_479 = arith.minimumf %slice3A_477, %slice3A_474 : vector<128x128xf32>
    %jit3A_480 = arith.constant 1.000000e+00 : f32
    %broadcast_in_dim3A_481 = vector.broadcast %jit3A_480 : f32 to vector<128x128xf32>
    %select_n3A_482 = arith.select %lt3A_478, %broadcast_in_dim3A_481, %broadcast_in_dim3A_476 : vector<128x128xi1>, vector<128x128xf32>
    %slice3A_483 = vector.extract_strided_slice %sub3A {offsets = [896, 256], sizes = [128, 128], strides = [1, 1]} : vector<8192x1024xf32> to vector<128x128xf32>
    %lt3A_484 = arith.cmpf olt, %slice3A_483, %min3A_479 : vector<128x128xf32>
    %min3A_485 = arith.minimumf %slice3A_483, %min3A_479 : vector<128x128xf32>
    %jit3A_486 = arith.constant 2.000000e+00 : f32
    %broadcast_in_dim3A_487 = vector.broadcast %jit3A_486 : f32 to vector<128x128xf32>
    %select_n3A_488 = arith.select %lt3A_484, %broadcast_in_dim3A_487, %select_n3A_482 : vector<128x128xi1>, vector<128x128xf32>
    %slice3A_489 = vector.extract_strided_slice %sub3A {offsets = [896, 384], sizes = [128, 128], strides = [1, 1]} : vector<8192x1024xf32> to vector<128x128xf32>
    %lt3A_490 = arith.cmpf olt, %slice3A_489, %min3A_485 : vector<128x128xf32>
    %min3A_491 = arith.minimumf %slice3A_489, %min3A_485 : vector<128x128xf32>
    %jit3A_492 = arith.constant 3.000000e+00 : f32
    %broadcast_in_dim3A_493 = vector.broadcast %jit3A_492 : f32 to vector<128x128xf32>
    %select_n3A_494 = arith.select %lt3A_490, %broadcast_in_dim3A_493, %select_n3A_488 : vector<128x128xi1>, vector<128x128xf32>
    %slice3A_495 = vector.extract_strided_slice %sub3A {offsets = [896, 512], sizes = [128, 128], strides = [1, 1]} : vector<8192x1024xf32> to vector<128x128xf32>
    %lt3A_496 = arith.cmpf olt, %slice3A_495, %min3A_491 : vector<128x128xf32>
    %min3A_497 = arith.minimumf %slice3A_495, %min3A_491 : vector<128x128xf32>
    %jit3A_498 = arith.constant 4.000000e+00 : f32
    %broadcast_in_dim3A_499 = vector.broadcast %jit3A_498 : f32 to vector<128x128xf32>
    %select_n3A_500 = arith.select %lt3A_496, %broadcast_in_dim3A_499, %select_n3A_494 : vector<128x128xi1>, vector<128x128xf32>
    %slice3A_501 = vector.extract_strided_slice %sub3A {offsets = [896, 640], sizes = [128, 128], strides = [1, 1]} : vector<8192x1024xf32> to vector<128x128xf32>
    %lt3A_502 = arith.cmpf olt, %slice3A_501, %min3A_497 : vector<128x128xf32>
    %min3A_503 = arith.minimumf %slice3A_501, %min3A_497 : vector<128x128xf32>
    %jit3A_504 = arith.constant 5.000000e+00 : f32
    %broadcast_in_dim3A_505 = vector.broadcast %jit3A_504 : f32 to vector<128x128xf32>
    %select_n3A_506 = arith.select %lt3A_502, %broadcast_in_dim3A_505, %select_n3A_500 : vector<128x128xi1>, vector<128x128xf32>
    %slice3A_507 = vector.extract_strided_slice %sub3A {offsets = [896, 768], sizes = [128, 128], strides = [1, 1]} : vector<8192x1024xf32> to vector<128x128xf32>
    %lt3A_508 = arith.cmpf olt, %slice3A_507, %min3A_503 : vector<128x128xf32>
    %min3A_509 = arith.minimumf %slice3A_507, %min3A_503 : vector<128x128xf32>
    %jit3A_510 = arith.constant 6.000000e+00 : f32
    %broadcast_in_dim3A_511 = vector.broadcast %jit3A_510 : f32 to vector<128x128xf32>
    %select_n3A_512 = arith.select %lt3A_508, %broadcast_in_dim3A_511, %select_n3A_506 : vector<128x128xi1>, vector<128x128xf32>
    %slice3A_513 = vector.extract_strided_slice %sub3A {offsets = [896, 896], sizes = [128, 128], strides = [1, 1]} : vector<8192x1024xf32> to vector<128x128xf32>
    %lt3A_514 = arith.cmpf olt, %slice3A_513, %min3A_509 : vector<128x128xf32>
    %min3A_515 = arith.minimumf %slice3A_513, %min3A_509 : vector<128x128xf32>
    %jit3A_516 = arith.constant 7.000000e+00 : f32
    %broadcast_in_dim3A_517 = vector.broadcast %jit3A_516 : f32 to vector<128x128xf32>
    %select_n3A_518 = arith.select %lt3A_514, %broadcast_in_dim3A_517, %select_n3A_512 : vector<128x128xi1>, vector<128x128xf32>
    %mul3A_519 = arith.constant 1.280000e+02 : f32
    %mul3A_520 = vector.broadcast %mul3A_519 : f32 to vector<128x128xf32>
    %mul3A_521 = arith.mulf %select_n3A_518, %mul3A_520 : vector<128x128xf32>
    %add3A_522 = arith.addf %mul3A_521, %convert_element_type3A : vector<128x128xf32>
    %transpose3A_523 = tpu.transpose %min3A_515, [1, 0] : vector<128x128xf32> -> vector<128x128xf32>
    %reduce_min3A_524 = arith.constant dense<0x7F800000> : vector<128xf32>
    %reduce_min3A_525 = vector.multi_reduction <minimumf>, %transpose3A_523, %reduce_min3A_524 [0] : vector<128x128xf32> to vector<128xf32>
    %broadcast_in_dim3A_526 = vector.shape_cast %reduce_min3A_525 : vector<128xf32> to vector<1x128xf32>
    %eq3A_527 = vector.broadcast %broadcast_in_dim3A_526 : vector<1x128xf32> to vector<128x128xf32>
    %eq3A_528 = arith.cmpf oeq, %transpose3A_523, %eq3A_527 : vector<128x128xf32>
    %transpose3A_529 = tpu.transpose %add3A_522, [1, 0] : vector<128x128xf32> -> vector<128x128xf32>
    %jit3A_530 = arith.constant 1.024000e+03 : f32
    %broadcast_in_dim3A_531 = vector.broadcast %jit3A_530 : f32 to vector<128x128xf32>
    %select_n3A_532 = arith.select %eq3A_528, %transpose3A_529, %broadcast_in_dim3A_531 : vector<128x128xi1>, vector<128x128xf32>
    %reduce_min3A_533 = arith.constant dense<0x7F800000> : vector<128xf32>
    %reduce_min3A_534 = vector.multi_reduction <minimumf>, %select_n3A_532, %reduce_min3A_533 [0] : vector<128x128xf32> to vector<128xf32>
    %reduce_sum3A_535 = vector.shape_cast %broadcast_in_dim3A_526 : vector<1x128xf32> to vector<1x1x128xf32>
    %reduce_sum3A_536 = arith.constant dense<0.000000e+00> : vector<1xf32>
    %reduce_sum3A_537 = vector.multi_reduction <add>, %reduce_sum3A_535, %reduce_sum3A_536 [1, 2] : vector<1x1x128xf32> to vector<1xf32>
    %reduce_sum3A_538 = vector.shape_cast %reduce_sum3A_537 : vector<1xf32> to vector<1x1x1xf32>
    %reduce_sum3A_539 = vector.extract %reduce_sum3A_538[0, 0, 0] : f32 from vector<1x1x1xf32>
    %add3A_540 = arith.addf %add3A_473, %reduce_sum3A_539 : f32
    %slice3A_541 = vector.extract_strided_slice %sub3A {offsets = [1024, 0], sizes = [128, 128], strides = [1, 1]} : vector<8192x1024xf32> to vector<128x128xf32>
    %broadcast_in_dim3A_542 = arith.constant 0.000000e+00 : f32
    %broadcast_in_dim3A_543 = vector.broadcast %broadcast_in_dim3A_542 : f32 to vector<128x128xf32>
    %slice3A_544 = vector.extract_strided_slice %sub3A {offsets = [1024, 128], sizes = [128, 128], strides = [1, 1]} : vector<8192x1024xf32> to vector<128x128xf32>
    %lt3A_545 = arith.cmpf olt, %slice3A_544, %slice3A_541 : vector<128x128xf32>
    %min3A_546 = arith.minimumf %slice3A_544, %slice3A_541 : vector<128x128xf32>
    %jit3A_547 = arith.constant 1.000000e+00 : f32
    %broadcast_in_dim3A_548 = vector.broadcast %jit3A_547 : f32 to vector<128x128xf32>
    %select_n3A_549 = arith.select %lt3A_545, %broadcast_in_dim3A_548, %broadcast_in_dim3A_543 : vector<128x128xi1>, vector<128x128xf32>
    %slice3A_550 = vector.extract_strided_slice %sub3A {offsets = [1024, 256], sizes = [128, 128], strides = [1, 1]} : vector<8192x1024xf32> to vector<128x128xf32>
    %lt3A_551 = arith.cmpf olt, %slice3A_550, %min3A_546 : vector<128x128xf32>
    %min3A_552 = arith.minimumf %slice3A_550, %min3A_546 : vector<128x128xf32>
    %jit3A_553 = arith.constant 2.000000e+00 : f32
    %broadcast_in_dim3A_554 = vector.broadcast %jit3A_553 : f32 to vector<128x128xf32>
    %select_n3A_555 = arith.select %lt3A_551, %broadcast_in_dim3A_554, %select_n3A_549 : vector<128x128xi1>, vector<128x128xf32>
    %slice3A_556 = vector.extract_strided_slice %sub3A {offsets = [1024, 384], sizes = [128, 128], strides = [1, 1]} : vector<8192x1024xf32> to vector<128x128xf32>
    %lt3A_557 = arith.cmpf olt, %slice3A_556, %min3A_552 : vector<128x128xf32>
    %min3A_558 = arith.minimumf %slice3A_556, %min3A_552 : vector<128x128xf32>
    %jit3A_559 = arith.constant 3.000000e+00 : f32
    %broadcast_in_dim3A_560 = vector.broadcast %jit3A_559 : f32 to vector<128x128xf32>
    %select_n3A_561 = arith.select %lt3A_557, %broadcast_in_dim3A_560, %select_n3A_555 : vector<128x128xi1>, vector<128x128xf32>
    %slice3A_562 = vector.extract_strided_slice %sub3A {offsets = [1024, 512], sizes = [128, 128], strides = [1, 1]} : vector<8192x1024xf32> to vector<128x128xf32>
    %lt3A_563 = arith.cmpf olt, %slice3A_562, %min3A_558 : vector<128x128xf32>
    %min3A_564 = arith.minimumf %slice3A_562, %min3A_558 : vector<128x128xf32>
    %jit3A_565 = arith.constant 4.000000e+00 : f32
    %broadcast_in_dim3A_566 = vector.broadcast %jit3A_565 : f32 to vector<128x128xf32>
    %select_n3A_567 = arith.select %lt3A_563, %broadcast_in_dim3A_566, %select_n3A_561 : vector<128x128xi1>, vector<128x128xf32>
    %slice3A_568 = vector.extract_strided_slice %sub3A {offsets = [1024, 640], sizes = [128, 128], strides = [1, 1]} : vector<8192x1024xf32> to vector<128x128xf32>
    %lt3A_569 = arith.cmpf olt, %slice3A_568, %min3A_564 : vector<128x128xf32>
    %min3A_570 = arith.minimumf %slice3A_568, %min3A_564 : vector<128x128xf32>
    %jit3A_571 = arith.constant 5.000000e+00 : f32
    %broadcast_in_dim3A_572 = vector.broadcast %jit3A_571 : f32 to vector<128x128xf32>
    %select_n3A_573 = arith.select %lt3A_569, %broadcast_in_dim3A_572, %select_n3A_567 : vector<128x128xi1>, vector<128x128xf32>
    %slice3A_574 = vector.extract_strided_slice %sub3A {offsets = [1024, 768], sizes = [128, 128], strides = [1, 1]} : vector<8192x1024xf32> to vector<128x128xf32>
    %lt3A_575 = arith.cmpf olt, %slice3A_574, %min3A_570 : vector<128x128xf32>
    %min3A_576 = arith.minimumf %slice3A_574, %min3A_570 : vector<128x128xf32>
    %jit3A_577 = arith.constant 6.000000e+00 : f32
    %broadcast_in_dim3A_578 = vector.broadcast %jit3A_577 : f32 to vector<128x128xf32>
    %select_n3A_579 = arith.select %lt3A_575, %broadcast_in_dim3A_578, %select_n3A_573 : vector<128x128xi1>, vector<128x128xf32>
    %slice3A_580 = vector.extract_strided_slice %sub3A {offsets = [1024, 896], sizes = [128, 128], strides = [1, 1]} : vector<8192x1024xf32> to vector<128x128xf32>
    %lt3A_581 = arith.cmpf olt, %slice3A_580, %min3A_576 : vector<128x128xf32>
    %min3A_582 = arith.minimumf %slice3A_580, %min3A_576 : vector<128x128xf32>
    %jit3A_583 = arith.constant 7.000000e+00 : f32
    %broadcast_in_dim3A_584 = vector.broadcast %jit3A_583 : f32 to vector<128x128xf32>
    %select_n3A_585 = arith.select %lt3A_581, %broadcast_in_dim3A_584, %select_n3A_579 : vector<128x128xi1>, vector<128x128xf32>
    %mul3A_586 = arith.constant 1.280000e+02 : f32
    %mul3A_587 = vector.broadcast %mul3A_586 : f32 to vector<128x128xf32>
    %mul3A_588 = arith.mulf %select_n3A_585, %mul3A_587 : vector<128x128xf32>
    %add3A_589 = arith.addf %mul3A_588, %convert_element_type3A : vector<128x128xf32>
    %transpose3A_590 = tpu.transpose %min3A_582, [1, 0] : vector<128x128xf32> -> vector<128x128xf32>
    %reduce_min3A_591 = arith.constant dense<0x7F800000> : vector<128xf32>
    %reduce_min3A_592 = vector.multi_reduction <minimumf>, %transpose3A_590, %reduce_min3A_591 [0] : vector<128x128xf32> to vector<128xf32>
    %broadcast_in_dim3A_593 = vector.shape_cast %reduce_min3A_592 : vector<128xf32> to vector<1x128xf32>
    %eq3A_594 = vector.broadcast %broadcast_in_dim3A_593 : vector<1x128xf32> to vector<128x128xf32>
    %eq3A_595 = arith.cmpf oeq, %transpose3A_590, %eq3A_594 : vector<128x128xf32>
    %transpose3A_596 = tpu.transpose %add3A_589, [1, 0] : vector<128x128xf32> -> vector<128x128xf32>
    %jit3A_597 = arith.constant 1.024000e+03 : f32
    %broadcast_in_dim3A_598 = vector.broadcast %jit3A_597 : f32 to vector<128x128xf32>
    %select_n3A_599 = arith.select %eq3A_595, %transpose3A_596, %broadcast_in_dim3A_598 : vector<128x128xi1>, vector<128x128xf32>
    %reduce_min3A_600 = arith.constant dense<0x7F800000> : vector<128xf32>
    %reduce_min3A_601 = vector.multi_reduction <minimumf>, %select_n3A_599, %reduce_min3A_600 [0] : vector<128x128xf32> to vector<128xf32>
    %reduce_sum3A_602 = vector.shape_cast %broadcast_in_dim3A_593 : vector<1x128xf32> to vector<1x1x128xf32>
    %reduce_sum3A_603 = arith.constant dense<0.000000e+00> : vector<1xf32>
    %reduce_sum3A_604 = vector.multi_reduction <add>, %reduce_sum3A_602, %reduce_sum3A_603 [1, 2] : vector<1x1x128xf32> to vector<1xf32>
    %reduce_sum3A_605 = vector.shape_cast %reduce_sum3A_604 : vector<1xf32> to vector<1x1x1xf32>
    %reduce_sum3A_606 = vector.extract %reduce_sum3A_605[0, 0, 0] : f32 from vector<1x1x1xf32>
    %add3A_607 = arith.addf %add3A_540, %reduce_sum3A_606 : f32
    %slice3A_608 = vector.extract_strided_slice %sub3A {offsets = [1152, 0], sizes = [128, 128], strides = [1, 1]} : vector<8192x1024xf32> to vector<128x128xf32>
    %broadcast_in_dim3A_609 = arith.constant 0.000000e+00 : f32
    %broadcast_in_dim3A_610 = vector.broadcast %broadcast_in_dim3A_609 : f32 to vector<128x128xf32>
    %slice3A_611 = vector.extract_strided_slice %sub3A {offsets = [1152, 128], sizes = [128, 128], strides = [1, 1]} : vector<8192x1024xf32> to vector<128x128xf32>
    %lt3A_612 = arith.cmpf olt, %slice3A_611, %slice3A_608 : vector<128x128xf32>
    %min3A_613 = arith.minimumf %slice3A_611, %slice3A_608 : vector<128x128xf32>
    %jit3A_614 = arith.constant 1.000000e+00 : f32
    %broadcast_in_dim3A_615 = vector.broadcast %jit3A_614 : f32 to vector<128x128xf32>
    %select_n3A_616 = arith.select %lt3A_612, %broadcast_in_dim3A_615, %broadcast_in_dim3A_610 : vector<128x128xi1>, vector<128x128xf32>
    %slice3A_617 = vector.extract_strided_slice %sub3A {offsets = [1152, 256], sizes = [128, 128], strides = [1, 1]} : vector<8192x1024xf32> to vector<128x128xf32>
    %lt3A_618 = arith.cmpf olt, %slice3A_617, %min3A_613 : vector<128x128xf32>
    %min3A_619 = arith.minimumf %slice3A_617, %min3A_613 : vector<128x128xf32>
    %jit3A_620 = arith.constant 2.000000e+00 : f32
    %broadcast_in_dim3A_621 = vector.broadcast %jit3A_620 : f32 to vector<128x128xf32>
    %select_n3A_622 = arith.select %lt3A_618, %broadcast_in_dim3A_621, %select_n3A_616 : vector<128x128xi1>, vector<128x128xf32>
    %slice3A_623 = vector.extract_strided_slice %sub3A {offsets = [1152, 384], sizes = [128, 128], strides = [1, 1]} : vector<8192x1024xf32> to vector<128x128xf32>
    %lt3A_624 = arith.cmpf olt, %slice3A_623, %min3A_619 : vector<128x128xf32>
    %min3A_625 = arith.minimumf %slice3A_623, %min3A_619 : vector<128x128xf32>
    %jit3A_626 = arith.constant 3.000000e+00 : f32
    %broadcast_in_dim3A_627 = vector.broadcast %jit3A_626 : f32 to vector<128x128xf32>
    %select_n3A_628 = arith.select %lt3A_624, %broadcast_in_dim3A_627, %select_n3A_622 : vector<128x128xi1>, vector<128x128xf32>
    %slice3A_629 = vector.extract_strided_slice %sub3A {offsets = [1152, 512], sizes = [128, 128], strides = [1, 1]} : vector<8192x1024xf32> to vector<128x128xf32>
    %lt3A_630 = arith.cmpf olt, %slice3A_629, %min3A_625 : vector<128x128xf32>
    %min3A_631 = arith.minimumf %slice3A_629, %min3A_625 : vector<128x128xf32>
    %jit3A_632 = arith.constant 4.000000e+00 : f32
    %broadcast_in_dim3A_633 = vector.broadcast %jit3A_632 : f32 to vector<128x128xf32>
    %select_n3A_634 = arith.select %lt3A_630, %broadcast_in_dim3A_633, %select_n3A_628 : vector<128x128xi1>, vector<128x128xf32>
    %slice3A_635 = vector.extract_strided_slice %sub3A {offsets = [1152, 640], sizes = [128, 128], strides = [1, 1]} : vector<8192x1024xf32> to vector<128x128xf32>
    %lt3A_636 = arith.cmpf olt, %slice3A_635, %min3A_631 : vector<128x128xf32>
    %min3A_637 = arith.minimumf %slice3A_635, %min3A_631 : vector<128x128xf32>
    %jit3A_638 = arith.constant 5.000000e+00 : f32
    %broadcast_in_dim3A_639 = vector.broadcast %jit3A_638 : f32 to vector<128x128xf32>
    %select_n3A_640 = arith.select %lt3A_636, %broadcast_in_dim3A_639, %select_n3A_634 : vector<128x128xi1>, vector<128x128xf32>
    %slice3A_641 = vector.extract_strided_slice %sub3A {offsets = [1152, 768], sizes = [128, 128], strides = [1, 1]} : vector<8192x1024xf32> to vector<128x128xf32>
    %lt3A_642 = arith.cmpf olt, %slice3A_641, %min3A_637 : vector<128x128xf32>
    %min3A_643 = arith.minimumf %slice3A_641, %min3A_637 : vector<128x128xf32>
    %jit3A_644 = arith.constant 6.000000e+00 : f32
    %broadcast_in_dim3A_645 = vector.broadcast %jit3A_644 : f32 to vector<128x128xf32>
    %select_n3A_646 = arith.select %lt3A_642, %broadcast_in_dim3A_645, %select_n3A_640 : vector<128x128xi1>, vector<128x128xf32>
    %slice3A_647 = vector.extract_strided_slice %sub3A {offsets = [1152, 896], sizes = [128, 128], strides = [1, 1]} : vector<8192x1024xf32> to vector<128x128xf32>
    %lt3A_648 = arith.cmpf olt, %slice3A_647, %min3A_643 : vector<128x128xf32>
    %min3A_649 = arith.minimumf %slice3A_647, %min3A_643 : vector<128x128xf32>
    %jit3A_650 = arith.constant 7.000000e+00 : f32
    %broadcast_in_dim3A_651 = vector.broadcast %jit3A_650 : f32 to vector<128x128xf32>
    %select_n3A_652 = arith.select %lt3A_648, %broadcast_in_dim3A_651, %select_n3A_646 : vector<128x128xi1>, vector<128x128xf32>
    %mul3A_653 = arith.constant 1.280000e+02 : f32
    %mul3A_654 = vector.broadcast %mul3A_653 : f32 to vector<128x128xf32>
    %mul3A_655 = arith.mulf %select_n3A_652, %mul3A_654 : vector<128x128xf32>
    %add3A_656 = arith.addf %mul3A_655, %convert_element_type3A : vector<128x128xf32>
    %transpose3A_657 = tpu.transpose %min3A_649, [1, 0] : vector<128x128xf32> -> vector<128x128xf32>
    %reduce_min3A_658 = arith.constant dense<0x7F800000> : vector<128xf32>
    %reduce_min3A_659 = vector.multi_reduction <minimumf>, %transpose3A_657, %reduce_min3A_658 [0] : vector<128x128xf32> to vector<128xf32>
    %broadcast_in_dim3A_660 = vector.shape_cast %reduce_min3A_659 : vector<128xf32> to vector<1x128xf32>
    %eq3A_661 = vector.broadcast %broadcast_in_dim3A_660 : vector<1x128xf32> to vector<128x128xf32>
    %eq3A_662 = arith.cmpf oeq, %transpose3A_657, %eq3A_661 : vector<128x128xf32>
    %transpose3A_663 = tpu.transpose %add3A_656, [1, 0] : vector<128x128xf32> -> vector<128x128xf32>
    %jit3A_664 = arith.constant 1.024000e+03 : f32
    %broadcast_in_dim3A_665 = vector.broadcast %jit3A_664 : f32 to vector<128x128xf32>
    %select_n3A_666 = arith.select %eq3A_662, %transpose3A_663, %broadcast_in_dim3A_665 : vector<128x128xi1>, vector<128x128xf32>
    %reduce_min3A_667 = arith.constant dense<0x7F800000> : vector<128xf32>
    %reduce_min3A_668 = vector.multi_reduction <minimumf>, %select_n3A_666, %reduce_min3A_667 [0] : vector<128x128xf32> to vector<128xf32>
    %reduce_sum3A_669 = vector.shape_cast %broadcast_in_dim3A_660 : vector<1x128xf32> to vector<1x1x128xf32>
    %reduce_sum3A_670 = arith.constant dense<0.000000e+00> : vector<1xf32>
    %reduce_sum3A_671 = vector.multi_reduction <add>, %reduce_sum3A_669, %reduce_sum3A_670 [1, 2] : vector<1x1x128xf32> to vector<1xf32>
    %reduce_sum3A_672 = vector.shape_cast %reduce_sum3A_671 : vector<1xf32> to vector<1x1x1xf32>
    %reduce_sum3A_673 = vector.extract %reduce_sum3A_672[0, 0, 0] : f32 from vector<1x1x1xf32>
    %add3A_674 = arith.addf %add3A_607, %reduce_sum3A_673 : f32
    %slice3A_675 = vector.extract_strided_slice %sub3A {offsets = [1280, 0], sizes = [128, 128], strides = [1, 1]} : vector<8192x1024xf32> to vector<128x128xf32>
    %broadcast_in_dim3A_676 = arith.constant 0.000000e+00 : f32
    %broadcast_in_dim3A_677 = vector.broadcast %broadcast_in_dim3A_676 : f32 to vector<128x128xf32>
    %slice3A_678 = vector.extract_strided_slice %sub3A {offsets = [1280, 128], sizes = [128, 128], strides = [1, 1]} : vector<8192x1024xf32> to vector<128x128xf32>
    %lt3A_679 = arith.cmpf olt, %slice3A_678, %slice3A_675 : vector<128x128xf32>
    %min3A_680 = arith.minimumf %slice3A_678, %slice3A_675 : vector<128x128xf32>
    %jit3A_681 = arith.constant 1.000000e+00 : f32
    %broadcast_in_dim3A_682 = vector.broadcast %jit3A_681 : f32 to vector<128x128xf32>
    %select_n3A_683 = arith.select %lt3A_679, %broadcast_in_dim3A_682, %broadcast_in_dim3A_677 : vector<128x128xi1>, vector<128x128xf32>
    %slice3A_684 = vector.extract_strided_slice %sub3A {offsets = [1280, 256], sizes = [128, 128], strides = [1, 1]} : vector<8192x1024xf32> to vector<128x128xf32>
    %lt3A_685 = arith.cmpf olt, %slice3A_684, %min3A_680 : vector<128x128xf32>
    %min3A_686 = arith.minimumf %slice3A_684, %min3A_680 : vector<128x128xf32>
    %jit3A_687 = arith.constant 2.000000e+00 : f32
    %broadcast_in_dim3A_688 = vector.broadcast %jit3A_687 : f32 to vector<128x128xf32>
    %select_n3A_689 = arith.select %lt3A_685, %broadcast_in_dim3A_688, %select_n3A_683 : vector<128x128xi1>, vector<128x128xf32>
    %slice3A_690 = vector.extract_strided_slice %sub3A {offsets = [1280, 384], sizes = [128, 128], strides = [1, 1]} : vector<8192x1024xf32> to vector<128x128xf32>
    %lt3A_691 = arith.cmpf olt, %slice3A_690, %min3A_686 : vector<128x128xf32>
    %min3A_692 = arith.minimumf %slice3A_690, %min3A_686 : vector<128x128xf32>
    %jit3A_693 = arith.constant 3.000000e+00 : f32
    %broadcast_in_dim3A_694 = vector.broadcast %jit3A_693 : f32 to vector<128x128xf32>
    %select_n3A_695 = arith.select %lt3A_691, %broadcast_in_dim3A_694, %select_n3A_689 : vector<128x128xi1>, vector<128x128xf32>
    %slice3A_696 = vector.extract_strided_slice %sub3A {offsets = [1280, 512], sizes = [128, 128], strides = [1, 1]} : vector<8192x1024xf32> to vector<128x128xf32>
    %lt3A_697 = arith.cmpf olt, %slice3A_696, %min3A_692 : vector<128x128xf32>
    %min3A_698 = arith.minimumf %slice3A_696, %min3A_692 : vector<128x128xf32>
    %jit3A_699 = arith.constant 4.000000e+00 : f32
    %broadcast_in_dim3A_700 = vector.broadcast %jit3A_699 : f32 to vector<128x128xf32>
    %select_n3A_701 = arith.select %lt3A_697, %broadcast_in_dim3A_700, %select_n3A_695 : vector<128x128xi1>, vector<128x128xf32>
    %slice3A_702 = vector.extract_strided_slice %sub3A {offsets = [1280, 640], sizes = [128, 128], strides = [1, 1]} : vector<8192x1024xf32> to vector<128x128xf32>
    %lt3A_703 = arith.cmpf olt, %slice3A_702, %min3A_698 : vector<128x128xf32>
    %min3A_704 = arith.minimumf %slice3A_702, %min3A_698 : vector<128x128xf32>
    %jit3A_705 = arith.constant 5.000000e+00 : f32
    %broadcast_in_dim3A_706 = vector.broadcast %jit3A_705 : f32 to vector<128x128xf32>
    %select_n3A_707 = arith.select %lt3A_703, %broadcast_in_dim3A_706, %select_n3A_701 : vector<128x128xi1>, vector<128x128xf32>
    %slice3A_708 = vector.extract_strided_slice %sub3A {offsets = [1280, 768], sizes = [128, 128], strides = [1, 1]} : vector<8192x1024xf32> to vector<128x128xf32>
    %lt3A_709 = arith.cmpf olt, %slice3A_708, %min3A_704 : vector<128x128xf32>
    %min3A_710 = arith.minimumf %slice3A_708, %min3A_704 : vector<128x128xf32>
    %jit3A_711 = arith.constant 6.000000e+00 : f32
    %broadcast_in_dim3A_712 = vector.broadcast %jit3A_711 : f32 to vector<128x128xf32>
    %select_n3A_713 = arith.select %lt3A_709, %broadcast_in_dim3A_712, %select_n3A_707 : vector<128x128xi1>, vector<128x128xf32>
    %slice3A_714 = vector.extract_strided_slice %sub3A {offsets = [1280, 896], sizes = [128, 128], strides = [1, 1]} : vector<8192x1024xf32> to vector<128x128xf32>
    %lt3A_715 = arith.cmpf olt, %slice3A_714, %min3A_710 : vector<128x128xf32>
    %min3A_716 = arith.minimumf %slice3A_714, %min3A_710 : vector<128x128xf32>
    %jit3A_717 = arith.constant 7.000000e+00 : f32
    %broadcast_in_dim3A_718 = vector.broadcast %jit3A_717 : f32 to vector<128x128xf32>
    %select_n3A_719 = arith.select %lt3A_715, %broadcast_in_dim3A_718, %select_n3A_713 : vector<128x128xi1>, vector<128x128xf32>
    %mul3A_720 = arith.constant 1.280000e+02 : f32
    %mul3A_721 = vector.broadcast %mul3A_720 : f32 to vector<128x128xf32>
    %mul3A_722 = arith.mulf %select_n3A_719, %mul3A_721 : vector<128x128xf32>
    %add3A_723 = arith.addf %mul3A_722, %convert_element_type3A : vector<128x128xf32>
    %transpose3A_724 = tpu.transpose %min3A_716, [1, 0] : vector<128x128xf32> -> vector<128x128xf32>
    %reduce_min3A_725 = arith.constant dense<0x7F800000> : vector<128xf32>
    %reduce_min3A_726 = vector.multi_reduction <minimumf>, %transpose3A_724, %reduce_min3A_725 [0] : vector<128x128xf32> to vector<128xf32>
    %broadcast_in_dim3A_727 = vector.shape_cast %reduce_min3A_726 : vector<128xf32> to vector<1x128xf32>
    %eq3A_728 = vector.broadcast %broadcast_in_dim3A_727 : vector<1x128xf32> to vector<128x128xf32>
    %eq3A_729 = arith.cmpf oeq, %transpose3A_724, %eq3A_728 : vector<128x128xf32>
    %transpose3A_730 = tpu.transpose %add3A_723, [1, 0] : vector<128x128xf32> -> vector<128x128xf32>
    %jit3A_731 = arith.constant 1.024000e+03 : f32
    %broadcast_in_dim3A_732 = vector.broadcast %jit3A_731 : f32 to vector<128x128xf32>
    %select_n3A_733 = arith.select %eq3A_729, %transpose3A_730, %broadcast_in_dim3A_732 : vector<128x128xi1>, vector<128x128xf32>
    %reduce_min3A_734 = arith.constant dense<0x7F800000> : vector<128xf32>
    %reduce_min3A_735 = vector.multi_reduction <minimumf>, %select_n3A_733, %reduce_min3A_734 [0] : vector<128x128xf32> to vector<128xf32>
    %reduce_sum3A_736 = vector.shape_cast %broadcast_in_dim3A_727 : vector<1x128xf32> to vector<1x1x128xf32>
    %reduce_sum3A_737 = arith.constant dense<0.000000e+00> : vector<1xf32>
    %reduce_sum3A_738 = vector.multi_reduction <add>, %reduce_sum3A_736, %reduce_sum3A_737 [1, 2] : vector<1x1x128xf32> to vector<1xf32>
    %reduce_sum3A_739 = vector.shape_cast %reduce_sum3A_738 : vector<1xf32> to vector<1x1x1xf32>
    %reduce_sum3A_740 = vector.extract %reduce_sum3A_739[0, 0, 0] : f32 from vector<1x1x1xf32>
    %add3A_741 = arith.addf %add3A_674, %reduce_sum3A_740 : f32
    %slice3A_742 = vector.extract_strided_slice %sub3A {offsets = [1408, 0], sizes = [128, 128], strides = [1, 1]} : vector<8192x1024xf32> to vector<128x128xf32>
    %broadcast_in_dim3A_743 = arith.constant 0.000000e+00 : f32
    %broadcast_in_dim3A_744 = vector.broadcast %broadcast_in_dim3A_743 : f32 to vector<128x128xf32>
    %slice3A_745 = vector.extract_strided_slice %sub3A {offsets = [1408, 128], sizes = [128, 128], strides = [1, 1]} : vector<8192x1024xf32> to vector<128x128xf32>
    %lt3A_746 = arith.cmpf olt, %slice3A_745, %slice3A_742 : vector<128x128xf32>
    %min3A_747 = arith.minimumf %slice3A_745, %slice3A_742 : vector<128x128xf32>
    %jit3A_748 = arith.constant 1.000000e+00 : f32
    %broadcast_in_dim3A_749 = vector.broadcast %jit3A_748 : f32 to vector<128x128xf32>
    %select_n3A_750 = arith.select %lt3A_746, %broadcast_in_dim3A_749, %broadcast_in_dim3A_744 : vector<128x128xi1>, vector<128x128xf32>
    %slice3A_751 = vector.extract_strided_slice %sub3A {offsets = [1408, 256], sizes = [128, 128], strides = [1, 1]} : vector<8192x1024xf32> to vector<128x128xf32>
    %lt3A_752 = arith.cmpf olt, %slice3A_751, %min3A_747 : vector<128x128xf32>
    %min3A_753 = arith.minimumf %slice3A_751, %min3A_747 : vector<128x128xf32>
    %jit3A_754 = arith.constant 2.000000e+00 : f32
    %broadcast_in_dim3A_755 = vector.broadcast %jit3A_754 : f32 to vector<128x128xf32>
    %select_n3A_756 = arith.select %lt3A_752, %broadcast_in_dim3A_755, %select_n3A_750 : vector<128x128xi1>, vector<128x128xf32>
    %slice3A_757 = vector.extract_strided_slice %sub3A {offsets = [1408, 384], sizes = [128, 128], strides = [1, 1]} : vector<8192x1024xf32> to vector<128x128xf32>
    %lt3A_758 = arith.cmpf olt, %slice3A_757, %min3A_753 : vector<128x128xf32>
    %min3A_759 = arith.minimumf %slice3A_757, %min3A_753 : vector<128x128xf32>
    %jit3A_760 = arith.constant 3.000000e+00 : f32
    %broadcast_in_dim3A_761 = vector.broadcast %jit3A_760 : f32 to vector<128x128xf32>
    %select_n3A_762 = arith.select %lt3A_758, %broadcast_in_dim3A_761, %select_n3A_756 : vector<128x128xi1>, vector<128x128xf32>
    %slice3A_763 = vector.extract_strided_slice %sub3A {offsets = [1408, 512], sizes = [128, 128], strides = [1, 1]} : vector<8192x1024xf32> to vector<128x128xf32>
    %lt3A_764 = arith.cmpf olt, %slice3A_763, %min3A_759 : vector<128x128xf32>
    %min3A_765 = arith.minimumf %slice3A_763, %min3A_759 : vector<128x128xf32>
    %jit3A_766 = arith.constant 4.000000e+00 : f32
    %broadcast_in_dim3A_767 = vector.broadcast %jit3A_766 : f32 to vector<128x128xf32>
    %select_n3A_768 = arith.select %lt3A_764, %broadcast_in_dim3A_767, %select_n3A_762 : vector<128x128xi1>, vector<128x128xf32>
    %slice3A_769 = vector.extract_strided_slice %sub3A {offsets = [1408, 640], sizes = [128, 128], strides = [1, 1]} : vector<8192x1024xf32> to vector<128x128xf32>
    %lt3A_770 = arith.cmpf olt, %slice3A_769, %min3A_765 : vector<128x128xf32>
    %min3A_771 = arith.minimumf %slice3A_769, %min3A_765 : vector<128x128xf32>
    %jit3A_772 = arith.constant 5.000000e+00 : f32
    %broadcast_in_dim3A_773 = vector.broadcast %jit3A_772 : f32 to vector<128x128xf32>
    %select_n3A_774 = arith.select %lt3A_770, %broadcast_in_dim3A_773, %select_n3A_768 : vector<128x128xi1>, vector<128x128xf32>
    %slice3A_775 = vector.extract_strided_slice %sub3A {offsets = [1408, 768], sizes = [128, 128], strides = [1, 1]} : vector<8192x1024xf32> to vector<128x128xf32>
    %lt3A_776 = arith.cmpf olt, %slice3A_775, %min3A_771 : vector<128x128xf32>
    %min3A_777 = arith.minimumf %slice3A_775, %min3A_771 : vector<128x128xf32>
    %jit3A_778 = arith.constant 6.000000e+00 : f32
    %broadcast_in_dim3A_779 = vector.broadcast %jit3A_778 : f32 to vector<128x128xf32>
    %select_n3A_780 = arith.select %lt3A_776, %broadcast_in_dim3A_779, %select_n3A_774 : vector<128x128xi1>, vector<128x128xf32>
    %slice3A_781 = vector.extract_strided_slice %sub3A {offsets = [1408, 896], sizes = [128, 128], strides = [1, 1]} : vector<8192x1024xf32> to vector<128x128xf32>
    %lt3A_782 = arith.cmpf olt, %slice3A_781, %min3A_777 : vector<128x128xf32>
    %min3A_783 = arith.minimumf %slice3A_781, %min3A_777 : vector<128x128xf32>
    %jit3A_784 = arith.constant 7.000000e+00 : f32
    %broadcast_in_dim3A_785 = vector.broadcast %jit3A_784 : f32 to vector<128x128xf32>
    %select_n3A_786 = arith.select %lt3A_782, %broadcast_in_dim3A_785, %select_n3A_780 : vector<128x128xi1>, vector<128x128xf32>
    %mul3A_787 = arith.constant 1.280000e+02 : f32
    %mul3A_788 = vector.broadcast %mul3A_787 : f32 to vector<128x128xf32>
    %mul3A_789 = arith.mulf %select_n3A_786, %mul3A_788 : vector<128x128xf32>
    %add3A_790 = arith.addf %mul3A_789, %convert_element_type3A : vector<128x128xf32>
    %transpose3A_791 = tpu.transpose %min3A_783, [1, 0] : vector<128x128xf32> -> vector<128x128xf32>
    %reduce_min3A_792 = arith.constant dense<0x7F800000> : vector<128xf32>
    %reduce_min3A_793 = vector.multi_reduction <minimumf>, %transpose3A_791, %reduce_min3A_792 [0] : vector<128x128xf32> to vector<128xf32>
    %broadcast_in_dim3A_794 = vector.shape_cast %reduce_min3A_793 : vector<128xf32> to vector<1x128xf32>
    %eq3A_795 = vector.broadcast %broadcast_in_dim3A_794 : vector<1x128xf32> to vector<128x128xf32>
    %eq3A_796 = arith.cmpf oeq, %transpose3A_791, %eq3A_795 : vector<128x128xf32>
    %transpose3A_797 = tpu.transpose %add3A_790, [1, 0] : vector<128x128xf32> -> vector<128x128xf32>
    %jit3A_798 = arith.constant 1.024000e+03 : f32
    %broadcast_in_dim3A_799 = vector.broadcast %jit3A_798 : f32 to vector<128x128xf32>
    %select_n3A_800 = arith.select %eq3A_796, %transpose3A_797, %broadcast_in_dim3A_799 : vector<128x128xi1>, vector<128x128xf32>
    %reduce_min3A_801 = arith.constant dense<0x7F800000> : vector<128xf32>
    %reduce_min3A_802 = vector.multi_reduction <minimumf>, %select_n3A_800, %reduce_min3A_801 [0] : vector<128x128xf32> to vector<128xf32>
    %reduce_sum3A_803 = vector.shape_cast %broadcast_in_dim3A_794 : vector<1x128xf32> to vector<1x1x128xf32>
    %reduce_sum3A_804 = arith.constant dense<0.000000e+00> : vector<1xf32>
    %reduce_sum3A_805 = vector.multi_reduction <add>, %reduce_sum3A_803, %reduce_sum3A_804 [1, 2] : vector<1x1x128xf32> to vector<1xf32>
    %reduce_sum3A_806 = vector.shape_cast %reduce_sum3A_805 : vector<1xf32> to vector<1x1x1xf32>
    %reduce_sum3A_807 = vector.extract %reduce_sum3A_806[0, 0, 0] : f32 from vector<1x1x1xf32>
    %add3A_808 = arith.addf %add3A_741, %reduce_sum3A_807 : f32
    %slice3A_809 = vector.extract_strided_slice %sub3A {offsets = [1536, 0], sizes = [128, 128], strides = [1, 1]} : vector<8192x1024xf32> to vector<128x128xf32>
    %broadcast_in_dim3A_810 = arith.constant 0.000000e+00 : f32
    %broadcast_in_dim3A_811 = vector.broadcast %broadcast_in_dim3A_810 : f32 to vector<128x128xf32>
    %slice3A_812 = vector.extract_strided_slice %sub3A {offsets = [1536, 128], sizes = [128, 128], strides = [1, 1]} : vector<8192x1024xf32> to vector<128x128xf32>
    %lt3A_813 = arith.cmpf olt, %slice3A_812, %slice3A_809 : vector<128x128xf32>
    %min3A_814 = arith.minimumf %slice3A_812, %slice3A_809 : vector<128x128xf32>
    %jit3A_815 = arith.constant 1.000000e+00 : f32
    %broadcast_in_dim3A_816 = vector.broadcast %jit3A_815 : f32 to vector<128x128xf32>
    %select_n3A_817 = arith.select %lt3A_813, %broadcast_in_dim3A_816, %broadcast_in_dim3A_811 : vector<128x128xi1>, vector<128x128xf32>
    %slice3A_818 = vector.extract_strided_slice %sub3A {offsets = [1536, 256], sizes = [128, 128], strides = [1, 1]} : vector<8192x1024xf32> to vector<128x128xf32>
    %lt3A_819 = arith.cmpf olt, %slice3A_818, %min3A_814 : vector<128x128xf32>
    %min3A_820 = arith.minimumf %slice3A_818, %min3A_814 : vector<128x128xf32>
    %jit3A_821 = arith.constant 2.000000e+00 : f32
    %broadcast_in_dim3A_822 = vector.broadcast %jit3A_821 : f32 to vector<128x128xf32>
    %select_n3A_823 = arith.select %lt3A_819, %broadcast_in_dim3A_822, %select_n3A_817 : vector<128x128xi1>, vector<128x128xf32>
    %slice3A_824 = vector.extract_strided_slice %sub3A {offsets = [1536, 384], sizes = [128, 128], strides = [1, 1]} : vector<8192x1024xf32> to vector<128x128xf32>
    %lt3A_825 = arith.cmpf olt, %slice3A_824, %min3A_820 : vector<128x128xf32>
    %min3A_826 = arith.minimumf %slice3A_824, %min3A_820 : vector<128x128xf32>
    %jit3A_827 = arith.constant 3.000000e+00 : f32
    %broadcast_in_dim3A_828 = vector.broadcast %jit3A_827 : f32 to vector<128x128xf32>
    %select_n3A_829 = arith.select %lt3A_825, %broadcast_in_dim3A_828, %select_n3A_823 : vector<128x128xi1>, vector<128x128xf32>
    %slice3A_830 = vector.extract_strided_slice %sub3A {offsets = [1536, 512], sizes = [128, 128], strides = [1, 1]} : vector<8192x1024xf32> to vector<128x128xf32>
    %lt3A_831 = arith.cmpf olt, %slice3A_830, %min3A_826 : vector<128x128xf32>
    %min3A_832 = arith.minimumf %slice3A_830, %min3A_826 : vector<128x128xf32>
    %jit3A_833 = arith.constant 4.000000e+00 : f32
    %broadcast_in_dim3A_834 = vector.broadcast %jit3A_833 : f32 to vector<128x128xf32>
    %select_n3A_835 = arith.select %lt3A_831, %broadcast_in_dim3A_834, %select_n3A_829 : vector<128x128xi1>, vector<128x128xf32>
    %slice3A_836 = vector.extract_strided_slice %sub3A {offsets = [1536, 640], sizes = [128, 128], strides = [1, 1]} : vector<8192x1024xf32> to vector<128x128xf32>
    %lt3A_837 = arith.cmpf olt, %slice3A_836, %min3A_832 : vector<128x128xf32>
    %min3A_838 = arith.minimumf %slice3A_836, %min3A_832 : vector<128x128xf32>
    %jit3A_839 = arith.constant 5.000000e+00 : f32
    %broadcast_in_dim3A_840 = vector.broadcast %jit3A_839 : f32 to vector<128x128xf32>
    %select_n3A_841 = arith.select %lt3A_837, %broadcast_in_dim3A_840, %select_n3A_835 : vector<128x128xi1>, vector<128x128xf32>
    %slice3A_842 = vector.extract_strided_slice %sub3A {offsets = [1536, 768], sizes = [128, 128], strides = [1, 1]} : vector<8192x1024xf32> to vector<128x128xf32>
    %lt3A_843 = arith.cmpf olt, %slice3A_842, %min3A_838 : vector<128x128xf32>
    %min3A_844 = arith.minimumf %slice3A_842, %min3A_838 : vector<128x128xf32>
    %jit3A_845 = arith.constant 6.000000e+00 : f32
    %broadcast_in_dim3A_846 = vector.broadcast %jit3A_845 : f32 to vector<128x128xf32>
    %select_n3A_847 = arith.select %lt3A_843, %broadcast_in_dim3A_846, %select_n3A_841 : vector<128x128xi1>, vector<128x128xf32>
    %slice3A_848 = vector.extract_strided_slice %sub3A {offsets = [1536, 896], sizes = [128, 128], strides = [1, 1]} : vector<8192x1024xf32> to vector<128x128xf32>
    %lt3A_849 = arith.cmpf olt, %slice3A_848, %min3A_844 : vector<128x128xf32>
    %min3A_850 = arith.minimumf %slice3A_848, %min3A_844 : vector<128x128xf32>
    %jit3A_851 = arith.constant 7.000000e+00 : f32
    %broadcast_in_dim3A_852 = vector.broadcast %jit3A_851 : f32 to vector<128x128xf32>
    %select_n3A_853 = arith.select %lt3A_849, %broadcast_in_dim3A_852, %select_n3A_847 : vector<128x128xi1>, vector<128x128xf32>
    %mul3A_854 = arith.constant 1.280000e+02 : f32
    %mul3A_855 = vector.broadcast %mul3A_854 : f32 to vector<128x128xf32>
    %mul3A_856 = arith.mulf %select_n3A_853, %mul3A_855 : vector<128x128xf32>
    %add3A_857 = arith.addf %mul3A_856, %convert_element_type3A : vector<128x128xf32>
    %transpose3A_858 = tpu.transpose %min3A_850, [1, 0] : vector<128x128xf32> -> vector<128x128xf32>
    %reduce_min3A_859 = arith.constant dense<0x7F800000> : vector<128xf32>
    %reduce_min3A_860 = vector.multi_reduction <minimumf>, %transpose3A_858, %reduce_min3A_859 [0] : vector<128x128xf32> to vector<128xf32>
    %broadcast_in_dim3A_861 = vector.shape_cast %reduce_min3A_860 : vector<128xf32> to vector<1x128xf32>
    %eq3A_862 = vector.broadcast %broadcast_in_dim3A_861 : vector<1x128xf32> to vector<128x128xf32>
    %eq3A_863 = arith.cmpf oeq, %transpose3A_858, %eq3A_862 : vector<128x128xf32>
    %transpose3A_864 = tpu.transpose %add3A_857, [1, 0] : vector<128x128xf32> -> vector<128x128xf32>
    %jit3A_865 = arith.constant 1.024000e+03 : f32
    %broadcast_in_dim3A_866 = vector.broadcast %jit3A_865 : f32 to vector<128x128xf32>
    %select_n3A_867 = arith.select %eq3A_863, %transpose3A_864, %broadcast_in_dim3A_866 : vector<128x128xi1>, vector<128x128xf32>
    %reduce_min3A_868 = arith.constant dense<0x7F800000> : vector<128xf32>
    %reduce_min3A_869 = vector.multi_reduction <minimumf>, %select_n3A_867, %reduce_min3A_868 [0] : vector<128x128xf32> to vector<128xf32>
    %reduce_sum3A_870 = vector.shape_cast %broadcast_in_dim3A_861 : vector<1x128xf32> to vector<1x1x128xf32>
    %reduce_sum3A_871 = arith.constant dense<0.000000e+00> : vector<1xf32>
    %reduce_sum3A_872 = vector.multi_reduction <add>, %reduce_sum3A_870, %reduce_sum3A_871 [1, 2] : vector<1x1x128xf32> to vector<1xf32>
    %reduce_sum3A_873 = vector.shape_cast %reduce_sum3A_872 : vector<1xf32> to vector<1x1x1xf32>
    %reduce_sum3A_874 = vector.extract %reduce_sum3A_873[0, 0, 0] : f32 from vector<1x1x1xf32>
    %add3A_875 = arith.addf %add3A_808, %reduce_sum3A_874 : f32
    %slice3A_876 = vector.extract_strided_slice %sub3A {offsets = [1664, 0], sizes = [128, 128], strides = [1, 1]} : vector<8192x1024xf32> to vector<128x128xf32>
    %broadcast_in_dim3A_877 = arith.constant 0.000000e+00 : f32
    %broadcast_in_dim3A_878 = vector.broadcast %broadcast_in_dim3A_877 : f32 to vector<128x128xf32>
    %slice3A_879 = vector.extract_strided_slice %sub3A {offsets = [1664, 128], sizes = [128, 128], strides = [1, 1]} : vector<8192x1024xf32> to vector<128x128xf32>
    %lt3A_880 = arith.cmpf olt, %slice3A_879, %slice3A_876 : vector<128x128xf32>
    %min3A_881 = arith.minimumf %slice3A_879, %slice3A_876 : vector<128x128xf32>
    %jit3A_882 = arith.constant 1.000000e+00 : f32
    %broadcast_in_dim3A_883 = vector.broadcast %jit3A_882 : f32 to vector<128x128xf32>
    %select_n3A_884 = arith.select %lt3A_880, %broadcast_in_dim3A_883, %broadcast_in_dim3A_878 : vector<128x128xi1>, vector<128x128xf32>
    %slice3A_885 = vector.extract_strided_slice %sub3A {offsets = [1664, 256], sizes = [128, 128], strides = [1, 1]} : vector<8192x1024xf32> to vector<128x128xf32>
    %lt3A_886 = arith.cmpf olt, %slice3A_885, %min3A_881 : vector<128x128xf32>
    %min3A_887 = arith.minimumf %slice3A_885, %min3A_881 : vector<128x128xf32>
    %jit3A_888 = arith.constant 2.000000e+00 : f32
    %broadcast_in_dim3A_889 = vector.broadcast %jit3A_888 : f32 to vector<128x128xf32>
    %select_n3A_890 = arith.select %lt3A_886, %broadcast_in_dim3A_889, %select_n3A_884 : vector<128x128xi1>, vector<128x128xf32>
    %slice3A_891 = vector.extract_strided_slice %sub3A {offsets = [1664, 384], sizes = [128, 128], strides = [1, 1]} : vector<8192x1024xf32> to vector<128x128xf32>
    %lt3A_892 = arith.cmpf olt, %slice3A_891, %min3A_887 : vector<128x128xf32>
    %min3A_893 = arith.minimumf %slice3A_891, %min3A_887 : vector<128x128xf32>
    %jit3A_894 = arith.constant 3.000000e+00 : f32
    %broadcast_in_dim3A_895 = vector.broadcast %jit3A_894 : f32 to vector<128x128xf32>
    %select_n3A_896 = arith.select %lt3A_892, %broadcast_in_dim3A_895, %select_n3A_890 : vector<128x128xi1>, vector<128x128xf32>
    %slice3A_897 = vector.extract_strided_slice %sub3A {offsets = [1664, 512], sizes = [128, 128], strides = [1, 1]} : vector<8192x1024xf32> to vector<128x128xf32>
    %lt3A_898 = arith.cmpf olt, %slice3A_897, %min3A_893 : vector<128x128xf32>
    %min3A_899 = arith.minimumf %slice3A_897, %min3A_893 : vector<128x128xf32>
    %jit3A_900 = arith.constant 4.000000e+00 : f32
    %broadcast_in_dim3A_901 = vector.broadcast %jit3A_900 : f32 to vector<128x128xf32>
    %select_n3A_902 = arith.select %lt3A_898, %broadcast_in_dim3A_901, %select_n3A_896 : vector<128x128xi1>, vector<128x128xf32>
    %slice3A_903 = vector.extract_strided_slice %sub3A {offsets = [1664, 640], sizes = [128, 128], strides = [1, 1]} : vector<8192x1024xf32> to vector<128x128xf32>
    %lt3A_904 = arith.cmpf olt, %slice3A_903, %min3A_899 : vector<128x128xf32>
    %min3A_905 = arith.minimumf %slice3A_903, %min3A_899 : vector<128x128xf32>
    %jit3A_906 = arith.constant 5.000000e+00 : f32
    %broadcast_in_dim3A_907 = vector.broadcast %jit3A_906 : f32 to vector<128x128xf32>
    %select_n3A_908 = arith.select %lt3A_904, %broadcast_in_dim3A_907, %select_n3A_902 : vector<128x128xi1>, vector<128x128xf32>
    %slice3A_909 = vector.extract_strided_slice %sub3A {offsets = [1664, 768], sizes = [128, 128], strides = [1, 1]} : vector<8192x1024xf32> to vector<128x128xf32>
    %lt3A_910 = arith.cmpf olt, %slice3A_909, %min3A_905 : vector<128x128xf32>
    %min3A_911 = arith.minimumf %slice3A_909, %min3A_905 : vector<128x128xf32>
    %jit3A_912 = arith.constant 6.000000e+00 : f32
    %broadcast_in_dim3A_913 = vector.broadcast %jit3A_912 : f32 to vector<128x128xf32>
    %select_n3A_914 = arith.select %lt3A_910, %broadcast_in_dim3A_913, %select_n3A_908 : vector<128x128xi1>, vector<128x128xf32>
    %slice3A_915 = vector.extract_strided_slice %sub3A {offsets = [1664, 896], sizes = [128, 128], strides = [1, 1]} : vector<8192x1024xf32> to vector<128x128xf32>
    %lt3A_916 = arith.cmpf olt, %slice3A_915, %min3A_911 : vector<128x128xf32>
    %min3A_917 = arith.minimumf %slice3A_915, %min3A_911 : vector<128x128xf32>
    %jit3A_918 = arith.constant 7.000000e+00 : f32
    %broadcast_in_dim3A_919 = vector.broadcast %jit3A_918 : f32 to vector<128x128xf32>
    %select_n3A_920 = arith.select %lt3A_916, %broadcast_in_dim3A_919, %select_n3A_914 : vector<128x128xi1>, vector<128x128xf32>
    %mul3A_921 = arith.constant 1.280000e+02 : f32
    %mul3A_922 = vector.broadcast %mul3A_921 : f32 to vector<128x128xf32>
    %mul3A_923 = arith.mulf %select_n3A_920, %mul3A_922 : vector<128x128xf32>
    %add3A_924 = arith.addf %mul3A_923, %convert_element_type3A : vector<128x128xf32>
    %transpose3A_925 = tpu.transpose %min3A_917, [1, 0] : vector<128x128xf32> -> vector<128x128xf32>
    %reduce_min3A_926 = arith.constant dense<0x7F800000> : vector<128xf32>
    %reduce_min3A_927 = vector.multi_reduction <minimumf>, %transpose3A_925, %reduce_min3A_926 [0] : vector<128x128xf32> to vector<128xf32>
    %broadcast_in_dim3A_928 = vector.shape_cast %reduce_min3A_927 : vector<128xf32> to vector<1x128xf32>
    %eq3A_929 = vector.broadcast %broadcast_in_dim3A_928 : vector<1x128xf32> to vector<128x128xf32>
    %eq3A_930 = arith.cmpf oeq, %transpose3A_925, %eq3A_929 : vector<128x128xf32>
    %transpose3A_931 = tpu.transpose %add3A_924, [1, 0] : vector<128x128xf32> -> vector<128x128xf32>
    %jit3A_932 = arith.constant 1.024000e+03 : f32
    %broadcast_in_dim3A_933 = vector.broadcast %jit3A_932 : f32 to vector<128x128xf32>
    %select_n3A_934 = arith.select %eq3A_930, %transpose3A_931, %broadcast_in_dim3A_933 : vector<128x128xi1>, vector<128x128xf32>
    %reduce_min3A_935 = arith.constant dense<0x7F800000> : vector<128xf32>
    %reduce_min3A_936 = vector.multi_reduction <minimumf>, %select_n3A_934, %reduce_min3A_935 [0] : vector<128x128xf32> to vector<128xf32>
    %reduce_sum3A_937 = vector.shape_cast %broadcast_in_dim3A_928 : vector<1x128xf32> to vector<1x1x128xf32>
    %reduce_sum3A_938 = arith.constant dense<0.000000e+00> : vector<1xf32>
    %reduce_sum3A_939 = vector.multi_reduction <add>, %reduce_sum3A_937, %reduce_sum3A_938 [1, 2] : vector<1x1x128xf32> to vector<1xf32>
    %reduce_sum3A_940 = vector.shape_cast %reduce_sum3A_939 : vector<1xf32> to vector<1x1x1xf32>
    %reduce_sum3A_941 = vector.extract %reduce_sum3A_940[0, 0, 0] : f32 from vector<1x1x1xf32>
    %add3A_942 = arith.addf %add3A_875, %reduce_sum3A_941 : f32
    %slice3A_943 = vector.extract_strided_slice %sub3A {offsets = [1792, 0], sizes = [128, 128], strides = [1, 1]} : vector<8192x1024xf32> to vector<128x128xf32>
    %broadcast_in_dim3A_944 = arith.constant 0.000000e+00 : f32
    %broadcast_in_dim3A_945 = vector.broadcast %broadcast_in_dim3A_944 : f32 to vector<128x128xf32>
    %slice3A_946 = vector.extract_strided_slice %sub3A {offsets = [1792, 128], sizes = [128, 128], strides = [1, 1]} : vector<8192x1024xf32> to vector<128x128xf32>
    %lt3A_947 = arith.cmpf olt, %slice3A_946, %slice3A_943 : vector<128x128xf32>
    %min3A_948 = arith.minimumf %slice3A_946, %slice3A_943 : vector<128x128xf32>
    %jit3A_949 = arith.constant 1.000000e+00 : f32
    %broadcast_in_dim3A_950 = vector.broadcast %jit3A_949 : f32 to vector<128x128xf32>
    %select_n3A_951 = arith.select %lt3A_947, %broadcast_in_dim3A_950, %broadcast_in_dim3A_945 : vector<128x128xi1>, vector<128x128xf32>
    %slice3A_952 = vector.extract_strided_slice %sub3A {offsets = [1792, 256], sizes = [128, 128], strides = [1, 1]} : vector<8192x1024xf32> to vector<128x128xf32>
    %lt3A_953 = arith.cmpf olt, %slice3A_952, %min3A_948 : vector<128x128xf32>
    %min3A_954 = arith.minimumf %slice3A_952, %min3A_948 : vector<128x128xf32>
    %jit3A_955 = arith.constant 2.000000e+00 : f32
    %broadcast_in_dim3A_956 = vector.broadcast %jit3A_955 : f32 to vector<128x128xf32>
    %select_n3A_957 = arith.select %lt3A_953, %broadcast_in_dim3A_956, %select_n3A_951 : vector<128x128xi1>, vector<128x128xf32>
    %slice3A_958 = vector.extract_strided_slice %sub3A {offsets = [1792, 384], sizes = [128, 128], strides = [1, 1]} : vector<8192x1024xf32> to vector<128x128xf32>
    %lt3A_959 = arith.cmpf olt, %slice3A_958, %min3A_954 : vector<128x128xf32>
    %min3A_960 = arith.minimumf %slice3A_958, %min3A_954 : vector<128x128xf32>
    %jit3A_961 = arith.constant 3.000000e+00 : f32
    %broadcast_in_dim3A_962 = vector.broadcast %jit3A_961 : f32 to vector<128x128xf32>
    %select_n3A_963 = arith.select %lt3A_959, %broadcast_in_dim3A_962, %select_n3A_957 : vector<128x128xi1>, vector<128x128xf32>
    %slice3A_964 = vector.extract_strided_slice %sub3A {offsets = [1792, 512], sizes = [128, 128], strides = [1, 1]} : vector<8192x1024xf32> to vector<128x128xf32>
    %lt3A_965 = arith.cmpf olt, %slice3A_964, %min3A_960 : vector<128x128xf32>
    %min3A_966 = arith.minimumf %slice3A_964, %min3A_960 : vector<128x128xf32>
    %jit3A_967 = arith.constant 4.000000e+00 : f32
    %broadcast_in_dim3A_968 = vector.broadcast %jit3A_967 : f32 to vector<128x128xf32>
    %select_n3A_969 = arith.select %lt3A_965, %broadcast_in_dim3A_968, %select_n3A_963 : vector<128x128xi1>, vector<128x128xf32>
    %slice3A_970 = vector.extract_strided_slice %sub3A {offsets = [1792, 640], sizes = [128, 128], strides = [1, 1]} : vector<8192x1024xf32> to vector<128x128xf32>
    %lt3A_971 = arith.cmpf olt, %slice3A_970, %min3A_966 : vector<128x128xf32>
    %min3A_972 = arith.minimumf %slice3A_970, %min3A_966 : vector<128x128xf32>
    %jit3A_973 = arith.constant 5.000000e+00 : f32
    %broadcast_in_dim3A_974 = vector.broadcast %jit3A_973 : f32 to vector<128x128xf32>
    %select_n3A_975 = arith.select %lt3A_971, %broadcast_in_dim3A_974, %select_n3A_969 : vector<128x128xi1>, vector<128x128xf32>
    %slice3A_976 = vector.extract_strided_slice %sub3A {offsets = [1792, 768], sizes = [128, 128], strides = [1, 1]} : vector<8192x1024xf32> to vector<128x128xf32>
    %lt3A_977 = arith.cmpf olt, %slice3A_976, %min3A_972 : vector<128x128xf32>
    %min3A_978 = arith.minimumf %slice3A_976, %min3A_972 : vector<128x128xf32>
    %jit3A_979 = arith.constant 6.000000e+00 : f32
    %broadcast_in_dim3A_980 = vector.broadcast %jit3A_979 : f32 to vector<128x128xf32>
    %select_n3A_981 = arith.select %lt3A_977, %broadcast_in_dim3A_980, %select_n3A_975 : vector<128x128xi1>, vector<128x128xf32>
    %slice3A_982 = vector.extract_strided_slice %sub3A {offsets = [1792, 896], sizes = [128, 128], strides = [1, 1]} : vector<8192x1024xf32> to vector<128x128xf32>
    %lt3A_983 = arith.cmpf olt, %slice3A_982, %min3A_978 : vector<128x128xf32>
    %min3A_984 = arith.minimumf %slice3A_982, %min3A_978 : vector<128x128xf32>
    %jit3A_985 = arith.constant 7.000000e+00 : f32
    %broadcast_in_dim3A_986 = vector.broadcast %jit3A_985 : f32 to vector<128x128xf32>
    %select_n3A_987 = arith.select %lt3A_983, %broadcast_in_dim3A_986, %select_n3A_981 : vector<128x128xi1>, vector<128x128xf32>
    %mul3A_988 = arith.constant 1.280000e+02 : f32
    %mul3A_989 = vector.broadcast %mul3A_988 : f32 to vector<128x128xf32>
    %mul3A_990 = arith.mulf %select_n3A_987, %mul3A_989 : vector<128x128xf32>
    %add3A_991 = arith.addf %mul3A_990, %convert_element_type3A : vector<128x128xf32>
    %transpose3A_992 = tpu.transpose %min3A_984, [1, 0] : vector<128x128xf32> -> vector<128x128xf32>
    %reduce_min3A_993 = arith.constant dense<0x7F800000> : vector<128xf32>
    %reduce_min3A_994 = vector.multi_reduction <minimumf>, %transpose3A_992, %reduce_min3A_993 [0] : vector<128x128xf32> to vector<128xf32>
    %broadcast_in_dim3A_995 = vector.shape_cast %reduce_min3A_994 : vector<128xf32> to vector<1x128xf32>
    %eq3A_996 = vector.broadcast %broadcast_in_dim3A_995 : vector<1x128xf32> to vector<128x128xf32>
    %eq3A_997 = arith.cmpf oeq, %transpose3A_992, %eq3A_996 : vector<128x128xf32>
    %transpose3A_998 = tpu.transpose %add3A_991, [1, 0] : vector<128x128xf32> -> vector<128x128xf32>
    %jit3A_999 = arith.constant 1.024000e+03 : f32
    %broadcast_in_dim3A_1000 = vector.broadcast %jit3A_999 : f32 to vector<128x128xf32>
    %select_n3A_1001 = arith.select %eq3A_997, %transpose3A_998, %broadcast_in_dim3A_1000 : vector<128x128xi1>, vector<128x128xf32>
    %reduce_min3A_1002 = arith.constant dense<0x7F800000> : vector<128xf32>
    %reduce_min3A_1003 = vector.multi_reduction <minimumf>, %select_n3A_1001, %reduce_min3A_1002 [0] : vector<128x128xf32> to vector<128xf32>
    %reduce_sum3A_1004 = vector.shape_cast %broadcast_in_dim3A_995 : vector<1x128xf32> to vector<1x1x128xf32>
    %reduce_sum3A_1005 = arith.constant dense<0.000000e+00> : vector<1xf32>
    %reduce_sum3A_1006 = vector.multi_reduction <add>, %reduce_sum3A_1004, %reduce_sum3A_1005 [1, 2] : vector<1x1x128xf32> to vector<1xf32>
    %reduce_sum3A_1007 = vector.shape_cast %reduce_sum3A_1006 : vector<1xf32> to vector<1x1x1xf32>
    %reduce_sum3A_1008 = vector.extract %reduce_sum3A_1007[0, 0, 0] : f32 from vector<1x1x1xf32>
    %add3A_1009 = arith.addf %add3A_942, %reduce_sum3A_1008 : f32
    %slice3A_1010 = vector.extract_strided_slice %sub3A {offsets = [1920, 0], sizes = [128, 128], strides = [1, 1]} : vector<8192x1024xf32> to vector<128x128xf32>
    %broadcast_in_dim3A_1011 = arith.constant 0.000000e+00 : f32
    %broadcast_in_dim3A_1012 = vector.broadcast %broadcast_in_dim3A_1011 : f32 to vector<128x128xf32>
    %slice3A_1013 = vector.extract_strided_slice %sub3A {offsets = [1920, 128], sizes = [128, 128], strides = [1, 1]} : vector<8192x1024xf32> to vector<128x128xf32>
    %lt3A_1014 = arith.cmpf olt, %slice3A_1013, %slice3A_1010 : vector<128x128xf32>
    %min3A_1015 = arith.minimumf %slice3A_1013, %slice3A_1010 : vector<128x128xf32>
    %jit3A_1016 = arith.constant 1.000000e+00 : f32
    %broadcast_in_dim3A_1017 = vector.broadcast %jit3A_1016 : f32 to vector<128x128xf32>
    %select_n3A_1018 = arith.select %lt3A_1014, %broadcast_in_dim3A_1017, %broadcast_in_dim3A_1012 : vector<128x128xi1>, vector<128x128xf32>
    %slice3A_1019 = vector.extract_strided_slice %sub3A {offsets = [1920, 256], sizes = [128, 128], strides = [1, 1]} : vector<8192x1024xf32> to vector<128x128xf32>
    %lt3A_1020 = arith.cmpf olt, %slice3A_1019, %min3A_1015 : vector<128x128xf32>
    %min3A_1021 = arith.minimumf %slice3A_1019, %min3A_1015 : vector<128x128xf32>
    %jit3A_1022 = arith.constant 2.000000e+00 : f32
    %broadcast_in_dim3A_1023 = vector.broadcast %jit3A_1022 : f32 to vector<128x128xf32>
    %select_n3A_1024 = arith.select %lt3A_1020, %broadcast_in_dim3A_1023, %select_n3A_1018 : vector<128x128xi1>, vector<128x128xf32>
    %slice3A_1025 = vector.extract_strided_slice %sub3A {offsets = [1920, 384], sizes = [128, 128], strides = [1, 1]} : vector<8192x1024xf32> to vector<128x128xf32>
    %lt3A_1026 = arith.cmpf olt, %slice3A_1025, %min3A_1021 : vector<128x128xf32>
    %min3A_1027 = arith.minimumf %slice3A_1025, %min3A_1021 : vector<128x128xf32>
    %jit3A_1028 = arith.constant 3.000000e+00 : f32
    %broadcast_in_dim3A_1029 = vector.broadcast %jit3A_1028 : f32 to vector<128x128xf32>
    %select_n3A_1030 = arith.select %lt3A_1026, %broadcast_in_dim3A_1029, %select_n3A_1024 : vector<128x128xi1>, vector<128x128xf32>
    %slice3A_1031 = vector.extract_strided_slice %sub3A {offsets = [1920, 512], sizes = [128, 128], strides = [1, 1]} : vector<8192x1024xf32> to vector<128x128xf32>
    %lt3A_1032 = arith.cmpf olt, %slice3A_1031, %min3A_1027 : vector<128x128xf32>
    %min3A_1033 = arith.minimumf %slice3A_1031, %min3A_1027 : vector<128x128xf32>
    %jit3A_1034 = arith.constant 4.000000e+00 : f32
    %broadcast_in_dim3A_1035 = vector.broadcast %jit3A_1034 : f32 to vector<128x128xf32>
    %select_n3A_1036 = arith.select %lt3A_1032, %broadcast_in_dim3A_1035, %select_n3A_1030 : vector<128x128xi1>, vector<128x128xf32>
    %slice3A_1037 = vector.extract_strided_slice %sub3A {offsets = [1920, 640], sizes = [128, 128], strides = [1, 1]} : vector<8192x1024xf32> to vector<128x128xf32>
    %lt3A_1038 = arith.cmpf olt, %slice3A_1037, %min3A_1033 : vector<128x128xf32>
    %min3A_1039 = arith.minimumf %slice3A_1037, %min3A_1033 : vector<128x128xf32>
    %jit3A_1040 = arith.constant 5.000000e+00 : f32
    %broadcast_in_dim3A_1041 = vector.broadcast %jit3A_1040 : f32 to vector<128x128xf32>
    %select_n3A_1042 = arith.select %lt3A_1038, %broadcast_in_dim3A_1041, %select_n3A_1036 : vector<128x128xi1>, vector<128x128xf32>
    %slice3A_1043 = vector.extract_strided_slice %sub3A {offsets = [1920, 768], sizes = [128, 128], strides = [1, 1]} : vector<8192x1024xf32> to vector<128x128xf32>
    %lt3A_1044 = arith.cmpf olt, %slice3A_1043, %min3A_1039 : vector<128x128xf32>
    %min3A_1045 = arith.minimumf %slice3A_1043, %min3A_1039 : vector<128x128xf32>
    %jit3A_1046 = arith.constant 6.000000e+00 : f32
    %broadcast_in_dim3A_1047 = vector.broadcast %jit3A_1046 : f32 to vector<128x128xf32>
    %select_n3A_1048 = arith.select %lt3A_1044, %broadcast_in_dim3A_1047, %select_n3A_1042 : vector<128x128xi1>, vector<128x128xf32>
    %slice3A_1049 = vector.extract_strided_slice %sub3A {offsets = [1920, 896], sizes = [128, 128], strides = [1, 1]} : vector<8192x1024xf32> to vector<128x128xf32>
    %lt3A_1050 = arith.cmpf olt, %slice3A_1049, %min3A_1045 : vector<128x128xf32>
    %min3A_1051 = arith.minimumf %slice3A_1049, %min3A_1045 : vector<128x128xf32>
    %jit3A_1052 = arith.constant 7.000000e+00 : f32
    %broadcast_in_dim3A_1053 = vector.broadcast %jit3A_1052 : f32 to vector<128x128xf32>
    %select_n3A_1054 = arith.select %lt3A_1050, %broadcast_in_dim3A_1053, %select_n3A_1048 : vector<128x128xi1>, vector<128x128xf32>
    %mul3A_1055 = arith.constant 1.280000e+02 : f32
    %mul3A_1056 = vector.broadcast %mul3A_1055 : f32 to vector<128x128xf32>
    %mul3A_1057 = arith.mulf %select_n3A_1054, %mul3A_1056 : vector<128x128xf32>
    %add3A_1058 = arith.addf %mul3A_1057, %convert_element_type3A : vector<128x128xf32>
    %transpose3A_1059 = tpu.transpose %min3A_1051, [1, 0] : vector<128x128xf32> -> vector<128x128xf32>
    %reduce_min3A_1060 = arith.constant dense<0x7F800000> : vector<128xf32>
    %reduce_min3A_1061 = vector.multi_reduction <minimumf>, %transpose3A_1059, %reduce_min3A_1060 [0] : vector<128x128xf32> to vector<128xf32>
    %broadcast_in_dim3A_1062 = vector.shape_cast %reduce_min3A_1061 : vector<128xf32> to vector<1x128xf32>
    %eq3A_1063 = vector.broadcast %broadcast_in_dim3A_1062 : vector<1x128xf32> to vector<128x128xf32>
    %eq3A_1064 = arith.cmpf oeq, %transpose3A_1059, %eq3A_1063 : vector<128x128xf32>
    %transpose3A_1065 = tpu.transpose %add3A_1058, [1, 0] : vector<128x128xf32> -> vector<128x128xf32>
    %jit3A_1066 = arith.constant 1.024000e+03 : f32
    %broadcast_in_dim3A_1067 = vector.broadcast %jit3A_1066 : f32 to vector<128x128xf32>
    %select_n3A_1068 = arith.select %eq3A_1064, %transpose3A_1065, %broadcast_in_dim3A_1067 : vector<128x128xi1>, vector<128x128xf32>
    %reduce_min3A_1069 = arith.constant dense<0x7F800000> : vector<128xf32>
    %reduce_min3A_1070 = vector.multi_reduction <minimumf>, %select_n3A_1068, %reduce_min3A_1069 [0] : vector<128x128xf32> to vector<128xf32>
    %reduce_sum3A_1071 = vector.shape_cast %broadcast_in_dim3A_1062 : vector<1x128xf32> to vector<1x1x128xf32>
    %reduce_sum3A_1072 = arith.constant dense<0.000000e+00> : vector<1xf32>
    %reduce_sum3A_1073 = vector.multi_reduction <add>, %reduce_sum3A_1071, %reduce_sum3A_1072 [1, 2] : vector<1x1x128xf32> to vector<1xf32>
    %reduce_sum3A_1074 = vector.shape_cast %reduce_sum3A_1073 : vector<1xf32> to vector<1x1x1xf32>
    %reduce_sum3A_1075 = vector.extract %reduce_sum3A_1074[0, 0, 0] : f32 from vector<1x1x1xf32>
    %add3A_1076 = arith.addf %add3A_1009, %reduce_sum3A_1075 : f32
    %slice3A_1077 = vector.extract_strided_slice %sub3A {offsets = [2048, 0], sizes = [128, 128], strides = [1, 1]} : vector<8192x1024xf32> to vector<128x128xf32>
    %broadcast_in_dim3A_1078 = arith.constant 0.000000e+00 : f32
    %broadcast_in_dim3A_1079 = vector.broadcast %broadcast_in_dim3A_1078 : f32 to vector<128x128xf32>
    %slice3A_1080 = vector.extract_strided_slice %sub3A {offsets = [2048, 128], sizes = [128, 128], strides = [1, 1]} : vector<8192x1024xf32> to vector<128x128xf32>
    %lt3A_1081 = arith.cmpf olt, %slice3A_1080, %slice3A_1077 : vector<128x128xf32>
    %min3A_1082 = arith.minimumf %slice3A_1080, %slice3A_1077 : vector<128x128xf32>
    %jit3A_1083 = arith.constant 1.000000e+00 : f32
    %broadcast_in_dim3A_1084 = vector.broadcast %jit3A_1083 : f32 to vector<128x128xf32>
    %select_n3A_1085 = arith.select %lt3A_1081, %broadcast_in_dim3A_1084, %broadcast_in_dim3A_1079 : vector<128x128xi1>, vector<128x128xf32>
    %slice3A_1086 = vector.extract_strided_slice %sub3A {offsets = [2048, 256], sizes = [128, 128], strides = [1, 1]} : vector<8192x1024xf32> to vector<128x128xf32>
    %lt3A_1087 = arith.cmpf olt, %slice3A_1086, %min3A_1082 : vector<128x128xf32>
    %min3A_1088 = arith.minimumf %slice3A_1086, %min3A_1082 : vector<128x128xf32>
    %jit3A_1089 = arith.constant 2.000000e+00 : f32
    %broadcast_in_dim3A_1090 = vector.broadcast %jit3A_1089 : f32 to vector<128x128xf32>
    %select_n3A_1091 = arith.select %lt3A_1087, %broadcast_in_dim3A_1090, %select_n3A_1085 : vector<128x128xi1>, vector<128x128xf32>
    %slice3A_1092 = vector.extract_strided_slice %sub3A {offsets = [2048, 384], sizes = [128, 128], strides = [1, 1]} : vector<8192x1024xf32> to vector<128x128xf32>
    %lt3A_1093 = arith.cmpf olt, %slice3A_1092, %min3A_1088 : vector<128x128xf32>
    %min3A_1094 = arith.minimumf %slice3A_1092, %min3A_1088 : vector<128x128xf32>
    %jit3A_1095 = arith.constant 3.000000e+00 : f32
    %broadcast_in_dim3A_1096 = vector.broadcast %jit3A_1095 : f32 to vector<128x128xf32>
    %select_n3A_1097 = arith.select %lt3A_1093, %broadcast_in_dim3A_1096, %select_n3A_1091 : vector<128x128xi1>, vector<128x128xf32>
    %slice3A_1098 = vector.extract_strided_slice %sub3A {offsets = [2048, 512], sizes = [128, 128], strides = [1, 1]} : vector<8192x1024xf32> to vector<128x128xf32>
    %lt3A_1099 = arith.cmpf olt, %slice3A_1098, %min3A_1094 : vector<128x128xf32>
    %min3A_1100 = arith.minimumf %slice3A_1098, %min3A_1094 : vector<128x128xf32>
    %jit3A_1101 = arith.constant 4.000000e+00 : f32
    %broadcast_in_dim3A_1102 = vector.broadcast %jit3A_1101 : f32 to vector<128x128xf32>
    %select_n3A_1103 = arith.select %lt3A_1099, %broadcast_in_dim3A_1102, %select_n3A_1097 : vector<128x128xi1>, vector<128x128xf32>
    %slice3A_1104 = vector.extract_strided_slice %sub3A {offsets = [2048, 640], sizes = [128, 128], strides = [1, 1]} : vector<8192x1024xf32> to vector<128x128xf32>
    %lt3A_1105 = arith.cmpf olt, %slice3A_1104, %min3A_1100 : vector<128x128xf32>
    %min3A_1106 = arith.minimumf %slice3A_1104, %min3A_1100 : vector<128x128xf32>
    %jit3A_1107 = arith.constant 5.000000e+00 : f32
    %broadcast_in_dim3A_1108 = vector.broadcast %jit3A_1107 : f32 to vector<128x128xf32>
    %select_n3A_1109 = arith.select %lt3A_1105, %broadcast_in_dim3A_1108, %select_n3A_1103 : vector<128x128xi1>, vector<128x128xf32>
    %slice3A_1110 = vector.extract_strided_slice %sub3A {offsets = [2048, 768], sizes = [128, 128], strides = [1, 1]} : vector<8192x1024xf32> to vector<128x128xf32>
    %lt3A_1111 = arith.cmpf olt, %slice3A_1110, %min3A_1106 : vector<128x128xf32>
    %min3A_1112 = arith.minimumf %slice3A_1110, %min3A_1106 : vector<128x128xf32>
    %jit3A_1113 = arith.constant 6.000000e+00 : f32
    %broadcast_in_dim3A_1114 = vector.broadcast %jit3A_1113 : f32 to vector<128x128xf32>
    %select_n3A_1115 = arith.select %lt3A_1111, %broadcast_in_dim3A_1114, %select_n3A_1109 : vector<128x128xi1>, vector<128x128xf32>
    %slice3A_1116 = vector.extract_strided_slice %sub3A {offsets = [2048, 896], sizes = [128, 128], strides = [1, 1]} : vector<8192x1024xf32> to vector<128x128xf32>
    %lt3A_1117 = arith.cmpf olt, %slice3A_1116, %min3A_1112 : vector<128x128xf32>
    %min3A_1118 = arith.minimumf %slice3A_1116, %min3A_1112 : vector<128x128xf32>
    %jit3A_1119 = arith.constant 7.000000e+00 : f32
    %broadcast_in_dim3A_1120 = vector.broadcast %jit3A_1119 : f32 to vector<128x128xf32>
    %select_n3A_1121 = arith.select %lt3A_1117, %broadcast_in_dim3A_1120, %select_n3A_1115 : vector<128x128xi1>, vector<128x128xf32>
    %mul3A_1122 = arith.constant 1.280000e+02 : f32
    %mul3A_1123 = vector.broadcast %mul3A_1122 : f32 to vector<128x128xf32>
    %mul3A_1124 = arith.mulf %select_n3A_1121, %mul3A_1123 : vector<128x128xf32>
    %add3A_1125 = arith.addf %mul3A_1124, %convert_element_type3A : vector<128x128xf32>
    %transpose3A_1126 = tpu.transpose %min3A_1118, [1, 0] : vector<128x128xf32> -> vector<128x128xf32>
    %reduce_min3A_1127 = arith.constant dense<0x7F800000> : vector<128xf32>
    %reduce_min3A_1128 = vector.multi_reduction <minimumf>, %transpose3A_1126, %reduce_min3A_1127 [0] : vector<128x128xf32> to vector<128xf32>
    %broadcast_in_dim3A_1129 = vector.shape_cast %reduce_min3A_1128 : vector<128xf32> to vector<1x128xf32>
    %eq3A_1130 = vector.broadcast %broadcast_in_dim3A_1129 : vector<1x128xf32> to vector<128x128xf32>
    %eq3A_1131 = arith.cmpf oeq, %transpose3A_1126, %eq3A_1130 : vector<128x128xf32>
    %transpose3A_1132 = tpu.transpose %add3A_1125, [1, 0] : vector<128x128xf32> -> vector<128x128xf32>
    %jit3A_1133 = arith.constant 1.024000e+03 : f32
    %broadcast_in_dim3A_1134 = vector.broadcast %jit3A_1133 : f32 to vector<128x128xf32>
    %select_n3A_1135 = arith.select %eq3A_1131, %transpose3A_1132, %broadcast_in_dim3A_1134 : vector<128x128xi1>, vector<128x128xf32>
    %reduce_min3A_1136 = arith.constant dense<0x7F800000> : vector<128xf32>
    %reduce_min3A_1137 = vector.multi_reduction <minimumf>, %select_n3A_1135, %reduce_min3A_1136 [0] : vector<128x128xf32> to vector<128xf32>
    %reduce_sum3A_1138 = vector.shape_cast %broadcast_in_dim3A_1129 : vector<1x128xf32> to vector<1x1x128xf32>
    %reduce_sum3A_1139 = arith.constant dense<0.000000e+00> : vector<1xf32>
    %reduce_sum3A_1140 = vector.multi_reduction <add>, %reduce_sum3A_1138, %reduce_sum3A_1139 [1, 2] : vector<1x1x128xf32> to vector<1xf32>
    %reduce_sum3A_1141 = vector.shape_cast %reduce_sum3A_1140 : vector<1xf32> to vector<1x1x1xf32>
    %reduce_sum3A_1142 = vector.extract %reduce_sum3A_1141[0, 0, 0] : f32 from vector<1x1x1xf32>
    %add3A_1143 = arith.addf %add3A_1076, %reduce_sum3A_1142 : f32
    %slice3A_1144 = vector.extract_strided_slice %sub3A {offsets = [2176, 0], sizes = [128, 128], strides = [1, 1]} : vector<8192x1024xf32> to vector<128x128xf32>
    %broadcast_in_dim3A_1145 = arith.constant 0.000000e+00 : f32
    %broadcast_in_dim3A_1146 = vector.broadcast %broadcast_in_dim3A_1145 : f32 to vector<128x128xf32>
    %slice3A_1147 = vector.extract_strided_slice %sub3A {offsets = [2176, 128], sizes = [128, 128], strides = [1, 1]} : vector<8192x1024xf32> to vector<128x128xf32>
    %lt3A_1148 = arith.cmpf olt, %slice3A_1147, %slice3A_1144 : vector<128x128xf32>
    %min3A_1149 = arith.minimumf %slice3A_1147, %slice3A_1144 : vector<128x128xf32>
    %jit3A_1150 = arith.constant 1.000000e+00 : f32
    %broadcast_in_dim3A_1151 = vector.broadcast %jit3A_1150 : f32 to vector<128x128xf32>
    %select_n3A_1152 = arith.select %lt3A_1148, %broadcast_in_dim3A_1151, %broadcast_in_dim3A_1146 : vector<128x128xi1>, vector<128x128xf32>
    %slice3A_1153 = vector.extract_strided_slice %sub3A {offsets = [2176, 256], sizes = [128, 128], strides = [1, 1]} : vector<8192x1024xf32> to vector<128x128xf32>
    %lt3A_1154 = arith.cmpf olt, %slice3A_1153, %min3A_1149 : vector<128x128xf32>
    %min3A_1155 = arith.minimumf %slice3A_1153, %min3A_1149 : vector<128x128xf32>
    %jit3A_1156 = arith.constant 2.000000e+00 : f32
    %broadcast_in_dim3A_1157 = vector.broadcast %jit3A_1156 : f32 to vector<128x128xf32>
    %select_n3A_1158 = arith.select %lt3A_1154, %broadcast_in_dim3A_1157, %select_n3A_1152 : vector<128x128xi1>, vector<128x128xf32>
    %slice3A_1159 = vector.extract_strided_slice %sub3A {offsets = [2176, 384], sizes = [128, 128], strides = [1, 1]} : vector<8192x1024xf32> to vector<128x128xf32>
    %lt3A_1160 = arith.cmpf olt, %slice3A_1159, %min3A_1155 : vector<128x128xf32>
    %min3A_1161 = arith.minimumf %slice3A_1159, %min3A_1155 : vector<128x128xf32>
    %jit3A_1162 = arith.constant 3.000000e+00 : f32
    %broadcast_in_dim3A_1163 = vector.broadcast %jit3A_1162 : f32 to vector<128x128xf32>
    %select_n3A_1164 = arith.select %lt3A_1160, %broadcast_in_dim3A_1163, %select_n3A_1158 : vector<128x128xi1>, vector<128x128xf32>
    %slice3A_1165 = vector.extract_strided_slice %sub3A {offsets = [2176, 512], sizes = [128, 128], strides = [1, 1]} : vector<8192x1024xf32> to vector<128x128xf32>
    %lt3A_1166 = arith.cmpf olt, %slice3A_1165, %min3A_1161 : vector<128x128xf32>
    %min3A_1167 = arith.minimumf %slice3A_1165, %min3A_1161 : vector<128x128xf32>
    %jit3A_1168 = arith.constant 4.000000e+00 : f32
    %broadcast_in_dim3A_1169 = vector.broadcast %jit3A_1168 : f32 to vector<128x128xf32>
    %select_n3A_1170 = arith.select %lt3A_1166, %broadcast_in_dim3A_1169, %select_n3A_1164 : vector<128x128xi1>, vector<128x128xf32>
    %slice3A_1171 = vector.extract_strided_slice %sub3A {offsets = [2176, 640], sizes = [128, 128], strides = [1, 1]} : vector<8192x1024xf32> to vector<128x128xf32>
    %lt3A_1172 = arith.cmpf olt, %slice3A_1171, %min3A_1167 : vector<128x128xf32>
    %min3A_1173 = arith.minimumf %slice3A_1171, %min3A_1167 : vector<128x128xf32>
    %jit3A_1174 = arith.constant 5.000000e+00 : f32
    %broadcast_in_dim3A_1175 = vector.broadcast %jit3A_1174 : f32 to vector<128x128xf32>
    %select_n3A_1176 = arith.select %lt3A_1172, %broadcast_in_dim3A_1175, %select_n3A_1170 : vector<128x128xi1>, vector<128x128xf32>
    %slice3A_1177 = vector.extract_strided_slice %sub3A {offsets = [2176, 768], sizes = [128, 128], strides = [1, 1]} : vector<8192x1024xf32> to vector<128x128xf32>
    %lt3A_1178 = arith.cmpf olt, %slice3A_1177, %min3A_1173 : vector<128x128xf32>
    %min3A_1179 = arith.minimumf %slice3A_1177, %min3A_1173 : vector<128x128xf32>
    %jit3A_1180 = arith.constant 6.000000e+00 : f32
    %broadcast_in_dim3A_1181 = vector.broadcast %jit3A_1180 : f32 to vector<128x128xf32>
    %select_n3A_1182 = arith.select %lt3A_1178, %broadcast_in_dim3A_1181, %select_n3A_1176 : vector<128x128xi1>, vector<128x128xf32>
    %slice3A_1183 = vector.extract_strided_slice %sub3A {offsets = [2176, 896], sizes = [128, 128], strides = [1, 1]} : vector<8192x1024xf32> to vector<128x128xf32>
    %lt3A_1184 = arith.cmpf olt, %slice3A_1183, %min3A_1179 : vector<128x128xf32>
    %min3A_1185 = arith.minimumf %slice3A_1183, %min3A_1179 : vector<128x128xf32>
    %jit3A_1186 = arith.constant 7.000000e+00 : f32
    %broadcast_in_dim3A_1187 = vector.broadcast %jit3A_1186 : f32 to vector<128x128xf32>
    %select_n3A_1188 = arith.select %lt3A_1184, %broadcast_in_dim3A_1187, %select_n3A_1182 : vector<128x128xi1>, vector<128x128xf32>
    %mul3A_1189 = arith.constant 1.280000e+02 : f32
    %mul3A_1190 = vector.broadcast %mul3A_1189 : f32 to vector<128x128xf32>
    %mul3A_1191 = arith.mulf %select_n3A_1188, %mul3A_1190 : vector<128x128xf32>
    %add3A_1192 = arith.addf %mul3A_1191, %convert_element_type3A : vector<128x128xf32>
    %transpose3A_1193 = tpu.transpose %min3A_1185, [1, 0] : vector<128x128xf32> -> vector<128x128xf32>
    %reduce_min3A_1194 = arith.constant dense<0x7F800000> : vector<128xf32>
    %reduce_min3A_1195 = vector.multi_reduction <minimumf>, %transpose3A_1193, %reduce_min3A_1194 [0] : vector<128x128xf32> to vector<128xf32>
    %broadcast_in_dim3A_1196 = vector.shape_cast %reduce_min3A_1195 : vector<128xf32> to vector<1x128xf32>
    %eq3A_1197 = vector.broadcast %broadcast_in_dim3A_1196 : vector<1x128xf32> to vector<128x128xf32>
    %eq3A_1198 = arith.cmpf oeq, %transpose3A_1193, %eq3A_1197 : vector<128x128xf32>
    %transpose3A_1199 = tpu.transpose %add3A_1192, [1, 0] : vector<128x128xf32> -> vector<128x128xf32>
    %jit3A_1200 = arith.constant 1.024000e+03 : f32
    %broadcast_in_dim3A_1201 = vector.broadcast %jit3A_1200 : f32 to vector<128x128xf32>
    %select_n3A_1202 = arith.select %eq3A_1198, %transpose3A_1199, %broadcast_in_dim3A_1201 : vector<128x128xi1>, vector<128x128xf32>
    %reduce_min3A_1203 = arith.constant dense<0x7F800000> : vector<128xf32>
    %reduce_min3A_1204 = vector.multi_reduction <minimumf>, %select_n3A_1202, %reduce_min3A_1203 [0] : vector<128x128xf32> to vector<128xf32>
    %reduce_sum3A_1205 = vector.shape_cast %broadcast_in_dim3A_1196 : vector<1x128xf32> to vector<1x1x128xf32>
    %reduce_sum3A_1206 = arith.constant dense<0.000000e+00> : vector<1xf32>
    %reduce_sum3A_1207 = vector.multi_reduction <add>, %reduce_sum3A_1205, %reduce_sum3A_1206 [1, 2] : vector<1x1x128xf32> to vector<1xf32>
    %reduce_sum3A_1208 = vector.shape_cast %reduce_sum3A_1207 : vector<1xf32> to vector<1x1x1xf32>
    %reduce_sum3A_1209 = vector.extract %reduce_sum3A_1208[0, 0, 0] : f32 from vector<1x1x1xf32>
    %add3A_1210 = arith.addf %add3A_1143, %reduce_sum3A_1209 : f32
    %slice3A_1211 = vector.extract_strided_slice %sub3A {offsets = [2304, 0], sizes = [128, 128], strides = [1, 1]} : vector<8192x1024xf32> to vector<128x128xf32>
    %broadcast_in_dim3A_1212 = arith.constant 0.000000e+00 : f32
    %broadcast_in_dim3A_1213 = vector.broadcast %broadcast_in_dim3A_1212 : f32 to vector<128x128xf32>
    %slice3A_1214 = vector.extract_strided_slice %sub3A {offsets = [2304, 128], sizes = [128, 128], strides = [1, 1]} : vector<8192x1024xf32> to vector<128x128xf32>
    %lt3A_1215 = arith.cmpf olt, %slice3A_1214, %slice3A_1211 : vector<128x128xf32>
    %min3A_1216 = arith.minimumf %slice3A_1214, %slice3A_1211 : vector<128x128xf32>
    %jit3A_1217 = arith.constant 1.000000e+00 : f32
    %broadcast_in_dim3A_1218 = vector.broadcast %jit3A_1217 : f32 to vector<128x128xf32>
    %select_n3A_1219 = arith.select %lt3A_1215, %broadcast_in_dim3A_1218, %broadcast_in_dim3A_1213 : vector<128x128xi1>, vector<128x128xf32>
    %slice3A_1220 = vector.extract_strided_slice %sub3A {offsets = [2304, 256], sizes = [128, 128], strides = [1, 1]} : vector<8192x1024xf32> to vector<128x128xf32>
    %lt3A_1221 = arith.cmpf olt, %slice3A_1220, %min3A_1216 : vector<128x128xf32>
    %min3A_1222 = arith.minimumf %slice3A_1220, %min3A_1216 : vector<128x128xf32>
    %jit3A_1223 = arith.constant 2.000000e+00 : f32
    %broadcast_in_dim3A_1224 = vector.broadcast %jit3A_1223 : f32 to vector<128x128xf32>
    %select_n3A_1225 = arith.select %lt3A_1221, %broadcast_in_dim3A_1224, %select_n3A_1219 : vector<128x128xi1>, vector<128x128xf32>
    %slice3A_1226 = vector.extract_strided_slice %sub3A {offsets = [2304, 384], sizes = [128, 128], strides = [1, 1]} : vector<8192x1024xf32> to vector<128x128xf32>
    %lt3A_1227 = arith.cmpf olt, %slice3A_1226, %min3A_1222 : vector<128x128xf32>
    %min3A_1228 = arith.minimumf %slice3A_1226, %min3A_1222 : vector<128x128xf32>
    %jit3A_1229 = arith.constant 3.000000e+00 : f32
    %broadcast_in_dim3A_1230 = vector.broadcast %jit3A_1229 : f32 to vector<128x128xf32>
    %select_n3A_1231 = arith.select %lt3A_1227, %broadcast_in_dim3A_1230, %select_n3A_1225 : vector<128x128xi1>, vector<128x128xf32>
    %slice3A_1232 = vector.extract_strided_slice %sub3A {offsets = [2304, 512], sizes = [128, 128], strides = [1, 1]} : vector<8192x1024xf32> to vector<128x128xf32>
    %lt3A_1233 = arith.cmpf olt, %slice3A_1232, %min3A_1228 : vector<128x128xf32>
    %min3A_1234 = arith.minimumf %slice3A_1232, %min3A_1228 : vector<128x128xf32>
    %jit3A_1235 = arith.constant 4.000000e+00 : f32
    %broadcast_in_dim3A_1236 = vector.broadcast %jit3A_1235 : f32 to vector<128x128xf32>
    %select_n3A_1237 = arith.select %lt3A_1233, %broadcast_in_dim3A_1236, %select_n3A_1231 : vector<128x128xi1>, vector<128x128xf32>
    %slice3A_1238 = vector.extract_strided_slice %sub3A {offsets = [2304, 640], sizes = [128, 128], strides = [1, 1]} : vector<8192x1024xf32> to vector<128x128xf32>
    %lt3A_1239 = arith.cmpf olt, %slice3A_1238, %min3A_1234 : vector<128x128xf32>
    %min3A_1240 = arith.minimumf %slice3A_1238, %min3A_1234 : vector<128x128xf32>
    %jit3A_1241 = arith.constant 5.000000e+00 : f32
    %broadcast_in_dim3A_1242 = vector.broadcast %jit3A_1241 : f32 to vector<128x128xf32>
    %select_n3A_1243 = arith.select %lt3A_1239, %broadcast_in_dim3A_1242, %select_n3A_1237 : vector<128x128xi1>, vector<128x128xf32>
    %slice3A_1244 = vector.extract_strided_slice %sub3A {offsets = [2304, 768], sizes = [128, 128], strides = [1, 1]} : vector<8192x1024xf32> to vector<128x128xf32>
    %lt3A_1245 = arith.cmpf olt, %slice3A_1244, %min3A_1240 : vector<128x128xf32>
    %min3A_1246 = arith.minimumf %slice3A_1244, %min3A_1240 : vector<128x128xf32>
    %jit3A_1247 = arith.constant 6.000000e+00 : f32
    %broadcast_in_dim3A_1248 = vector.broadcast %jit3A_1247 : f32 to vector<128x128xf32>
    %select_n3A_1249 = arith.select %lt3A_1245, %broadcast_in_dim3A_1248, %select_n3A_1243 : vector<128x128xi1>, vector<128x128xf32>
    %slice3A_1250 = vector.extract_strided_slice %sub3A {offsets = [2304, 896], sizes = [128, 128], strides = [1, 1]} : vector<8192x1024xf32> to vector<128x128xf32>
    %lt3A_1251 = arith.cmpf olt, %slice3A_1250, %min3A_1246 : vector<128x128xf32>
    %min3A_1252 = arith.minimumf %slice3A_1250, %min3A_1246 : vector<128x128xf32>
    %jit3A_1253 = arith.constant 7.000000e+00 : f32
    %broadcast_in_dim3A_1254 = vector.broadcast %jit3A_1253 : f32 to vector<128x128xf32>
    %select_n3A_1255 = arith.select %lt3A_1251, %broadcast_in_dim3A_1254, %select_n3A_1249 : vector<128x128xi1>, vector<128x128xf32>
    %mul3A_1256 = arith.constant 1.280000e+02 : f32
    %mul3A_1257 = vector.broadcast %mul3A_1256 : f32 to vector<128x128xf32>
    %mul3A_1258 = arith.mulf %select_n3A_1255, %mul3A_1257 : vector<128x128xf32>
    %add3A_1259 = arith.addf %mul3A_1258, %convert_element_type3A : vector<128x128xf32>
    %transpose3A_1260 = tpu.transpose %min3A_1252, [1, 0] : vector<128x128xf32> -> vector<128x128xf32>
    %reduce_min3A_1261 = arith.constant dense<0x7F800000> : vector<128xf32>
    %reduce_min3A_1262 = vector.multi_reduction <minimumf>, %transpose3A_1260, %reduce_min3A_1261 [0] : vector<128x128xf32> to vector<128xf32>
    %broadcast_in_dim3A_1263 = vector.shape_cast %reduce_min3A_1262 : vector<128xf32> to vector<1x128xf32>
    %eq3A_1264 = vector.broadcast %broadcast_in_dim3A_1263 : vector<1x128xf32> to vector<128x128xf32>
    %eq3A_1265 = arith.cmpf oeq, %transpose3A_1260, %eq3A_1264 : vector<128x128xf32>
    %transpose3A_1266 = tpu.transpose %add3A_1259, [1, 0] : vector<128x128xf32> -> vector<128x128xf32>
    %jit3A_1267 = arith.constant 1.024000e+03 : f32
    %broadcast_in_dim3A_1268 = vector.broadcast %jit3A_1267 : f32 to vector<128x128xf32>
    %select_n3A_1269 = arith.select %eq3A_1265, %transpose3A_1266, %broadcast_in_dim3A_1268 : vector<128x128xi1>, vector<128x128xf32>
    %reduce_min3A_1270 = arith.constant dense<0x7F800000> : vector<128xf32>
    %reduce_min3A_1271 = vector.multi_reduction <minimumf>, %select_n3A_1269, %reduce_min3A_1270 [0] : vector<128x128xf32> to vector<128xf32>
    %reduce_sum3A_1272 = vector.shape_cast %broadcast_in_dim3A_1263 : vector<1x128xf32> to vector<1x1x128xf32>
    %reduce_sum3A_1273 = arith.constant dense<0.000000e+00> : vector<1xf32>
    %reduce_sum3A_1274 = vector.multi_reduction <add>, %reduce_sum3A_1272, %reduce_sum3A_1273 [1, 2] : vector<1x1x128xf32> to vector<1xf32>
    %reduce_sum3A_1275 = vector.shape_cast %reduce_sum3A_1274 : vector<1xf32> to vector<1x1x1xf32>
    %reduce_sum3A_1276 = vector.extract %reduce_sum3A_1275[0, 0, 0] : f32 from vector<1x1x1xf32>
    %add3A_1277 = arith.addf %add3A_1210, %reduce_sum3A_1276 : f32
    %slice3A_1278 = vector.extract_strided_slice %sub3A {offsets = [2432, 0], sizes = [128, 128], strides = [1, 1]} : vector<8192x1024xf32> to vector<128x128xf32>
    %broadcast_in_dim3A_1279 = arith.constant 0.000000e+00 : f32
    %broadcast_in_dim3A_1280 = vector.broadcast %broadcast_in_dim3A_1279 : f32 to vector<128x128xf32>
    %slice3A_1281 = vector.extract_strided_slice %sub3A {offsets = [2432, 128], sizes = [128, 128], strides = [1, 1]} : vector<8192x1024xf32> to vector<128x128xf32>
    %lt3A_1282 = arith.cmpf olt, %slice3A_1281, %slice3A_1278 : vector<128x128xf32>
    %min3A_1283 = arith.minimumf %slice3A_1281, %slice3A_1278 : vector<128x128xf32>
    %jit3A_1284 = arith.constant 1.000000e+00 : f32
    %broadcast_in_dim3A_1285 = vector.broadcast %jit3A_1284 : f32 to vector<128x128xf32>
    %select_n3A_1286 = arith.select %lt3A_1282, %broadcast_in_dim3A_1285, %broadcast_in_dim3A_1280 : vector<128x128xi1>, vector<128x128xf32>
    %slice3A_1287 = vector.extract_strided_slice %sub3A {offsets = [2432, 256], sizes = [128, 128], strides = [1, 1]} : vector<8192x1024xf32> to vector<128x128xf32>
    %lt3A_1288 = arith.cmpf olt, %slice3A_1287, %min3A_1283 : vector<128x128xf32>
    %min3A_1289 = arith.minimumf %slice3A_1287, %min3A_1283 : vector<128x128xf32>
    %jit3A_1290 = arith.constant 2.000000e+00 : f32
    %broadcast_in_dim3A_1291 = vector.broadcast %jit3A_1290 : f32 to vector<128x128xf32>
    %select_n3A_1292 = arith.select %lt3A_1288, %broadcast_in_dim3A_1291, %select_n3A_1286 : vector<128x128xi1>, vector<128x128xf32>
    %slice3A_1293 = vector.extract_strided_slice %sub3A {offsets = [2432, 384], sizes = [128, 128], strides = [1, 1]} : vector<8192x1024xf32> to vector<128x128xf32>
    %lt3A_1294 = arith.cmpf olt, %slice3A_1293, %min3A_1289 : vector<128x128xf32>
    %min3A_1295 = arith.minimumf %slice3A_1293, %min3A_1289 : vector<128x128xf32>
    %jit3A_1296 = arith.constant 3.000000e+00 : f32
    %broadcast_in_dim3A_1297 = vector.broadcast %jit3A_1296 : f32 to vector<128x128xf32>
    %select_n3A_1298 = arith.select %lt3A_1294, %broadcast_in_dim3A_1297, %select_n3A_1292 : vector<128x128xi1>, vector<128x128xf32>
    %slice3A_1299 = vector.extract_strided_slice %sub3A {offsets = [2432, 512], sizes = [128, 128], strides = [1, 1]} : vector<8192x1024xf32> to vector<128x128xf32>
    %lt3A_1300 = arith.cmpf olt, %slice3A_1299, %min3A_1295 : vector<128x128xf32>
    %min3A_1301 = arith.minimumf %slice3A_1299, %min3A_1295 : vector<128x128xf32>
    %jit3A_1302 = arith.constant 4.000000e+00 : f32
    %broadcast_in_dim3A_1303 = vector.broadcast %jit3A_1302 : f32 to vector<128x128xf32>
    %select_n3A_1304 = arith.select %lt3A_1300, %broadcast_in_dim3A_1303, %select_n3A_1298 : vector<128x128xi1>, vector<128x128xf32>
    %slice3A_1305 = vector.extract_strided_slice %sub3A {offsets = [2432, 640], sizes = [128, 128], strides = [1, 1]} : vector<8192x1024xf32> to vector<128x128xf32>
    %lt3A_1306 = arith.cmpf olt, %slice3A_1305, %min3A_1301 : vector<128x128xf32>
    %min3A_1307 = arith.minimumf %slice3A_1305, %min3A_1301 : vector<128x128xf32>
    %jit3A_1308 = arith.constant 5.000000e+00 : f32
    %broadcast_in_dim3A_1309 = vector.broadcast %jit3A_1308 : f32 to vector<128x128xf32>
    %select_n3A_1310 = arith.select %lt3A_1306, %broadcast_in_dim3A_1309, %select_n3A_1304 : vector<128x128xi1>, vector<128x128xf32>
    %slice3A_1311 = vector.extract_strided_slice %sub3A {offsets = [2432, 768], sizes = [128, 128], strides = [1, 1]} : vector<8192x1024xf32> to vector<128x128xf32>
    %lt3A_1312 = arith.cmpf olt, %slice3A_1311, %min3A_1307 : vector<128x128xf32>
    %min3A_1313 = arith.minimumf %slice3A_1311, %min3A_1307 : vector<128x128xf32>
    %jit3A_1314 = arith.constant 6.000000e+00 : f32
    %broadcast_in_dim3A_1315 = vector.broadcast %jit3A_1314 : f32 to vector<128x128xf32>
    %select_n3A_1316 = arith.select %lt3A_1312, %broadcast_in_dim3A_1315, %select_n3A_1310 : vector<128x128xi1>, vector<128x128xf32>
    %slice3A_1317 = vector.extract_strided_slice %sub3A {offsets = [2432, 896], sizes = [128, 128], strides = [1, 1]} : vector<8192x1024xf32> to vector<128x128xf32>
    %lt3A_1318 = arith.cmpf olt, %slice3A_1317, %min3A_1313 : vector<128x128xf32>
    %min3A_1319 = arith.minimumf %slice3A_1317, %min3A_1313 : vector<128x128xf32>
    %jit3A_1320 = arith.constant 7.000000e+00 : f32
    %broadcast_in_dim3A_1321 = vector.broadcast %jit3A_1320 : f32 to vector<128x128xf32>
    %select_n3A_1322 = arith.select %lt3A_1318, %broadcast_in_dim3A_1321, %select_n3A_1316 : vector<128x128xi1>, vector<128x128xf32>
    %mul3A_1323 = arith.constant 1.280000e+02 : f32
    %mul3A_1324 = vector.broadcast %mul3A_1323 : f32 to vector<128x128xf32>
    %mul3A_1325 = arith.mulf %select_n3A_1322, %mul3A_1324 : vector<128x128xf32>
    %add3A_1326 = arith.addf %mul3A_1325, %convert_element_type3A : vector<128x128xf32>
    %transpose3A_1327 = tpu.transpose %min3A_1319, [1, 0] : vector<128x128xf32> -> vector<128x128xf32>
    %reduce_min3A_1328 = arith.constant dense<0x7F800000> : vector<128xf32>
    %reduce_min3A_1329 = vector.multi_reduction <minimumf>, %transpose3A_1327, %reduce_min3A_1328 [0] : vector<128x128xf32> to vector<128xf32>
    %broadcast_in_dim3A_1330 = vector.shape_cast %reduce_min3A_1329 : vector<128xf32> to vector<1x128xf32>
    %eq3A_1331 = vector.broadcast %broadcast_in_dim3A_1330 : vector<1x128xf32> to vector<128x128xf32>
    %eq3A_1332 = arith.cmpf oeq, %transpose3A_1327, %eq3A_1331 : vector<128x128xf32>
    %transpose3A_1333 = tpu.transpose %add3A_1326, [1, 0] : vector<128x128xf32> -> vector<128x128xf32>
    %jit3A_1334 = arith.constant 1.024000e+03 : f32
    %broadcast_in_dim3A_1335 = vector.broadcast %jit3A_1334 : f32 to vector<128x128xf32>
    %select_n3A_1336 = arith.select %eq3A_1332, %transpose3A_1333, %broadcast_in_dim3A_1335 : vector<128x128xi1>, vector<128x128xf32>
    %reduce_min3A_1337 = arith.constant dense<0x7F800000> : vector<128xf32>
    %reduce_min3A_1338 = vector.multi_reduction <minimumf>, %select_n3A_1336, %reduce_min3A_1337 [0] : vector<128x128xf32> to vector<128xf32>
    %reduce_sum3A_1339 = vector.shape_cast %broadcast_in_dim3A_1330 : vector<1x128xf32> to vector<1x1x128xf32>
    %reduce_sum3A_1340 = arith.constant dense<0.000000e+00> : vector<1xf32>
    %reduce_sum3A_1341 = vector.multi_reduction <add>, %reduce_sum3A_1339, %reduce_sum3A_1340 [1, 2] : vector<1x1x128xf32> to vector<1xf32>
    %reduce_sum3A_1342 = vector.shape_cast %reduce_sum3A_1341 : vector<1xf32> to vector<1x1x1xf32>
    %reduce_sum3A_1343 = vector.extract %reduce_sum3A_1342[0, 0, 0] : f32 from vector<1x1x1xf32>
    %add3A_1344 = arith.addf %add3A_1277, %reduce_sum3A_1343 : f32
    %slice3A_1345 = vector.extract_strided_slice %sub3A {offsets = [2560, 0], sizes = [128, 128], strides = [1, 1]} : vector<8192x1024xf32> to vector<128x128xf32>
    %broadcast_in_dim3A_1346 = arith.constant 0.000000e+00 : f32
    %broadcast_in_dim3A_1347 = vector.broadcast %broadcast_in_dim3A_1346 : f32 to vector<128x128xf32>
    %slice3A_1348 = vector.extract_strided_slice %sub3A {offsets = [2560, 128], sizes = [128, 128], strides = [1, 1]} : vector<8192x1024xf32> to vector<128x128xf32>
    %lt3A_1349 = arith.cmpf olt, %slice3A_1348, %slice3A_1345 : vector<128x128xf32>
    %min3A_1350 = arith.minimumf %slice3A_1348, %slice3A_1345 : vector<128x128xf32>
    %jit3A_1351 = arith.constant 1.000000e+00 : f32
    %broadcast_in_dim3A_1352 = vector.broadcast %jit3A_1351 : f32 to vector<128x128xf32>
    %select_n3A_1353 = arith.select %lt3A_1349, %broadcast_in_dim3A_1352, %broadcast_in_dim3A_1347 : vector<128x128xi1>, vector<128x128xf32>
    %slice3A_1354 = vector.extract_strided_slice %sub3A {offsets = [2560, 256], sizes = [128, 128], strides = [1, 1]} : vector<8192x1024xf32> to vector<128x128xf32>
    %lt3A_1355 = arith.cmpf olt, %slice3A_1354, %min3A_1350 : vector<128x128xf32>
    %min3A_1356 = arith.minimumf %slice3A_1354, %min3A_1350 : vector<128x128xf32>
    %jit3A_1357 = arith.constant 2.000000e+00 : f32
    %broadcast_in_dim3A_1358 = vector.broadcast %jit3A_1357 : f32 to vector<128x128xf32>
    %select_n3A_1359 = arith.select %lt3A_1355, %broadcast_in_dim3A_1358, %select_n3A_1353 : vector<128x128xi1>, vector<128x128xf32>
    %slice3A_1360 = vector.extract_strided_slice %sub3A {offsets = [2560, 384], sizes = [128, 128], strides = [1, 1]} : vector<8192x1024xf32> to vector<128x128xf32>
    %lt3A_1361 = arith.cmpf olt, %slice3A_1360, %min3A_1356 : vector<128x128xf32>
    %min3A_1362 = arith.minimumf %slice3A_1360, %min3A_1356 : vector<128x128xf32>
    %jit3A_1363 = arith.constant 3.000000e+00 : f32
    %broadcast_in_dim3A_1364 = vector.broadcast %jit3A_1363 : f32 to vector<128x128xf32>
    %select_n3A_1365 = arith.select %lt3A_1361, %broadcast_in_dim3A_1364, %select_n3A_1359 : vector<128x128xi1>, vector<128x128xf32>
    %slice3A_1366 = vector.extract_strided_slice %sub3A {offsets = [2560, 512], sizes = [128, 128], strides = [1, 1]} : vector<8192x1024xf32> to vector<128x128xf32>
    %lt3A_1367 = arith.cmpf olt, %slice3A_1366, %min3A_1362 : vector<128x128xf32>
    %min3A_1368 = arith.minimumf %slice3A_1366, %min3A_1362 : vector<128x128xf32>
    %jit3A_1369 = arith.constant 4.000000e+00 : f32
    %broadcast_in_dim3A_1370 = vector.broadcast %jit3A_1369 : f32 to vector<128x128xf32>
    %select_n3A_1371 = arith.select %lt3A_1367, %broadcast_in_dim3A_1370, %select_n3A_1365 : vector<128x128xi1>, vector<128x128xf32>
    %slice3A_1372 = vector.extract_strided_slice %sub3A {offsets = [2560, 640], sizes = [128, 128], strides = [1, 1]} : vector<8192x1024xf32> to vector<128x128xf32>
    %lt3A_1373 = arith.cmpf olt, %slice3A_1372, %min3A_1368 : vector<128x128xf32>
    %min3A_1374 = arith.minimumf %slice3A_1372, %min3A_1368 : vector<128x128xf32>
    %jit3A_1375 = arith.constant 5.000000e+00 : f32
    %broadcast_in_dim3A_1376 = vector.broadcast %jit3A_1375 : f32 to vector<128x128xf32>
    %select_n3A_1377 = arith.select %lt3A_1373, %broadcast_in_dim3A_1376, %select_n3A_1371 : vector<128x128xi1>, vector<128x128xf32>
    %slice3A_1378 = vector.extract_strided_slice %sub3A {offsets = [2560, 768], sizes = [128, 128], strides = [1, 1]} : vector<8192x1024xf32> to vector<128x128xf32>
    %lt3A_1379 = arith.cmpf olt, %slice3A_1378, %min3A_1374 : vector<128x128xf32>
    %min3A_1380 = arith.minimumf %slice3A_1378, %min3A_1374 : vector<128x128xf32>
    %jit3A_1381 = arith.constant 6.000000e+00 : f32
    %broadcast_in_dim3A_1382 = vector.broadcast %jit3A_1381 : f32 to vector<128x128xf32>
    %select_n3A_1383 = arith.select %lt3A_1379, %broadcast_in_dim3A_1382, %select_n3A_1377 : vector<128x128xi1>, vector<128x128xf32>
    %slice3A_1384 = vector.extract_strided_slice %sub3A {offsets = [2560, 896], sizes = [128, 128], strides = [1, 1]} : vector<8192x1024xf32> to vector<128x128xf32>
    %lt3A_1385 = arith.cmpf olt, %slice3A_1384, %min3A_1380 : vector<128x128xf32>
    %min3A_1386 = arith.minimumf %slice3A_1384, %min3A_1380 : vector<128x128xf32>
    %jit3A_1387 = arith.constant 7.000000e+00 : f32
    %broadcast_in_dim3A_1388 = vector.broadcast %jit3A_1387 : f32 to vector<128x128xf32>
    %select_n3A_1389 = arith.select %lt3A_1385, %broadcast_in_dim3A_1388, %select_n3A_1383 : vector<128x128xi1>, vector<128x128xf32>
    %mul3A_1390 = arith.constant 1.280000e+02 : f32
    %mul3A_1391 = vector.broadcast %mul3A_1390 : f32 to vector<128x128xf32>
    %mul3A_1392 = arith.mulf %select_n3A_1389, %mul3A_1391 : vector<128x128xf32>
    %add3A_1393 = arith.addf %mul3A_1392, %convert_element_type3A : vector<128x128xf32>
    %transpose3A_1394 = tpu.transpose %min3A_1386, [1, 0] : vector<128x128xf32> -> vector<128x128xf32>
    %reduce_min3A_1395 = arith.constant dense<0x7F800000> : vector<128xf32>
    %reduce_min3A_1396 = vector.multi_reduction <minimumf>, %transpose3A_1394, %reduce_min3A_1395 [0] : vector<128x128xf32> to vector<128xf32>
    %broadcast_in_dim3A_1397 = vector.shape_cast %reduce_min3A_1396 : vector<128xf32> to vector<1x128xf32>
    %eq3A_1398 = vector.broadcast %broadcast_in_dim3A_1397 : vector<1x128xf32> to vector<128x128xf32>
    %eq3A_1399 = arith.cmpf oeq, %transpose3A_1394, %eq3A_1398 : vector<128x128xf32>
    %transpose3A_1400 = tpu.transpose %add3A_1393, [1, 0] : vector<128x128xf32> -> vector<128x128xf32>
    %jit3A_1401 = arith.constant 1.024000e+03 : f32
    %broadcast_in_dim3A_1402 = vector.broadcast %jit3A_1401 : f32 to vector<128x128xf32>
    %select_n3A_1403 = arith.select %eq3A_1399, %transpose3A_1400, %broadcast_in_dim3A_1402 : vector<128x128xi1>, vector<128x128xf32>
    %reduce_min3A_1404 = arith.constant dense<0x7F800000> : vector<128xf32>
    %reduce_min3A_1405 = vector.multi_reduction <minimumf>, %select_n3A_1403, %reduce_min3A_1404 [0] : vector<128x128xf32> to vector<128xf32>
    %reduce_sum3A_1406 = vector.shape_cast %broadcast_in_dim3A_1397 : vector<1x128xf32> to vector<1x1x128xf32>
    %reduce_sum3A_1407 = arith.constant dense<0.000000e+00> : vector<1xf32>
    %reduce_sum3A_1408 = vector.multi_reduction <add>, %reduce_sum3A_1406, %reduce_sum3A_1407 [1, 2] : vector<1x1x128xf32> to vector<1xf32>
    %reduce_sum3A_1409 = vector.shape_cast %reduce_sum3A_1408 : vector<1xf32> to vector<1x1x1xf32>
    %reduce_sum3A_1410 = vector.extract %reduce_sum3A_1409[0, 0, 0] : f32 from vector<1x1x1xf32>
    %add3A_1411 = arith.addf %add3A_1344, %reduce_sum3A_1410 : f32
    %slice3A_1412 = vector.extract_strided_slice %sub3A {offsets = [2688, 0], sizes = [128, 128], strides = [1, 1]} : vector<8192x1024xf32> to vector<128x128xf32>
    %broadcast_in_dim3A_1413 = arith.constant 0.000000e+00 : f32
    %broadcast_in_dim3A_1414 = vector.broadcast %broadcast_in_dim3A_1413 : f32 to vector<128x128xf32>
    %slice3A_1415 = vector.extract_strided_slice %sub3A {offsets = [2688, 128], sizes = [128, 128], strides = [1, 1]} : vector<8192x1024xf32> to vector<128x128xf32>
    %lt3A_1416 = arith.cmpf olt, %slice3A_1415, %slice3A_1412 : vector<128x128xf32>
    %min3A_1417 = arith.minimumf %slice3A_1415, %slice3A_1412 : vector<128x128xf32>
    %jit3A_1418 = arith.constant 1.000000e+00 : f32
    %broadcast_in_dim3A_1419 = vector.broadcast %jit3A_1418 : f32 to vector<128x128xf32>
    %select_n3A_1420 = arith.select %lt3A_1416, %broadcast_in_dim3A_1419, %broadcast_in_dim3A_1414 : vector<128x128xi1>, vector<128x128xf32>
    %slice3A_1421 = vector.extract_strided_slice %sub3A {offsets = [2688, 256], sizes = [128, 128], strides = [1, 1]} : vector<8192x1024xf32> to vector<128x128xf32>
    %lt3A_1422 = arith.cmpf olt, %slice3A_1421, %min3A_1417 : vector<128x128xf32>
    %min3A_1423 = arith.minimumf %slice3A_1421, %min3A_1417 : vector<128x128xf32>
    %jit3A_1424 = arith.constant 2.000000e+00 : f32
    %broadcast_in_dim3A_1425 = vector.broadcast %jit3A_1424 : f32 to vector<128x128xf32>
    %select_n3A_1426 = arith.select %lt3A_1422, %broadcast_in_dim3A_1425, %select_n3A_1420 : vector<128x128xi1>, vector<128x128xf32>
    %slice3A_1427 = vector.extract_strided_slice %sub3A {offsets = [2688, 384], sizes = [128, 128], strides = [1, 1]} : vector<8192x1024xf32> to vector<128x128xf32>
    %lt3A_1428 = arith.cmpf olt, %slice3A_1427, %min3A_1423 : vector<128x128xf32>
    %min3A_1429 = arith.minimumf %slice3A_1427, %min3A_1423 : vector<128x128xf32>
    %jit3A_1430 = arith.constant 3.000000e+00 : f32
    %broadcast_in_dim3A_1431 = vector.broadcast %jit3A_1430 : f32 to vector<128x128xf32>
    %select_n3A_1432 = arith.select %lt3A_1428, %broadcast_in_dim3A_1431, %select_n3A_1426 : vector<128x128xi1>, vector<128x128xf32>
    %slice3A_1433 = vector.extract_strided_slice %sub3A {offsets = [2688, 512], sizes = [128, 128], strides = [1, 1]} : vector<8192x1024xf32> to vector<128x128xf32>
    %lt3A_1434 = arith.cmpf olt, %slice3A_1433, %min3A_1429 : vector<128x128xf32>
    %min3A_1435 = arith.minimumf %slice3A_1433, %min3A_1429 : vector<128x128xf32>
    %jit3A_1436 = arith.constant 4.000000e+00 : f32
    %broadcast_in_dim3A_1437 = vector.broadcast %jit3A_1436 : f32 to vector<128x128xf32>
    %select_n3A_1438 = arith.select %lt3A_1434, %broadcast_in_dim3A_1437, %select_n3A_1432 : vector<128x128xi1>, vector<128x128xf32>
    %slice3A_1439 = vector.extract_strided_slice %sub3A {offsets = [2688, 640], sizes = [128, 128], strides = [1, 1]} : vector<8192x1024xf32> to vector<128x128xf32>
    %lt3A_1440 = arith.cmpf olt, %slice3A_1439, %min3A_1435 : vector<128x128xf32>
    %min3A_1441 = arith.minimumf %slice3A_1439, %min3A_1435 : vector<128x128xf32>
    %jit3A_1442 = arith.constant 5.000000e+00 : f32
    %broadcast_in_dim3A_1443 = vector.broadcast %jit3A_1442 : f32 to vector<128x128xf32>
    %select_n3A_1444 = arith.select %lt3A_1440, %broadcast_in_dim3A_1443, %select_n3A_1438 : vector<128x128xi1>, vector<128x128xf32>
    %slice3A_1445 = vector.extract_strided_slice %sub3A {offsets = [2688, 768], sizes = [128, 128], strides = [1, 1]} : vector<8192x1024xf32> to vector<128x128xf32>
    %lt3A_1446 = arith.cmpf olt, %slice3A_1445, %min3A_1441 : vector<128x128xf32>
    %min3A_1447 = arith.minimumf %slice3A_1445, %min3A_1441 : vector<128x128xf32>
    %jit3A_1448 = arith.constant 6.000000e+00 : f32
    %broadcast_in_dim3A_1449 = vector.broadcast %jit3A_1448 : f32 to vector<128x128xf32>
    %select_n3A_1450 = arith.select %lt3A_1446, %broadcast_in_dim3A_1449, %select_n3A_1444 : vector<128x128xi1>, vector<128x128xf32>
    %slice3A_1451 = vector.extract_strided_slice %sub3A {offsets = [2688, 896], sizes = [128, 128], strides = [1, 1]} : vector<8192x1024xf32> to vector<128x128xf32>
    %lt3A_1452 = arith.cmpf olt, %slice3A_1451, %min3A_1447 : vector<128x128xf32>
    %min3A_1453 = arith.minimumf %slice3A_1451, %min3A_1447 : vector<128x128xf32>
    %jit3A_1454 = arith.constant 7.000000e+00 : f32
    %broadcast_in_dim3A_1455 = vector.broadcast %jit3A_1454 : f32 to vector<128x128xf32>
    %select_n3A_1456 = arith.select %lt3A_1452, %broadcast_in_dim3A_1455, %select_n3A_1450 : vector<128x128xi1>, vector<128x128xf32>
    %mul3A_1457 = arith.constant 1.280000e+02 : f32
    %mul3A_1458 = vector.broadcast %mul3A_1457 : f32 to vector<128x128xf32>
    %mul3A_1459 = arith.mulf %select_n3A_1456, %mul3A_1458 : vector<128x128xf32>
    %add3A_1460 = arith.addf %mul3A_1459, %convert_element_type3A : vector<128x128xf32>
    %transpose3A_1461 = tpu.transpose %min3A_1453, [1, 0] : vector<128x128xf32> -> vector<128x128xf32>
    %reduce_min3A_1462 = arith.constant dense<0x7F800000> : vector<128xf32>
    %reduce_min3A_1463 = vector.multi_reduction <minimumf>, %transpose3A_1461, %reduce_min3A_1462 [0] : vector<128x128xf32> to vector<128xf32>
    %broadcast_in_dim3A_1464 = vector.shape_cast %reduce_min3A_1463 : vector<128xf32> to vector<1x128xf32>
    %eq3A_1465 = vector.broadcast %broadcast_in_dim3A_1464 : vector<1x128xf32> to vector<128x128xf32>
    %eq3A_1466 = arith.cmpf oeq, %transpose3A_1461, %eq3A_1465 : vector<128x128xf32>
    %transpose3A_1467 = tpu.transpose %add3A_1460, [1, 0] : vector<128x128xf32> -> vector<128x128xf32>
    %jit3A_1468 = arith.constant 1.024000e+03 : f32
    %broadcast_in_dim3A_1469 = vector.broadcast %jit3A_1468 : f32 to vector<128x128xf32>
    %select_n3A_1470 = arith.select %eq3A_1466, %transpose3A_1467, %broadcast_in_dim3A_1469 : vector<128x128xi1>, vector<128x128xf32>
    %reduce_min3A_1471 = arith.constant dense<0x7F800000> : vector<128xf32>
    %reduce_min3A_1472 = vector.multi_reduction <minimumf>, %select_n3A_1470, %reduce_min3A_1471 [0] : vector<128x128xf32> to vector<128xf32>
    %reduce_sum3A_1473 = vector.shape_cast %broadcast_in_dim3A_1464 : vector<1x128xf32> to vector<1x1x128xf32>
    %reduce_sum3A_1474 = arith.constant dense<0.000000e+00> : vector<1xf32>
    %reduce_sum3A_1475 = vector.multi_reduction <add>, %reduce_sum3A_1473, %reduce_sum3A_1474 [1, 2] : vector<1x1x128xf32> to vector<1xf32>
    %reduce_sum3A_1476 = vector.shape_cast %reduce_sum3A_1475 : vector<1xf32> to vector<1x1x1xf32>
    %reduce_sum3A_1477 = vector.extract %reduce_sum3A_1476[0, 0, 0] : f32 from vector<1x1x1xf32>
    %add3A_1478 = arith.addf %add3A_1411, %reduce_sum3A_1477 : f32
    %slice3A_1479 = vector.extract_strided_slice %sub3A {offsets = [2816, 0], sizes = [128, 128], strides = [1, 1]} : vector<8192x1024xf32> to vector<128x128xf32>
    %broadcast_in_dim3A_1480 = arith.constant 0.000000e+00 : f32
    %broadcast_in_dim3A_1481 = vector.broadcast %broadcast_in_dim3A_1480 : f32 to vector<128x128xf32>
    %slice3A_1482 = vector.extract_strided_slice %sub3A {offsets = [2816, 128], sizes = [128, 128], strides = [1, 1]} : vector<8192x1024xf32> to vector<128x128xf32>
    %lt3A_1483 = arith.cmpf olt, %slice3A_1482, %slice3A_1479 : vector<128x128xf32>
    %min3A_1484 = arith.minimumf %slice3A_1482, %slice3A_1479 : vector<128x128xf32>
    %jit3A_1485 = arith.constant 1.000000e+00 : f32
    %broadcast_in_dim3A_1486 = vector.broadcast %jit3A_1485 : f32 to vector<128x128xf32>
    %select_n3A_1487 = arith.select %lt3A_1483, %broadcast_in_dim3A_1486, %broadcast_in_dim3A_1481 : vector<128x128xi1>, vector<128x128xf32>
    %slice3A_1488 = vector.extract_strided_slice %sub3A {offsets = [2816, 256], sizes = [128, 128], strides = [1, 1]} : vector<8192x1024xf32> to vector<128x128xf32>
    %lt3A_1489 = arith.cmpf olt, %slice3A_1488, %min3A_1484 : vector<128x128xf32>
    %min3A_1490 = arith.minimumf %slice3A_1488, %min3A_1484 : vector<128x128xf32>
    %jit3A_1491 = arith.constant 2.000000e+00 : f32
    %broadcast_in_dim3A_1492 = vector.broadcast %jit3A_1491 : f32 to vector<128x128xf32>
    %select_n3A_1493 = arith.select %lt3A_1489, %broadcast_in_dim3A_1492, %select_n3A_1487 : vector<128x128xi1>, vector<128x128xf32>
    %slice3A_1494 = vector.extract_strided_slice %sub3A {offsets = [2816, 384], sizes = [128, 128], strides = [1, 1]} : vector<8192x1024xf32> to vector<128x128xf32>
    %lt3A_1495 = arith.cmpf olt, %slice3A_1494, %min3A_1490 : vector<128x128xf32>
    %min3A_1496 = arith.minimumf %slice3A_1494, %min3A_1490 : vector<128x128xf32>
    %jit3A_1497 = arith.constant 3.000000e+00 : f32
    %broadcast_in_dim3A_1498 = vector.broadcast %jit3A_1497 : f32 to vector<128x128xf32>
    %select_n3A_1499 = arith.select %lt3A_1495, %broadcast_in_dim3A_1498, %select_n3A_1493 : vector<128x128xi1>, vector<128x128xf32>
    %slice3A_1500 = vector.extract_strided_slice %sub3A {offsets = [2816, 512], sizes = [128, 128], strides = [1, 1]} : vector<8192x1024xf32> to vector<128x128xf32>
    %lt3A_1501 = arith.cmpf olt, %slice3A_1500, %min3A_1496 : vector<128x128xf32>
    %min3A_1502 = arith.minimumf %slice3A_1500, %min3A_1496 : vector<128x128xf32>
    %jit3A_1503 = arith.constant 4.000000e+00 : f32
    %broadcast_in_dim3A_1504 = vector.broadcast %jit3A_1503 : f32 to vector<128x128xf32>
    %select_n3A_1505 = arith.select %lt3A_1501, %broadcast_in_dim3A_1504, %select_n3A_1499 : vector<128x128xi1>, vector<128x128xf32>
    %slice3A_1506 = vector.extract_strided_slice %sub3A {offsets = [2816, 640], sizes = [128, 128], strides = [1, 1]} : vector<8192x1024xf32> to vector<128x128xf32>
    %lt3A_1507 = arith.cmpf olt, %slice3A_1506, %min3A_1502 : vector<128x128xf32>
    %min3A_1508 = arith.minimumf %slice3A_1506, %min3A_1502 : vector<128x128xf32>
    %jit3A_1509 = arith.constant 5.000000e+00 : f32
    %broadcast_in_dim3A_1510 = vector.broadcast %jit3A_1509 : f32 to vector<128x128xf32>
    %select_n3A_1511 = arith.select %lt3A_1507, %broadcast_in_dim3A_1510, %select_n3A_1505 : vector<128x128xi1>, vector<128x128xf32>
    %slice3A_1512 = vector.extract_strided_slice %sub3A {offsets = [2816, 768], sizes = [128, 128], strides = [1, 1]} : vector<8192x1024xf32> to vector<128x128xf32>
    %lt3A_1513 = arith.cmpf olt, %slice3A_1512, %min3A_1508 : vector<128x128xf32>
    %min3A_1514 = arith.minimumf %slice3A_1512, %min3A_1508 : vector<128x128xf32>
    %jit3A_1515 = arith.constant 6.000000e+00 : f32
    %broadcast_in_dim3A_1516 = vector.broadcast %jit3A_1515 : f32 to vector<128x128xf32>
    %select_n3A_1517 = arith.select %lt3A_1513, %broadcast_in_dim3A_1516, %select_n3A_1511 : vector<128x128xi1>, vector<128x128xf32>
    %slice3A_1518 = vector.extract_strided_slice %sub3A {offsets = [2816, 896], sizes = [128, 128], strides = [1, 1]} : vector<8192x1024xf32> to vector<128x128xf32>
    %lt3A_1519 = arith.cmpf olt, %slice3A_1518, %min3A_1514 : vector<128x128xf32>
    %min3A_1520 = arith.minimumf %slice3A_1518, %min3A_1514 : vector<128x128xf32>
    %jit3A_1521 = arith.constant 7.000000e+00 : f32
    %broadcast_in_dim3A_1522 = vector.broadcast %jit3A_1521 : f32 to vector<128x128xf32>
    %select_n3A_1523 = arith.select %lt3A_1519, %broadcast_in_dim3A_1522, %select_n3A_1517 : vector<128x128xi1>, vector<128x128xf32>
    %mul3A_1524 = arith.constant 1.280000e+02 : f32
    %mul3A_1525 = vector.broadcast %mul3A_1524 : f32 to vector<128x128xf32>
    %mul3A_1526 = arith.mulf %select_n3A_1523, %mul3A_1525 : vector<128x128xf32>
    %add3A_1527 = arith.addf %mul3A_1526, %convert_element_type3A : vector<128x128xf32>
    %transpose3A_1528 = tpu.transpose %min3A_1520, [1, 0] : vector<128x128xf32> -> vector<128x128xf32>
    %reduce_min3A_1529 = arith.constant dense<0x7F800000> : vector<128xf32>
    %reduce_min3A_1530 = vector.multi_reduction <minimumf>, %transpose3A_1528, %reduce_min3A_1529 [0] : vector<128x128xf32> to vector<128xf32>
    %broadcast_in_dim3A_1531 = vector.shape_cast %reduce_min3A_1530 : vector<128xf32> to vector<1x128xf32>
    %eq3A_1532 = vector.broadcast %broadcast_in_dim3A_1531 : vector<1x128xf32> to vector<128x128xf32>
    %eq3A_1533 = arith.cmpf oeq, %transpose3A_1528, %eq3A_1532 : vector<128x128xf32>
    %transpose3A_1534 = tpu.transpose %add3A_1527, [1, 0] : vector<128x128xf32> -> vector<128x128xf32>
    %jit3A_1535 = arith.constant 1.024000e+03 : f32
    %broadcast_in_dim3A_1536 = vector.broadcast %jit3A_1535 : f32 to vector<128x128xf32>
    %select_n3A_1537 = arith.select %eq3A_1533, %transpose3A_1534, %broadcast_in_dim3A_1536 : vector<128x128xi1>, vector<128x128xf32>
    %reduce_min3A_1538 = arith.constant dense<0x7F800000> : vector<128xf32>
    %reduce_min3A_1539 = vector.multi_reduction <minimumf>, %select_n3A_1537, %reduce_min3A_1538 [0] : vector<128x128xf32> to vector<128xf32>
    %reduce_sum3A_1540 = vector.shape_cast %broadcast_in_dim3A_1531 : vector<1x128xf32> to vector<1x1x128xf32>
    %reduce_sum3A_1541 = arith.constant dense<0.000000e+00> : vector<1xf32>
    %reduce_sum3A_1542 = vector.multi_reduction <add>, %reduce_sum3A_1540, %reduce_sum3A_1541 [1, 2] : vector<1x1x128xf32> to vector<1xf32>
    %reduce_sum3A_1543 = vector.shape_cast %reduce_sum3A_1542 : vector<1xf32> to vector<1x1x1xf32>
    %reduce_sum3A_1544 = vector.extract %reduce_sum3A_1543[0, 0, 0] : f32 from vector<1x1x1xf32>
    %add3A_1545 = arith.addf %add3A_1478, %reduce_sum3A_1544 : f32
    %slice3A_1546 = vector.extract_strided_slice %sub3A {offsets = [2944, 0], sizes = [128, 128], strides = [1, 1]} : vector<8192x1024xf32> to vector<128x128xf32>
    %broadcast_in_dim3A_1547 = arith.constant 0.000000e+00 : f32
    %broadcast_in_dim3A_1548 = vector.broadcast %broadcast_in_dim3A_1547 : f32 to vector<128x128xf32>
    %slice3A_1549 = vector.extract_strided_slice %sub3A {offsets = [2944, 128], sizes = [128, 128], strides = [1, 1]} : vector<8192x1024xf32> to vector<128x128xf32>
    %lt3A_1550 = arith.cmpf olt, %slice3A_1549, %slice3A_1546 : vector<128x128xf32>
    %min3A_1551 = arith.minimumf %slice3A_1549, %slice3A_1546 : vector<128x128xf32>
    %jit3A_1552 = arith.constant 1.000000e+00 : f32
    %broadcast_in_dim3A_1553 = vector.broadcast %jit3A_1552 : f32 to vector<128x128xf32>
    %select_n3A_1554 = arith.select %lt3A_1550, %broadcast_in_dim3A_1553, %broadcast_in_dim3A_1548 : vector<128x128xi1>, vector<128x128xf32>
    %slice3A_1555 = vector.extract_strided_slice %sub3A {offsets = [2944, 256], sizes = [128, 128], strides = [1, 1]} : vector<8192x1024xf32> to vector<128x128xf32>
    %lt3A_1556 = arith.cmpf olt, %slice3A_1555, %min3A_1551 : vector<128x128xf32>
    %min3A_1557 = arith.minimumf %slice3A_1555, %min3A_1551 : vector<128x128xf32>
    %jit3A_1558 = arith.constant 2.000000e+00 : f32
    %broadcast_in_dim3A_1559 = vector.broadcast %jit3A_1558 : f32 to vector<128x128xf32>
    %select_n3A_1560 = arith.select %lt3A_1556, %broadcast_in_dim3A_1559, %select_n3A_1554 : vector<128x128xi1>, vector<128x128xf32>
    %slice3A_1561 = vector.extract_strided_slice %sub3A {offsets = [2944, 384], sizes = [128, 128], strides = [1, 1]} : vector<8192x1024xf32> to vector<128x128xf32>
    %lt3A_1562 = arith.cmpf olt, %slice3A_1561, %min3A_1557 : vector<128x128xf32>
    %min3A_1563 = arith.minimumf %slice3A_1561, %min3A_1557 : vector<128x128xf32>
    %jit3A_1564 = arith.constant 3.000000e+00 : f32
    %broadcast_in_dim3A_1565 = vector.broadcast %jit3A_1564 : f32 to vector<128x128xf32>
    %select_n3A_1566 = arith.select %lt3A_1562, %broadcast_in_dim3A_1565, %select_n3A_1560 : vector<128x128xi1>, vector<128x128xf32>
    %slice3A_1567 = vector.extract_strided_slice %sub3A {offsets = [2944, 512], sizes = [128, 128], strides = [1, 1]} : vector<8192x1024xf32> to vector<128x128xf32>
    %lt3A_1568 = arith.cmpf olt, %slice3A_1567, %min3A_1563 : vector<128x128xf32>
    %min3A_1569 = arith.minimumf %slice3A_1567, %min3A_1563 : vector<128x128xf32>
    %jit3A_1570 = arith.constant 4.000000e+00 : f32
    %broadcast_in_dim3A_1571 = vector.broadcast %jit3A_1570 : f32 to vector<128x128xf32>
    %select_n3A_1572 = arith.select %lt3A_1568, %broadcast_in_dim3A_1571, %select_n3A_1566 : vector<128x128xi1>, vector<128x128xf32>
    %slice3A_1573 = vector.extract_strided_slice %sub3A {offsets = [2944, 640], sizes = [128, 128], strides = [1, 1]} : vector<8192x1024xf32> to vector<128x128xf32>
    %lt3A_1574 = arith.cmpf olt, %slice3A_1573, %min3A_1569 : vector<128x128xf32>
    %min3A_1575 = arith.minimumf %slice3A_1573, %min3A_1569 : vector<128x128xf32>
    %jit3A_1576 = arith.constant 5.000000e+00 : f32
    %broadcast_in_dim3A_1577 = vector.broadcast %jit3A_1576 : f32 to vector<128x128xf32>
    %select_n3A_1578 = arith.select %lt3A_1574, %broadcast_in_dim3A_1577, %select_n3A_1572 : vector<128x128xi1>, vector<128x128xf32>
    %slice3A_1579 = vector.extract_strided_slice %sub3A {offsets = [2944, 768], sizes = [128, 128], strides = [1, 1]} : vector<8192x1024xf32> to vector<128x128xf32>
    %lt3A_1580 = arith.cmpf olt, %slice3A_1579, %min3A_1575 : vector<128x128xf32>
    %min3A_1581 = arith.minimumf %slice3A_1579, %min3A_1575 : vector<128x128xf32>
    %jit3A_1582 = arith.constant 6.000000e+00 : f32
    %broadcast_in_dim3A_1583 = vector.broadcast %jit3A_1582 : f32 to vector<128x128xf32>
    %select_n3A_1584 = arith.select %lt3A_1580, %broadcast_in_dim3A_1583, %select_n3A_1578 : vector<128x128xi1>, vector<128x128xf32>
    %slice3A_1585 = vector.extract_strided_slice %sub3A {offsets = [2944, 896], sizes = [128, 128], strides = [1, 1]} : vector<8192x1024xf32> to vector<128x128xf32>
    %lt3A_1586 = arith.cmpf olt, %slice3A_1585, %min3A_1581 : vector<128x128xf32>
    %min3A_1587 = arith.minimumf %slice3A_1585, %min3A_1581 : vector<128x128xf32>
    %jit3A_1588 = arith.constant 7.000000e+00 : f32
    %broadcast_in_dim3A_1589 = vector.broadcast %jit3A_1588 : f32 to vector<128x128xf32>
    %select_n3A_1590 = arith.select %lt3A_1586, %broadcast_in_dim3A_1589, %select_n3A_1584 : vector<128x128xi1>, vector<128x128xf32>
    %mul3A_1591 = arith.constant 1.280000e+02 : f32
    %mul3A_1592 = vector.broadcast %mul3A_1591 : f32 to vector<128x128xf32>
    %mul3A_1593 = arith.mulf %select_n3A_1590, %mul3A_1592 : vector<128x128xf32>
    %add3A_1594 = arith.addf %mul3A_1593, %convert_element_type3A : vector<128x128xf32>
    %transpose3A_1595 = tpu.transpose %min3A_1587, [1, 0] : vector<128x128xf32> -> vector<128x128xf32>
    %reduce_min3A_1596 = arith.constant dense<0x7F800000> : vector<128xf32>
    %reduce_min3A_1597 = vector.multi_reduction <minimumf>, %transpose3A_1595, %reduce_min3A_1596 [0] : vector<128x128xf32> to vector<128xf32>
    %broadcast_in_dim3A_1598 = vector.shape_cast %reduce_min3A_1597 : vector<128xf32> to vector<1x128xf32>
    %eq3A_1599 = vector.broadcast %broadcast_in_dim3A_1598 : vector<1x128xf32> to vector<128x128xf32>
    %eq3A_1600 = arith.cmpf oeq, %transpose3A_1595, %eq3A_1599 : vector<128x128xf32>
    %transpose3A_1601 = tpu.transpose %add3A_1594, [1, 0] : vector<128x128xf32> -> vector<128x128xf32>
    %jit3A_1602 = arith.constant 1.024000e+03 : f32
    %broadcast_in_dim3A_1603 = vector.broadcast %jit3A_1602 : f32 to vector<128x128xf32>
    %select_n3A_1604 = arith.select %eq3A_1600, %transpose3A_1601, %broadcast_in_dim3A_1603 : vector<128x128xi1>, vector<128x128xf32>
    %reduce_min3A_1605 = arith.constant dense<0x7F800000> : vector<128xf32>
    %reduce_min3A_1606 = vector.multi_reduction <minimumf>, %select_n3A_1604, %reduce_min3A_1605 [0] : vector<128x128xf32> to vector<128xf32>
    %reduce_sum3A_1607 = vector.shape_cast %broadcast_in_dim3A_1598 : vector<1x128xf32> to vector<1x1x128xf32>
    %reduce_sum3A_1608 = arith.constant dense<0.000000e+00> : vector<1xf32>
    %reduce_sum3A_1609 = vector.multi_reduction <add>, %reduce_sum3A_1607, %reduce_sum3A_1608 [1, 2] : vector<1x1x128xf32> to vector<1xf32>
    %reduce_sum3A_1610 = vector.shape_cast %reduce_sum3A_1609 : vector<1xf32> to vector<1x1x1xf32>
    %reduce_sum3A_1611 = vector.extract %reduce_sum3A_1610[0, 0, 0] : f32 from vector<1x1x1xf32>
    %add3A_1612 = arith.addf %add3A_1545, %reduce_sum3A_1611 : f32
    %slice3A_1613 = vector.extract_strided_slice %sub3A {offsets = [3072, 0], sizes = [128, 128], strides = [1, 1]} : vector<8192x1024xf32> to vector<128x128xf32>
    %broadcast_in_dim3A_1614 = arith.constant 0.000000e+00 : f32
    %broadcast_in_dim3A_1615 = vector.broadcast %broadcast_in_dim3A_1614 : f32 to vector<128x128xf32>
    %slice3A_1616 = vector.extract_strided_slice %sub3A {offsets = [3072, 128], sizes = [128, 128], strides = [1, 1]} : vector<8192x1024xf32> to vector<128x128xf32>
    %lt3A_1617 = arith.cmpf olt, %slice3A_1616, %slice3A_1613 : vector<128x128xf32>
    %min3A_1618 = arith.minimumf %slice3A_1616, %slice3A_1613 : vector<128x128xf32>
    %jit3A_1619 = arith.constant 1.000000e+00 : f32
    %broadcast_in_dim3A_1620 = vector.broadcast %jit3A_1619 : f32 to vector<128x128xf32>
    %select_n3A_1621 = arith.select %lt3A_1617, %broadcast_in_dim3A_1620, %broadcast_in_dim3A_1615 : vector<128x128xi1>, vector<128x128xf32>
    %slice3A_1622 = vector.extract_strided_slice %sub3A {offsets = [3072, 256], sizes = [128, 128], strides = [1, 1]} : vector<8192x1024xf32> to vector<128x128xf32>
    %lt3A_1623 = arith.cmpf olt, %slice3A_1622, %min3A_1618 : vector<128x128xf32>
    %min3A_1624 = arith.minimumf %slice3A_1622, %min3A_1618 : vector<128x128xf32>
    %jit3A_1625 = arith.constant 2.000000e+00 : f32
    %broadcast_in_dim3A_1626 = vector.broadcast %jit3A_1625 : f32 to vector<128x128xf32>
    %select_n3A_1627 = arith.select %lt3A_1623, %broadcast_in_dim3A_1626, %select_n3A_1621 : vector<128x128xi1>, vector<128x128xf32>
    %slice3A_1628 = vector.extract_strided_slice %sub3A {offsets = [3072, 384], sizes = [128, 128], strides = [1, 1]} : vector<8192x1024xf32> to vector<128x128xf32>
    %lt3A_1629 = arith.cmpf olt, %slice3A_1628, %min3A_1624 : vector<128x128xf32>
    %min3A_1630 = arith.minimumf %slice3A_1628, %min3A_1624 : vector<128x128xf32>
    %jit3A_1631 = arith.constant 3.000000e+00 : f32
    %broadcast_in_dim3A_1632 = vector.broadcast %jit3A_1631 : f32 to vector<128x128xf32>
    %select_n3A_1633 = arith.select %lt3A_1629, %broadcast_in_dim3A_1632, %select_n3A_1627 : vector<128x128xi1>, vector<128x128xf32>
    %slice3A_1634 = vector.extract_strided_slice %sub3A {offsets = [3072, 512], sizes = [128, 128], strides = [1, 1]} : vector<8192x1024xf32> to vector<128x128xf32>
    %lt3A_1635 = arith.cmpf olt, %slice3A_1634, %min3A_1630 : vector<128x128xf32>
    %min3A_1636 = arith.minimumf %slice3A_1634, %min3A_1630 : vector<128x128xf32>
    %jit3A_1637 = arith.constant 4.000000e+00 : f32
    %broadcast_in_dim3A_1638 = vector.broadcast %jit3A_1637 : f32 to vector<128x128xf32>
    %select_n3A_1639 = arith.select %lt3A_1635, %broadcast_in_dim3A_1638, %select_n3A_1633 : vector<128x128xi1>, vector<128x128xf32>
    %slice3A_1640 = vector.extract_strided_slice %sub3A {offsets = [3072, 640], sizes = [128, 128], strides = [1, 1]} : vector<8192x1024xf32> to vector<128x128xf32>
    %lt3A_1641 = arith.cmpf olt, %slice3A_1640, %min3A_1636 : vector<128x128xf32>
    %min3A_1642 = arith.minimumf %slice3A_1640, %min3A_1636 : vector<128x128xf32>
    %jit3A_1643 = arith.constant 5.000000e+00 : f32
    %broadcast_in_dim3A_1644 = vector.broadcast %jit3A_1643 : f32 to vector<128x128xf32>
    %select_n3A_1645 = arith.select %lt3A_1641, %broadcast_in_dim3A_1644, %select_n3A_1639 : vector<128x128xi1>, vector<128x128xf32>
    %slice3A_1646 = vector.extract_strided_slice %sub3A {offsets = [3072, 768], sizes = [128, 128], strides = [1, 1]} : vector<8192x1024xf32> to vector<128x128xf32>
    %lt3A_1647 = arith.cmpf olt, %slice3A_1646, %min3A_1642 : vector<128x128xf32>
    %min3A_1648 = arith.minimumf %slice3A_1646, %min3A_1642 : vector<128x128xf32>
    %jit3A_1649 = arith.constant 6.000000e+00 : f32
    %broadcast_in_dim3A_1650 = vector.broadcast %jit3A_1649 : f32 to vector<128x128xf32>
    %select_n3A_1651 = arith.select %lt3A_1647, %broadcast_in_dim3A_1650, %select_n3A_1645 : vector<128x128xi1>, vector<128x128xf32>
    %slice3A_1652 = vector.extract_strided_slice %sub3A {offsets = [3072, 896], sizes = [128, 128], strides = [1, 1]} : vector<8192x1024xf32> to vector<128x128xf32>
    %lt3A_1653 = arith.cmpf olt, %slice3A_1652, %min3A_1648 : vector<128x128xf32>
    %min3A_1654 = arith.minimumf %slice3A_1652, %min3A_1648 : vector<128x128xf32>
    %jit3A_1655 = arith.constant 7.000000e+00 : f32
    %broadcast_in_dim3A_1656 = vector.broadcast %jit3A_1655 : f32 to vector<128x128xf32>
    %select_n3A_1657 = arith.select %lt3A_1653, %broadcast_in_dim3A_1656, %select_n3A_1651 : vector<128x128xi1>, vector<128x128xf32>
    %mul3A_1658 = arith.constant 1.280000e+02 : f32
    %mul3A_1659 = vector.broadcast %mul3A_1658 : f32 to vector<128x128xf32>
    %mul3A_1660 = arith.mulf %select_n3A_1657, %mul3A_1659 : vector<128x128xf32>
    %add3A_1661 = arith.addf %mul3A_1660, %convert_element_type3A : vector<128x128xf32>
    %transpose3A_1662 = tpu.transpose %min3A_1654, [1, 0] : vector<128x128xf32> -> vector<128x128xf32>
    %reduce_min3A_1663 = arith.constant dense<0x7F800000> : vector<128xf32>
    %reduce_min3A_1664 = vector.multi_reduction <minimumf>, %transpose3A_1662, %reduce_min3A_1663 [0] : vector<128x128xf32> to vector<128xf32>
    %broadcast_in_dim3A_1665 = vector.shape_cast %reduce_min3A_1664 : vector<128xf32> to vector<1x128xf32>
    %eq3A_1666 = vector.broadcast %broadcast_in_dim3A_1665 : vector<1x128xf32> to vector<128x128xf32>
    %eq3A_1667 = arith.cmpf oeq, %transpose3A_1662, %eq3A_1666 : vector<128x128xf32>
    %transpose3A_1668 = tpu.transpose %add3A_1661, [1, 0] : vector<128x128xf32> -> vector<128x128xf32>
    %jit3A_1669 = arith.constant 1.024000e+03 : f32
    %broadcast_in_dim3A_1670 = vector.broadcast %jit3A_1669 : f32 to vector<128x128xf32>
    %select_n3A_1671 = arith.select %eq3A_1667, %transpose3A_1668, %broadcast_in_dim3A_1670 : vector<128x128xi1>, vector<128x128xf32>
    %reduce_min3A_1672 = arith.constant dense<0x7F800000> : vector<128xf32>
    %reduce_min3A_1673 = vector.multi_reduction <minimumf>, %select_n3A_1671, %reduce_min3A_1672 [0] : vector<128x128xf32> to vector<128xf32>
    %reduce_sum3A_1674 = vector.shape_cast %broadcast_in_dim3A_1665 : vector<1x128xf32> to vector<1x1x128xf32>
    %reduce_sum3A_1675 = arith.constant dense<0.000000e+00> : vector<1xf32>
    %reduce_sum3A_1676 = vector.multi_reduction <add>, %reduce_sum3A_1674, %reduce_sum3A_1675 [1, 2] : vector<1x1x128xf32> to vector<1xf32>
    %reduce_sum3A_1677 = vector.shape_cast %reduce_sum3A_1676 : vector<1xf32> to vector<1x1x1xf32>
    %reduce_sum3A_1678 = vector.extract %reduce_sum3A_1677[0, 0, 0] : f32 from vector<1x1x1xf32>
    %add3A_1679 = arith.addf %add3A_1612, %reduce_sum3A_1678 : f32
    %slice3A_1680 = vector.extract_strided_slice %sub3A {offsets = [3200, 0], sizes = [128, 128], strides = [1, 1]} : vector<8192x1024xf32> to vector<128x128xf32>
    %broadcast_in_dim3A_1681 = arith.constant 0.000000e+00 : f32
    %broadcast_in_dim3A_1682 = vector.broadcast %broadcast_in_dim3A_1681 : f32 to vector<128x128xf32>
    %slice3A_1683 = vector.extract_strided_slice %sub3A {offsets = [3200, 128], sizes = [128, 128], strides = [1, 1]} : vector<8192x1024xf32> to vector<128x128xf32>
    %lt3A_1684 = arith.cmpf olt, %slice3A_1683, %slice3A_1680 : vector<128x128xf32>
    %min3A_1685 = arith.minimumf %slice3A_1683, %slice3A_1680 : vector<128x128xf32>
    %jit3A_1686 = arith.constant 1.000000e+00 : f32
    %broadcast_in_dim3A_1687 = vector.broadcast %jit3A_1686 : f32 to vector<128x128xf32>
    %select_n3A_1688 = arith.select %lt3A_1684, %broadcast_in_dim3A_1687, %broadcast_in_dim3A_1682 : vector<128x128xi1>, vector<128x128xf32>
    %slice3A_1689 = vector.extract_strided_slice %sub3A {offsets = [3200, 256], sizes = [128, 128], strides = [1, 1]} : vector<8192x1024xf32> to vector<128x128xf32>
    %lt3A_1690 = arith.cmpf olt, %slice3A_1689, %min3A_1685 : vector<128x128xf32>
    %min3A_1691 = arith.minimumf %slice3A_1689, %min3A_1685 : vector<128x128xf32>
    %jit3A_1692 = arith.constant 2.000000e+00 : f32
    %broadcast_in_dim3A_1693 = vector.broadcast %jit3A_1692 : f32 to vector<128x128xf32>
    %select_n3A_1694 = arith.select %lt3A_1690, %broadcast_in_dim3A_1693, %select_n3A_1688 : vector<128x128xi1>, vector<128x128xf32>
    %slice3A_1695 = vector.extract_strided_slice %sub3A {offsets = [3200, 384], sizes = [128, 128], strides = [1, 1]} : vector<8192x1024xf32> to vector<128x128xf32>
    %lt3A_1696 = arith.cmpf olt, %slice3A_1695, %min3A_1691 : vector<128x128xf32>
    %min3A_1697 = arith.minimumf %slice3A_1695, %min3A_1691 : vector<128x128xf32>
    %jit3A_1698 = arith.constant 3.000000e+00 : f32
    %broadcast_in_dim3A_1699 = vector.broadcast %jit3A_1698 : f32 to vector<128x128xf32>
    %select_n3A_1700 = arith.select %lt3A_1696, %broadcast_in_dim3A_1699, %select_n3A_1694 : vector<128x128xi1>, vector<128x128xf32>
    %slice3A_1701 = vector.extract_strided_slice %sub3A {offsets = [3200, 512], sizes = [128, 128], strides = [1, 1]} : vector<8192x1024xf32> to vector<128x128xf32>
    %lt3A_1702 = arith.cmpf olt, %slice3A_1701, %min3A_1697 : vector<128x128xf32>
    %min3A_1703 = arith.minimumf %slice3A_1701, %min3A_1697 : vector<128x128xf32>
    %jit3A_1704 = arith.constant 4.000000e+00 : f32
    %broadcast_in_dim3A_1705 = vector.broadcast %jit3A_1704 : f32 to vector<128x128xf32>
    %select_n3A_1706 = arith.select %lt3A_1702, %broadcast_in_dim3A_1705, %select_n3A_1700 : vector<128x128xi1>, vector<128x128xf32>
    %slice3A_1707 = vector.extract_strided_slice %sub3A {offsets = [3200, 640], sizes = [128, 128], strides = [1, 1]} : vector<8192x1024xf32> to vector<128x128xf32>
    %lt3A_1708 = arith.cmpf olt, %slice3A_1707, %min3A_1703 : vector<128x128xf32>
    %min3A_1709 = arith.minimumf %slice3A_1707, %min3A_1703 : vector<128x128xf32>
    %jit3A_1710 = arith.constant 5.000000e+00 : f32
    %broadcast_in_dim3A_1711 = vector.broadcast %jit3A_1710 : f32 to vector<128x128xf32>
    %select_n3A_1712 = arith.select %lt3A_1708, %broadcast_in_dim3A_1711, %select_n3A_1706 : vector<128x128xi1>, vector<128x128xf32>
    %slice3A_1713 = vector.extract_strided_slice %sub3A {offsets = [3200, 768], sizes = [128, 128], strides = [1, 1]} : vector<8192x1024xf32> to vector<128x128xf32>
    %lt3A_1714 = arith.cmpf olt, %slice3A_1713, %min3A_1709 : vector<128x128xf32>
    %min3A_1715 = arith.minimumf %slice3A_1713, %min3A_1709 : vector<128x128xf32>
    %jit3A_1716 = arith.constant 6.000000e+00 : f32
    %broadcast_in_dim3A_1717 = vector.broadcast %jit3A_1716 : f32 to vector<128x128xf32>
    %select_n3A_1718 = arith.select %lt3A_1714, %broadcast_in_dim3A_1717, %select_n3A_1712 : vector<128x128xi1>, vector<128x128xf32>
    %slice3A_1719 = vector.extract_strided_slice %sub3A {offsets = [3200, 896], sizes = [128, 128], strides = [1, 1]} : vector<8192x1024xf32> to vector<128x128xf32>
    %lt3A_1720 = arith.cmpf olt, %slice3A_1719, %min3A_1715 : vector<128x128xf32>
    %min3A_1721 = arith.minimumf %slice3A_1719, %min3A_1715 : vector<128x128xf32>
    %jit3A_1722 = arith.constant 7.000000e+00 : f32
    %broadcast_in_dim3A_1723 = vector.broadcast %jit3A_1722 : f32 to vector<128x128xf32>
    %select_n3A_1724 = arith.select %lt3A_1720, %broadcast_in_dim3A_1723, %select_n3A_1718 : vector<128x128xi1>, vector<128x128xf32>
    %mul3A_1725 = arith.constant 1.280000e+02 : f32
    %mul3A_1726 = vector.broadcast %mul3A_1725 : f32 to vector<128x128xf32>
    %mul3A_1727 = arith.mulf %select_n3A_1724, %mul3A_1726 : vector<128x128xf32>
    %add3A_1728 = arith.addf %mul3A_1727, %convert_element_type3A : vector<128x128xf32>
    %transpose3A_1729 = tpu.transpose %min3A_1721, [1, 0] : vector<128x128xf32> -> vector<128x128xf32>
    %reduce_min3A_1730 = arith.constant dense<0x7F800000> : vector<128xf32>
    %reduce_min3A_1731 = vector.multi_reduction <minimumf>, %transpose3A_1729, %reduce_min3A_1730 [0] : vector<128x128xf32> to vector<128xf32>
    %broadcast_in_dim3A_1732 = vector.shape_cast %reduce_min3A_1731 : vector<128xf32> to vector<1x128xf32>
    %eq3A_1733 = vector.broadcast %broadcast_in_dim3A_1732 : vector<1x128xf32> to vector<128x128xf32>
    %eq3A_1734 = arith.cmpf oeq, %transpose3A_1729, %eq3A_1733 : vector<128x128xf32>
    %transpose3A_1735 = tpu.transpose %add3A_1728, [1, 0] : vector<128x128xf32> -> vector<128x128xf32>
    %jit3A_1736 = arith.constant 1.024000e+03 : f32
    %broadcast_in_dim3A_1737 = vector.broadcast %jit3A_1736 : f32 to vector<128x128xf32>
    %select_n3A_1738 = arith.select %eq3A_1734, %transpose3A_1735, %broadcast_in_dim3A_1737 : vector<128x128xi1>, vector<128x128xf32>
    %reduce_min3A_1739 = arith.constant dense<0x7F800000> : vector<128xf32>
    %reduce_min3A_1740 = vector.multi_reduction <minimumf>, %select_n3A_1738, %reduce_min3A_1739 [0] : vector<128x128xf32> to vector<128xf32>
    %reduce_sum3A_1741 = vector.shape_cast %broadcast_in_dim3A_1732 : vector<1x128xf32> to vector<1x1x128xf32>
    %reduce_sum3A_1742 = arith.constant dense<0.000000e+00> : vector<1xf32>
    %reduce_sum3A_1743 = vector.multi_reduction <add>, %reduce_sum3A_1741, %reduce_sum3A_1742 [1, 2] : vector<1x1x128xf32> to vector<1xf32>
    %reduce_sum3A_1744 = vector.shape_cast %reduce_sum3A_1743 : vector<1xf32> to vector<1x1x1xf32>
    %reduce_sum3A_1745 = vector.extract %reduce_sum3A_1744[0, 0, 0] : f32 from vector<1x1x1xf32>
    %add3A_1746 = arith.addf %add3A_1679, %reduce_sum3A_1745 : f32
    %slice3A_1747 = vector.extract_strided_slice %sub3A {offsets = [3328, 0], sizes = [128, 128], strides = [1, 1]} : vector<8192x1024xf32> to vector<128x128xf32>
    %broadcast_in_dim3A_1748 = arith.constant 0.000000e+00 : f32
    %broadcast_in_dim3A_1749 = vector.broadcast %broadcast_in_dim3A_1748 : f32 to vector<128x128xf32>
    %slice3A_1750 = vector.extract_strided_slice %sub3A {offsets = [3328, 128], sizes = [128, 128], strides = [1, 1]} : vector<8192x1024xf32> to vector<128x128xf32>
    %lt3A_1751 = arith.cmpf olt, %slice3A_1750, %slice3A_1747 : vector<128x128xf32>
    %min3A_1752 = arith.minimumf %slice3A_1750, %slice3A_1747 : vector<128x128xf32>
    %jit3A_1753 = arith.constant 1.000000e+00 : f32
    %broadcast_in_dim3A_1754 = vector.broadcast %jit3A_1753 : f32 to vector<128x128xf32>
    %select_n3A_1755 = arith.select %lt3A_1751, %broadcast_in_dim3A_1754, %broadcast_in_dim3A_1749 : vector<128x128xi1>, vector<128x128xf32>
    %slice3A_1756 = vector.extract_strided_slice %sub3A {offsets = [3328, 256], sizes = [128, 128], strides = [1, 1]} : vector<8192x1024xf32> to vector<128x128xf32>
    %lt3A_1757 = arith.cmpf olt, %slice3A_1756, %min3A_1752 : vector<128x128xf32>
    %min3A_1758 = arith.minimumf %slice3A_1756, %min3A_1752 : vector<128x128xf32>
    %jit3A_1759 = arith.constant 2.000000e+00 : f32
    %broadcast_in_dim3A_1760 = vector.broadcast %jit3A_1759 : f32 to vector<128x128xf32>
    %select_n3A_1761 = arith.select %lt3A_1757, %broadcast_in_dim3A_1760, %select_n3A_1755 : vector<128x128xi1>, vector<128x128xf32>
    %slice3A_1762 = vector.extract_strided_slice %sub3A {offsets = [3328, 384], sizes = [128, 128], strides = [1, 1]} : vector<8192x1024xf32> to vector<128x128xf32>
    %lt3A_1763 = arith.cmpf olt, %slice3A_1762, %min3A_1758 : vector<128x128xf32>
    %min3A_1764 = arith.minimumf %slice3A_1762, %min3A_1758 : vector<128x128xf32>
    %jit3A_1765 = arith.constant 3.000000e+00 : f32
    %broadcast_in_dim3A_1766 = vector.broadcast %jit3A_1765 : f32 to vector<128x128xf32>
    %select_n3A_1767 = arith.select %lt3A_1763, %broadcast_in_dim3A_1766, %select_n3A_1761 : vector<128x128xi1>, vector<128x128xf32>
    %slice3A_1768 = vector.extract_strided_slice %sub3A {offsets = [3328, 512], sizes = [128, 128], strides = [1, 1]} : vector<8192x1024xf32> to vector<128x128xf32>
    %lt3A_1769 = arith.cmpf olt, %slice3A_1768, %min3A_1764 : vector<128x128xf32>
    %min3A_1770 = arith.minimumf %slice3A_1768, %min3A_1764 : vector<128x128xf32>
    %jit3A_1771 = arith.constant 4.000000e+00 : f32
    %broadcast_in_dim3A_1772 = vector.broadcast %jit3A_1771 : f32 to vector<128x128xf32>
    %select_n3A_1773 = arith.select %lt3A_1769, %broadcast_in_dim3A_1772, %select_n3A_1767 : vector<128x128xi1>, vector<128x128xf32>
    %slice3A_1774 = vector.extract_strided_slice %sub3A {offsets = [3328, 640], sizes = [128, 128], strides = [1, 1]} : vector<8192x1024xf32> to vector<128x128xf32>
    %lt3A_1775 = arith.cmpf olt, %slice3A_1774, %min3A_1770 : vector<128x128xf32>
    %min3A_1776 = arith.minimumf %slice3A_1774, %min3A_1770 : vector<128x128xf32>
    %jit3A_1777 = arith.constant 5.000000e+00 : f32
    %broadcast_in_dim3A_1778 = vector.broadcast %jit3A_1777 : f32 to vector<128x128xf32>
    %select_n3A_1779 = arith.select %lt3A_1775, %broadcast_in_dim3A_1778, %select_n3A_1773 : vector<128x128xi1>, vector<128x128xf32>
    %slice3A_1780 = vector.extract_strided_slice %sub3A {offsets = [3328, 768], sizes = [128, 128], strides = [1, 1]} : vector<8192x1024xf32> to vector<128x128xf32>
    %lt3A_1781 = arith.cmpf olt, %slice3A_1780, %min3A_1776 : vector<128x128xf32>
    %min3A_1782 = arith.minimumf %slice3A_1780, %min3A_1776 : vector<128x128xf32>
    %jit3A_1783 = arith.constant 6.000000e+00 : f32
    %broadcast_in_dim3A_1784 = vector.broadcast %jit3A_1783 : f32 to vector<128x128xf32>
    %select_n3A_1785 = arith.select %lt3A_1781, %broadcast_in_dim3A_1784, %select_n3A_1779 : vector<128x128xi1>, vector<128x128xf32>
    %slice3A_1786 = vector.extract_strided_slice %sub3A {offsets = [3328, 896], sizes = [128, 128], strides = [1, 1]} : vector<8192x1024xf32> to vector<128x128xf32>
    %lt3A_1787 = arith.cmpf olt, %slice3A_1786, %min3A_1782 : vector<128x128xf32>
    %min3A_1788 = arith.minimumf %slice3A_1786, %min3A_1782 : vector<128x128xf32>
    %jit3A_1789 = arith.constant 7.000000e+00 : f32
    %broadcast_in_dim3A_1790 = vector.broadcast %jit3A_1789 : f32 to vector<128x128xf32>
    %select_n3A_1791 = arith.select %lt3A_1787, %broadcast_in_dim3A_1790, %select_n3A_1785 : vector<128x128xi1>, vector<128x128xf32>
    %mul3A_1792 = arith.constant 1.280000e+02 : f32
    %mul3A_1793 = vector.broadcast %mul3A_1792 : f32 to vector<128x128xf32>
    %mul3A_1794 = arith.mulf %select_n3A_1791, %mul3A_1793 : vector<128x128xf32>
    %add3A_1795 = arith.addf %mul3A_1794, %convert_element_type3A : vector<128x128xf32>
    %transpose3A_1796 = tpu.transpose %min3A_1788, [1, 0] : vector<128x128xf32> -> vector<128x128xf32>
    %reduce_min3A_1797 = arith.constant dense<0x7F800000> : vector<128xf32>
    %reduce_min3A_1798 = vector.multi_reduction <minimumf>, %transpose3A_1796, %reduce_min3A_1797 [0] : vector<128x128xf32> to vector<128xf32>
    %broadcast_in_dim3A_1799 = vector.shape_cast %reduce_min3A_1798 : vector<128xf32> to vector<1x128xf32>
    %eq3A_1800 = vector.broadcast %broadcast_in_dim3A_1799 : vector<1x128xf32> to vector<128x128xf32>
    %eq3A_1801 = arith.cmpf oeq, %transpose3A_1796, %eq3A_1800 : vector<128x128xf32>
    %transpose3A_1802 = tpu.transpose %add3A_1795, [1, 0] : vector<128x128xf32> -> vector<128x128xf32>
    %jit3A_1803 = arith.constant 1.024000e+03 : f32
    %broadcast_in_dim3A_1804 = vector.broadcast %jit3A_1803 : f32 to vector<128x128xf32>
    %select_n3A_1805 = arith.select %eq3A_1801, %transpose3A_1802, %broadcast_in_dim3A_1804 : vector<128x128xi1>, vector<128x128xf32>
    %reduce_min3A_1806 = arith.constant dense<0x7F800000> : vector<128xf32>
    %reduce_min3A_1807 = vector.multi_reduction <minimumf>, %select_n3A_1805, %reduce_min3A_1806 [0] : vector<128x128xf32> to vector<128xf32>
    %reduce_sum3A_1808 = vector.shape_cast %broadcast_in_dim3A_1799 : vector<1x128xf32> to vector<1x1x128xf32>
    %reduce_sum3A_1809 = arith.constant dense<0.000000e+00> : vector<1xf32>
    %reduce_sum3A_1810 = vector.multi_reduction <add>, %reduce_sum3A_1808, %reduce_sum3A_1809 [1, 2] : vector<1x1x128xf32> to vector<1xf32>
    %reduce_sum3A_1811 = vector.shape_cast %reduce_sum3A_1810 : vector<1xf32> to vector<1x1x1xf32>
    %reduce_sum3A_1812 = vector.extract %reduce_sum3A_1811[0, 0, 0] : f32 from vector<1x1x1xf32>
    %add3A_1813 = arith.addf %add3A_1746, %reduce_sum3A_1812 : f32
    %slice3A_1814 = vector.extract_strided_slice %sub3A {offsets = [3456, 0], sizes = [128, 128], strides = [1, 1]} : vector<8192x1024xf32> to vector<128x128xf32>
    %broadcast_in_dim3A_1815 = arith.constant 0.000000e+00 : f32
    %broadcast_in_dim3A_1816 = vector.broadcast %broadcast_in_dim3A_1815 : f32 to vector<128x128xf32>
    %slice3A_1817 = vector.extract_strided_slice %sub3A {offsets = [3456, 128], sizes = [128, 128], strides = [1, 1]} : vector<8192x1024xf32> to vector<128x128xf32>
    %lt3A_1818 = arith.cmpf olt, %slice3A_1817, %slice3A_1814 : vector<128x128xf32>
    %min3A_1819 = arith.minimumf %slice3A_1817, %slice3A_1814 : vector<128x128xf32>
    %jit3A_1820 = arith.constant 1.000000e+00 : f32
    %broadcast_in_dim3A_1821 = vector.broadcast %jit3A_1820 : f32 to vector<128x128xf32>
    %select_n3A_1822 = arith.select %lt3A_1818, %broadcast_in_dim3A_1821, %broadcast_in_dim3A_1816 : vector<128x128xi1>, vector<128x128xf32>
    %slice3A_1823 = vector.extract_strided_slice %sub3A {offsets = [3456, 256], sizes = [128, 128], strides = [1, 1]} : vector<8192x1024xf32> to vector<128x128xf32>
    %lt3A_1824 = arith.cmpf olt, %slice3A_1823, %min3A_1819 : vector<128x128xf32>
    %min3A_1825 = arith.minimumf %slice3A_1823, %min3A_1819 : vector<128x128xf32>
    %jit3A_1826 = arith.constant 2.000000e+00 : f32
    %broadcast_in_dim3A_1827 = vector.broadcast %jit3A_1826 : f32 to vector<128x128xf32>
    %select_n3A_1828 = arith.select %lt3A_1824, %broadcast_in_dim3A_1827, %select_n3A_1822 : vector<128x128xi1>, vector<128x128xf32>
    %slice3A_1829 = vector.extract_strided_slice %sub3A {offsets = [3456, 384], sizes = [128, 128], strides = [1, 1]} : vector<8192x1024xf32> to vector<128x128xf32>
    %lt3A_1830 = arith.cmpf olt, %slice3A_1829, %min3A_1825 : vector<128x128xf32>
    %min3A_1831 = arith.minimumf %slice3A_1829, %min3A_1825 : vector<128x128xf32>
    %jit3A_1832 = arith.constant 3.000000e+00 : f32
    %broadcast_in_dim3A_1833 = vector.broadcast %jit3A_1832 : f32 to vector<128x128xf32>
    %select_n3A_1834 = arith.select %lt3A_1830, %broadcast_in_dim3A_1833, %select_n3A_1828 : vector<128x128xi1>, vector<128x128xf32>
    %slice3A_1835 = vector.extract_strided_slice %sub3A {offsets = [3456, 512], sizes = [128, 128], strides = [1, 1]} : vector<8192x1024xf32> to vector<128x128xf32>
    %lt3A_1836 = arith.cmpf olt, %slice3A_1835, %min3A_1831 : vector<128x128xf32>
    %min3A_1837 = arith.minimumf %slice3A_1835, %min3A_1831 : vector<128x128xf32>
    %jit3A_1838 = arith.constant 4.000000e+00 : f32
    %broadcast_in_dim3A_1839 = vector.broadcast %jit3A_1838 : f32 to vector<128x128xf32>
    %select_n3A_1840 = arith.select %lt3A_1836, %broadcast_in_dim3A_1839, %select_n3A_1834 : vector<128x128xi1>, vector<128x128xf32>
    %slice3A_1841 = vector.extract_strided_slice %sub3A {offsets = [3456, 640], sizes = [128, 128], strides = [1, 1]} : vector<8192x1024xf32> to vector<128x128xf32>
    %lt3A_1842 = arith.cmpf olt, %slice3A_1841, %min3A_1837 : vector<128x128xf32>
    %min3A_1843 = arith.minimumf %slice3A_1841, %min3A_1837 : vector<128x128xf32>
    %jit3A_1844 = arith.constant 5.000000e+00 : f32
    %broadcast_in_dim3A_1845 = vector.broadcast %jit3A_1844 : f32 to vector<128x128xf32>
    %select_n3A_1846 = arith.select %lt3A_1842, %broadcast_in_dim3A_1845, %select_n3A_1840 : vector<128x128xi1>, vector<128x128xf32>
    %slice3A_1847 = vector.extract_strided_slice %sub3A {offsets = [3456, 768], sizes = [128, 128], strides = [1, 1]} : vector<8192x1024xf32> to vector<128x128xf32>
    %lt3A_1848 = arith.cmpf olt, %slice3A_1847, %min3A_1843 : vector<128x128xf32>
    %min3A_1849 = arith.minimumf %slice3A_1847, %min3A_1843 : vector<128x128xf32>
    %jit3A_1850 = arith.constant 6.000000e+00 : f32
    %broadcast_in_dim3A_1851 = vector.broadcast %jit3A_1850 : f32 to vector<128x128xf32>
    %select_n3A_1852 = arith.select %lt3A_1848, %broadcast_in_dim3A_1851, %select_n3A_1846 : vector<128x128xi1>, vector<128x128xf32>
    %slice3A_1853 = vector.extract_strided_slice %sub3A {offsets = [3456, 896], sizes = [128, 128], strides = [1, 1]} : vector<8192x1024xf32> to vector<128x128xf32>
    %lt3A_1854 = arith.cmpf olt, %slice3A_1853, %min3A_1849 : vector<128x128xf32>
    %min3A_1855 = arith.minimumf %slice3A_1853, %min3A_1849 : vector<128x128xf32>
    %jit3A_1856 = arith.constant 7.000000e+00 : f32
    %broadcast_in_dim3A_1857 = vector.broadcast %jit3A_1856 : f32 to vector<128x128xf32>
    %select_n3A_1858 = arith.select %lt3A_1854, %broadcast_in_dim3A_1857, %select_n3A_1852 : vector<128x128xi1>, vector<128x128xf32>
    %mul3A_1859 = arith.constant 1.280000e+02 : f32
    %mul3A_1860 = vector.broadcast %mul3A_1859 : f32 to vector<128x128xf32>
    %mul3A_1861 = arith.mulf %select_n3A_1858, %mul3A_1860 : vector<128x128xf32>
    %add3A_1862 = arith.addf %mul3A_1861, %convert_element_type3A : vector<128x128xf32>
    %transpose3A_1863 = tpu.transpose %min3A_1855, [1, 0] : vector<128x128xf32> -> vector<128x128xf32>
    %reduce_min3A_1864 = arith.constant dense<0x7F800000> : vector<128xf32>
    %reduce_min3A_1865 = vector.multi_reduction <minimumf>, %transpose3A_1863, %reduce_min3A_1864 [0] : vector<128x128xf32> to vector<128xf32>
    %broadcast_in_dim3A_1866 = vector.shape_cast %reduce_min3A_1865 : vector<128xf32> to vector<1x128xf32>
    %eq3A_1867 = vector.broadcast %broadcast_in_dim3A_1866 : vector<1x128xf32> to vector<128x128xf32>
    %eq3A_1868 = arith.cmpf oeq, %transpose3A_1863, %eq3A_1867 : vector<128x128xf32>
    %transpose3A_1869 = tpu.transpose %add3A_1862, [1, 0] : vector<128x128xf32> -> vector<128x128xf32>
    %jit3A_1870 = arith.constant 1.024000e+03 : f32
    %broadcast_in_dim3A_1871 = vector.broadcast %jit3A_1870 : f32 to vector<128x128xf32>
    %select_n3A_1872 = arith.select %eq3A_1868, %transpose3A_1869, %broadcast_in_dim3A_1871 : vector<128x128xi1>, vector<128x128xf32>
    %reduce_min3A_1873 = arith.constant dense<0x7F800000> : vector<128xf32>
    %reduce_min3A_1874 = vector.multi_reduction <minimumf>, %select_n3A_1872, %reduce_min3A_1873 [0] : vector<128x128xf32> to vector<128xf32>
    %reduce_sum3A_1875 = vector.shape_cast %broadcast_in_dim3A_1866 : vector<1x128xf32> to vector<1x1x128xf32>
    %reduce_sum3A_1876 = arith.constant dense<0.000000e+00> : vector<1xf32>
    %reduce_sum3A_1877 = vector.multi_reduction <add>, %reduce_sum3A_1875, %reduce_sum3A_1876 [1, 2] : vector<1x1x128xf32> to vector<1xf32>
    %reduce_sum3A_1878 = vector.shape_cast %reduce_sum3A_1877 : vector<1xf32> to vector<1x1x1xf32>
    %reduce_sum3A_1879 = vector.extract %reduce_sum3A_1878[0, 0, 0] : f32 from vector<1x1x1xf32>
    %add3A_1880 = arith.addf %add3A_1813, %reduce_sum3A_1879 : f32
    %slice3A_1881 = vector.extract_strided_slice %sub3A {offsets = [3584, 0], sizes = [128, 128], strides = [1, 1]} : vector<8192x1024xf32> to vector<128x128xf32>
    %broadcast_in_dim3A_1882 = arith.constant 0.000000e+00 : f32
    %broadcast_in_dim3A_1883 = vector.broadcast %broadcast_in_dim3A_1882 : f32 to vector<128x128xf32>
    %slice3A_1884 = vector.extract_strided_slice %sub3A {offsets = [3584, 128], sizes = [128, 128], strides = [1, 1]} : vector<8192x1024xf32> to vector<128x128xf32>
    %lt3A_1885 = arith.cmpf olt, %slice3A_1884, %slice3A_1881 : vector<128x128xf32>
    %min3A_1886 = arith.minimumf %slice3A_1884, %slice3A_1881 : vector<128x128xf32>
    %jit3A_1887 = arith.constant 1.000000e+00 : f32
    %broadcast_in_dim3A_1888 = vector.broadcast %jit3A_1887 : f32 to vector<128x128xf32>
    %select_n3A_1889 = arith.select %lt3A_1885, %broadcast_in_dim3A_1888, %broadcast_in_dim3A_1883 : vector<128x128xi1>, vector<128x128xf32>
    %slice3A_1890 = vector.extract_strided_slice %sub3A {offsets = [3584, 256], sizes = [128, 128], strides = [1, 1]} : vector<8192x1024xf32> to vector<128x128xf32>
    %lt3A_1891 = arith.cmpf olt, %slice3A_1890, %min3A_1886 : vector<128x128xf32>
    %min3A_1892 = arith.minimumf %slice3A_1890, %min3A_1886 : vector<128x128xf32>
    %jit3A_1893 = arith.constant 2.000000e+00 : f32
    %broadcast_in_dim3A_1894 = vector.broadcast %jit3A_1893 : f32 to vector<128x128xf32>
    %select_n3A_1895 = arith.select %lt3A_1891, %broadcast_in_dim3A_1894, %select_n3A_1889 : vector<128x128xi1>, vector<128x128xf32>
    %slice3A_1896 = vector.extract_strided_slice %sub3A {offsets = [3584, 384], sizes = [128, 128], strides = [1, 1]} : vector<8192x1024xf32> to vector<128x128xf32>
    %lt3A_1897 = arith.cmpf olt, %slice3A_1896, %min3A_1892 : vector<128x128xf32>
    %min3A_1898 = arith.minimumf %slice3A_1896, %min3A_1892 : vector<128x128xf32>
    %jit3A_1899 = arith.constant 3.000000e+00 : f32
    %broadcast_in_dim3A_1900 = vector.broadcast %jit3A_1899 : f32 to vector<128x128xf32>
    %select_n3A_1901 = arith.select %lt3A_1897, %broadcast_in_dim3A_1900, %select_n3A_1895 : vector<128x128xi1>, vector<128x128xf32>
    %slice3A_1902 = vector.extract_strided_slice %sub3A {offsets = [3584, 512], sizes = [128, 128], strides = [1, 1]} : vector<8192x1024xf32> to vector<128x128xf32>
    %lt3A_1903 = arith.cmpf olt, %slice3A_1902, %min3A_1898 : vector<128x128xf32>
    %min3A_1904 = arith.minimumf %slice3A_1902, %min3A_1898 : vector<128x128xf32>
    %jit3A_1905 = arith.constant 4.000000e+00 : f32
    %broadcast_in_dim3A_1906 = vector.broadcast %jit3A_1905 : f32 to vector<128x128xf32>
    %select_n3A_1907 = arith.select %lt3A_1903, %broadcast_in_dim3A_1906, %select_n3A_1901 : vector<128x128xi1>, vector<128x128xf32>
    %slice3A_1908 = vector.extract_strided_slice %sub3A {offsets = [3584, 640], sizes = [128, 128], strides = [1, 1]} : vector<8192x1024xf32> to vector<128x128xf32>
    %lt3A_1909 = arith.cmpf olt, %slice3A_1908, %min3A_1904 : vector<128x128xf32>
    %min3A_1910 = arith.minimumf %slice3A_1908, %min3A_1904 : vector<128x128xf32>
    %jit3A_1911 = arith.constant 5.000000e+00 : f32
    %broadcast_in_dim3A_1912 = vector.broadcast %jit3A_1911 : f32 to vector<128x128xf32>
    %select_n3A_1913 = arith.select %lt3A_1909, %broadcast_in_dim3A_1912, %select_n3A_1907 : vector<128x128xi1>, vector<128x128xf32>
    %slice3A_1914 = vector.extract_strided_slice %sub3A {offsets = [3584, 768], sizes = [128, 128], strides = [1, 1]} : vector<8192x1024xf32> to vector<128x128xf32>
    %lt3A_1915 = arith.cmpf olt, %slice3A_1914, %min3A_1910 : vector<128x128xf32>
    %min3A_1916 = arith.minimumf %slice3A_1914, %min3A_1910 : vector<128x128xf32>
    %jit3A_1917 = arith.constant 6.000000e+00 : f32
    %broadcast_in_dim3A_1918 = vector.broadcast %jit3A_1917 : f32 to vector<128x128xf32>
    %select_n3A_1919 = arith.select %lt3A_1915, %broadcast_in_dim3A_1918, %select_n3A_1913 : vector<128x128xi1>, vector<128x128xf32>
    %slice3A_1920 = vector.extract_strided_slice %sub3A {offsets = [3584, 896], sizes = [128, 128], strides = [1, 1]} : vector<8192x1024xf32> to vector<128x128xf32>
    %lt3A_1921 = arith.cmpf olt, %slice3A_1920, %min3A_1916 : vector<128x128xf32>
    %min3A_1922 = arith.minimumf %slice3A_1920, %min3A_1916 : vector<128x128xf32>
    %jit3A_1923 = arith.constant 7.000000e+00 : f32
    %broadcast_in_dim3A_1924 = vector.broadcast %jit3A_1923 : f32 to vector<128x128xf32>
    %select_n3A_1925 = arith.select %lt3A_1921, %broadcast_in_dim3A_1924, %select_n3A_1919 : vector<128x128xi1>, vector<128x128xf32>
    %mul3A_1926 = arith.constant 1.280000e+02 : f32
    %mul3A_1927 = vector.broadcast %mul3A_1926 : f32 to vector<128x128xf32>
    %mul3A_1928 = arith.mulf %select_n3A_1925, %mul3A_1927 : vector<128x128xf32>
    %add3A_1929 = arith.addf %mul3A_1928, %convert_element_type3A : vector<128x128xf32>
    %transpose3A_1930 = tpu.transpose %min3A_1922, [1, 0] : vector<128x128xf32> -> vector<128x128xf32>
    %reduce_min3A_1931 = arith.constant dense<0x7F800000> : vector<128xf32>
    %reduce_min3A_1932 = vector.multi_reduction <minimumf>, %transpose3A_1930, %reduce_min3A_1931 [0] : vector<128x128xf32> to vector<128xf32>
    %broadcast_in_dim3A_1933 = vector.shape_cast %reduce_min3A_1932 : vector<128xf32> to vector<1x128xf32>
    %eq3A_1934 = vector.broadcast %broadcast_in_dim3A_1933 : vector<1x128xf32> to vector<128x128xf32>
    %eq3A_1935 = arith.cmpf oeq, %transpose3A_1930, %eq3A_1934 : vector<128x128xf32>
    %transpose3A_1936 = tpu.transpose %add3A_1929, [1, 0] : vector<128x128xf32> -> vector<128x128xf32>
    %jit3A_1937 = arith.constant 1.024000e+03 : f32
    %broadcast_in_dim3A_1938 = vector.broadcast %jit3A_1937 : f32 to vector<128x128xf32>
    %select_n3A_1939 = arith.select %eq3A_1935, %transpose3A_1936, %broadcast_in_dim3A_1938 : vector<128x128xi1>, vector<128x128xf32>
    %reduce_min3A_1940 = arith.constant dense<0x7F800000> : vector<128xf32>
    %reduce_min3A_1941 = vector.multi_reduction <minimumf>, %select_n3A_1939, %reduce_min3A_1940 [0] : vector<128x128xf32> to vector<128xf32>
    %reduce_sum3A_1942 = vector.shape_cast %broadcast_in_dim3A_1933 : vector<1x128xf32> to vector<1x1x128xf32>
    %reduce_sum3A_1943 = arith.constant dense<0.000000e+00> : vector<1xf32>
    %reduce_sum3A_1944 = vector.multi_reduction <add>, %reduce_sum3A_1942, %reduce_sum3A_1943 [1, 2] : vector<1x1x128xf32> to vector<1xf32>
    %reduce_sum3A_1945 = vector.shape_cast %reduce_sum3A_1944 : vector<1xf32> to vector<1x1x1xf32>
    %reduce_sum3A_1946 = vector.extract %reduce_sum3A_1945[0, 0, 0] : f32 from vector<1x1x1xf32>
    %add3A_1947 = arith.addf %add3A_1880, %reduce_sum3A_1946 : f32
    %slice3A_1948 = vector.extract_strided_slice %sub3A {offsets = [3712, 0], sizes = [128, 128], strides = [1, 1]} : vector<8192x1024xf32> to vector<128x128xf32>
    %broadcast_in_dim3A_1949 = arith.constant 0.000000e+00 : f32
    %broadcast_in_dim3A_1950 = vector.broadcast %broadcast_in_dim3A_1949 : f32 to vector<128x128xf32>
    %slice3A_1951 = vector.extract_strided_slice %sub3A {offsets = [3712, 128], sizes = [128, 128], strides = [1, 1]} : vector<8192x1024xf32> to vector<128x128xf32>
    %lt3A_1952 = arith.cmpf olt, %slice3A_1951, %slice3A_1948 : vector<128x128xf32>
    %min3A_1953 = arith.minimumf %slice3A_1951, %slice3A_1948 : vector<128x128xf32>
    %jit3A_1954 = arith.constant 1.000000e+00 : f32
    %broadcast_in_dim3A_1955 = vector.broadcast %jit3A_1954 : f32 to vector<128x128xf32>
    %select_n3A_1956 = arith.select %lt3A_1952, %broadcast_in_dim3A_1955, %broadcast_in_dim3A_1950 : vector<128x128xi1>, vector<128x128xf32>
    %slice3A_1957 = vector.extract_strided_slice %sub3A {offsets = [3712, 256], sizes = [128, 128], strides = [1, 1]} : vector<8192x1024xf32> to vector<128x128xf32>
    %lt3A_1958 = arith.cmpf olt, %slice3A_1957, %min3A_1953 : vector<128x128xf32>
    %min3A_1959 = arith.minimumf %slice3A_1957, %min3A_1953 : vector<128x128xf32>
    %jit3A_1960 = arith.constant 2.000000e+00 : f32
    %broadcast_in_dim3A_1961 = vector.broadcast %jit3A_1960 : f32 to vector<128x128xf32>
    %select_n3A_1962 = arith.select %lt3A_1958, %broadcast_in_dim3A_1961, %select_n3A_1956 : vector<128x128xi1>, vector<128x128xf32>
    %slice3A_1963 = vector.extract_strided_slice %sub3A {offsets = [3712, 384], sizes = [128, 128], strides = [1, 1]} : vector<8192x1024xf32> to vector<128x128xf32>
    %lt3A_1964 = arith.cmpf olt, %slice3A_1963, %min3A_1959 : vector<128x128xf32>
    %min3A_1965 = arith.minimumf %slice3A_1963, %min3A_1959 : vector<128x128xf32>
    %jit3A_1966 = arith.constant 3.000000e+00 : f32
    %broadcast_in_dim3A_1967 = vector.broadcast %jit3A_1966 : f32 to vector<128x128xf32>
    %select_n3A_1968 = arith.select %lt3A_1964, %broadcast_in_dim3A_1967, %select_n3A_1962 : vector<128x128xi1>, vector<128x128xf32>
    %slice3A_1969 = vector.extract_strided_slice %sub3A {offsets = [3712, 512], sizes = [128, 128], strides = [1, 1]} : vector<8192x1024xf32> to vector<128x128xf32>
    %lt3A_1970 = arith.cmpf olt, %slice3A_1969, %min3A_1965 : vector<128x128xf32>
    %min3A_1971 = arith.minimumf %slice3A_1969, %min3A_1965 : vector<128x128xf32>
    %jit3A_1972 = arith.constant 4.000000e+00 : f32
    %broadcast_in_dim3A_1973 = vector.broadcast %jit3A_1972 : f32 to vector<128x128xf32>
    %select_n3A_1974 = arith.select %lt3A_1970, %broadcast_in_dim3A_1973, %select_n3A_1968 : vector<128x128xi1>, vector<128x128xf32>
    %slice3A_1975 = vector.extract_strided_slice %sub3A {offsets = [3712, 640], sizes = [128, 128], strides = [1, 1]} : vector<8192x1024xf32> to vector<128x128xf32>
    %lt3A_1976 = arith.cmpf olt, %slice3A_1975, %min3A_1971 : vector<128x128xf32>
    %min3A_1977 = arith.minimumf %slice3A_1975, %min3A_1971 : vector<128x128xf32>
    %jit3A_1978 = arith.constant 5.000000e+00 : f32
    %broadcast_in_dim3A_1979 = vector.broadcast %jit3A_1978 : f32 to vector<128x128xf32>
    %select_n3A_1980 = arith.select %lt3A_1976, %broadcast_in_dim3A_1979, %select_n3A_1974 : vector<128x128xi1>, vector<128x128xf32>
    %slice3A_1981 = vector.extract_strided_slice %sub3A {offsets = [3712, 768], sizes = [128, 128], strides = [1, 1]} : vector<8192x1024xf32> to vector<128x128xf32>
    %lt3A_1982 = arith.cmpf olt, %slice3A_1981, %min3A_1977 : vector<128x128xf32>
    %min3A_1983 = arith.minimumf %slice3A_1981, %min3A_1977 : vector<128x128xf32>
    %jit3A_1984 = arith.constant 6.000000e+00 : f32
    %broadcast_in_dim3A_1985 = vector.broadcast %jit3A_1984 : f32 to vector<128x128xf32>
    %select_n3A_1986 = arith.select %lt3A_1982, %broadcast_in_dim3A_1985, %select_n3A_1980 : vector<128x128xi1>, vector<128x128xf32>
    %slice3A_1987 = vector.extract_strided_slice %sub3A {offsets = [3712, 896], sizes = [128, 128], strides = [1, 1]} : vector<8192x1024xf32> to vector<128x128xf32>
    %lt3A_1988 = arith.cmpf olt, %slice3A_1987, %min3A_1983 : vector<128x128xf32>
    %min3A_1989 = arith.minimumf %slice3A_1987, %min3A_1983 : vector<128x128xf32>
    %jit3A_1990 = arith.constant 7.000000e+00 : f32
    %broadcast_in_dim3A_1991 = vector.broadcast %jit3A_1990 : f32 to vector<128x128xf32>
    %select_n3A_1992 = arith.select %lt3A_1988, %broadcast_in_dim3A_1991, %select_n3A_1986 : vector<128x128xi1>, vector<128x128xf32>
    %mul3A_1993 = arith.constant 1.280000e+02 : f32
    %mul3A_1994 = vector.broadcast %mul3A_1993 : f32 to vector<128x128xf32>
    %mul3A_1995 = arith.mulf %select_n3A_1992, %mul3A_1994 : vector<128x128xf32>
    %add3A_1996 = arith.addf %mul3A_1995, %convert_element_type3A : vector<128x128xf32>
    %transpose3A_1997 = tpu.transpose %min3A_1989, [1, 0] : vector<128x128xf32> -> vector<128x128xf32>
    %reduce_min3A_1998 = arith.constant dense<0x7F800000> : vector<128xf32>
    %reduce_min3A_1999 = vector.multi_reduction <minimumf>, %transpose3A_1997, %reduce_min3A_1998 [0] : vector<128x128xf32> to vector<128xf32>
    %broadcast_in_dim3A_2000 = vector.shape_cast %reduce_min3A_1999 : vector<128xf32> to vector<1x128xf32>
    %eq3A_2001 = vector.broadcast %broadcast_in_dim3A_2000 : vector<1x128xf32> to vector<128x128xf32>
    %eq3A_2002 = arith.cmpf oeq, %transpose3A_1997, %eq3A_2001 : vector<128x128xf32>
    %transpose3A_2003 = tpu.transpose %add3A_1996, [1, 0] : vector<128x128xf32> -> vector<128x128xf32>
    %jit3A_2004 = arith.constant 1.024000e+03 : f32
    %broadcast_in_dim3A_2005 = vector.broadcast %jit3A_2004 : f32 to vector<128x128xf32>
    %select_n3A_2006 = arith.select %eq3A_2002, %transpose3A_2003, %broadcast_in_dim3A_2005 : vector<128x128xi1>, vector<128x128xf32>
    %reduce_min3A_2007 = arith.constant dense<0x7F800000> : vector<128xf32>
    %reduce_min3A_2008 = vector.multi_reduction <minimumf>, %select_n3A_2006, %reduce_min3A_2007 [0] : vector<128x128xf32> to vector<128xf32>
    %reduce_sum3A_2009 = vector.shape_cast %broadcast_in_dim3A_2000 : vector<1x128xf32> to vector<1x1x128xf32>
    %reduce_sum3A_2010 = arith.constant dense<0.000000e+00> : vector<1xf32>
    %reduce_sum3A_2011 = vector.multi_reduction <add>, %reduce_sum3A_2009, %reduce_sum3A_2010 [1, 2] : vector<1x1x128xf32> to vector<1xf32>
    %reduce_sum3A_2012 = vector.shape_cast %reduce_sum3A_2011 : vector<1xf32> to vector<1x1x1xf32>
    %reduce_sum3A_2013 = vector.extract %reduce_sum3A_2012[0, 0, 0] : f32 from vector<1x1x1xf32>
    %add3A_2014 = arith.addf %add3A_1947, %reduce_sum3A_2013 : f32
    %slice3A_2015 = vector.extract_strided_slice %sub3A {offsets = [3840, 0], sizes = [128, 128], strides = [1, 1]} : vector<8192x1024xf32> to vector<128x128xf32>
    %broadcast_in_dim3A_2016 = arith.constant 0.000000e+00 : f32
    %broadcast_in_dim3A_2017 = vector.broadcast %broadcast_in_dim3A_2016 : f32 to vector<128x128xf32>
    %slice3A_2018 = vector.extract_strided_slice %sub3A {offsets = [3840, 128], sizes = [128, 128], strides = [1, 1]} : vector<8192x1024xf32> to vector<128x128xf32>
    %lt3A_2019 = arith.cmpf olt, %slice3A_2018, %slice3A_2015 : vector<128x128xf32>
    %min3A_2020 = arith.minimumf %slice3A_2018, %slice3A_2015 : vector<128x128xf32>
    %jit3A_2021 = arith.constant 1.000000e+00 : f32
    %broadcast_in_dim3A_2022 = vector.broadcast %jit3A_2021 : f32 to vector<128x128xf32>
    %select_n3A_2023 = arith.select %lt3A_2019, %broadcast_in_dim3A_2022, %broadcast_in_dim3A_2017 : vector<128x128xi1>, vector<128x128xf32>
    %slice3A_2024 = vector.extract_strided_slice %sub3A {offsets = [3840, 256], sizes = [128, 128], strides = [1, 1]} : vector<8192x1024xf32> to vector<128x128xf32>
    %lt3A_2025 = arith.cmpf olt, %slice3A_2024, %min3A_2020 : vector<128x128xf32>
    %min3A_2026 = arith.minimumf %slice3A_2024, %min3A_2020 : vector<128x128xf32>
    %jit3A_2027 = arith.constant 2.000000e+00 : f32
    %broadcast_in_dim3A_2028 = vector.broadcast %jit3A_2027 : f32 to vector<128x128xf32>
    %select_n3A_2029 = arith.select %lt3A_2025, %broadcast_in_dim3A_2028, %select_n3A_2023 : vector<128x128xi1>, vector<128x128xf32>
    %slice3A_2030 = vector.extract_strided_slice %sub3A {offsets = [3840, 384], sizes = [128, 128], strides = [1, 1]} : vector<8192x1024xf32> to vector<128x128xf32>
    %lt3A_2031 = arith.cmpf olt, %slice3A_2030, %min3A_2026 : vector<128x128xf32>
    %min3A_2032 = arith.minimumf %slice3A_2030, %min3A_2026 : vector<128x128xf32>
    %jit3A_2033 = arith.constant 3.000000e+00 : f32
    %broadcast_in_dim3A_2034 = vector.broadcast %jit3A_2033 : f32 to vector<128x128xf32>
    %select_n3A_2035 = arith.select %lt3A_2031, %broadcast_in_dim3A_2034, %select_n3A_2029 : vector<128x128xi1>, vector<128x128xf32>
    %slice3A_2036 = vector.extract_strided_slice %sub3A {offsets = [3840, 512], sizes = [128, 128], strides = [1, 1]} : vector<8192x1024xf32> to vector<128x128xf32>
    %lt3A_2037 = arith.cmpf olt, %slice3A_2036, %min3A_2032 : vector<128x128xf32>
    %min3A_2038 = arith.minimumf %slice3A_2036, %min3A_2032 : vector<128x128xf32>
    %jit3A_2039 = arith.constant 4.000000e+00 : f32
    %broadcast_in_dim3A_2040 = vector.broadcast %jit3A_2039 : f32 to vector<128x128xf32>
    %select_n3A_2041 = arith.select %lt3A_2037, %broadcast_in_dim3A_2040, %select_n3A_2035 : vector<128x128xi1>, vector<128x128xf32>
    %slice3A_2042 = vector.extract_strided_slice %sub3A {offsets = [3840, 640], sizes = [128, 128], strides = [1, 1]} : vector<8192x1024xf32> to vector<128x128xf32>
    %lt3A_2043 = arith.cmpf olt, %slice3A_2042, %min3A_2038 : vector<128x128xf32>
    %min3A_2044 = arith.minimumf %slice3A_2042, %min3A_2038 : vector<128x128xf32>
    %jit3A_2045 = arith.constant 5.000000e+00 : f32
    %broadcast_in_dim3A_2046 = vector.broadcast %jit3A_2045 : f32 to vector<128x128xf32>
    %select_n3A_2047 = arith.select %lt3A_2043, %broadcast_in_dim3A_2046, %select_n3A_2041 : vector<128x128xi1>, vector<128x128xf32>
    %slice3A_2048 = vector.extract_strided_slice %sub3A {offsets = [3840, 768], sizes = [128, 128], strides = [1, 1]} : vector<8192x1024xf32> to vector<128x128xf32>
    %lt3A_2049 = arith.cmpf olt, %slice3A_2048, %min3A_2044 : vector<128x128xf32>
    %min3A_2050 = arith.minimumf %slice3A_2048, %min3A_2044 : vector<128x128xf32>
    %jit3A_2051 = arith.constant 6.000000e+00 : f32
    %broadcast_in_dim3A_2052 = vector.broadcast %jit3A_2051 : f32 to vector<128x128xf32>
    %select_n3A_2053 = arith.select %lt3A_2049, %broadcast_in_dim3A_2052, %select_n3A_2047 : vector<128x128xi1>, vector<128x128xf32>
    %slice3A_2054 = vector.extract_strided_slice %sub3A {offsets = [3840, 896], sizes = [128, 128], strides = [1, 1]} : vector<8192x1024xf32> to vector<128x128xf32>
    %lt3A_2055 = arith.cmpf olt, %slice3A_2054, %min3A_2050 : vector<128x128xf32>
    %min3A_2056 = arith.minimumf %slice3A_2054, %min3A_2050 : vector<128x128xf32>
    %jit3A_2057 = arith.constant 7.000000e+00 : f32
    %broadcast_in_dim3A_2058 = vector.broadcast %jit3A_2057 : f32 to vector<128x128xf32>
    %select_n3A_2059 = arith.select %lt3A_2055, %broadcast_in_dim3A_2058, %select_n3A_2053 : vector<128x128xi1>, vector<128x128xf32>
    %mul3A_2060 = arith.constant 1.280000e+02 : f32
    %mul3A_2061 = vector.broadcast %mul3A_2060 : f32 to vector<128x128xf32>
    %mul3A_2062 = arith.mulf %select_n3A_2059, %mul3A_2061 : vector<128x128xf32>
    %add3A_2063 = arith.addf %mul3A_2062, %convert_element_type3A : vector<128x128xf32>
    %transpose3A_2064 = tpu.transpose %min3A_2056, [1, 0] : vector<128x128xf32> -> vector<128x128xf32>
    %reduce_min3A_2065 = arith.constant dense<0x7F800000> : vector<128xf32>
    %reduce_min3A_2066 = vector.multi_reduction <minimumf>, %transpose3A_2064, %reduce_min3A_2065 [0] : vector<128x128xf32> to vector<128xf32>
    %broadcast_in_dim3A_2067 = vector.shape_cast %reduce_min3A_2066 : vector<128xf32> to vector<1x128xf32>
    %eq3A_2068 = vector.broadcast %broadcast_in_dim3A_2067 : vector<1x128xf32> to vector<128x128xf32>
    %eq3A_2069 = arith.cmpf oeq, %transpose3A_2064, %eq3A_2068 : vector<128x128xf32>
    %transpose3A_2070 = tpu.transpose %add3A_2063, [1, 0] : vector<128x128xf32> -> vector<128x128xf32>
    %jit3A_2071 = arith.constant 1.024000e+03 : f32
    %broadcast_in_dim3A_2072 = vector.broadcast %jit3A_2071 : f32 to vector<128x128xf32>
    %select_n3A_2073 = arith.select %eq3A_2069, %transpose3A_2070, %broadcast_in_dim3A_2072 : vector<128x128xi1>, vector<128x128xf32>
    %reduce_min3A_2074 = arith.constant dense<0x7F800000> : vector<128xf32>
    %reduce_min3A_2075 = vector.multi_reduction <minimumf>, %select_n3A_2073, %reduce_min3A_2074 [0] : vector<128x128xf32> to vector<128xf32>
    %reduce_sum3A_2076 = vector.shape_cast %broadcast_in_dim3A_2067 : vector<1x128xf32> to vector<1x1x128xf32>
    %reduce_sum3A_2077 = arith.constant dense<0.000000e+00> : vector<1xf32>
    %reduce_sum3A_2078 = vector.multi_reduction <add>, %reduce_sum3A_2076, %reduce_sum3A_2077 [1, 2] : vector<1x1x128xf32> to vector<1xf32>
    %reduce_sum3A_2079 = vector.shape_cast %reduce_sum3A_2078 : vector<1xf32> to vector<1x1x1xf32>
    %reduce_sum3A_2080 = vector.extract %reduce_sum3A_2079[0, 0, 0] : f32 from vector<1x1x1xf32>
    %add3A_2081 = arith.addf %add3A_2014, %reduce_sum3A_2080 : f32
    %slice3A_2082 = vector.extract_strided_slice %sub3A {offsets = [3968, 0], sizes = [128, 128], strides = [1, 1]} : vector<8192x1024xf32> to vector<128x128xf32>
    %broadcast_in_dim3A_2083 = arith.constant 0.000000e+00 : f32
    %broadcast_in_dim3A_2084 = vector.broadcast %broadcast_in_dim3A_2083 : f32 to vector<128x128xf32>
    %slice3A_2085 = vector.extract_strided_slice %sub3A {offsets = [3968, 128], sizes = [128, 128], strides = [1, 1]} : vector<8192x1024xf32> to vector<128x128xf32>
    %lt3A_2086 = arith.cmpf olt, %slice3A_2085, %slice3A_2082 : vector<128x128xf32>
    %min3A_2087 = arith.minimumf %slice3A_2085, %slice3A_2082 : vector<128x128xf32>
    %jit3A_2088 = arith.constant 1.000000e+00 : f32
    %broadcast_in_dim3A_2089 = vector.broadcast %jit3A_2088 : f32 to vector<128x128xf32>
    %select_n3A_2090 = arith.select %lt3A_2086, %broadcast_in_dim3A_2089, %broadcast_in_dim3A_2084 : vector<128x128xi1>, vector<128x128xf32>
    %slice3A_2091 = vector.extract_strided_slice %sub3A {offsets = [3968, 256], sizes = [128, 128], strides = [1, 1]} : vector<8192x1024xf32> to vector<128x128xf32>
    %lt3A_2092 = arith.cmpf olt, %slice3A_2091, %min3A_2087 : vector<128x128xf32>
    %min3A_2093 = arith.minimumf %slice3A_2091, %min3A_2087 : vector<128x128xf32>
    %jit3A_2094 = arith.constant 2.000000e+00 : f32
    %broadcast_in_dim3A_2095 = vector.broadcast %jit3A_2094 : f32 to vector<128x128xf32>
    %select_n3A_2096 = arith.select %lt3A_2092, %broadcast_in_dim3A_2095, %select_n3A_2090 : vector<128x128xi1>, vector<128x128xf32>
    %slice3A_2097 = vector.extract_strided_slice %sub3A {offsets = [3968, 384], sizes = [128, 128], strides = [1, 1]} : vector<8192x1024xf32> to vector<128x128xf32>
    %lt3A_2098 = arith.cmpf olt, %slice3A_2097, %min3A_2093 : vector<128x128xf32>
    %min3A_2099 = arith.minimumf %slice3A_2097, %min3A_2093 : vector<128x128xf32>
    %jit3A_2100 = arith.constant 3.000000e+00 : f32
    %broadcast_in_dim3A_2101 = vector.broadcast %jit3A_2100 : f32 to vector<128x128xf32>
    %select_n3A_2102 = arith.select %lt3A_2098, %broadcast_in_dim3A_2101, %select_n3A_2096 : vector<128x128xi1>, vector<128x128xf32>
    %slice3A_2103 = vector.extract_strided_slice %sub3A {offsets = [3968, 512], sizes = [128, 128], strides = [1, 1]} : vector<8192x1024xf32> to vector<128x128xf32>
    %lt3A_2104 = arith.cmpf olt, %slice3A_2103, %min3A_2099 : vector<128x128xf32>
    %min3A_2105 = arith.minimumf %slice3A_2103, %min3A_2099 : vector<128x128xf32>
    %jit3A_2106 = arith.constant 4.000000e+00 : f32
    %broadcast_in_dim3A_2107 = vector.broadcast %jit3A_2106 : f32 to vector<128x128xf32>
    %select_n3A_2108 = arith.select %lt3A_2104, %broadcast_in_dim3A_2107, %select_n3A_2102 : vector<128x128xi1>, vector<128x128xf32>
    %slice3A_2109 = vector.extract_strided_slice %sub3A {offsets = [3968, 640], sizes = [128, 128], strides = [1, 1]} : vector<8192x1024xf32> to vector<128x128xf32>
    %lt3A_2110 = arith.cmpf olt, %slice3A_2109, %min3A_2105 : vector<128x128xf32>
    %min3A_2111 = arith.minimumf %slice3A_2109, %min3A_2105 : vector<128x128xf32>
    %jit3A_2112 = arith.constant 5.000000e+00 : f32
    %broadcast_in_dim3A_2113 = vector.broadcast %jit3A_2112 : f32 to vector<128x128xf32>
    %select_n3A_2114 = arith.select %lt3A_2110, %broadcast_in_dim3A_2113, %select_n3A_2108 : vector<128x128xi1>, vector<128x128xf32>
    %slice3A_2115 = vector.extract_strided_slice %sub3A {offsets = [3968, 768], sizes = [128, 128], strides = [1, 1]} : vector<8192x1024xf32> to vector<128x128xf32>
    %lt3A_2116 = arith.cmpf olt, %slice3A_2115, %min3A_2111 : vector<128x128xf32>
    %min3A_2117 = arith.minimumf %slice3A_2115, %min3A_2111 : vector<128x128xf32>
    %jit3A_2118 = arith.constant 6.000000e+00 : f32
    %broadcast_in_dim3A_2119 = vector.broadcast %jit3A_2118 : f32 to vector<128x128xf32>
    %select_n3A_2120 = arith.select %lt3A_2116, %broadcast_in_dim3A_2119, %select_n3A_2114 : vector<128x128xi1>, vector<128x128xf32>
    %slice3A_2121 = vector.extract_strided_slice %sub3A {offsets = [3968, 896], sizes = [128, 128], strides = [1, 1]} : vector<8192x1024xf32> to vector<128x128xf32>
    %lt3A_2122 = arith.cmpf olt, %slice3A_2121, %min3A_2117 : vector<128x128xf32>
    %min3A_2123 = arith.minimumf %slice3A_2121, %min3A_2117 : vector<128x128xf32>
    %jit3A_2124 = arith.constant 7.000000e+00 : f32
    %broadcast_in_dim3A_2125 = vector.broadcast %jit3A_2124 : f32 to vector<128x128xf32>
    %select_n3A_2126 = arith.select %lt3A_2122, %broadcast_in_dim3A_2125, %select_n3A_2120 : vector<128x128xi1>, vector<128x128xf32>
    %mul3A_2127 = arith.constant 1.280000e+02 : f32
    %mul3A_2128 = vector.broadcast %mul3A_2127 : f32 to vector<128x128xf32>
    %mul3A_2129 = arith.mulf %select_n3A_2126, %mul3A_2128 : vector<128x128xf32>
    %add3A_2130 = arith.addf %mul3A_2129, %convert_element_type3A : vector<128x128xf32>
    %transpose3A_2131 = tpu.transpose %min3A_2123, [1, 0] : vector<128x128xf32> -> vector<128x128xf32>
    %reduce_min3A_2132 = arith.constant dense<0x7F800000> : vector<128xf32>
    %reduce_min3A_2133 = vector.multi_reduction <minimumf>, %transpose3A_2131, %reduce_min3A_2132 [0] : vector<128x128xf32> to vector<128xf32>
    %broadcast_in_dim3A_2134 = vector.shape_cast %reduce_min3A_2133 : vector<128xf32> to vector<1x128xf32>
    %eq3A_2135 = vector.broadcast %broadcast_in_dim3A_2134 : vector<1x128xf32> to vector<128x128xf32>
    %eq3A_2136 = arith.cmpf oeq, %transpose3A_2131, %eq3A_2135 : vector<128x128xf32>
    %transpose3A_2137 = tpu.transpose %add3A_2130, [1, 0] : vector<128x128xf32> -> vector<128x128xf32>
    %jit3A_2138 = arith.constant 1.024000e+03 : f32
    %broadcast_in_dim3A_2139 = vector.broadcast %jit3A_2138 : f32 to vector<128x128xf32>
    %select_n3A_2140 = arith.select %eq3A_2136, %transpose3A_2137, %broadcast_in_dim3A_2139 : vector<128x128xi1>, vector<128x128xf32>
    %reduce_min3A_2141 = arith.constant dense<0x7F800000> : vector<128xf32>
    %reduce_min3A_2142 = vector.multi_reduction <minimumf>, %select_n3A_2140, %reduce_min3A_2141 [0] : vector<128x128xf32> to vector<128xf32>
    %reduce_sum3A_2143 = vector.shape_cast %broadcast_in_dim3A_2134 : vector<1x128xf32> to vector<1x1x128xf32>
    %reduce_sum3A_2144 = arith.constant dense<0.000000e+00> : vector<1xf32>
    %reduce_sum3A_2145 = vector.multi_reduction <add>, %reduce_sum3A_2143, %reduce_sum3A_2144 [1, 2] : vector<1x1x128xf32> to vector<1xf32>
    %reduce_sum3A_2146 = vector.shape_cast %reduce_sum3A_2145 : vector<1xf32> to vector<1x1x1xf32>
    %reduce_sum3A_2147 = vector.extract %reduce_sum3A_2146[0, 0, 0] : f32 from vector<1x1x1xf32>
    %add3A_2148 = arith.addf %add3A_2081, %reduce_sum3A_2147 : f32
    %slice3A_2149 = vector.extract_strided_slice %sub3A {offsets = [4096, 0], sizes = [128, 128], strides = [1, 1]} : vector<8192x1024xf32> to vector<128x128xf32>
    %broadcast_in_dim3A_2150 = arith.constant 0.000000e+00 : f32
    %broadcast_in_dim3A_2151 = vector.broadcast %broadcast_in_dim3A_2150 : f32 to vector<128x128xf32>
    %slice3A_2152 = vector.extract_strided_slice %sub3A {offsets = [4096, 128], sizes = [128, 128], strides = [1, 1]} : vector<8192x1024xf32> to vector<128x128xf32>
    %lt3A_2153 = arith.cmpf olt, %slice3A_2152, %slice3A_2149 : vector<128x128xf32>
    %min3A_2154 = arith.minimumf %slice3A_2152, %slice3A_2149 : vector<128x128xf32>
    %jit3A_2155 = arith.constant 1.000000e+00 : f32
    %broadcast_in_dim3A_2156 = vector.broadcast %jit3A_2155 : f32 to vector<128x128xf32>
    %select_n3A_2157 = arith.select %lt3A_2153, %broadcast_in_dim3A_2156, %broadcast_in_dim3A_2151 : vector<128x128xi1>, vector<128x128xf32>
    %slice3A_2158 = vector.extract_strided_slice %sub3A {offsets = [4096, 256], sizes = [128, 128], strides = [1, 1]} : vector<8192x1024xf32> to vector<128x128xf32>
    %lt3A_2159 = arith.cmpf olt, %slice3A_2158, %min3A_2154 : vector<128x128xf32>
    %min3A_2160 = arith.minimumf %slice3A_2158, %min3A_2154 : vector<128x128xf32>
    %jit3A_2161 = arith.constant 2.000000e+00 : f32
    %broadcast_in_dim3A_2162 = vector.broadcast %jit3A_2161 : f32 to vector<128x128xf32>
    %select_n3A_2163 = arith.select %lt3A_2159, %broadcast_in_dim3A_2162, %select_n3A_2157 : vector<128x128xi1>, vector<128x128xf32>
    %slice3A_2164 = vector.extract_strided_slice %sub3A {offsets = [4096, 384], sizes = [128, 128], strides = [1, 1]} : vector<8192x1024xf32> to vector<128x128xf32>
    %lt3A_2165 = arith.cmpf olt, %slice3A_2164, %min3A_2160 : vector<128x128xf32>
    %min3A_2166 = arith.minimumf %slice3A_2164, %min3A_2160 : vector<128x128xf32>
    %jit3A_2167 = arith.constant 3.000000e+00 : f32
    %broadcast_in_dim3A_2168 = vector.broadcast %jit3A_2167 : f32 to vector<128x128xf32>
    %select_n3A_2169 = arith.select %lt3A_2165, %broadcast_in_dim3A_2168, %select_n3A_2163 : vector<128x128xi1>, vector<128x128xf32>
    %slice3A_2170 = vector.extract_strided_slice %sub3A {offsets = [4096, 512], sizes = [128, 128], strides = [1, 1]} : vector<8192x1024xf32> to vector<128x128xf32>
    %lt3A_2171 = arith.cmpf olt, %slice3A_2170, %min3A_2166 : vector<128x128xf32>
    %min3A_2172 = arith.minimumf %slice3A_2170, %min3A_2166 : vector<128x128xf32>
    %jit3A_2173 = arith.constant 4.000000e+00 : f32
    %broadcast_in_dim3A_2174 = vector.broadcast %jit3A_2173 : f32 to vector<128x128xf32>
    %select_n3A_2175 = arith.select %lt3A_2171, %broadcast_in_dim3A_2174, %select_n3A_2169 : vector<128x128xi1>, vector<128x128xf32>
    %slice3A_2176 = vector.extract_strided_slice %sub3A {offsets = [4096, 640], sizes = [128, 128], strides = [1, 1]} : vector<8192x1024xf32> to vector<128x128xf32>
    %lt3A_2177 = arith.cmpf olt, %slice3A_2176, %min3A_2172 : vector<128x128xf32>
    %min3A_2178 = arith.minimumf %slice3A_2176, %min3A_2172 : vector<128x128xf32>
    %jit3A_2179 = arith.constant 5.000000e+00 : f32
    %broadcast_in_dim3A_2180 = vector.broadcast %jit3A_2179 : f32 to vector<128x128xf32>
    %select_n3A_2181 = arith.select %lt3A_2177, %broadcast_in_dim3A_2180, %select_n3A_2175 : vector<128x128xi1>, vector<128x128xf32>
    %slice3A_2182 = vector.extract_strided_slice %sub3A {offsets = [4096, 768], sizes = [128, 128], strides = [1, 1]} : vector<8192x1024xf32> to vector<128x128xf32>
    %lt3A_2183 = arith.cmpf olt, %slice3A_2182, %min3A_2178 : vector<128x128xf32>
    %min3A_2184 = arith.minimumf %slice3A_2182, %min3A_2178 : vector<128x128xf32>
    %jit3A_2185 = arith.constant 6.000000e+00 : f32
    %broadcast_in_dim3A_2186 = vector.broadcast %jit3A_2185 : f32 to vector<128x128xf32>
    %select_n3A_2187 = arith.select %lt3A_2183, %broadcast_in_dim3A_2186, %select_n3A_2181 : vector<128x128xi1>, vector<128x128xf32>
    %slice3A_2188 = vector.extract_strided_slice %sub3A {offsets = [4096, 896], sizes = [128, 128], strides = [1, 1]} : vector<8192x1024xf32> to vector<128x128xf32>
    %lt3A_2189 = arith.cmpf olt, %slice3A_2188, %min3A_2184 : vector<128x128xf32>
    %min3A_2190 = arith.minimumf %slice3A_2188, %min3A_2184 : vector<128x128xf32>
    %jit3A_2191 = arith.constant 7.000000e+00 : f32
    %broadcast_in_dim3A_2192 = vector.broadcast %jit3A_2191 : f32 to vector<128x128xf32>
    %select_n3A_2193 = arith.select %lt3A_2189, %broadcast_in_dim3A_2192, %select_n3A_2187 : vector<128x128xi1>, vector<128x128xf32>
    %mul3A_2194 = arith.constant 1.280000e+02 : f32
    %mul3A_2195 = vector.broadcast %mul3A_2194 : f32 to vector<128x128xf32>
    %mul3A_2196 = arith.mulf %select_n3A_2193, %mul3A_2195 : vector<128x128xf32>
    %add3A_2197 = arith.addf %mul3A_2196, %convert_element_type3A : vector<128x128xf32>
    %transpose3A_2198 = tpu.transpose %min3A_2190, [1, 0] : vector<128x128xf32> -> vector<128x128xf32>
    %reduce_min3A_2199 = arith.constant dense<0x7F800000> : vector<128xf32>
    %reduce_min3A_2200 = vector.multi_reduction <minimumf>, %transpose3A_2198, %reduce_min3A_2199 [0] : vector<128x128xf32> to vector<128xf32>
    %broadcast_in_dim3A_2201 = vector.shape_cast %reduce_min3A_2200 : vector<128xf32> to vector<1x128xf32>
    %eq3A_2202 = vector.broadcast %broadcast_in_dim3A_2201 : vector<1x128xf32> to vector<128x128xf32>
    %eq3A_2203 = arith.cmpf oeq, %transpose3A_2198, %eq3A_2202 : vector<128x128xf32>
    %transpose3A_2204 = tpu.transpose %add3A_2197, [1, 0] : vector<128x128xf32> -> vector<128x128xf32>
    %jit3A_2205 = arith.constant 1.024000e+03 : f32
    %broadcast_in_dim3A_2206 = vector.broadcast %jit3A_2205 : f32 to vector<128x128xf32>
    %select_n3A_2207 = arith.select %eq3A_2203, %transpose3A_2204, %broadcast_in_dim3A_2206 : vector<128x128xi1>, vector<128x128xf32>
    %reduce_min3A_2208 = arith.constant dense<0x7F800000> : vector<128xf32>
    %reduce_min3A_2209 = vector.multi_reduction <minimumf>, %select_n3A_2207, %reduce_min3A_2208 [0] : vector<128x128xf32> to vector<128xf32>
    %reduce_sum3A_2210 = vector.shape_cast %broadcast_in_dim3A_2201 : vector<1x128xf32> to vector<1x1x128xf32>
    %reduce_sum3A_2211 = arith.constant dense<0.000000e+00> : vector<1xf32>
    %reduce_sum3A_2212 = vector.multi_reduction <add>, %reduce_sum3A_2210, %reduce_sum3A_2211 [1, 2] : vector<1x1x128xf32> to vector<1xf32>
    %reduce_sum3A_2213 = vector.shape_cast %reduce_sum3A_2212 : vector<1xf32> to vector<1x1x1xf32>
    %reduce_sum3A_2214 = vector.extract %reduce_sum3A_2213[0, 0, 0] : f32 from vector<1x1x1xf32>
    %add3A_2215 = arith.addf %add3A_2148, %reduce_sum3A_2214 : f32
    %slice3A_2216 = vector.extract_strided_slice %sub3A {offsets = [4224, 0], sizes = [128, 128], strides = [1, 1]} : vector<8192x1024xf32> to vector<128x128xf32>
    %broadcast_in_dim3A_2217 = arith.constant 0.000000e+00 : f32
    %broadcast_in_dim3A_2218 = vector.broadcast %broadcast_in_dim3A_2217 : f32 to vector<128x128xf32>
    %slice3A_2219 = vector.extract_strided_slice %sub3A {offsets = [4224, 128], sizes = [128, 128], strides = [1, 1]} : vector<8192x1024xf32> to vector<128x128xf32>
    %lt3A_2220 = arith.cmpf olt, %slice3A_2219, %slice3A_2216 : vector<128x128xf32>
    %min3A_2221 = arith.minimumf %slice3A_2219, %slice3A_2216 : vector<128x128xf32>
    %jit3A_2222 = arith.constant 1.000000e+00 : f32
    %broadcast_in_dim3A_2223 = vector.broadcast %jit3A_2222 : f32 to vector<128x128xf32>
    %select_n3A_2224 = arith.select %lt3A_2220, %broadcast_in_dim3A_2223, %broadcast_in_dim3A_2218 : vector<128x128xi1>, vector<128x128xf32>
    %slice3A_2225 = vector.extract_strided_slice %sub3A {offsets = [4224, 256], sizes = [128, 128], strides = [1, 1]} : vector<8192x1024xf32> to vector<128x128xf32>
    %lt3A_2226 = arith.cmpf olt, %slice3A_2225, %min3A_2221 : vector<128x128xf32>
    %min3A_2227 = arith.minimumf %slice3A_2225, %min3A_2221 : vector<128x128xf32>
    %jit3A_2228 = arith.constant 2.000000e+00 : f32
    %broadcast_in_dim3A_2229 = vector.broadcast %jit3A_2228 : f32 to vector<128x128xf32>
    %select_n3A_2230 = arith.select %lt3A_2226, %broadcast_in_dim3A_2229, %select_n3A_2224 : vector<128x128xi1>, vector<128x128xf32>
    %slice3A_2231 = vector.extract_strided_slice %sub3A {offsets = [4224, 384], sizes = [128, 128], strides = [1, 1]} : vector<8192x1024xf32> to vector<128x128xf32>
    %lt3A_2232 = arith.cmpf olt, %slice3A_2231, %min3A_2227 : vector<128x128xf32>
    %min3A_2233 = arith.minimumf %slice3A_2231, %min3A_2227 : vector<128x128xf32>
    %jit3A_2234 = arith.constant 3.000000e+00 : f32
    %broadcast_in_dim3A_2235 = vector.broadcast %jit3A_2234 : f32 to vector<128x128xf32>
    %select_n3A_2236 = arith.select %lt3A_2232, %broadcast_in_dim3A_2235, %select_n3A_2230 : vector<128x128xi1>, vector<128x128xf32>
    %slice3A_2237 = vector.extract_strided_slice %sub3A {offsets = [4224, 512], sizes = [128, 128], strides = [1, 1]} : vector<8192x1024xf32> to vector<128x128xf32>
    %lt3A_2238 = arith.cmpf olt, %slice3A_2237, %min3A_2233 : vector<128x128xf32>
    %min3A_2239 = arith.minimumf %slice3A_2237, %min3A_2233 : vector<128x128xf32>
    %jit3A_2240 = arith.constant 4.000000e+00 : f32
    %broadcast_in_dim3A_2241 = vector.broadcast %jit3A_2240 : f32 to vector<128x128xf32>
    %select_n3A_2242 = arith.select %lt3A_2238, %broadcast_in_dim3A_2241, %select_n3A_2236 : vector<128x128xi1>, vector<128x128xf32>
    %slice3A_2243 = vector.extract_strided_slice %sub3A {offsets = [4224, 640], sizes = [128, 128], strides = [1, 1]} : vector<8192x1024xf32> to vector<128x128xf32>
    %lt3A_2244 = arith.cmpf olt, %slice3A_2243, %min3A_2239 : vector<128x128xf32>
    %min3A_2245 = arith.minimumf %slice3A_2243, %min3A_2239 : vector<128x128xf32>
    %jit3A_2246 = arith.constant 5.000000e+00 : f32
    %broadcast_in_dim3A_2247 = vector.broadcast %jit3A_2246 : f32 to vector<128x128xf32>
    %select_n3A_2248 = arith.select %lt3A_2244, %broadcast_in_dim3A_2247, %select_n3A_2242 : vector<128x128xi1>, vector<128x128xf32>
    %slice3A_2249 = vector.extract_strided_slice %sub3A {offsets = [4224, 768], sizes = [128, 128], strides = [1, 1]} : vector<8192x1024xf32> to vector<128x128xf32>
    %lt3A_2250 = arith.cmpf olt, %slice3A_2249, %min3A_2245 : vector<128x128xf32>
    %min3A_2251 = arith.minimumf %slice3A_2249, %min3A_2245 : vector<128x128xf32>
    %jit3A_2252 = arith.constant 6.000000e+00 : f32
    %broadcast_in_dim3A_2253 = vector.broadcast %jit3A_2252 : f32 to vector<128x128xf32>
    %select_n3A_2254 = arith.select %lt3A_2250, %broadcast_in_dim3A_2253, %select_n3A_2248 : vector<128x128xi1>, vector<128x128xf32>
    %slice3A_2255 = vector.extract_strided_slice %sub3A {offsets = [4224, 896], sizes = [128, 128], strides = [1, 1]} : vector<8192x1024xf32> to vector<128x128xf32>
    %lt3A_2256 = arith.cmpf olt, %slice3A_2255, %min3A_2251 : vector<128x128xf32>
    %min3A_2257 = arith.minimumf %slice3A_2255, %min3A_2251 : vector<128x128xf32>
    %jit3A_2258 = arith.constant 7.000000e+00 : f32
    %broadcast_in_dim3A_2259 = vector.broadcast %jit3A_2258 : f32 to vector<128x128xf32>
    %select_n3A_2260 = arith.select %lt3A_2256, %broadcast_in_dim3A_2259, %select_n3A_2254 : vector<128x128xi1>, vector<128x128xf32>
    %mul3A_2261 = arith.constant 1.280000e+02 : f32
    %mul3A_2262 = vector.broadcast %mul3A_2261 : f32 to vector<128x128xf32>
    %mul3A_2263 = arith.mulf %select_n3A_2260, %mul3A_2262 : vector<128x128xf32>
    %add3A_2264 = arith.addf %mul3A_2263, %convert_element_type3A : vector<128x128xf32>
    %transpose3A_2265 = tpu.transpose %min3A_2257, [1, 0] : vector<128x128xf32> -> vector<128x128xf32>
    %reduce_min3A_2266 = arith.constant dense<0x7F800000> : vector<128xf32>
    %reduce_min3A_2267 = vector.multi_reduction <minimumf>, %transpose3A_2265, %reduce_min3A_2266 [0] : vector<128x128xf32> to vector<128xf32>
    %broadcast_in_dim3A_2268 = vector.shape_cast %reduce_min3A_2267 : vector<128xf32> to vector<1x128xf32>
    %eq3A_2269 = vector.broadcast %broadcast_in_dim3A_2268 : vector<1x128xf32> to vector<128x128xf32>
    %eq3A_2270 = arith.cmpf oeq, %transpose3A_2265, %eq3A_2269 : vector<128x128xf32>
    %transpose3A_2271 = tpu.transpose %add3A_2264, [1, 0] : vector<128x128xf32> -> vector<128x128xf32>
    %jit3A_2272 = arith.constant 1.024000e+03 : f32
    %broadcast_in_dim3A_2273 = vector.broadcast %jit3A_2272 : f32 to vector<128x128xf32>
    %select_n3A_2274 = arith.select %eq3A_2270, %transpose3A_2271, %broadcast_in_dim3A_2273 : vector<128x128xi1>, vector<128x128xf32>
    %reduce_min3A_2275 = arith.constant dense<0x7F800000> : vector<128xf32>
    %reduce_min3A_2276 = vector.multi_reduction <minimumf>, %select_n3A_2274, %reduce_min3A_2275 [0] : vector<128x128xf32> to vector<128xf32>
    %reduce_sum3A_2277 = vector.shape_cast %broadcast_in_dim3A_2268 : vector<1x128xf32> to vector<1x1x128xf32>
    %reduce_sum3A_2278 = arith.constant dense<0.000000e+00> : vector<1xf32>
    %reduce_sum3A_2279 = vector.multi_reduction <add>, %reduce_sum3A_2277, %reduce_sum3A_2278 [1, 2] : vector<1x1x128xf32> to vector<1xf32>
    %reduce_sum3A_2280 = vector.shape_cast %reduce_sum3A_2279 : vector<1xf32> to vector<1x1x1xf32>
    %reduce_sum3A_2281 = vector.extract %reduce_sum3A_2280[0, 0, 0] : f32 from vector<1x1x1xf32>
    %add3A_2282 = arith.addf %add3A_2215, %reduce_sum3A_2281 : f32
    %slice3A_2283 = vector.extract_strided_slice %sub3A {offsets = [4352, 0], sizes = [128, 128], strides = [1, 1]} : vector<8192x1024xf32> to vector<128x128xf32>
    %broadcast_in_dim3A_2284 = arith.constant 0.000000e+00 : f32
    %broadcast_in_dim3A_2285 = vector.broadcast %broadcast_in_dim3A_2284 : f32 to vector<128x128xf32>
    %slice3A_2286 = vector.extract_strided_slice %sub3A {offsets = [4352, 128], sizes = [128, 128], strides = [1, 1]} : vector<8192x1024xf32> to vector<128x128xf32>
    %lt3A_2287 = arith.cmpf olt, %slice3A_2286, %slice3A_2283 : vector<128x128xf32>
    %min3A_2288 = arith.minimumf %slice3A_2286, %slice3A_2283 : vector<128x128xf32>
    %jit3A_2289 = arith.constant 1.000000e+00 : f32
    %broadcast_in_dim3A_2290 = vector.broadcast %jit3A_2289 : f32 to vector<128x128xf32>
    %select_n3A_2291 = arith.select %lt3A_2287, %broadcast_in_dim3A_2290, %broadcast_in_dim3A_2285 : vector<128x128xi1>, vector<128x128xf32>
    %slice3A_2292 = vector.extract_strided_slice %sub3A {offsets = [4352, 256], sizes = [128, 128], strides = [1, 1]} : vector<8192x1024xf32> to vector<128x128xf32>
    %lt3A_2293 = arith.cmpf olt, %slice3A_2292, %min3A_2288 : vector<128x128xf32>
    %min3A_2294 = arith.minimumf %slice3A_2292, %min3A_2288 : vector<128x128xf32>
    %jit3A_2295 = arith.constant 2.000000e+00 : f32
    %broadcast_in_dim3A_2296 = vector.broadcast %jit3A_2295 : f32 to vector<128x128xf32>
    %select_n3A_2297 = arith.select %lt3A_2293, %broadcast_in_dim3A_2296, %select_n3A_2291 : vector<128x128xi1>, vector<128x128xf32>
    %slice3A_2298 = vector.extract_strided_slice %sub3A {offsets = [4352, 384], sizes = [128, 128], strides = [1, 1]} : vector<8192x1024xf32> to vector<128x128xf32>
    %lt3A_2299 = arith.cmpf olt, %slice3A_2298, %min3A_2294 : vector<128x128xf32>
    %min3A_2300 = arith.minimumf %slice3A_2298, %min3A_2294 : vector<128x128xf32>
    %jit3A_2301 = arith.constant 3.000000e+00 : f32
    %broadcast_in_dim3A_2302 = vector.broadcast %jit3A_2301 : f32 to vector<128x128xf32>
    %select_n3A_2303 = arith.select %lt3A_2299, %broadcast_in_dim3A_2302, %select_n3A_2297 : vector<128x128xi1>, vector<128x128xf32>
    %slice3A_2304 = vector.extract_strided_slice %sub3A {offsets = [4352, 512], sizes = [128, 128], strides = [1, 1]} : vector<8192x1024xf32> to vector<128x128xf32>
    %lt3A_2305 = arith.cmpf olt, %slice3A_2304, %min3A_2300 : vector<128x128xf32>
    %min3A_2306 = arith.minimumf %slice3A_2304, %min3A_2300 : vector<128x128xf32>
    %jit3A_2307 = arith.constant 4.000000e+00 : f32
    %broadcast_in_dim3A_2308 = vector.broadcast %jit3A_2307 : f32 to vector<128x128xf32>
    %select_n3A_2309 = arith.select %lt3A_2305, %broadcast_in_dim3A_2308, %select_n3A_2303 : vector<128x128xi1>, vector<128x128xf32>
    %slice3A_2310 = vector.extract_strided_slice %sub3A {offsets = [4352, 640], sizes = [128, 128], strides = [1, 1]} : vector<8192x1024xf32> to vector<128x128xf32>
    %lt3A_2311 = arith.cmpf olt, %slice3A_2310, %min3A_2306 : vector<128x128xf32>
    %min3A_2312 = arith.minimumf %slice3A_2310, %min3A_2306 : vector<128x128xf32>
    %jit3A_2313 = arith.constant 5.000000e+00 : f32
    %broadcast_in_dim3A_2314 = vector.broadcast %jit3A_2313 : f32 to vector<128x128xf32>
    %select_n3A_2315 = arith.select %lt3A_2311, %broadcast_in_dim3A_2314, %select_n3A_2309 : vector<128x128xi1>, vector<128x128xf32>
    %slice3A_2316 = vector.extract_strided_slice %sub3A {offsets = [4352, 768], sizes = [128, 128], strides = [1, 1]} : vector<8192x1024xf32> to vector<128x128xf32>
    %lt3A_2317 = arith.cmpf olt, %slice3A_2316, %min3A_2312 : vector<128x128xf32>
    %min3A_2318 = arith.minimumf %slice3A_2316, %min3A_2312 : vector<128x128xf32>
    %jit3A_2319 = arith.constant 6.000000e+00 : f32
    %broadcast_in_dim3A_2320 = vector.broadcast %jit3A_2319 : f32 to vector<128x128xf32>
    %select_n3A_2321 = arith.select %lt3A_2317, %broadcast_in_dim3A_2320, %select_n3A_2315 : vector<128x128xi1>, vector<128x128xf32>
    %slice3A_2322 = vector.extract_strided_slice %sub3A {offsets = [4352, 896], sizes = [128, 128], strides = [1, 1]} : vector<8192x1024xf32> to vector<128x128xf32>
    %lt3A_2323 = arith.cmpf olt, %slice3A_2322, %min3A_2318 : vector<128x128xf32>
    %min3A_2324 = arith.minimumf %slice3A_2322, %min3A_2318 : vector<128x128xf32>
    %jit3A_2325 = arith.constant 7.000000e+00 : f32
    %broadcast_in_dim3A_2326 = vector.broadcast %jit3A_2325 : f32 to vector<128x128xf32>
    %select_n3A_2327 = arith.select %lt3A_2323, %broadcast_in_dim3A_2326, %select_n3A_2321 : vector<128x128xi1>, vector<128x128xf32>
    %mul3A_2328 = arith.constant 1.280000e+02 : f32
    %mul3A_2329 = vector.broadcast %mul3A_2328 : f32 to vector<128x128xf32>
    %mul3A_2330 = arith.mulf %select_n3A_2327, %mul3A_2329 : vector<128x128xf32>
    %add3A_2331 = arith.addf %mul3A_2330, %convert_element_type3A : vector<128x128xf32>
    %transpose3A_2332 = tpu.transpose %min3A_2324, [1, 0] : vector<128x128xf32> -> vector<128x128xf32>
    %reduce_min3A_2333 = arith.constant dense<0x7F800000> : vector<128xf32>
    %reduce_min3A_2334 = vector.multi_reduction <minimumf>, %transpose3A_2332, %reduce_min3A_2333 [0] : vector<128x128xf32> to vector<128xf32>
    %broadcast_in_dim3A_2335 = vector.shape_cast %reduce_min3A_2334 : vector<128xf32> to vector<1x128xf32>
    %eq3A_2336 = vector.broadcast %broadcast_in_dim3A_2335 : vector<1x128xf32> to vector<128x128xf32>
    %eq3A_2337 = arith.cmpf oeq, %transpose3A_2332, %eq3A_2336 : vector<128x128xf32>
    %transpose3A_2338 = tpu.transpose %add3A_2331, [1, 0] : vector<128x128xf32> -> vector<128x128xf32>
    %jit3A_2339 = arith.constant 1.024000e+03 : f32
    %broadcast_in_dim3A_2340 = vector.broadcast %jit3A_2339 : f32 to vector<128x128xf32>
    %select_n3A_2341 = arith.select %eq3A_2337, %transpose3A_2338, %broadcast_in_dim3A_2340 : vector<128x128xi1>, vector<128x128xf32>
    %reduce_min3A_2342 = arith.constant dense<0x7F800000> : vector<128xf32>
    %reduce_min3A_2343 = vector.multi_reduction <minimumf>, %select_n3A_2341, %reduce_min3A_2342 [0] : vector<128x128xf32> to vector<128xf32>
    %reduce_sum3A_2344 = vector.shape_cast %broadcast_in_dim3A_2335 : vector<1x128xf32> to vector<1x1x128xf32>
    %reduce_sum3A_2345 = arith.constant dense<0.000000e+00> : vector<1xf32>
    %reduce_sum3A_2346 = vector.multi_reduction <add>, %reduce_sum3A_2344, %reduce_sum3A_2345 [1, 2] : vector<1x1x128xf32> to vector<1xf32>
    %reduce_sum3A_2347 = vector.shape_cast %reduce_sum3A_2346 : vector<1xf32> to vector<1x1x1xf32>
    %reduce_sum3A_2348 = vector.extract %reduce_sum3A_2347[0, 0, 0] : f32 from vector<1x1x1xf32>
    %add3A_2349 = arith.addf %add3A_2282, %reduce_sum3A_2348 : f32
    %slice3A_2350 = vector.extract_strided_slice %sub3A {offsets = [4480, 0], sizes = [128, 128], strides = [1, 1]} : vector<8192x1024xf32> to vector<128x128xf32>
    %broadcast_in_dim3A_2351 = arith.constant 0.000000e+00 : f32
    %broadcast_in_dim3A_2352 = vector.broadcast %broadcast_in_dim3A_2351 : f32 to vector<128x128xf32>
    %slice3A_2353 = vector.extract_strided_slice %sub3A {offsets = [4480, 128], sizes = [128, 128], strides = [1, 1]} : vector<8192x1024xf32> to vector<128x128xf32>
    %lt3A_2354 = arith.cmpf olt, %slice3A_2353, %slice3A_2350 : vector<128x128xf32>
    %min3A_2355 = arith.minimumf %slice3A_2353, %slice3A_2350 : vector<128x128xf32>
    %jit3A_2356 = arith.constant 1.000000e+00 : f32
    %broadcast_in_dim3A_2357 = vector.broadcast %jit3A_2356 : f32 to vector<128x128xf32>
    %select_n3A_2358 = arith.select %lt3A_2354, %broadcast_in_dim3A_2357, %broadcast_in_dim3A_2352 : vector<128x128xi1>, vector<128x128xf32>
    %slice3A_2359 = vector.extract_strided_slice %sub3A {offsets = [4480, 256], sizes = [128, 128], strides = [1, 1]} : vector<8192x1024xf32> to vector<128x128xf32>
    %lt3A_2360 = arith.cmpf olt, %slice3A_2359, %min3A_2355 : vector<128x128xf32>
    %min3A_2361 = arith.minimumf %slice3A_2359, %min3A_2355 : vector<128x128xf32>
    %jit3A_2362 = arith.constant 2.000000e+00 : f32
    %broadcast_in_dim3A_2363 = vector.broadcast %jit3A_2362 : f32 to vector<128x128xf32>
    %select_n3A_2364 = arith.select %lt3A_2360, %broadcast_in_dim3A_2363, %select_n3A_2358 : vector<128x128xi1>, vector<128x128xf32>
    %slice3A_2365 = vector.extract_strided_slice %sub3A {offsets = [4480, 384], sizes = [128, 128], strides = [1, 1]} : vector<8192x1024xf32> to vector<128x128xf32>
    %lt3A_2366 = arith.cmpf olt, %slice3A_2365, %min3A_2361 : vector<128x128xf32>
    %min3A_2367 = arith.minimumf %slice3A_2365, %min3A_2361 : vector<128x128xf32>
    %jit3A_2368 = arith.constant 3.000000e+00 : f32
    %broadcast_in_dim3A_2369 = vector.broadcast %jit3A_2368 : f32 to vector<128x128xf32>
    %select_n3A_2370 = arith.select %lt3A_2366, %broadcast_in_dim3A_2369, %select_n3A_2364 : vector<128x128xi1>, vector<128x128xf32>
    %slice3A_2371 = vector.extract_strided_slice %sub3A {offsets = [4480, 512], sizes = [128, 128], strides = [1, 1]} : vector<8192x1024xf32> to vector<128x128xf32>
    %lt3A_2372 = arith.cmpf olt, %slice3A_2371, %min3A_2367 : vector<128x128xf32>
    %min3A_2373 = arith.minimumf %slice3A_2371, %min3A_2367 : vector<128x128xf32>
    %jit3A_2374 = arith.constant 4.000000e+00 : f32
    %broadcast_in_dim3A_2375 = vector.broadcast %jit3A_2374 : f32 to vector<128x128xf32>
    %select_n3A_2376 = arith.select %lt3A_2372, %broadcast_in_dim3A_2375, %select_n3A_2370 : vector<128x128xi1>, vector<128x128xf32>
    %slice3A_2377 = vector.extract_strided_slice %sub3A {offsets = [4480, 640], sizes = [128, 128], strides = [1, 1]} : vector<8192x1024xf32> to vector<128x128xf32>
    %lt3A_2378 = arith.cmpf olt, %slice3A_2377, %min3A_2373 : vector<128x128xf32>
    %min3A_2379 = arith.minimumf %slice3A_2377, %min3A_2373 : vector<128x128xf32>
    %jit3A_2380 = arith.constant 5.000000e+00 : f32
    %broadcast_in_dim3A_2381 = vector.broadcast %jit3A_2380 : f32 to vector<128x128xf32>
    %select_n3A_2382 = arith.select %lt3A_2378, %broadcast_in_dim3A_2381, %select_n3A_2376 : vector<128x128xi1>, vector<128x128xf32>
    %slice3A_2383 = vector.extract_strided_slice %sub3A {offsets = [4480, 768], sizes = [128, 128], strides = [1, 1]} : vector<8192x1024xf32> to vector<128x128xf32>
    %lt3A_2384 = arith.cmpf olt, %slice3A_2383, %min3A_2379 : vector<128x128xf32>
    %min3A_2385 = arith.minimumf %slice3A_2383, %min3A_2379 : vector<128x128xf32>
    %jit3A_2386 = arith.constant 6.000000e+00 : f32
    %broadcast_in_dim3A_2387 = vector.broadcast %jit3A_2386 : f32 to vector<128x128xf32>
    %select_n3A_2388 = arith.select %lt3A_2384, %broadcast_in_dim3A_2387, %select_n3A_2382 : vector<128x128xi1>, vector<128x128xf32>
    %slice3A_2389 = vector.extract_strided_slice %sub3A {offsets = [4480, 896], sizes = [128, 128], strides = [1, 1]} : vector<8192x1024xf32> to vector<128x128xf32>
    %lt3A_2390 = arith.cmpf olt, %slice3A_2389, %min3A_2385 : vector<128x128xf32>
    %min3A_2391 = arith.minimumf %slice3A_2389, %min3A_2385 : vector<128x128xf32>
    %jit3A_2392 = arith.constant 7.000000e+00 : f32
    %broadcast_in_dim3A_2393 = vector.broadcast %jit3A_2392 : f32 to vector<128x128xf32>
    %select_n3A_2394 = arith.select %lt3A_2390, %broadcast_in_dim3A_2393, %select_n3A_2388 : vector<128x128xi1>, vector<128x128xf32>
    %mul3A_2395 = arith.constant 1.280000e+02 : f32
    %mul3A_2396 = vector.broadcast %mul3A_2395 : f32 to vector<128x128xf32>
    %mul3A_2397 = arith.mulf %select_n3A_2394, %mul3A_2396 : vector<128x128xf32>
    %add3A_2398 = arith.addf %mul3A_2397, %convert_element_type3A : vector<128x128xf32>
    %transpose3A_2399 = tpu.transpose %min3A_2391, [1, 0] : vector<128x128xf32> -> vector<128x128xf32>
    %reduce_min3A_2400 = arith.constant dense<0x7F800000> : vector<128xf32>
    %reduce_min3A_2401 = vector.multi_reduction <minimumf>, %transpose3A_2399, %reduce_min3A_2400 [0] : vector<128x128xf32> to vector<128xf32>
    %broadcast_in_dim3A_2402 = vector.shape_cast %reduce_min3A_2401 : vector<128xf32> to vector<1x128xf32>
    %eq3A_2403 = vector.broadcast %broadcast_in_dim3A_2402 : vector<1x128xf32> to vector<128x128xf32>
    %eq3A_2404 = arith.cmpf oeq, %transpose3A_2399, %eq3A_2403 : vector<128x128xf32>
    %transpose3A_2405 = tpu.transpose %add3A_2398, [1, 0] : vector<128x128xf32> -> vector<128x128xf32>
    %jit3A_2406 = arith.constant 1.024000e+03 : f32
    %broadcast_in_dim3A_2407 = vector.broadcast %jit3A_2406 : f32 to vector<128x128xf32>
    %select_n3A_2408 = arith.select %eq3A_2404, %transpose3A_2405, %broadcast_in_dim3A_2407 : vector<128x128xi1>, vector<128x128xf32>
    %reduce_min3A_2409 = arith.constant dense<0x7F800000> : vector<128xf32>
    %reduce_min3A_2410 = vector.multi_reduction <minimumf>, %select_n3A_2408, %reduce_min3A_2409 [0] : vector<128x128xf32> to vector<128xf32>
    %reduce_sum3A_2411 = vector.shape_cast %broadcast_in_dim3A_2402 : vector<1x128xf32> to vector<1x1x128xf32>
    %reduce_sum3A_2412 = arith.constant dense<0.000000e+00> : vector<1xf32>
    %reduce_sum3A_2413 = vector.multi_reduction <add>, %reduce_sum3A_2411, %reduce_sum3A_2412 [1, 2] : vector<1x1x128xf32> to vector<1xf32>
    %reduce_sum3A_2414 = vector.shape_cast %reduce_sum3A_2413 : vector<1xf32> to vector<1x1x1xf32>
    %reduce_sum3A_2415 = vector.extract %reduce_sum3A_2414[0, 0, 0] : f32 from vector<1x1x1xf32>
    %add3A_2416 = arith.addf %add3A_2349, %reduce_sum3A_2415 : f32
    %slice3A_2417 = vector.extract_strided_slice %sub3A {offsets = [4608, 0], sizes = [128, 128], strides = [1, 1]} : vector<8192x1024xf32> to vector<128x128xf32>
    %broadcast_in_dim3A_2418 = arith.constant 0.000000e+00 : f32
    %broadcast_in_dim3A_2419 = vector.broadcast %broadcast_in_dim3A_2418 : f32 to vector<128x128xf32>
    %slice3A_2420 = vector.extract_strided_slice %sub3A {offsets = [4608, 128], sizes = [128, 128], strides = [1, 1]} : vector<8192x1024xf32> to vector<128x128xf32>
    %lt3A_2421 = arith.cmpf olt, %slice3A_2420, %slice3A_2417 : vector<128x128xf32>
    %min3A_2422 = arith.minimumf %slice3A_2420, %slice3A_2417 : vector<128x128xf32>
    %jit3A_2423 = arith.constant 1.000000e+00 : f32
    %broadcast_in_dim3A_2424 = vector.broadcast %jit3A_2423 : f32 to vector<128x128xf32>
    %select_n3A_2425 = arith.select %lt3A_2421, %broadcast_in_dim3A_2424, %broadcast_in_dim3A_2419 : vector<128x128xi1>, vector<128x128xf32>
    %slice3A_2426 = vector.extract_strided_slice %sub3A {offsets = [4608, 256], sizes = [128, 128], strides = [1, 1]} : vector<8192x1024xf32> to vector<128x128xf32>
    %lt3A_2427 = arith.cmpf olt, %slice3A_2426, %min3A_2422 : vector<128x128xf32>
    %min3A_2428 = arith.minimumf %slice3A_2426, %min3A_2422 : vector<128x128xf32>
    %jit3A_2429 = arith.constant 2.000000e+00 : f32
    %broadcast_in_dim3A_2430 = vector.broadcast %jit3A_2429 : f32 to vector<128x128xf32>
    %select_n3A_2431 = arith.select %lt3A_2427, %broadcast_in_dim3A_2430, %select_n3A_2425 : vector<128x128xi1>, vector<128x128xf32>
    %slice3A_2432 = vector.extract_strided_slice %sub3A {offsets = [4608, 384], sizes = [128, 128], strides = [1, 1]} : vector<8192x1024xf32> to vector<128x128xf32>
    %lt3A_2433 = arith.cmpf olt, %slice3A_2432, %min3A_2428 : vector<128x128xf32>
    %min3A_2434 = arith.minimumf %slice3A_2432, %min3A_2428 : vector<128x128xf32>
    %jit3A_2435 = arith.constant 3.000000e+00 : f32
    %broadcast_in_dim3A_2436 = vector.broadcast %jit3A_2435 : f32 to vector<128x128xf32>
    %select_n3A_2437 = arith.select %lt3A_2433, %broadcast_in_dim3A_2436, %select_n3A_2431 : vector<128x128xi1>, vector<128x128xf32>
    %slice3A_2438 = vector.extract_strided_slice %sub3A {offsets = [4608, 512], sizes = [128, 128], strides = [1, 1]} : vector<8192x1024xf32> to vector<128x128xf32>
    %lt3A_2439 = arith.cmpf olt, %slice3A_2438, %min3A_2434 : vector<128x128xf32>
    %min3A_2440 = arith.minimumf %slice3A_2438, %min3A_2434 : vector<128x128xf32>
    %jit3A_2441 = arith.constant 4.000000e+00 : f32
    %broadcast_in_dim3A_2442 = vector.broadcast %jit3A_2441 : f32 to vector<128x128xf32>
    %select_n3A_2443 = arith.select %lt3A_2439, %broadcast_in_dim3A_2442, %select_n3A_2437 : vector<128x128xi1>, vector<128x128xf32>
    %slice3A_2444 = vector.extract_strided_slice %sub3A {offsets = [4608, 640], sizes = [128, 128], strides = [1, 1]} : vector<8192x1024xf32> to vector<128x128xf32>
    %lt3A_2445 = arith.cmpf olt, %slice3A_2444, %min3A_2440 : vector<128x128xf32>
    %min3A_2446 = arith.minimumf %slice3A_2444, %min3A_2440 : vector<128x128xf32>
    %jit3A_2447 = arith.constant 5.000000e+00 : f32
    %broadcast_in_dim3A_2448 = vector.broadcast %jit3A_2447 : f32 to vector<128x128xf32>
    %select_n3A_2449 = arith.select %lt3A_2445, %broadcast_in_dim3A_2448, %select_n3A_2443 : vector<128x128xi1>, vector<128x128xf32>
    %slice3A_2450 = vector.extract_strided_slice %sub3A {offsets = [4608, 768], sizes = [128, 128], strides = [1, 1]} : vector<8192x1024xf32> to vector<128x128xf32>
    %lt3A_2451 = arith.cmpf olt, %slice3A_2450, %min3A_2446 : vector<128x128xf32>
    %min3A_2452 = arith.minimumf %slice3A_2450, %min3A_2446 : vector<128x128xf32>
    %jit3A_2453 = arith.constant 6.000000e+00 : f32
    %broadcast_in_dim3A_2454 = vector.broadcast %jit3A_2453 : f32 to vector<128x128xf32>
    %select_n3A_2455 = arith.select %lt3A_2451, %broadcast_in_dim3A_2454, %select_n3A_2449 : vector<128x128xi1>, vector<128x128xf32>
    %slice3A_2456 = vector.extract_strided_slice %sub3A {offsets = [4608, 896], sizes = [128, 128], strides = [1, 1]} : vector<8192x1024xf32> to vector<128x128xf32>
    %lt3A_2457 = arith.cmpf olt, %slice3A_2456, %min3A_2452 : vector<128x128xf32>
    %min3A_2458 = arith.minimumf %slice3A_2456, %min3A_2452 : vector<128x128xf32>
    %jit3A_2459 = arith.constant 7.000000e+00 : f32
    %broadcast_in_dim3A_2460 = vector.broadcast %jit3A_2459 : f32 to vector<128x128xf32>
    %select_n3A_2461 = arith.select %lt3A_2457, %broadcast_in_dim3A_2460, %select_n3A_2455 : vector<128x128xi1>, vector<128x128xf32>
    %mul3A_2462 = arith.constant 1.280000e+02 : f32
    %mul3A_2463 = vector.broadcast %mul3A_2462 : f32 to vector<128x128xf32>
    %mul3A_2464 = arith.mulf %select_n3A_2461, %mul3A_2463 : vector<128x128xf32>
    %add3A_2465 = arith.addf %mul3A_2464, %convert_element_type3A : vector<128x128xf32>
    %transpose3A_2466 = tpu.transpose %min3A_2458, [1, 0] : vector<128x128xf32> -> vector<128x128xf32>
    %reduce_min3A_2467 = arith.constant dense<0x7F800000> : vector<128xf32>
    %reduce_min3A_2468 = vector.multi_reduction <minimumf>, %transpose3A_2466, %reduce_min3A_2467 [0] : vector<128x128xf32> to vector<128xf32>
    %broadcast_in_dim3A_2469 = vector.shape_cast %reduce_min3A_2468 : vector<128xf32> to vector<1x128xf32>
    %eq3A_2470 = vector.broadcast %broadcast_in_dim3A_2469 : vector<1x128xf32> to vector<128x128xf32>
    %eq3A_2471 = arith.cmpf oeq, %transpose3A_2466, %eq3A_2470 : vector<128x128xf32>
    %transpose3A_2472 = tpu.transpose %add3A_2465, [1, 0] : vector<128x128xf32> -> vector<128x128xf32>
    %jit3A_2473 = arith.constant 1.024000e+03 : f32
    %broadcast_in_dim3A_2474 = vector.broadcast %jit3A_2473 : f32 to vector<128x128xf32>
    %select_n3A_2475 = arith.select %eq3A_2471, %transpose3A_2472, %broadcast_in_dim3A_2474 : vector<128x128xi1>, vector<128x128xf32>
    %reduce_min3A_2476 = arith.constant dense<0x7F800000> : vector<128xf32>
    %reduce_min3A_2477 = vector.multi_reduction <minimumf>, %select_n3A_2475, %reduce_min3A_2476 [0] : vector<128x128xf32> to vector<128xf32>
    %reduce_sum3A_2478 = vector.shape_cast %broadcast_in_dim3A_2469 : vector<1x128xf32> to vector<1x1x128xf32>
    %reduce_sum3A_2479 = arith.constant dense<0.000000e+00> : vector<1xf32>
    %reduce_sum3A_2480 = vector.multi_reduction <add>, %reduce_sum3A_2478, %reduce_sum3A_2479 [1, 2] : vector<1x1x128xf32> to vector<1xf32>
    %reduce_sum3A_2481 = vector.shape_cast %reduce_sum3A_2480 : vector<1xf32> to vector<1x1x1xf32>
    %reduce_sum3A_2482 = vector.extract %reduce_sum3A_2481[0, 0, 0] : f32 from vector<1x1x1xf32>
    %add3A_2483 = arith.addf %add3A_2416, %reduce_sum3A_2482 : f32
    %slice3A_2484 = vector.extract_strided_slice %sub3A {offsets = [4736, 0], sizes = [128, 128], strides = [1, 1]} : vector<8192x1024xf32> to vector<128x128xf32>
    %broadcast_in_dim3A_2485 = arith.constant 0.000000e+00 : f32
    %broadcast_in_dim3A_2486 = vector.broadcast %broadcast_in_dim3A_2485 : f32 to vector<128x128xf32>
    %slice3A_2487 = vector.extract_strided_slice %sub3A {offsets = [4736, 128], sizes = [128, 128], strides = [1, 1]} : vector<8192x1024xf32> to vector<128x128xf32>
    %lt3A_2488 = arith.cmpf olt, %slice3A_2487, %slice3A_2484 : vector<128x128xf32>
    %min3A_2489 = arith.minimumf %slice3A_2487, %slice3A_2484 : vector<128x128xf32>
    %jit3A_2490 = arith.constant 1.000000e+00 : f32
    %broadcast_in_dim3A_2491 = vector.broadcast %jit3A_2490 : f32 to vector<128x128xf32>
    %select_n3A_2492 = arith.select %lt3A_2488, %broadcast_in_dim3A_2491, %broadcast_in_dim3A_2486 : vector<128x128xi1>, vector<128x128xf32>
    %slice3A_2493 = vector.extract_strided_slice %sub3A {offsets = [4736, 256], sizes = [128, 128], strides = [1, 1]} : vector<8192x1024xf32> to vector<128x128xf32>
    %lt3A_2494 = arith.cmpf olt, %slice3A_2493, %min3A_2489 : vector<128x128xf32>
    %min3A_2495 = arith.minimumf %slice3A_2493, %min3A_2489 : vector<128x128xf32>
    %jit3A_2496 = arith.constant 2.000000e+00 : f32
    %broadcast_in_dim3A_2497 = vector.broadcast %jit3A_2496 : f32 to vector<128x128xf32>
    %select_n3A_2498 = arith.select %lt3A_2494, %broadcast_in_dim3A_2497, %select_n3A_2492 : vector<128x128xi1>, vector<128x128xf32>
    %slice3A_2499 = vector.extract_strided_slice %sub3A {offsets = [4736, 384], sizes = [128, 128], strides = [1, 1]} : vector<8192x1024xf32> to vector<128x128xf32>
    %lt3A_2500 = arith.cmpf olt, %slice3A_2499, %min3A_2495 : vector<128x128xf32>
    %min3A_2501 = arith.minimumf %slice3A_2499, %min3A_2495 : vector<128x128xf32>
    %jit3A_2502 = arith.constant 3.000000e+00 : f32
    %broadcast_in_dim3A_2503 = vector.broadcast %jit3A_2502 : f32 to vector<128x128xf32>
    %select_n3A_2504 = arith.select %lt3A_2500, %broadcast_in_dim3A_2503, %select_n3A_2498 : vector<128x128xi1>, vector<128x128xf32>
    %slice3A_2505 = vector.extract_strided_slice %sub3A {offsets = [4736, 512], sizes = [128, 128], strides = [1, 1]} : vector<8192x1024xf32> to vector<128x128xf32>
    %lt3A_2506 = arith.cmpf olt, %slice3A_2505, %min3A_2501 : vector<128x128xf32>
    %min3A_2507 = arith.minimumf %slice3A_2505, %min3A_2501 : vector<128x128xf32>
    %jit3A_2508 = arith.constant 4.000000e+00 : f32
    %broadcast_in_dim3A_2509 = vector.broadcast %jit3A_2508 : f32 to vector<128x128xf32>
    %select_n3A_2510 = arith.select %lt3A_2506, %broadcast_in_dim3A_2509, %select_n3A_2504 : vector<128x128xi1>, vector<128x128xf32>
    %slice3A_2511 = vector.extract_strided_slice %sub3A {offsets = [4736, 640], sizes = [128, 128], strides = [1, 1]} : vector<8192x1024xf32> to vector<128x128xf32>
    %lt3A_2512 = arith.cmpf olt, %slice3A_2511, %min3A_2507 : vector<128x128xf32>
    %min3A_2513 = arith.minimumf %slice3A_2511, %min3A_2507 : vector<128x128xf32>
    %jit3A_2514 = arith.constant 5.000000e+00 : f32
    %broadcast_in_dim3A_2515 = vector.broadcast %jit3A_2514 : f32 to vector<128x128xf32>
    %select_n3A_2516 = arith.select %lt3A_2512, %broadcast_in_dim3A_2515, %select_n3A_2510 : vector<128x128xi1>, vector<128x128xf32>
    %slice3A_2517 = vector.extract_strided_slice %sub3A {offsets = [4736, 768], sizes = [128, 128], strides = [1, 1]} : vector<8192x1024xf32> to vector<128x128xf32>
    %lt3A_2518 = arith.cmpf olt, %slice3A_2517, %min3A_2513 : vector<128x128xf32>
    %min3A_2519 = arith.minimumf %slice3A_2517, %min3A_2513 : vector<128x128xf32>
    %jit3A_2520 = arith.constant 6.000000e+00 : f32
    %broadcast_in_dim3A_2521 = vector.broadcast %jit3A_2520 : f32 to vector<128x128xf32>
    %select_n3A_2522 = arith.select %lt3A_2518, %broadcast_in_dim3A_2521, %select_n3A_2516 : vector<128x128xi1>, vector<128x128xf32>
    %slice3A_2523 = vector.extract_strided_slice %sub3A {offsets = [4736, 896], sizes = [128, 128], strides = [1, 1]} : vector<8192x1024xf32> to vector<128x128xf32>
    %lt3A_2524 = arith.cmpf olt, %slice3A_2523, %min3A_2519 : vector<128x128xf32>
    %min3A_2525 = arith.minimumf %slice3A_2523, %min3A_2519 : vector<128x128xf32>
    %jit3A_2526 = arith.constant 7.000000e+00 : f32
    %broadcast_in_dim3A_2527 = vector.broadcast %jit3A_2526 : f32 to vector<128x128xf32>
    %select_n3A_2528 = arith.select %lt3A_2524, %broadcast_in_dim3A_2527, %select_n3A_2522 : vector<128x128xi1>, vector<128x128xf32>
    %mul3A_2529 = arith.constant 1.280000e+02 : f32
    %mul3A_2530 = vector.broadcast %mul3A_2529 : f32 to vector<128x128xf32>
    %mul3A_2531 = arith.mulf %select_n3A_2528, %mul3A_2530 : vector<128x128xf32>
    %add3A_2532 = arith.addf %mul3A_2531, %convert_element_type3A : vector<128x128xf32>
    %transpose3A_2533 = tpu.transpose %min3A_2525, [1, 0] : vector<128x128xf32> -> vector<128x128xf32>
    %reduce_min3A_2534 = arith.constant dense<0x7F800000> : vector<128xf32>
    %reduce_min3A_2535 = vector.multi_reduction <minimumf>, %transpose3A_2533, %reduce_min3A_2534 [0] : vector<128x128xf32> to vector<128xf32>
    %broadcast_in_dim3A_2536 = vector.shape_cast %reduce_min3A_2535 : vector<128xf32> to vector<1x128xf32>
    %eq3A_2537 = vector.broadcast %broadcast_in_dim3A_2536 : vector<1x128xf32> to vector<128x128xf32>
    %eq3A_2538 = arith.cmpf oeq, %transpose3A_2533, %eq3A_2537 : vector<128x128xf32>
    %transpose3A_2539 = tpu.transpose %add3A_2532, [1, 0] : vector<128x128xf32> -> vector<128x128xf32>
    %jit3A_2540 = arith.constant 1.024000e+03 : f32
    %broadcast_in_dim3A_2541 = vector.broadcast %jit3A_2540 : f32 to vector<128x128xf32>
    %select_n3A_2542 = arith.select %eq3A_2538, %transpose3A_2539, %broadcast_in_dim3A_2541 : vector<128x128xi1>, vector<128x128xf32>
    %reduce_min3A_2543 = arith.constant dense<0x7F800000> : vector<128xf32>
    %reduce_min3A_2544 = vector.multi_reduction <minimumf>, %select_n3A_2542, %reduce_min3A_2543 [0] : vector<128x128xf32> to vector<128xf32>
    %reduce_sum3A_2545 = vector.shape_cast %broadcast_in_dim3A_2536 : vector<1x128xf32> to vector<1x1x128xf32>
    %reduce_sum3A_2546 = arith.constant dense<0.000000e+00> : vector<1xf32>
    %reduce_sum3A_2547 = vector.multi_reduction <add>, %reduce_sum3A_2545, %reduce_sum3A_2546 [1, 2] : vector<1x1x128xf32> to vector<1xf32>
    %reduce_sum3A_2548 = vector.shape_cast %reduce_sum3A_2547 : vector<1xf32> to vector<1x1x1xf32>
    %reduce_sum3A_2549 = vector.extract %reduce_sum3A_2548[0, 0, 0] : f32 from vector<1x1x1xf32>
    %add3A_2550 = arith.addf %add3A_2483, %reduce_sum3A_2549 : f32
    %slice3A_2551 = vector.extract_strided_slice %sub3A {offsets = [4864, 0], sizes = [128, 128], strides = [1, 1]} : vector<8192x1024xf32> to vector<128x128xf32>
    %broadcast_in_dim3A_2552 = arith.constant 0.000000e+00 : f32
    %broadcast_in_dim3A_2553 = vector.broadcast %broadcast_in_dim3A_2552 : f32 to vector<128x128xf32>
    %slice3A_2554 = vector.extract_strided_slice %sub3A {offsets = [4864, 128], sizes = [128, 128], strides = [1, 1]} : vector<8192x1024xf32> to vector<128x128xf32>
    %lt3A_2555 = arith.cmpf olt, %slice3A_2554, %slice3A_2551 : vector<128x128xf32>
    %min3A_2556 = arith.minimumf %slice3A_2554, %slice3A_2551 : vector<128x128xf32>
    %jit3A_2557 = arith.constant 1.000000e+00 : f32
    %broadcast_in_dim3A_2558 = vector.broadcast %jit3A_2557 : f32 to vector<128x128xf32>
    %select_n3A_2559 = arith.select %lt3A_2555, %broadcast_in_dim3A_2558, %broadcast_in_dim3A_2553 : vector<128x128xi1>, vector<128x128xf32>
    %slice3A_2560 = vector.extract_strided_slice %sub3A {offsets = [4864, 256], sizes = [128, 128], strides = [1, 1]} : vector<8192x1024xf32> to vector<128x128xf32>
    %lt3A_2561 = arith.cmpf olt, %slice3A_2560, %min3A_2556 : vector<128x128xf32>
    %min3A_2562 = arith.minimumf %slice3A_2560, %min3A_2556 : vector<128x128xf32>
    %jit3A_2563 = arith.constant 2.000000e+00 : f32
    %broadcast_in_dim3A_2564 = vector.broadcast %jit3A_2563 : f32 to vector<128x128xf32>
    %select_n3A_2565 = arith.select %lt3A_2561, %broadcast_in_dim3A_2564, %select_n3A_2559 : vector<128x128xi1>, vector<128x128xf32>
    %slice3A_2566 = vector.extract_strided_slice %sub3A {offsets = [4864, 384], sizes = [128, 128], strides = [1, 1]} : vector<8192x1024xf32> to vector<128x128xf32>
    %lt3A_2567 = arith.cmpf olt, %slice3A_2566, %min3A_2562 : vector<128x128xf32>
    %min3A_2568 = arith.minimumf %slice3A_2566, %min3A_2562 : vector<128x128xf32>
    %jit3A_2569 = arith.constant 3.000000e+00 : f32
    %broadcast_in_dim3A_2570 = vector.broadcast %jit3A_2569 : f32 to vector<128x128xf32>
    %select_n3A_2571 = arith.select %lt3A_2567, %broadcast_in_dim3A_2570, %select_n3A_2565 : vector<128x128xi1>, vector<128x128xf32>
    %slice3A_2572 = vector.extract_strided_slice %sub3A {offsets = [4864, 512], sizes = [128, 128], strides = [1, 1]} : vector<8192x1024xf32> to vector<128x128xf32>
    %lt3A_2573 = arith.cmpf olt, %slice3A_2572, %min3A_2568 : vector<128x128xf32>
    %min3A_2574 = arith.minimumf %slice3A_2572, %min3A_2568 : vector<128x128xf32>
    %jit3A_2575 = arith.constant 4.000000e+00 : f32
    %broadcast_in_dim3A_2576 = vector.broadcast %jit3A_2575 : f32 to vector<128x128xf32>
    %select_n3A_2577 = arith.select %lt3A_2573, %broadcast_in_dim3A_2576, %select_n3A_2571 : vector<128x128xi1>, vector<128x128xf32>
    %slice3A_2578 = vector.extract_strided_slice %sub3A {offsets = [4864, 640], sizes = [128, 128], strides = [1, 1]} : vector<8192x1024xf32> to vector<128x128xf32>
    %lt3A_2579 = arith.cmpf olt, %slice3A_2578, %min3A_2574 : vector<128x128xf32>
    %min3A_2580 = arith.minimumf %slice3A_2578, %min3A_2574 : vector<128x128xf32>
    %jit3A_2581 = arith.constant 5.000000e+00 : f32
    %broadcast_in_dim3A_2582 = vector.broadcast %jit3A_2581 : f32 to vector<128x128xf32>
    %select_n3A_2583 = arith.select %lt3A_2579, %broadcast_in_dim3A_2582, %select_n3A_2577 : vector<128x128xi1>, vector<128x128xf32>
    %slice3A_2584 = vector.extract_strided_slice %sub3A {offsets = [4864, 768], sizes = [128, 128], strides = [1, 1]} : vector<8192x1024xf32> to vector<128x128xf32>
    %lt3A_2585 = arith.cmpf olt, %slice3A_2584, %min3A_2580 : vector<128x128xf32>
    %min3A_2586 = arith.minimumf %slice3A_2584, %min3A_2580 : vector<128x128xf32>
    %jit3A_2587 = arith.constant 6.000000e+00 : f32
    %broadcast_in_dim3A_2588 = vector.broadcast %jit3A_2587 : f32 to vector<128x128xf32>
    %select_n3A_2589 = arith.select %lt3A_2585, %broadcast_in_dim3A_2588, %select_n3A_2583 : vector<128x128xi1>, vector<128x128xf32>
    %slice3A_2590 = vector.extract_strided_slice %sub3A {offsets = [4864, 896], sizes = [128, 128], strides = [1, 1]} : vector<8192x1024xf32> to vector<128x128xf32>
    %lt3A_2591 = arith.cmpf olt, %slice3A_2590, %min3A_2586 : vector<128x128xf32>
    %min3A_2592 = arith.minimumf %slice3A_2590, %min3A_2586 : vector<128x128xf32>
    %jit3A_2593 = arith.constant 7.000000e+00 : f32
    %broadcast_in_dim3A_2594 = vector.broadcast %jit3A_2593 : f32 to vector<128x128xf32>
    %select_n3A_2595 = arith.select %lt3A_2591, %broadcast_in_dim3A_2594, %select_n3A_2589 : vector<128x128xi1>, vector<128x128xf32>
    %mul3A_2596 = arith.constant 1.280000e+02 : f32
    %mul3A_2597 = vector.broadcast %mul3A_2596 : f32 to vector<128x128xf32>
    %mul3A_2598 = arith.mulf %select_n3A_2595, %mul3A_2597 : vector<128x128xf32>
    %add3A_2599 = arith.addf %mul3A_2598, %convert_element_type3A : vector<128x128xf32>
    %transpose3A_2600 = tpu.transpose %min3A_2592, [1, 0] : vector<128x128xf32> -> vector<128x128xf32>
    %reduce_min3A_2601 = arith.constant dense<0x7F800000> : vector<128xf32>
    %reduce_min3A_2602 = vector.multi_reduction <minimumf>, %transpose3A_2600, %reduce_min3A_2601 [0] : vector<128x128xf32> to vector<128xf32>
    %broadcast_in_dim3A_2603 = vector.shape_cast %reduce_min3A_2602 : vector<128xf32> to vector<1x128xf32>
    %eq3A_2604 = vector.broadcast %broadcast_in_dim3A_2603 : vector<1x128xf32> to vector<128x128xf32>
    %eq3A_2605 = arith.cmpf oeq, %transpose3A_2600, %eq3A_2604 : vector<128x128xf32>
    %transpose3A_2606 = tpu.transpose %add3A_2599, [1, 0] : vector<128x128xf32> -> vector<128x128xf32>
    %jit3A_2607 = arith.constant 1.024000e+03 : f32
    %broadcast_in_dim3A_2608 = vector.broadcast %jit3A_2607 : f32 to vector<128x128xf32>
    %select_n3A_2609 = arith.select %eq3A_2605, %transpose3A_2606, %broadcast_in_dim3A_2608 : vector<128x128xi1>, vector<128x128xf32>
    %reduce_min3A_2610 = arith.constant dense<0x7F800000> : vector<128xf32>
    %reduce_min3A_2611 = vector.multi_reduction <minimumf>, %select_n3A_2609, %reduce_min3A_2610 [0] : vector<128x128xf32> to vector<128xf32>
    %reduce_sum3A_2612 = vector.shape_cast %broadcast_in_dim3A_2603 : vector<1x128xf32> to vector<1x1x128xf32>
    %reduce_sum3A_2613 = arith.constant dense<0.000000e+00> : vector<1xf32>
    %reduce_sum3A_2614 = vector.multi_reduction <add>, %reduce_sum3A_2612, %reduce_sum3A_2613 [1, 2] : vector<1x1x128xf32> to vector<1xf32>
    %reduce_sum3A_2615 = vector.shape_cast %reduce_sum3A_2614 : vector<1xf32> to vector<1x1x1xf32>
    %reduce_sum3A_2616 = vector.extract %reduce_sum3A_2615[0, 0, 0] : f32 from vector<1x1x1xf32>
    %add3A_2617 = arith.addf %add3A_2550, %reduce_sum3A_2616 : f32
    %slice3A_2618 = vector.extract_strided_slice %sub3A {offsets = [4992, 0], sizes = [128, 128], strides = [1, 1]} : vector<8192x1024xf32> to vector<128x128xf32>
    %broadcast_in_dim3A_2619 = arith.constant 0.000000e+00 : f32
    %broadcast_in_dim3A_2620 = vector.broadcast %broadcast_in_dim3A_2619 : f32 to vector<128x128xf32>
    %slice3A_2621 = vector.extract_strided_slice %sub3A {offsets = [4992, 128], sizes = [128, 128], strides = [1, 1]} : vector<8192x1024xf32> to vector<128x128xf32>
    %lt3A_2622 = arith.cmpf olt, %slice3A_2621, %slice3A_2618 : vector<128x128xf32>
    %min3A_2623 = arith.minimumf %slice3A_2621, %slice3A_2618 : vector<128x128xf32>
    %jit3A_2624 = arith.constant 1.000000e+00 : f32
    %broadcast_in_dim3A_2625 = vector.broadcast %jit3A_2624 : f32 to vector<128x128xf32>
    %select_n3A_2626 = arith.select %lt3A_2622, %broadcast_in_dim3A_2625, %broadcast_in_dim3A_2620 : vector<128x128xi1>, vector<128x128xf32>
    %slice3A_2627 = vector.extract_strided_slice %sub3A {offsets = [4992, 256], sizes = [128, 128], strides = [1, 1]} : vector<8192x1024xf32> to vector<128x128xf32>
    %lt3A_2628 = arith.cmpf olt, %slice3A_2627, %min3A_2623 : vector<128x128xf32>
    %min3A_2629 = arith.minimumf %slice3A_2627, %min3A_2623 : vector<128x128xf32>
    %jit3A_2630 = arith.constant 2.000000e+00 : f32
    %broadcast_in_dim3A_2631 = vector.broadcast %jit3A_2630 : f32 to vector<128x128xf32>
    %select_n3A_2632 = arith.select %lt3A_2628, %broadcast_in_dim3A_2631, %select_n3A_2626 : vector<128x128xi1>, vector<128x128xf32>
    %slice3A_2633 = vector.extract_strided_slice %sub3A {offsets = [4992, 384], sizes = [128, 128], strides = [1, 1]} : vector<8192x1024xf32> to vector<128x128xf32>
    %lt3A_2634 = arith.cmpf olt, %slice3A_2633, %min3A_2629 : vector<128x128xf32>
    %min3A_2635 = arith.minimumf %slice3A_2633, %min3A_2629 : vector<128x128xf32>
    %jit3A_2636 = arith.constant 3.000000e+00 : f32
    %broadcast_in_dim3A_2637 = vector.broadcast %jit3A_2636 : f32 to vector<128x128xf32>
    %select_n3A_2638 = arith.select %lt3A_2634, %broadcast_in_dim3A_2637, %select_n3A_2632 : vector<128x128xi1>, vector<128x128xf32>
    %slice3A_2639 = vector.extract_strided_slice %sub3A {offsets = [4992, 512], sizes = [128, 128], strides = [1, 1]} : vector<8192x1024xf32> to vector<128x128xf32>
    %lt3A_2640 = arith.cmpf olt, %slice3A_2639, %min3A_2635 : vector<128x128xf32>
    %min3A_2641 = arith.minimumf %slice3A_2639, %min3A_2635 : vector<128x128xf32>
    %jit3A_2642 = arith.constant 4.000000e+00 : f32
    %broadcast_in_dim3A_2643 = vector.broadcast %jit3A_2642 : f32 to vector<128x128xf32>
    %select_n3A_2644 = arith.select %lt3A_2640, %broadcast_in_dim3A_2643, %select_n3A_2638 : vector<128x128xi1>, vector<128x128xf32>
    %slice3A_2645 = vector.extract_strided_slice %sub3A {offsets = [4992, 640], sizes = [128, 128], strides = [1, 1]} : vector<8192x1024xf32> to vector<128x128xf32>
    %lt3A_2646 = arith.cmpf olt, %slice3A_2645, %min3A_2641 : vector<128x128xf32>
    %min3A_2647 = arith.minimumf %slice3A_2645, %min3A_2641 : vector<128x128xf32>
    %jit3A_2648 = arith.constant 5.000000e+00 : f32
    %broadcast_in_dim3A_2649 = vector.broadcast %jit3A_2648 : f32 to vector<128x128xf32>
    %select_n3A_2650 = arith.select %lt3A_2646, %broadcast_in_dim3A_2649, %select_n3A_2644 : vector<128x128xi1>, vector<128x128xf32>
    %slice3A_2651 = vector.extract_strided_slice %sub3A {offsets = [4992, 768], sizes = [128, 128], strides = [1, 1]} : vector<8192x1024xf32> to vector<128x128xf32>
    %lt3A_2652 = arith.cmpf olt, %slice3A_2651, %min3A_2647 : vector<128x128xf32>
    %min3A_2653 = arith.minimumf %slice3A_2651, %min3A_2647 : vector<128x128xf32>
    %jit3A_2654 = arith.constant 6.000000e+00 : f32
    %broadcast_in_dim3A_2655 = vector.broadcast %jit3A_2654 : f32 to vector<128x128xf32>
    %select_n3A_2656 = arith.select %lt3A_2652, %broadcast_in_dim3A_2655, %select_n3A_2650 : vector<128x128xi1>, vector<128x128xf32>
    %slice3A_2657 = vector.extract_strided_slice %sub3A {offsets = [4992, 896], sizes = [128, 128], strides = [1, 1]} : vector<8192x1024xf32> to vector<128x128xf32>
    %lt3A_2658 = arith.cmpf olt, %slice3A_2657, %min3A_2653 : vector<128x128xf32>
    %min3A_2659 = arith.minimumf %slice3A_2657, %min3A_2653 : vector<128x128xf32>
    %jit3A_2660 = arith.constant 7.000000e+00 : f32
    %broadcast_in_dim3A_2661 = vector.broadcast %jit3A_2660 : f32 to vector<128x128xf32>
    %select_n3A_2662 = arith.select %lt3A_2658, %broadcast_in_dim3A_2661, %select_n3A_2656 : vector<128x128xi1>, vector<128x128xf32>
    %mul3A_2663 = arith.constant 1.280000e+02 : f32
    %mul3A_2664 = vector.broadcast %mul3A_2663 : f32 to vector<128x128xf32>
    %mul3A_2665 = arith.mulf %select_n3A_2662, %mul3A_2664 : vector<128x128xf32>
    %add3A_2666 = arith.addf %mul3A_2665, %convert_element_type3A : vector<128x128xf32>
    %transpose3A_2667 = tpu.transpose %min3A_2659, [1, 0] : vector<128x128xf32> -> vector<128x128xf32>
    %reduce_min3A_2668 = arith.constant dense<0x7F800000> : vector<128xf32>
    %reduce_min3A_2669 = vector.multi_reduction <minimumf>, %transpose3A_2667, %reduce_min3A_2668 [0] : vector<128x128xf32> to vector<128xf32>
    %broadcast_in_dim3A_2670 = vector.shape_cast %reduce_min3A_2669 : vector<128xf32> to vector<1x128xf32>
    %eq3A_2671 = vector.broadcast %broadcast_in_dim3A_2670 : vector<1x128xf32> to vector<128x128xf32>
    %eq3A_2672 = arith.cmpf oeq, %transpose3A_2667, %eq3A_2671 : vector<128x128xf32>
    %transpose3A_2673 = tpu.transpose %add3A_2666, [1, 0] : vector<128x128xf32> -> vector<128x128xf32>
    %jit3A_2674 = arith.constant 1.024000e+03 : f32
    %broadcast_in_dim3A_2675 = vector.broadcast %jit3A_2674 : f32 to vector<128x128xf32>
    %select_n3A_2676 = arith.select %eq3A_2672, %transpose3A_2673, %broadcast_in_dim3A_2675 : vector<128x128xi1>, vector<128x128xf32>
    %reduce_min3A_2677 = arith.constant dense<0x7F800000> : vector<128xf32>
    %reduce_min3A_2678 = vector.multi_reduction <minimumf>, %select_n3A_2676, %reduce_min3A_2677 [0] : vector<128x128xf32> to vector<128xf32>
    %reduce_sum3A_2679 = vector.shape_cast %broadcast_in_dim3A_2670 : vector<1x128xf32> to vector<1x1x128xf32>
    %reduce_sum3A_2680 = arith.constant dense<0.000000e+00> : vector<1xf32>
    %reduce_sum3A_2681 = vector.multi_reduction <add>, %reduce_sum3A_2679, %reduce_sum3A_2680 [1, 2] : vector<1x1x128xf32> to vector<1xf32>
    %reduce_sum3A_2682 = vector.shape_cast %reduce_sum3A_2681 : vector<1xf32> to vector<1x1x1xf32>
    %reduce_sum3A_2683 = vector.extract %reduce_sum3A_2682[0, 0, 0] : f32 from vector<1x1x1xf32>
    %add3A_2684 = arith.addf %add3A_2617, %reduce_sum3A_2683 : f32
    %slice3A_2685 = vector.extract_strided_slice %sub3A {offsets = [5120, 0], sizes = [128, 128], strides = [1, 1]} : vector<8192x1024xf32> to vector<128x128xf32>
    %broadcast_in_dim3A_2686 = arith.constant 0.000000e+00 : f32
    %broadcast_in_dim3A_2687 = vector.broadcast %broadcast_in_dim3A_2686 : f32 to vector<128x128xf32>
    %slice3A_2688 = vector.extract_strided_slice %sub3A {offsets = [5120, 128], sizes = [128, 128], strides = [1, 1]} : vector<8192x1024xf32> to vector<128x128xf32>
    %lt3A_2689 = arith.cmpf olt, %slice3A_2688, %slice3A_2685 : vector<128x128xf32>
    %min3A_2690 = arith.minimumf %slice3A_2688, %slice3A_2685 : vector<128x128xf32>
    %jit3A_2691 = arith.constant 1.000000e+00 : f32
    %broadcast_in_dim3A_2692 = vector.broadcast %jit3A_2691 : f32 to vector<128x128xf32>
    %select_n3A_2693 = arith.select %lt3A_2689, %broadcast_in_dim3A_2692, %broadcast_in_dim3A_2687 : vector<128x128xi1>, vector<128x128xf32>
    %slice3A_2694 = vector.extract_strided_slice %sub3A {offsets = [5120, 256], sizes = [128, 128], strides = [1, 1]} : vector<8192x1024xf32> to vector<128x128xf32>
    %lt3A_2695 = arith.cmpf olt, %slice3A_2694, %min3A_2690 : vector<128x128xf32>
    %min3A_2696 = arith.minimumf %slice3A_2694, %min3A_2690 : vector<128x128xf32>
    %jit3A_2697 = arith.constant 2.000000e+00 : f32
    %broadcast_in_dim3A_2698 = vector.broadcast %jit3A_2697 : f32 to vector<128x128xf32>
    %select_n3A_2699 = arith.select %lt3A_2695, %broadcast_in_dim3A_2698, %select_n3A_2693 : vector<128x128xi1>, vector<128x128xf32>
    %slice3A_2700 = vector.extract_strided_slice %sub3A {offsets = [5120, 384], sizes = [128, 128], strides = [1, 1]} : vector<8192x1024xf32> to vector<128x128xf32>
    %lt3A_2701 = arith.cmpf olt, %slice3A_2700, %min3A_2696 : vector<128x128xf32>
    %min3A_2702 = arith.minimumf %slice3A_2700, %min3A_2696 : vector<128x128xf32>
    %jit3A_2703 = arith.constant 3.000000e+00 : f32
    %broadcast_in_dim3A_2704 = vector.broadcast %jit3A_2703 : f32 to vector<128x128xf32>
    %select_n3A_2705 = arith.select %lt3A_2701, %broadcast_in_dim3A_2704, %select_n3A_2699 : vector<128x128xi1>, vector<128x128xf32>
    %slice3A_2706 = vector.extract_strided_slice %sub3A {offsets = [5120, 512], sizes = [128, 128], strides = [1, 1]} : vector<8192x1024xf32> to vector<128x128xf32>
    %lt3A_2707 = arith.cmpf olt, %slice3A_2706, %min3A_2702 : vector<128x128xf32>
    %min3A_2708 = arith.minimumf %slice3A_2706, %min3A_2702 : vector<128x128xf32>
    %jit3A_2709 = arith.constant 4.000000e+00 : f32
    %broadcast_in_dim3A_2710 = vector.broadcast %jit3A_2709 : f32 to vector<128x128xf32>
    %select_n3A_2711 = arith.select %lt3A_2707, %broadcast_in_dim3A_2710, %select_n3A_2705 : vector<128x128xi1>, vector<128x128xf32>
    %slice3A_2712 = vector.extract_strided_slice %sub3A {offsets = [5120, 640], sizes = [128, 128], strides = [1, 1]} : vector<8192x1024xf32> to vector<128x128xf32>
    %lt3A_2713 = arith.cmpf olt, %slice3A_2712, %min3A_2708 : vector<128x128xf32>
    %min3A_2714 = arith.minimumf %slice3A_2712, %min3A_2708 : vector<128x128xf32>
    %jit3A_2715 = arith.constant 5.000000e+00 : f32
    %broadcast_in_dim3A_2716 = vector.broadcast %jit3A_2715 : f32 to vector<128x128xf32>
    %select_n3A_2717 = arith.select %lt3A_2713, %broadcast_in_dim3A_2716, %select_n3A_2711 : vector<128x128xi1>, vector<128x128xf32>
    %slice3A_2718 = vector.extract_strided_slice %sub3A {offsets = [5120, 768], sizes = [128, 128], strides = [1, 1]} : vector<8192x1024xf32> to vector<128x128xf32>
    %lt3A_2719 = arith.cmpf olt, %slice3A_2718, %min3A_2714 : vector<128x128xf32>
    %min3A_2720 = arith.minimumf %slice3A_2718, %min3A_2714 : vector<128x128xf32>
    %jit3A_2721 = arith.constant 6.000000e+00 : f32
    %broadcast_in_dim3A_2722 = vector.broadcast %jit3A_2721 : f32 to vector<128x128xf32>
    %select_n3A_2723 = arith.select %lt3A_2719, %broadcast_in_dim3A_2722, %select_n3A_2717 : vector<128x128xi1>, vector<128x128xf32>
    %slice3A_2724 = vector.extract_strided_slice %sub3A {offsets = [5120, 896], sizes = [128, 128], strides = [1, 1]} : vector<8192x1024xf32> to vector<128x128xf32>
    %lt3A_2725 = arith.cmpf olt, %slice3A_2724, %min3A_2720 : vector<128x128xf32>
    %min3A_2726 = arith.minimumf %slice3A_2724, %min3A_2720 : vector<128x128xf32>
    %jit3A_2727 = arith.constant 7.000000e+00 : f32
    %broadcast_in_dim3A_2728 = vector.broadcast %jit3A_2727 : f32 to vector<128x128xf32>
    %select_n3A_2729 = arith.select %lt3A_2725, %broadcast_in_dim3A_2728, %select_n3A_2723 : vector<128x128xi1>, vector<128x128xf32>
    %mul3A_2730 = arith.constant 1.280000e+02 : f32
    %mul3A_2731 = vector.broadcast %mul3A_2730 : f32 to vector<128x128xf32>
    %mul3A_2732 = arith.mulf %select_n3A_2729, %mul3A_2731 : vector<128x128xf32>
    %add3A_2733 = arith.addf %mul3A_2732, %convert_element_type3A : vector<128x128xf32>
    %transpose3A_2734 = tpu.transpose %min3A_2726, [1, 0] : vector<128x128xf32> -> vector<128x128xf32>
    %reduce_min3A_2735 = arith.constant dense<0x7F800000> : vector<128xf32>
    %reduce_min3A_2736 = vector.multi_reduction <minimumf>, %transpose3A_2734, %reduce_min3A_2735 [0] : vector<128x128xf32> to vector<128xf32>
    %broadcast_in_dim3A_2737 = vector.shape_cast %reduce_min3A_2736 : vector<128xf32> to vector<1x128xf32>
    %eq3A_2738 = vector.broadcast %broadcast_in_dim3A_2737 : vector<1x128xf32> to vector<128x128xf32>
    %eq3A_2739 = arith.cmpf oeq, %transpose3A_2734, %eq3A_2738 : vector<128x128xf32>
    %transpose3A_2740 = tpu.transpose %add3A_2733, [1, 0] : vector<128x128xf32> -> vector<128x128xf32>
    %jit3A_2741 = arith.constant 1.024000e+03 : f32
    %broadcast_in_dim3A_2742 = vector.broadcast %jit3A_2741 : f32 to vector<128x128xf32>
    %select_n3A_2743 = arith.select %eq3A_2739, %transpose3A_2740, %broadcast_in_dim3A_2742 : vector<128x128xi1>, vector<128x128xf32>
    %reduce_min3A_2744 = arith.constant dense<0x7F800000> : vector<128xf32>
    %reduce_min3A_2745 = vector.multi_reduction <minimumf>, %select_n3A_2743, %reduce_min3A_2744 [0] : vector<128x128xf32> to vector<128xf32>
    %reduce_sum3A_2746 = vector.shape_cast %broadcast_in_dim3A_2737 : vector<1x128xf32> to vector<1x1x128xf32>
    %reduce_sum3A_2747 = arith.constant dense<0.000000e+00> : vector<1xf32>
    %reduce_sum3A_2748 = vector.multi_reduction <add>, %reduce_sum3A_2746, %reduce_sum3A_2747 [1, 2] : vector<1x1x128xf32> to vector<1xf32>
    %reduce_sum3A_2749 = vector.shape_cast %reduce_sum3A_2748 : vector<1xf32> to vector<1x1x1xf32>
    %reduce_sum3A_2750 = vector.extract %reduce_sum3A_2749[0, 0, 0] : f32 from vector<1x1x1xf32>
    %add3A_2751 = arith.addf %add3A_2684, %reduce_sum3A_2750 : f32
    %slice3A_2752 = vector.extract_strided_slice %sub3A {offsets = [5248, 0], sizes = [128, 128], strides = [1, 1]} : vector<8192x1024xf32> to vector<128x128xf32>
    %broadcast_in_dim3A_2753 = arith.constant 0.000000e+00 : f32
    %broadcast_in_dim3A_2754 = vector.broadcast %broadcast_in_dim3A_2753 : f32 to vector<128x128xf32>
    %slice3A_2755 = vector.extract_strided_slice %sub3A {offsets = [5248, 128], sizes = [128, 128], strides = [1, 1]} : vector<8192x1024xf32> to vector<128x128xf32>
    %lt3A_2756 = arith.cmpf olt, %slice3A_2755, %slice3A_2752 : vector<128x128xf32>
    %min3A_2757 = arith.minimumf %slice3A_2755, %slice3A_2752 : vector<128x128xf32>
    %jit3A_2758 = arith.constant 1.000000e+00 : f32
    %broadcast_in_dim3A_2759 = vector.broadcast %jit3A_2758 : f32 to vector<128x128xf32>
    %select_n3A_2760 = arith.select %lt3A_2756, %broadcast_in_dim3A_2759, %broadcast_in_dim3A_2754 : vector<128x128xi1>, vector<128x128xf32>
    %slice3A_2761 = vector.extract_strided_slice %sub3A {offsets = [5248, 256], sizes = [128, 128], strides = [1, 1]} : vector<8192x1024xf32> to vector<128x128xf32>
    %lt3A_2762 = arith.cmpf olt, %slice3A_2761, %min3A_2757 : vector<128x128xf32>
    %min3A_2763 = arith.minimumf %slice3A_2761, %min3A_2757 : vector<128x128xf32>
    %jit3A_2764 = arith.constant 2.000000e+00 : f32
    %broadcast_in_dim3A_2765 = vector.broadcast %jit3A_2764 : f32 to vector<128x128xf32>
    %select_n3A_2766 = arith.select %lt3A_2762, %broadcast_in_dim3A_2765, %select_n3A_2760 : vector<128x128xi1>, vector<128x128xf32>
    %slice3A_2767 = vector.extract_strided_slice %sub3A {offsets = [5248, 384], sizes = [128, 128], strides = [1, 1]} : vector<8192x1024xf32> to vector<128x128xf32>
    %lt3A_2768 = arith.cmpf olt, %slice3A_2767, %min3A_2763 : vector<128x128xf32>
    %min3A_2769 = arith.minimumf %slice3A_2767, %min3A_2763 : vector<128x128xf32>
    %jit3A_2770 = arith.constant 3.000000e+00 : f32
    %broadcast_in_dim3A_2771 = vector.broadcast %jit3A_2770 : f32 to vector<128x128xf32>
    %select_n3A_2772 = arith.select %lt3A_2768, %broadcast_in_dim3A_2771, %select_n3A_2766 : vector<128x128xi1>, vector<128x128xf32>
    %slice3A_2773 = vector.extract_strided_slice %sub3A {offsets = [5248, 512], sizes = [128, 128], strides = [1, 1]} : vector<8192x1024xf32> to vector<128x128xf32>
    %lt3A_2774 = arith.cmpf olt, %slice3A_2773, %min3A_2769 : vector<128x128xf32>
    %min3A_2775 = arith.minimumf %slice3A_2773, %min3A_2769 : vector<128x128xf32>
    %jit3A_2776 = arith.constant 4.000000e+00 : f32
    %broadcast_in_dim3A_2777 = vector.broadcast %jit3A_2776 : f32 to vector<128x128xf32>
    %select_n3A_2778 = arith.select %lt3A_2774, %broadcast_in_dim3A_2777, %select_n3A_2772 : vector<128x128xi1>, vector<128x128xf32>
    %slice3A_2779 = vector.extract_strided_slice %sub3A {offsets = [5248, 640], sizes = [128, 128], strides = [1, 1]} : vector<8192x1024xf32> to vector<128x128xf32>
    %lt3A_2780 = arith.cmpf olt, %slice3A_2779, %min3A_2775 : vector<128x128xf32>
    %min3A_2781 = arith.minimumf %slice3A_2779, %min3A_2775 : vector<128x128xf32>
    %jit3A_2782 = arith.constant 5.000000e+00 : f32
    %broadcast_in_dim3A_2783 = vector.broadcast %jit3A_2782 : f32 to vector<128x128xf32>
    %select_n3A_2784 = arith.select %lt3A_2780, %broadcast_in_dim3A_2783, %select_n3A_2778 : vector<128x128xi1>, vector<128x128xf32>
    %slice3A_2785 = vector.extract_strided_slice %sub3A {offsets = [5248, 768], sizes = [128, 128], strides = [1, 1]} : vector<8192x1024xf32> to vector<128x128xf32>
    %lt3A_2786 = arith.cmpf olt, %slice3A_2785, %min3A_2781 : vector<128x128xf32>
    %min3A_2787 = arith.minimumf %slice3A_2785, %min3A_2781 : vector<128x128xf32>
    %jit3A_2788 = arith.constant 6.000000e+00 : f32
    %broadcast_in_dim3A_2789 = vector.broadcast %jit3A_2788 : f32 to vector<128x128xf32>
    %select_n3A_2790 = arith.select %lt3A_2786, %broadcast_in_dim3A_2789, %select_n3A_2784 : vector<128x128xi1>, vector<128x128xf32>
    %slice3A_2791 = vector.extract_strided_slice %sub3A {offsets = [5248, 896], sizes = [128, 128], strides = [1, 1]} : vector<8192x1024xf32> to vector<128x128xf32>
    %lt3A_2792 = arith.cmpf olt, %slice3A_2791, %min3A_2787 : vector<128x128xf32>
    %min3A_2793 = arith.minimumf %slice3A_2791, %min3A_2787 : vector<128x128xf32>
    %jit3A_2794 = arith.constant 7.000000e+00 : f32
    %broadcast_in_dim3A_2795 = vector.broadcast %jit3A_2794 : f32 to vector<128x128xf32>
    %select_n3A_2796 = arith.select %lt3A_2792, %broadcast_in_dim3A_2795, %select_n3A_2790 : vector<128x128xi1>, vector<128x128xf32>
    %mul3A_2797 = arith.constant 1.280000e+02 : f32
    %mul3A_2798 = vector.broadcast %mul3A_2797 : f32 to vector<128x128xf32>
    %mul3A_2799 = arith.mulf %select_n3A_2796, %mul3A_2798 : vector<128x128xf32>
    %add3A_2800 = arith.addf %mul3A_2799, %convert_element_type3A : vector<128x128xf32>
    %transpose3A_2801 = tpu.transpose %min3A_2793, [1, 0] : vector<128x128xf32> -> vector<128x128xf32>
    %reduce_min3A_2802 = arith.constant dense<0x7F800000> : vector<128xf32>
    %reduce_min3A_2803 = vector.multi_reduction <minimumf>, %transpose3A_2801, %reduce_min3A_2802 [0] : vector<128x128xf32> to vector<128xf32>
    %broadcast_in_dim3A_2804 = vector.shape_cast %reduce_min3A_2803 : vector<128xf32> to vector<1x128xf32>
    %eq3A_2805 = vector.broadcast %broadcast_in_dim3A_2804 : vector<1x128xf32> to vector<128x128xf32>
    %eq3A_2806 = arith.cmpf oeq, %transpose3A_2801, %eq3A_2805 : vector<128x128xf32>
    %transpose3A_2807 = tpu.transpose %add3A_2800, [1, 0] : vector<128x128xf32> -> vector<128x128xf32>
    %jit3A_2808 = arith.constant 1.024000e+03 : f32
    %broadcast_in_dim3A_2809 = vector.broadcast %jit3A_2808 : f32 to vector<128x128xf32>
    %select_n3A_2810 = arith.select %eq3A_2806, %transpose3A_2807, %broadcast_in_dim3A_2809 : vector<128x128xi1>, vector<128x128xf32>
    %reduce_min3A_2811 = arith.constant dense<0x7F800000> : vector<128xf32>
    %reduce_min3A_2812 = vector.multi_reduction <minimumf>, %select_n3A_2810, %reduce_min3A_2811 [0] : vector<128x128xf32> to vector<128xf32>
    %reduce_sum3A_2813 = vector.shape_cast %broadcast_in_dim3A_2804 : vector<1x128xf32> to vector<1x1x128xf32>
    %reduce_sum3A_2814 = arith.constant dense<0.000000e+00> : vector<1xf32>
    %reduce_sum3A_2815 = vector.multi_reduction <add>, %reduce_sum3A_2813, %reduce_sum3A_2814 [1, 2] : vector<1x1x128xf32> to vector<1xf32>
    %reduce_sum3A_2816 = vector.shape_cast %reduce_sum3A_2815 : vector<1xf32> to vector<1x1x1xf32>
    %reduce_sum3A_2817 = vector.extract %reduce_sum3A_2816[0, 0, 0] : f32 from vector<1x1x1xf32>
    %add3A_2818 = arith.addf %add3A_2751, %reduce_sum3A_2817 : f32
    %slice3A_2819 = vector.extract_strided_slice %sub3A {offsets = [5376, 0], sizes = [128, 128], strides = [1, 1]} : vector<8192x1024xf32> to vector<128x128xf32>
    %broadcast_in_dim3A_2820 = arith.constant 0.000000e+00 : f32
    %broadcast_in_dim3A_2821 = vector.broadcast %broadcast_in_dim3A_2820 : f32 to vector<128x128xf32>
    %slice3A_2822 = vector.extract_strided_slice %sub3A {offsets = [5376, 128], sizes = [128, 128], strides = [1, 1]} : vector<8192x1024xf32> to vector<128x128xf32>
    %lt3A_2823 = arith.cmpf olt, %slice3A_2822, %slice3A_2819 : vector<128x128xf32>
    %min3A_2824 = arith.minimumf %slice3A_2822, %slice3A_2819 : vector<128x128xf32>
    %jit3A_2825 = arith.constant 1.000000e+00 : f32
    %broadcast_in_dim3A_2826 = vector.broadcast %jit3A_2825 : f32 to vector<128x128xf32>
    %select_n3A_2827 = arith.select %lt3A_2823, %broadcast_in_dim3A_2826, %broadcast_in_dim3A_2821 : vector<128x128xi1>, vector<128x128xf32>
    %slice3A_2828 = vector.extract_strided_slice %sub3A {offsets = [5376, 256], sizes = [128, 128], strides = [1, 1]} : vector<8192x1024xf32> to vector<128x128xf32>
    %lt3A_2829 = arith.cmpf olt, %slice3A_2828, %min3A_2824 : vector<128x128xf32>
    %min3A_2830 = arith.minimumf %slice3A_2828, %min3A_2824 : vector<128x128xf32>
    %jit3A_2831 = arith.constant 2.000000e+00 : f32
    %broadcast_in_dim3A_2832 = vector.broadcast %jit3A_2831 : f32 to vector<128x128xf32>
    %select_n3A_2833 = arith.select %lt3A_2829, %broadcast_in_dim3A_2832, %select_n3A_2827 : vector<128x128xi1>, vector<128x128xf32>
    %slice3A_2834 = vector.extract_strided_slice %sub3A {offsets = [5376, 384], sizes = [128, 128], strides = [1, 1]} : vector<8192x1024xf32> to vector<128x128xf32>
    %lt3A_2835 = arith.cmpf olt, %slice3A_2834, %min3A_2830 : vector<128x128xf32>
    %min3A_2836 = arith.minimumf %slice3A_2834, %min3A_2830 : vector<128x128xf32>
    %jit3A_2837 = arith.constant 3.000000e+00 : f32
    %broadcast_in_dim3A_2838 = vector.broadcast %jit3A_2837 : f32 to vector<128x128xf32>
    %select_n3A_2839 = arith.select %lt3A_2835, %broadcast_in_dim3A_2838, %select_n3A_2833 : vector<128x128xi1>, vector<128x128xf32>
    %slice3A_2840 = vector.extract_strided_slice %sub3A {offsets = [5376, 512], sizes = [128, 128], strides = [1, 1]} : vector<8192x1024xf32> to vector<128x128xf32>
    %lt3A_2841 = arith.cmpf olt, %slice3A_2840, %min3A_2836 : vector<128x128xf32>
    %min3A_2842 = arith.minimumf %slice3A_2840, %min3A_2836 : vector<128x128xf32>
    %jit3A_2843 = arith.constant 4.000000e+00 : f32
    %broadcast_in_dim3A_2844 = vector.broadcast %jit3A_2843 : f32 to vector<128x128xf32>
    %select_n3A_2845 = arith.select %lt3A_2841, %broadcast_in_dim3A_2844, %select_n3A_2839 : vector<128x128xi1>, vector<128x128xf32>
    %slice3A_2846 = vector.extract_strided_slice %sub3A {offsets = [5376, 640], sizes = [128, 128], strides = [1, 1]} : vector<8192x1024xf32> to vector<128x128xf32>
    %lt3A_2847 = arith.cmpf olt, %slice3A_2846, %min3A_2842 : vector<128x128xf32>
    %min3A_2848 = arith.minimumf %slice3A_2846, %min3A_2842 : vector<128x128xf32>
    %jit3A_2849 = arith.constant 5.000000e+00 : f32
    %broadcast_in_dim3A_2850 = vector.broadcast %jit3A_2849 : f32 to vector<128x128xf32>
    %select_n3A_2851 = arith.select %lt3A_2847, %broadcast_in_dim3A_2850, %select_n3A_2845 : vector<128x128xi1>, vector<128x128xf32>
    %slice3A_2852 = vector.extract_strided_slice %sub3A {offsets = [5376, 768], sizes = [128, 128], strides = [1, 1]} : vector<8192x1024xf32> to vector<128x128xf32>
    %lt3A_2853 = arith.cmpf olt, %slice3A_2852, %min3A_2848 : vector<128x128xf32>
    %min3A_2854 = arith.minimumf %slice3A_2852, %min3A_2848 : vector<128x128xf32>
    %jit3A_2855 = arith.constant 6.000000e+00 : f32
    %broadcast_in_dim3A_2856 = vector.broadcast %jit3A_2855 : f32 to vector<128x128xf32>
    %select_n3A_2857 = arith.select %lt3A_2853, %broadcast_in_dim3A_2856, %select_n3A_2851 : vector<128x128xi1>, vector<128x128xf32>
    %slice3A_2858 = vector.extract_strided_slice %sub3A {offsets = [5376, 896], sizes = [128, 128], strides = [1, 1]} : vector<8192x1024xf32> to vector<128x128xf32>
    %lt3A_2859 = arith.cmpf olt, %slice3A_2858, %min3A_2854 : vector<128x128xf32>
    %min3A_2860 = arith.minimumf %slice3A_2858, %min3A_2854 : vector<128x128xf32>
    %jit3A_2861 = arith.constant 7.000000e+00 : f32
    %broadcast_in_dim3A_2862 = vector.broadcast %jit3A_2861 : f32 to vector<128x128xf32>
    %select_n3A_2863 = arith.select %lt3A_2859, %broadcast_in_dim3A_2862, %select_n3A_2857 : vector<128x128xi1>, vector<128x128xf32>
    %mul3A_2864 = arith.constant 1.280000e+02 : f32
    %mul3A_2865 = vector.broadcast %mul3A_2864 : f32 to vector<128x128xf32>
    %mul3A_2866 = arith.mulf %select_n3A_2863, %mul3A_2865 : vector<128x128xf32>
    %add3A_2867 = arith.addf %mul3A_2866, %convert_element_type3A : vector<128x128xf32>
    %transpose3A_2868 = tpu.transpose %min3A_2860, [1, 0] : vector<128x128xf32> -> vector<128x128xf32>
    %reduce_min3A_2869 = arith.constant dense<0x7F800000> : vector<128xf32>
    %reduce_min3A_2870 = vector.multi_reduction <minimumf>, %transpose3A_2868, %reduce_min3A_2869 [0] : vector<128x128xf32> to vector<128xf32>
    %broadcast_in_dim3A_2871 = vector.shape_cast %reduce_min3A_2870 : vector<128xf32> to vector<1x128xf32>
    %eq3A_2872 = vector.broadcast %broadcast_in_dim3A_2871 : vector<1x128xf32> to vector<128x128xf32>
    %eq3A_2873 = arith.cmpf oeq, %transpose3A_2868, %eq3A_2872 : vector<128x128xf32>
    %transpose3A_2874 = tpu.transpose %add3A_2867, [1, 0] : vector<128x128xf32> -> vector<128x128xf32>
    %jit3A_2875 = arith.constant 1.024000e+03 : f32
    %broadcast_in_dim3A_2876 = vector.broadcast %jit3A_2875 : f32 to vector<128x128xf32>
    %select_n3A_2877 = arith.select %eq3A_2873, %transpose3A_2874, %broadcast_in_dim3A_2876 : vector<128x128xi1>, vector<128x128xf32>
    %reduce_min3A_2878 = arith.constant dense<0x7F800000> : vector<128xf32>
    %reduce_min3A_2879 = vector.multi_reduction <minimumf>, %select_n3A_2877, %reduce_min3A_2878 [0] : vector<128x128xf32> to vector<128xf32>
    %reduce_sum3A_2880 = vector.shape_cast %broadcast_in_dim3A_2871 : vector<1x128xf32> to vector<1x1x128xf32>
    %reduce_sum3A_2881 = arith.constant dense<0.000000e+00> : vector<1xf32>
    %reduce_sum3A_2882 = vector.multi_reduction <add>, %reduce_sum3A_2880, %reduce_sum3A_2881 [1, 2] : vector<1x1x128xf32> to vector<1xf32>
    %reduce_sum3A_2883 = vector.shape_cast %reduce_sum3A_2882 : vector<1xf32> to vector<1x1x1xf32>
    %reduce_sum3A_2884 = vector.extract %reduce_sum3A_2883[0, 0, 0] : f32 from vector<1x1x1xf32>
    %add3A_2885 = arith.addf %add3A_2818, %reduce_sum3A_2884 : f32
    %slice3A_2886 = vector.extract_strided_slice %sub3A {offsets = [5504, 0], sizes = [128, 128], strides = [1, 1]} : vector<8192x1024xf32> to vector<128x128xf32>
    %broadcast_in_dim3A_2887 = arith.constant 0.000000e+00 : f32
    %broadcast_in_dim3A_2888 = vector.broadcast %broadcast_in_dim3A_2887 : f32 to vector<128x128xf32>
    %slice3A_2889 = vector.extract_strided_slice %sub3A {offsets = [5504, 128], sizes = [128, 128], strides = [1, 1]} : vector<8192x1024xf32> to vector<128x128xf32>
    %lt3A_2890 = arith.cmpf olt, %slice3A_2889, %slice3A_2886 : vector<128x128xf32>
    %min3A_2891 = arith.minimumf %slice3A_2889, %slice3A_2886 : vector<128x128xf32>
    %jit3A_2892 = arith.constant 1.000000e+00 : f32
    %broadcast_in_dim3A_2893 = vector.broadcast %jit3A_2892 : f32 to vector<128x128xf32>
    %select_n3A_2894 = arith.select %lt3A_2890, %broadcast_in_dim3A_2893, %broadcast_in_dim3A_2888 : vector<128x128xi1>, vector<128x128xf32>
    %slice3A_2895 = vector.extract_strided_slice %sub3A {offsets = [5504, 256], sizes = [128, 128], strides = [1, 1]} : vector<8192x1024xf32> to vector<128x128xf32>
    %lt3A_2896 = arith.cmpf olt, %slice3A_2895, %min3A_2891 : vector<128x128xf32>
    %min3A_2897 = arith.minimumf %slice3A_2895, %min3A_2891 : vector<128x128xf32>
    %jit3A_2898 = arith.constant 2.000000e+00 : f32
    %broadcast_in_dim3A_2899 = vector.broadcast %jit3A_2898 : f32 to vector<128x128xf32>
    %select_n3A_2900 = arith.select %lt3A_2896, %broadcast_in_dim3A_2899, %select_n3A_2894 : vector<128x128xi1>, vector<128x128xf32>
    %slice3A_2901 = vector.extract_strided_slice %sub3A {offsets = [5504, 384], sizes = [128, 128], strides = [1, 1]} : vector<8192x1024xf32> to vector<128x128xf32>
    %lt3A_2902 = arith.cmpf olt, %slice3A_2901, %min3A_2897 : vector<128x128xf32>
    %min3A_2903 = arith.minimumf %slice3A_2901, %min3A_2897 : vector<128x128xf32>
    %jit3A_2904 = arith.constant 3.000000e+00 : f32
    %broadcast_in_dim3A_2905 = vector.broadcast %jit3A_2904 : f32 to vector<128x128xf32>
    %select_n3A_2906 = arith.select %lt3A_2902, %broadcast_in_dim3A_2905, %select_n3A_2900 : vector<128x128xi1>, vector<128x128xf32>
    %slice3A_2907 = vector.extract_strided_slice %sub3A {offsets = [5504, 512], sizes = [128, 128], strides = [1, 1]} : vector<8192x1024xf32> to vector<128x128xf32>
    %lt3A_2908 = arith.cmpf olt, %slice3A_2907, %min3A_2903 : vector<128x128xf32>
    %min3A_2909 = arith.minimumf %slice3A_2907, %min3A_2903 : vector<128x128xf32>
    %jit3A_2910 = arith.constant 4.000000e+00 : f32
    %broadcast_in_dim3A_2911 = vector.broadcast %jit3A_2910 : f32 to vector<128x128xf32>
    %select_n3A_2912 = arith.select %lt3A_2908, %broadcast_in_dim3A_2911, %select_n3A_2906 : vector<128x128xi1>, vector<128x128xf32>
    %slice3A_2913 = vector.extract_strided_slice %sub3A {offsets = [5504, 640], sizes = [128, 128], strides = [1, 1]} : vector<8192x1024xf32> to vector<128x128xf32>
    %lt3A_2914 = arith.cmpf olt, %slice3A_2913, %min3A_2909 : vector<128x128xf32>
    %min3A_2915 = arith.minimumf %slice3A_2913, %min3A_2909 : vector<128x128xf32>
    %jit3A_2916 = arith.constant 5.000000e+00 : f32
    %broadcast_in_dim3A_2917 = vector.broadcast %jit3A_2916 : f32 to vector<128x128xf32>
    %select_n3A_2918 = arith.select %lt3A_2914, %broadcast_in_dim3A_2917, %select_n3A_2912 : vector<128x128xi1>, vector<128x128xf32>
    %slice3A_2919 = vector.extract_strided_slice %sub3A {offsets = [5504, 768], sizes = [128, 128], strides = [1, 1]} : vector<8192x1024xf32> to vector<128x128xf32>
    %lt3A_2920 = arith.cmpf olt, %slice3A_2919, %min3A_2915 : vector<128x128xf32>
    %min3A_2921 = arith.minimumf %slice3A_2919, %min3A_2915 : vector<128x128xf32>
    %jit3A_2922 = arith.constant 6.000000e+00 : f32
    %broadcast_in_dim3A_2923 = vector.broadcast %jit3A_2922 : f32 to vector<128x128xf32>
    %select_n3A_2924 = arith.select %lt3A_2920, %broadcast_in_dim3A_2923, %select_n3A_2918 : vector<128x128xi1>, vector<128x128xf32>
    %slice3A_2925 = vector.extract_strided_slice %sub3A {offsets = [5504, 896], sizes = [128, 128], strides = [1, 1]} : vector<8192x1024xf32> to vector<128x128xf32>
    %lt3A_2926 = arith.cmpf olt, %slice3A_2925, %min3A_2921 : vector<128x128xf32>
    %min3A_2927 = arith.minimumf %slice3A_2925, %min3A_2921 : vector<128x128xf32>
    %jit3A_2928 = arith.constant 7.000000e+00 : f32
    %broadcast_in_dim3A_2929 = vector.broadcast %jit3A_2928 : f32 to vector<128x128xf32>
    %select_n3A_2930 = arith.select %lt3A_2926, %broadcast_in_dim3A_2929, %select_n3A_2924 : vector<128x128xi1>, vector<128x128xf32>
    %mul3A_2931 = arith.constant 1.280000e+02 : f32
    %mul3A_2932 = vector.broadcast %mul3A_2931 : f32 to vector<128x128xf32>
    %mul3A_2933 = arith.mulf %select_n3A_2930, %mul3A_2932 : vector<128x128xf32>
    %add3A_2934 = arith.addf %mul3A_2933, %convert_element_type3A : vector<128x128xf32>
    %transpose3A_2935 = tpu.transpose %min3A_2927, [1, 0] : vector<128x128xf32> -> vector<128x128xf32>
    %reduce_min3A_2936 = arith.constant dense<0x7F800000> : vector<128xf32>
    %reduce_min3A_2937 = vector.multi_reduction <minimumf>, %transpose3A_2935, %reduce_min3A_2936 [0] : vector<128x128xf32> to vector<128xf32>
    %broadcast_in_dim3A_2938 = vector.shape_cast %reduce_min3A_2937 : vector<128xf32> to vector<1x128xf32>
    %eq3A_2939 = vector.broadcast %broadcast_in_dim3A_2938 : vector<1x128xf32> to vector<128x128xf32>
    %eq3A_2940 = arith.cmpf oeq, %transpose3A_2935, %eq3A_2939 : vector<128x128xf32>
    %transpose3A_2941 = tpu.transpose %add3A_2934, [1, 0] : vector<128x128xf32> -> vector<128x128xf32>
    %jit3A_2942 = arith.constant 1.024000e+03 : f32
    %broadcast_in_dim3A_2943 = vector.broadcast %jit3A_2942 : f32 to vector<128x128xf32>
    %select_n3A_2944 = arith.select %eq3A_2940, %transpose3A_2941, %broadcast_in_dim3A_2943 : vector<128x128xi1>, vector<128x128xf32>
    %reduce_min3A_2945 = arith.constant dense<0x7F800000> : vector<128xf32>
    %reduce_min3A_2946 = vector.multi_reduction <minimumf>, %select_n3A_2944, %reduce_min3A_2945 [0] : vector<128x128xf32> to vector<128xf32>
    %reduce_sum3A_2947 = vector.shape_cast %broadcast_in_dim3A_2938 : vector<1x128xf32> to vector<1x1x128xf32>
    %reduce_sum3A_2948 = arith.constant dense<0.000000e+00> : vector<1xf32>
    %reduce_sum3A_2949 = vector.multi_reduction <add>, %reduce_sum3A_2947, %reduce_sum3A_2948 [1, 2] : vector<1x1x128xf32> to vector<1xf32>
    %reduce_sum3A_2950 = vector.shape_cast %reduce_sum3A_2949 : vector<1xf32> to vector<1x1x1xf32>
    %reduce_sum3A_2951 = vector.extract %reduce_sum3A_2950[0, 0, 0] : f32 from vector<1x1x1xf32>
    %add3A_2952 = arith.addf %add3A_2885, %reduce_sum3A_2951 : f32
    %slice3A_2953 = vector.extract_strided_slice %sub3A {offsets = [5632, 0], sizes = [128, 128], strides = [1, 1]} : vector<8192x1024xf32> to vector<128x128xf32>
    %broadcast_in_dim3A_2954 = arith.constant 0.000000e+00 : f32
    %broadcast_in_dim3A_2955 = vector.broadcast %broadcast_in_dim3A_2954 : f32 to vector<128x128xf32>
    %slice3A_2956 = vector.extract_strided_slice %sub3A {offsets = [5632, 128], sizes = [128, 128], strides = [1, 1]} : vector<8192x1024xf32> to vector<128x128xf32>
    %lt3A_2957 = arith.cmpf olt, %slice3A_2956, %slice3A_2953 : vector<128x128xf32>
    %min3A_2958 = arith.minimumf %slice3A_2956, %slice3A_2953 : vector<128x128xf32>
    %jit3A_2959 = arith.constant 1.000000e+00 : f32
    %broadcast_in_dim3A_2960 = vector.broadcast %jit3A_2959 : f32 to vector<128x128xf32>
    %select_n3A_2961 = arith.select %lt3A_2957, %broadcast_in_dim3A_2960, %broadcast_in_dim3A_2955 : vector<128x128xi1>, vector<128x128xf32>
    %slice3A_2962 = vector.extract_strided_slice %sub3A {offsets = [5632, 256], sizes = [128, 128], strides = [1, 1]} : vector<8192x1024xf32> to vector<128x128xf32>
    %lt3A_2963 = arith.cmpf olt, %slice3A_2962, %min3A_2958 : vector<128x128xf32>
    %min3A_2964 = arith.minimumf %slice3A_2962, %min3A_2958 : vector<128x128xf32>
    %jit3A_2965 = arith.constant 2.000000e+00 : f32
    %broadcast_in_dim3A_2966 = vector.broadcast %jit3A_2965 : f32 to vector<128x128xf32>
    %select_n3A_2967 = arith.select %lt3A_2963, %broadcast_in_dim3A_2966, %select_n3A_2961 : vector<128x128xi1>, vector<128x128xf32>
    %slice3A_2968 = vector.extract_strided_slice %sub3A {offsets = [5632, 384], sizes = [128, 128], strides = [1, 1]} : vector<8192x1024xf32> to vector<128x128xf32>
    %lt3A_2969 = arith.cmpf olt, %slice3A_2968, %min3A_2964 : vector<128x128xf32>
    %min3A_2970 = arith.minimumf %slice3A_2968, %min3A_2964 : vector<128x128xf32>
    %jit3A_2971 = arith.constant 3.000000e+00 : f32
    %broadcast_in_dim3A_2972 = vector.broadcast %jit3A_2971 : f32 to vector<128x128xf32>
    %select_n3A_2973 = arith.select %lt3A_2969, %broadcast_in_dim3A_2972, %select_n3A_2967 : vector<128x128xi1>, vector<128x128xf32>
    %slice3A_2974 = vector.extract_strided_slice %sub3A {offsets = [5632, 512], sizes = [128, 128], strides = [1, 1]} : vector<8192x1024xf32> to vector<128x128xf32>
    %lt3A_2975 = arith.cmpf olt, %slice3A_2974, %min3A_2970 : vector<128x128xf32>
    %min3A_2976 = arith.minimumf %slice3A_2974, %min3A_2970 : vector<128x128xf32>
    %jit3A_2977 = arith.constant 4.000000e+00 : f32
    %broadcast_in_dim3A_2978 = vector.broadcast %jit3A_2977 : f32 to vector<128x128xf32>
    %select_n3A_2979 = arith.select %lt3A_2975, %broadcast_in_dim3A_2978, %select_n3A_2973 : vector<128x128xi1>, vector<128x128xf32>
    %slice3A_2980 = vector.extract_strided_slice %sub3A {offsets = [5632, 640], sizes = [128, 128], strides = [1, 1]} : vector<8192x1024xf32> to vector<128x128xf32>
    %lt3A_2981 = arith.cmpf olt, %slice3A_2980, %min3A_2976 : vector<128x128xf32>
    %min3A_2982 = arith.minimumf %slice3A_2980, %min3A_2976 : vector<128x128xf32>
    %jit3A_2983 = arith.constant 5.000000e+00 : f32
    %broadcast_in_dim3A_2984 = vector.broadcast %jit3A_2983 : f32 to vector<128x128xf32>
    %select_n3A_2985 = arith.select %lt3A_2981, %broadcast_in_dim3A_2984, %select_n3A_2979 : vector<128x128xi1>, vector<128x128xf32>
    %slice3A_2986 = vector.extract_strided_slice %sub3A {offsets = [5632, 768], sizes = [128, 128], strides = [1, 1]} : vector<8192x1024xf32> to vector<128x128xf32>
    %lt3A_2987 = arith.cmpf olt, %slice3A_2986, %min3A_2982 : vector<128x128xf32>
    %min3A_2988 = arith.minimumf %slice3A_2986, %min3A_2982 : vector<128x128xf32>
    %jit3A_2989 = arith.constant 6.000000e+00 : f32
    %broadcast_in_dim3A_2990 = vector.broadcast %jit3A_2989 : f32 to vector<128x128xf32>
    %select_n3A_2991 = arith.select %lt3A_2987, %broadcast_in_dim3A_2990, %select_n3A_2985 : vector<128x128xi1>, vector<128x128xf32>
    %slice3A_2992 = vector.extract_strided_slice %sub3A {offsets = [5632, 896], sizes = [128, 128], strides = [1, 1]} : vector<8192x1024xf32> to vector<128x128xf32>
    %lt3A_2993 = arith.cmpf olt, %slice3A_2992, %min3A_2988 : vector<128x128xf32>
    %min3A_2994 = arith.minimumf %slice3A_2992, %min3A_2988 : vector<128x128xf32>
    %jit3A_2995 = arith.constant 7.000000e+00 : f32
    %broadcast_in_dim3A_2996 = vector.broadcast %jit3A_2995 : f32 to vector<128x128xf32>
    %select_n3A_2997 = arith.select %lt3A_2993, %broadcast_in_dim3A_2996, %select_n3A_2991 : vector<128x128xi1>, vector<128x128xf32>
    %mul3A_2998 = arith.constant 1.280000e+02 : f32
    %mul3A_2999 = vector.broadcast %mul3A_2998 : f32 to vector<128x128xf32>
    %mul3A_3000 = arith.mulf %select_n3A_2997, %mul3A_2999 : vector<128x128xf32>
    %add3A_3001 = arith.addf %mul3A_3000, %convert_element_type3A : vector<128x128xf32>
    %transpose3A_3002 = tpu.transpose %min3A_2994, [1, 0] : vector<128x128xf32> -> vector<128x128xf32>
    %reduce_min3A_3003 = arith.constant dense<0x7F800000> : vector<128xf32>
    %reduce_min3A_3004 = vector.multi_reduction <minimumf>, %transpose3A_3002, %reduce_min3A_3003 [0] : vector<128x128xf32> to vector<128xf32>
    %broadcast_in_dim3A_3005 = vector.shape_cast %reduce_min3A_3004 : vector<128xf32> to vector<1x128xf32>
    %eq3A_3006 = vector.broadcast %broadcast_in_dim3A_3005 : vector<1x128xf32> to vector<128x128xf32>
    %eq3A_3007 = arith.cmpf oeq, %transpose3A_3002, %eq3A_3006 : vector<128x128xf32>
    %transpose3A_3008 = tpu.transpose %add3A_3001, [1, 0] : vector<128x128xf32> -> vector<128x128xf32>
    %jit3A_3009 = arith.constant 1.024000e+03 : f32
    %broadcast_in_dim3A_3010 = vector.broadcast %jit3A_3009 : f32 to vector<128x128xf32>
    %select_n3A_3011 = arith.select %eq3A_3007, %transpose3A_3008, %broadcast_in_dim3A_3010 : vector<128x128xi1>, vector<128x128xf32>
    %reduce_min3A_3012 = arith.constant dense<0x7F800000> : vector<128xf32>
    %reduce_min3A_3013 = vector.multi_reduction <minimumf>, %select_n3A_3011, %reduce_min3A_3012 [0] : vector<128x128xf32> to vector<128xf32>
    %reduce_sum3A_3014 = vector.shape_cast %broadcast_in_dim3A_3005 : vector<1x128xf32> to vector<1x1x128xf32>
    %reduce_sum3A_3015 = arith.constant dense<0.000000e+00> : vector<1xf32>
    %reduce_sum3A_3016 = vector.multi_reduction <add>, %reduce_sum3A_3014, %reduce_sum3A_3015 [1, 2] : vector<1x1x128xf32> to vector<1xf32>
    %reduce_sum3A_3017 = vector.shape_cast %reduce_sum3A_3016 : vector<1xf32> to vector<1x1x1xf32>
    %reduce_sum3A_3018 = vector.extract %reduce_sum3A_3017[0, 0, 0] : f32 from vector<1x1x1xf32>
    %add3A_3019 = arith.addf %add3A_2952, %reduce_sum3A_3018 : f32
    %slice3A_3020 = vector.extract_strided_slice %sub3A {offsets = [5760, 0], sizes = [128, 128], strides = [1, 1]} : vector<8192x1024xf32> to vector<128x128xf32>
    %broadcast_in_dim3A_3021 = arith.constant 0.000000e+00 : f32
    %broadcast_in_dim3A_3022 = vector.broadcast %broadcast_in_dim3A_3021 : f32 to vector<128x128xf32>
    %slice3A_3023 = vector.extract_strided_slice %sub3A {offsets = [5760, 128], sizes = [128, 128], strides = [1, 1]} : vector<8192x1024xf32> to vector<128x128xf32>
    %lt3A_3024 = arith.cmpf olt, %slice3A_3023, %slice3A_3020 : vector<128x128xf32>
    %min3A_3025 = arith.minimumf %slice3A_3023, %slice3A_3020 : vector<128x128xf32>
    %jit3A_3026 = arith.constant 1.000000e+00 : f32
    %broadcast_in_dim3A_3027 = vector.broadcast %jit3A_3026 : f32 to vector<128x128xf32>
    %select_n3A_3028 = arith.select %lt3A_3024, %broadcast_in_dim3A_3027, %broadcast_in_dim3A_3022 : vector<128x128xi1>, vector<128x128xf32>
    %slice3A_3029 = vector.extract_strided_slice %sub3A {offsets = [5760, 256], sizes = [128, 128], strides = [1, 1]} : vector<8192x1024xf32> to vector<128x128xf32>
    %lt3A_3030 = arith.cmpf olt, %slice3A_3029, %min3A_3025 : vector<128x128xf32>
    %min3A_3031 = arith.minimumf %slice3A_3029, %min3A_3025 : vector<128x128xf32>
    %jit3A_3032 = arith.constant 2.000000e+00 : f32
    %broadcast_in_dim3A_3033 = vector.broadcast %jit3A_3032 : f32 to vector<128x128xf32>
    %select_n3A_3034 = arith.select %lt3A_3030, %broadcast_in_dim3A_3033, %select_n3A_3028 : vector<128x128xi1>, vector<128x128xf32>
    %slice3A_3035 = vector.extract_strided_slice %sub3A {offsets = [5760, 384], sizes = [128, 128], strides = [1, 1]} : vector<8192x1024xf32> to vector<128x128xf32>
    %lt3A_3036 = arith.cmpf olt, %slice3A_3035, %min3A_3031 : vector<128x128xf32>
    %min3A_3037 = arith.minimumf %slice3A_3035, %min3A_3031 : vector<128x128xf32>
    %jit3A_3038 = arith.constant 3.000000e+00 : f32
    %broadcast_in_dim3A_3039 = vector.broadcast %jit3A_3038 : f32 to vector<128x128xf32>
    %select_n3A_3040 = arith.select %lt3A_3036, %broadcast_in_dim3A_3039, %select_n3A_3034 : vector<128x128xi1>, vector<128x128xf32>
    %slice3A_3041 = vector.extract_strided_slice %sub3A {offsets = [5760, 512], sizes = [128, 128], strides = [1, 1]} : vector<8192x1024xf32> to vector<128x128xf32>
    %lt3A_3042 = arith.cmpf olt, %slice3A_3041, %min3A_3037 : vector<128x128xf32>
    %min3A_3043 = arith.minimumf %slice3A_3041, %min3A_3037 : vector<128x128xf32>
    %jit3A_3044 = arith.constant 4.000000e+00 : f32
    %broadcast_in_dim3A_3045 = vector.broadcast %jit3A_3044 : f32 to vector<128x128xf32>
    %select_n3A_3046 = arith.select %lt3A_3042, %broadcast_in_dim3A_3045, %select_n3A_3040 : vector<128x128xi1>, vector<128x128xf32>
    %slice3A_3047 = vector.extract_strided_slice %sub3A {offsets = [5760, 640], sizes = [128, 128], strides = [1, 1]} : vector<8192x1024xf32> to vector<128x128xf32>
    %lt3A_3048 = arith.cmpf olt, %slice3A_3047, %min3A_3043 : vector<128x128xf32>
    %min3A_3049 = arith.minimumf %slice3A_3047, %min3A_3043 : vector<128x128xf32>
    %jit3A_3050 = arith.constant 5.000000e+00 : f32
    %broadcast_in_dim3A_3051 = vector.broadcast %jit3A_3050 : f32 to vector<128x128xf32>
    %select_n3A_3052 = arith.select %lt3A_3048, %broadcast_in_dim3A_3051, %select_n3A_3046 : vector<128x128xi1>, vector<128x128xf32>
    %slice3A_3053 = vector.extract_strided_slice %sub3A {offsets = [5760, 768], sizes = [128, 128], strides = [1, 1]} : vector<8192x1024xf32> to vector<128x128xf32>
    %lt3A_3054 = arith.cmpf olt, %slice3A_3053, %min3A_3049 : vector<128x128xf32>
    %min3A_3055 = arith.minimumf %slice3A_3053, %min3A_3049 : vector<128x128xf32>
    %jit3A_3056 = arith.constant 6.000000e+00 : f32
    %broadcast_in_dim3A_3057 = vector.broadcast %jit3A_3056 : f32 to vector<128x128xf32>
    %select_n3A_3058 = arith.select %lt3A_3054, %broadcast_in_dim3A_3057, %select_n3A_3052 : vector<128x128xi1>, vector<128x128xf32>
    %slice3A_3059 = vector.extract_strided_slice %sub3A {offsets = [5760, 896], sizes = [128, 128], strides = [1, 1]} : vector<8192x1024xf32> to vector<128x128xf32>
    %lt3A_3060 = arith.cmpf olt, %slice3A_3059, %min3A_3055 : vector<128x128xf32>
    %min3A_3061 = arith.minimumf %slice3A_3059, %min3A_3055 : vector<128x128xf32>
    %jit3A_3062 = arith.constant 7.000000e+00 : f32
    %broadcast_in_dim3A_3063 = vector.broadcast %jit3A_3062 : f32 to vector<128x128xf32>
    %select_n3A_3064 = arith.select %lt3A_3060, %broadcast_in_dim3A_3063, %select_n3A_3058 : vector<128x128xi1>, vector<128x128xf32>
    %mul3A_3065 = arith.constant 1.280000e+02 : f32
    %mul3A_3066 = vector.broadcast %mul3A_3065 : f32 to vector<128x128xf32>
    %mul3A_3067 = arith.mulf %select_n3A_3064, %mul3A_3066 : vector<128x128xf32>
    %add3A_3068 = arith.addf %mul3A_3067, %convert_element_type3A : vector<128x128xf32>
    %transpose3A_3069 = tpu.transpose %min3A_3061, [1, 0] : vector<128x128xf32> -> vector<128x128xf32>
    %reduce_min3A_3070 = arith.constant dense<0x7F800000> : vector<128xf32>
    %reduce_min3A_3071 = vector.multi_reduction <minimumf>, %transpose3A_3069, %reduce_min3A_3070 [0] : vector<128x128xf32> to vector<128xf32>
    %broadcast_in_dim3A_3072 = vector.shape_cast %reduce_min3A_3071 : vector<128xf32> to vector<1x128xf32>
    %eq3A_3073 = vector.broadcast %broadcast_in_dim3A_3072 : vector<1x128xf32> to vector<128x128xf32>
    %eq3A_3074 = arith.cmpf oeq, %transpose3A_3069, %eq3A_3073 : vector<128x128xf32>
    %transpose3A_3075 = tpu.transpose %add3A_3068, [1, 0] : vector<128x128xf32> -> vector<128x128xf32>
    %jit3A_3076 = arith.constant 1.024000e+03 : f32
    %broadcast_in_dim3A_3077 = vector.broadcast %jit3A_3076 : f32 to vector<128x128xf32>
    %select_n3A_3078 = arith.select %eq3A_3074, %transpose3A_3075, %broadcast_in_dim3A_3077 : vector<128x128xi1>, vector<128x128xf32>
    %reduce_min3A_3079 = arith.constant dense<0x7F800000> : vector<128xf32>
    %reduce_min3A_3080 = vector.multi_reduction <minimumf>, %select_n3A_3078, %reduce_min3A_3079 [0] : vector<128x128xf32> to vector<128xf32>
    %reduce_sum3A_3081 = vector.shape_cast %broadcast_in_dim3A_3072 : vector<1x128xf32> to vector<1x1x128xf32>
    %reduce_sum3A_3082 = arith.constant dense<0.000000e+00> : vector<1xf32>
    %reduce_sum3A_3083 = vector.multi_reduction <add>, %reduce_sum3A_3081, %reduce_sum3A_3082 [1, 2] : vector<1x1x128xf32> to vector<1xf32>
    %reduce_sum3A_3084 = vector.shape_cast %reduce_sum3A_3083 : vector<1xf32> to vector<1x1x1xf32>
    %reduce_sum3A_3085 = vector.extract %reduce_sum3A_3084[0, 0, 0] : f32 from vector<1x1x1xf32>
    %add3A_3086 = arith.addf %add3A_3019, %reduce_sum3A_3085 : f32
    %slice3A_3087 = vector.extract_strided_slice %sub3A {offsets = [5888, 0], sizes = [128, 128], strides = [1, 1]} : vector<8192x1024xf32> to vector<128x128xf32>
    %broadcast_in_dim3A_3088 = arith.constant 0.000000e+00 : f32
    %broadcast_in_dim3A_3089 = vector.broadcast %broadcast_in_dim3A_3088 : f32 to vector<128x128xf32>
    %slice3A_3090 = vector.extract_strided_slice %sub3A {offsets = [5888, 128], sizes = [128, 128], strides = [1, 1]} : vector<8192x1024xf32> to vector<128x128xf32>
    %lt3A_3091 = arith.cmpf olt, %slice3A_3090, %slice3A_3087 : vector<128x128xf32>
    %min3A_3092 = arith.minimumf %slice3A_3090, %slice3A_3087 : vector<128x128xf32>
    %jit3A_3093 = arith.constant 1.000000e+00 : f32
    %broadcast_in_dim3A_3094 = vector.broadcast %jit3A_3093 : f32 to vector<128x128xf32>
    %select_n3A_3095 = arith.select %lt3A_3091, %broadcast_in_dim3A_3094, %broadcast_in_dim3A_3089 : vector<128x128xi1>, vector<128x128xf32>
    %slice3A_3096 = vector.extract_strided_slice %sub3A {offsets = [5888, 256], sizes = [128, 128], strides = [1, 1]} : vector<8192x1024xf32> to vector<128x128xf32>
    %lt3A_3097 = arith.cmpf olt, %slice3A_3096, %min3A_3092 : vector<128x128xf32>
    %min3A_3098 = arith.minimumf %slice3A_3096, %min3A_3092 : vector<128x128xf32>
    %jit3A_3099 = arith.constant 2.000000e+00 : f32
    %broadcast_in_dim3A_3100 = vector.broadcast %jit3A_3099 : f32 to vector<128x128xf32>
    %select_n3A_3101 = arith.select %lt3A_3097, %broadcast_in_dim3A_3100, %select_n3A_3095 : vector<128x128xi1>, vector<128x128xf32>
    %slice3A_3102 = vector.extract_strided_slice %sub3A {offsets = [5888, 384], sizes = [128, 128], strides = [1, 1]} : vector<8192x1024xf32> to vector<128x128xf32>
    %lt3A_3103 = arith.cmpf olt, %slice3A_3102, %min3A_3098 : vector<128x128xf32>
    %min3A_3104 = arith.minimumf %slice3A_3102, %min3A_3098 : vector<128x128xf32>
    %jit3A_3105 = arith.constant 3.000000e+00 : f32
    %broadcast_in_dim3A_3106 = vector.broadcast %jit3A_3105 : f32 to vector<128x128xf32>
    %select_n3A_3107 = arith.select %lt3A_3103, %broadcast_in_dim3A_3106, %select_n3A_3101 : vector<128x128xi1>, vector<128x128xf32>
    %slice3A_3108 = vector.extract_strided_slice %sub3A {offsets = [5888, 512], sizes = [128, 128], strides = [1, 1]} : vector<8192x1024xf32> to vector<128x128xf32>
    %lt3A_3109 = arith.cmpf olt, %slice3A_3108, %min3A_3104 : vector<128x128xf32>
    %min3A_3110 = arith.minimumf %slice3A_3108, %min3A_3104 : vector<128x128xf32>
    %jit3A_3111 = arith.constant 4.000000e+00 : f32
    %broadcast_in_dim3A_3112 = vector.broadcast %jit3A_3111 : f32 to vector<128x128xf32>
    %select_n3A_3113 = arith.select %lt3A_3109, %broadcast_in_dim3A_3112, %select_n3A_3107 : vector<128x128xi1>, vector<128x128xf32>
    %slice3A_3114 = vector.extract_strided_slice %sub3A {offsets = [5888, 640], sizes = [128, 128], strides = [1, 1]} : vector<8192x1024xf32> to vector<128x128xf32>
    %lt3A_3115 = arith.cmpf olt, %slice3A_3114, %min3A_3110 : vector<128x128xf32>
    %min3A_3116 = arith.minimumf %slice3A_3114, %min3A_3110 : vector<128x128xf32>
    %jit3A_3117 = arith.constant 5.000000e+00 : f32
    %broadcast_in_dim3A_3118 = vector.broadcast %jit3A_3117 : f32 to vector<128x128xf32>
    %select_n3A_3119 = arith.select %lt3A_3115, %broadcast_in_dim3A_3118, %select_n3A_3113 : vector<128x128xi1>, vector<128x128xf32>
    %slice3A_3120 = vector.extract_strided_slice %sub3A {offsets = [5888, 768], sizes = [128, 128], strides = [1, 1]} : vector<8192x1024xf32> to vector<128x128xf32>
    %lt3A_3121 = arith.cmpf olt, %slice3A_3120, %min3A_3116 : vector<128x128xf32>
    %min3A_3122 = arith.minimumf %slice3A_3120, %min3A_3116 : vector<128x128xf32>
    %jit3A_3123 = arith.constant 6.000000e+00 : f32
    %broadcast_in_dim3A_3124 = vector.broadcast %jit3A_3123 : f32 to vector<128x128xf32>
    %select_n3A_3125 = arith.select %lt3A_3121, %broadcast_in_dim3A_3124, %select_n3A_3119 : vector<128x128xi1>, vector<128x128xf32>
    %slice3A_3126 = vector.extract_strided_slice %sub3A {offsets = [5888, 896], sizes = [128, 128], strides = [1, 1]} : vector<8192x1024xf32> to vector<128x128xf32>
    %lt3A_3127 = arith.cmpf olt, %slice3A_3126, %min3A_3122 : vector<128x128xf32>
    %min3A_3128 = arith.minimumf %slice3A_3126, %min3A_3122 : vector<128x128xf32>
    %jit3A_3129 = arith.constant 7.000000e+00 : f32
    %broadcast_in_dim3A_3130 = vector.broadcast %jit3A_3129 : f32 to vector<128x128xf32>
    %select_n3A_3131 = arith.select %lt3A_3127, %broadcast_in_dim3A_3130, %select_n3A_3125 : vector<128x128xi1>, vector<128x128xf32>
    %mul3A_3132 = arith.constant 1.280000e+02 : f32
    %mul3A_3133 = vector.broadcast %mul3A_3132 : f32 to vector<128x128xf32>
    %mul3A_3134 = arith.mulf %select_n3A_3131, %mul3A_3133 : vector<128x128xf32>
    %add3A_3135 = arith.addf %mul3A_3134, %convert_element_type3A : vector<128x128xf32>
    %transpose3A_3136 = tpu.transpose %min3A_3128, [1, 0] : vector<128x128xf32> -> vector<128x128xf32>
    %reduce_min3A_3137 = arith.constant dense<0x7F800000> : vector<128xf32>
    %reduce_min3A_3138 = vector.multi_reduction <minimumf>, %transpose3A_3136, %reduce_min3A_3137 [0] : vector<128x128xf32> to vector<128xf32>
    %broadcast_in_dim3A_3139 = vector.shape_cast %reduce_min3A_3138 : vector<128xf32> to vector<1x128xf32>
    %eq3A_3140 = vector.broadcast %broadcast_in_dim3A_3139 : vector<1x128xf32> to vector<128x128xf32>
    %eq3A_3141 = arith.cmpf oeq, %transpose3A_3136, %eq3A_3140 : vector<128x128xf32>
    %transpose3A_3142 = tpu.transpose %add3A_3135, [1, 0] : vector<128x128xf32> -> vector<128x128xf32>
    %jit3A_3143 = arith.constant 1.024000e+03 : f32
    %broadcast_in_dim3A_3144 = vector.broadcast %jit3A_3143 : f32 to vector<128x128xf32>
    %select_n3A_3145 = arith.select %eq3A_3141, %transpose3A_3142, %broadcast_in_dim3A_3144 : vector<128x128xi1>, vector<128x128xf32>
    %reduce_min3A_3146 = arith.constant dense<0x7F800000> : vector<128xf32>
    %reduce_min3A_3147 = vector.multi_reduction <minimumf>, %select_n3A_3145, %reduce_min3A_3146 [0] : vector<128x128xf32> to vector<128xf32>
    %reduce_sum3A_3148 = vector.shape_cast %broadcast_in_dim3A_3139 : vector<1x128xf32> to vector<1x1x128xf32>
    %reduce_sum3A_3149 = arith.constant dense<0.000000e+00> : vector<1xf32>
    %reduce_sum3A_3150 = vector.multi_reduction <add>, %reduce_sum3A_3148, %reduce_sum3A_3149 [1, 2] : vector<1x1x128xf32> to vector<1xf32>
    %reduce_sum3A_3151 = vector.shape_cast %reduce_sum3A_3150 : vector<1xf32> to vector<1x1x1xf32>
    %reduce_sum3A_3152 = vector.extract %reduce_sum3A_3151[0, 0, 0] : f32 from vector<1x1x1xf32>
    %add3A_3153 = arith.addf %add3A_3086, %reduce_sum3A_3152 : f32
    %slice3A_3154 = vector.extract_strided_slice %sub3A {offsets = [6016, 0], sizes = [128, 128], strides = [1, 1]} : vector<8192x1024xf32> to vector<128x128xf32>
    %broadcast_in_dim3A_3155 = arith.constant 0.000000e+00 : f32
    %broadcast_in_dim3A_3156 = vector.broadcast %broadcast_in_dim3A_3155 : f32 to vector<128x128xf32>
    %slice3A_3157 = vector.extract_strided_slice %sub3A {offsets = [6016, 128], sizes = [128, 128], strides = [1, 1]} : vector<8192x1024xf32> to vector<128x128xf32>
    %lt3A_3158 = arith.cmpf olt, %slice3A_3157, %slice3A_3154 : vector<128x128xf32>
    %min3A_3159 = arith.minimumf %slice3A_3157, %slice3A_3154 : vector<128x128xf32>
    %jit3A_3160 = arith.constant 1.000000e+00 : f32
    %broadcast_in_dim3A_3161 = vector.broadcast %jit3A_3160 : f32 to vector<128x128xf32>
    %select_n3A_3162 = arith.select %lt3A_3158, %broadcast_in_dim3A_3161, %broadcast_in_dim3A_3156 : vector<128x128xi1>, vector<128x128xf32>
    %slice3A_3163 = vector.extract_strided_slice %sub3A {offsets = [6016, 256], sizes = [128, 128], strides = [1, 1]} : vector<8192x1024xf32> to vector<128x128xf32>
    %lt3A_3164 = arith.cmpf olt, %slice3A_3163, %min3A_3159 : vector<128x128xf32>
    %min3A_3165 = arith.minimumf %slice3A_3163, %min3A_3159 : vector<128x128xf32>
    %jit3A_3166 = arith.constant 2.000000e+00 : f32
    %broadcast_in_dim3A_3167 = vector.broadcast %jit3A_3166 : f32 to vector<128x128xf32>
    %select_n3A_3168 = arith.select %lt3A_3164, %broadcast_in_dim3A_3167, %select_n3A_3162 : vector<128x128xi1>, vector<128x128xf32>
    %slice3A_3169 = vector.extract_strided_slice %sub3A {offsets = [6016, 384], sizes = [128, 128], strides = [1, 1]} : vector<8192x1024xf32> to vector<128x128xf32>
    %lt3A_3170 = arith.cmpf olt, %slice3A_3169, %min3A_3165 : vector<128x128xf32>
    %min3A_3171 = arith.minimumf %slice3A_3169, %min3A_3165 : vector<128x128xf32>
    %jit3A_3172 = arith.constant 3.000000e+00 : f32
    %broadcast_in_dim3A_3173 = vector.broadcast %jit3A_3172 : f32 to vector<128x128xf32>
    %select_n3A_3174 = arith.select %lt3A_3170, %broadcast_in_dim3A_3173, %select_n3A_3168 : vector<128x128xi1>, vector<128x128xf32>
    %slice3A_3175 = vector.extract_strided_slice %sub3A {offsets = [6016, 512], sizes = [128, 128], strides = [1, 1]} : vector<8192x1024xf32> to vector<128x128xf32>
    %lt3A_3176 = arith.cmpf olt, %slice3A_3175, %min3A_3171 : vector<128x128xf32>
    %min3A_3177 = arith.minimumf %slice3A_3175, %min3A_3171 : vector<128x128xf32>
    %jit3A_3178 = arith.constant 4.000000e+00 : f32
    %broadcast_in_dim3A_3179 = vector.broadcast %jit3A_3178 : f32 to vector<128x128xf32>
    %select_n3A_3180 = arith.select %lt3A_3176, %broadcast_in_dim3A_3179, %select_n3A_3174 : vector<128x128xi1>, vector<128x128xf32>
    %slice3A_3181 = vector.extract_strided_slice %sub3A {offsets = [6016, 640], sizes = [128, 128], strides = [1, 1]} : vector<8192x1024xf32> to vector<128x128xf32>
    %lt3A_3182 = arith.cmpf olt, %slice3A_3181, %min3A_3177 : vector<128x128xf32>
    %min3A_3183 = arith.minimumf %slice3A_3181, %min3A_3177 : vector<128x128xf32>
    %jit3A_3184 = arith.constant 5.000000e+00 : f32
    %broadcast_in_dim3A_3185 = vector.broadcast %jit3A_3184 : f32 to vector<128x128xf32>
    %select_n3A_3186 = arith.select %lt3A_3182, %broadcast_in_dim3A_3185, %select_n3A_3180 : vector<128x128xi1>, vector<128x128xf32>
    %slice3A_3187 = vector.extract_strided_slice %sub3A {offsets = [6016, 768], sizes = [128, 128], strides = [1, 1]} : vector<8192x1024xf32> to vector<128x128xf32>
    %lt3A_3188 = arith.cmpf olt, %slice3A_3187, %min3A_3183 : vector<128x128xf32>
    %min3A_3189 = arith.minimumf %slice3A_3187, %min3A_3183 : vector<128x128xf32>
    %jit3A_3190 = arith.constant 6.000000e+00 : f32
    %broadcast_in_dim3A_3191 = vector.broadcast %jit3A_3190 : f32 to vector<128x128xf32>
    %select_n3A_3192 = arith.select %lt3A_3188, %broadcast_in_dim3A_3191, %select_n3A_3186 : vector<128x128xi1>, vector<128x128xf32>
    %slice3A_3193 = vector.extract_strided_slice %sub3A {offsets = [6016, 896], sizes = [128, 128], strides = [1, 1]} : vector<8192x1024xf32> to vector<128x128xf32>
    %lt3A_3194 = arith.cmpf olt, %slice3A_3193, %min3A_3189 : vector<128x128xf32>
    %min3A_3195 = arith.minimumf %slice3A_3193, %min3A_3189 : vector<128x128xf32>
    %jit3A_3196 = arith.constant 7.000000e+00 : f32
    %broadcast_in_dim3A_3197 = vector.broadcast %jit3A_3196 : f32 to vector<128x128xf32>
    %select_n3A_3198 = arith.select %lt3A_3194, %broadcast_in_dim3A_3197, %select_n3A_3192 : vector<128x128xi1>, vector<128x128xf32>
    %mul3A_3199 = arith.constant 1.280000e+02 : f32
    %mul3A_3200 = vector.broadcast %mul3A_3199 : f32 to vector<128x128xf32>
    %mul3A_3201 = arith.mulf %select_n3A_3198, %mul3A_3200 : vector<128x128xf32>
    %add3A_3202 = arith.addf %mul3A_3201, %convert_element_type3A : vector<128x128xf32>
    %transpose3A_3203 = tpu.transpose %min3A_3195, [1, 0] : vector<128x128xf32> -> vector<128x128xf32>
    %reduce_min3A_3204 = arith.constant dense<0x7F800000> : vector<128xf32>
    %reduce_min3A_3205 = vector.multi_reduction <minimumf>, %transpose3A_3203, %reduce_min3A_3204 [0] : vector<128x128xf32> to vector<128xf32>
    %broadcast_in_dim3A_3206 = vector.shape_cast %reduce_min3A_3205 : vector<128xf32> to vector<1x128xf32>
    %eq3A_3207 = vector.broadcast %broadcast_in_dim3A_3206 : vector<1x128xf32> to vector<128x128xf32>
    %eq3A_3208 = arith.cmpf oeq, %transpose3A_3203, %eq3A_3207 : vector<128x128xf32>
    %transpose3A_3209 = tpu.transpose %add3A_3202, [1, 0] : vector<128x128xf32> -> vector<128x128xf32>
    %jit3A_3210 = arith.constant 1.024000e+03 : f32
    %broadcast_in_dim3A_3211 = vector.broadcast %jit3A_3210 : f32 to vector<128x128xf32>
    %select_n3A_3212 = arith.select %eq3A_3208, %transpose3A_3209, %broadcast_in_dim3A_3211 : vector<128x128xi1>, vector<128x128xf32>
    %reduce_min3A_3213 = arith.constant dense<0x7F800000> : vector<128xf32>
    %reduce_min3A_3214 = vector.multi_reduction <minimumf>, %select_n3A_3212, %reduce_min3A_3213 [0] : vector<128x128xf32> to vector<128xf32>
    %reduce_sum3A_3215 = vector.shape_cast %broadcast_in_dim3A_3206 : vector<1x128xf32> to vector<1x1x128xf32>
    %reduce_sum3A_3216 = arith.constant dense<0.000000e+00> : vector<1xf32>
    %reduce_sum3A_3217 = vector.multi_reduction <add>, %reduce_sum3A_3215, %reduce_sum3A_3216 [1, 2] : vector<1x1x128xf32> to vector<1xf32>
    %reduce_sum3A_3218 = vector.shape_cast %reduce_sum3A_3217 : vector<1xf32> to vector<1x1x1xf32>
    %reduce_sum3A_3219 = vector.extract %reduce_sum3A_3218[0, 0, 0] : f32 from vector<1x1x1xf32>
    %add3A_3220 = arith.addf %add3A_3153, %reduce_sum3A_3219 : f32
    %slice3A_3221 = vector.extract_strided_slice %sub3A {offsets = [6144, 0], sizes = [128, 128], strides = [1, 1]} : vector<8192x1024xf32> to vector<128x128xf32>
    %broadcast_in_dim3A_3222 = arith.constant 0.000000e+00 : f32
    %broadcast_in_dim3A_3223 = vector.broadcast %broadcast_in_dim3A_3222 : f32 to vector<128x128xf32>
    %slice3A_3224 = vector.extract_strided_slice %sub3A {offsets = [6144, 128], sizes = [128, 128], strides = [1, 1]} : vector<8192x1024xf32> to vector<128x128xf32>
    %lt3A_3225 = arith.cmpf olt, %slice3A_3224, %slice3A_3221 : vector<128x128xf32>
    %min3A_3226 = arith.minimumf %slice3A_3224, %slice3A_3221 : vector<128x128xf32>
    %jit3A_3227 = arith.constant 1.000000e+00 : f32
    %broadcast_in_dim3A_3228 = vector.broadcast %jit3A_3227 : f32 to vector<128x128xf32>
    %select_n3A_3229 = arith.select %lt3A_3225, %broadcast_in_dim3A_3228, %broadcast_in_dim3A_3223 : vector<128x128xi1>, vector<128x128xf32>
    %slice3A_3230 = vector.extract_strided_slice %sub3A {offsets = [6144, 256], sizes = [128, 128], strides = [1, 1]} : vector<8192x1024xf32> to vector<128x128xf32>
    %lt3A_3231 = arith.cmpf olt, %slice3A_3230, %min3A_3226 : vector<128x128xf32>
    %min3A_3232 = arith.minimumf %slice3A_3230, %min3A_3226 : vector<128x128xf32>
    %jit3A_3233 = arith.constant 2.000000e+00 : f32
    %broadcast_in_dim3A_3234 = vector.broadcast %jit3A_3233 : f32 to vector<128x128xf32>
    %select_n3A_3235 = arith.select %lt3A_3231, %broadcast_in_dim3A_3234, %select_n3A_3229 : vector<128x128xi1>, vector<128x128xf32>
    %slice3A_3236 = vector.extract_strided_slice %sub3A {offsets = [6144, 384], sizes = [128, 128], strides = [1, 1]} : vector<8192x1024xf32> to vector<128x128xf32>
    %lt3A_3237 = arith.cmpf olt, %slice3A_3236, %min3A_3232 : vector<128x128xf32>
    %min3A_3238 = arith.minimumf %slice3A_3236, %min3A_3232 : vector<128x128xf32>
    %jit3A_3239 = arith.constant 3.000000e+00 : f32
    %broadcast_in_dim3A_3240 = vector.broadcast %jit3A_3239 : f32 to vector<128x128xf32>
    %select_n3A_3241 = arith.select %lt3A_3237, %broadcast_in_dim3A_3240, %select_n3A_3235 : vector<128x128xi1>, vector<128x128xf32>
    %slice3A_3242 = vector.extract_strided_slice %sub3A {offsets = [6144, 512], sizes = [128, 128], strides = [1, 1]} : vector<8192x1024xf32> to vector<128x128xf32>
    %lt3A_3243 = arith.cmpf olt, %slice3A_3242, %min3A_3238 : vector<128x128xf32>
    %min3A_3244 = arith.minimumf %slice3A_3242, %min3A_3238 : vector<128x128xf32>
    %jit3A_3245 = arith.constant 4.000000e+00 : f32
    %broadcast_in_dim3A_3246 = vector.broadcast %jit3A_3245 : f32 to vector<128x128xf32>
    %select_n3A_3247 = arith.select %lt3A_3243, %broadcast_in_dim3A_3246, %select_n3A_3241 : vector<128x128xi1>, vector<128x128xf32>
    %slice3A_3248 = vector.extract_strided_slice %sub3A {offsets = [6144, 640], sizes = [128, 128], strides = [1, 1]} : vector<8192x1024xf32> to vector<128x128xf32>
    %lt3A_3249 = arith.cmpf olt, %slice3A_3248, %min3A_3244 : vector<128x128xf32>
    %min3A_3250 = arith.minimumf %slice3A_3248, %min3A_3244 : vector<128x128xf32>
    %jit3A_3251 = arith.constant 5.000000e+00 : f32
    %broadcast_in_dim3A_3252 = vector.broadcast %jit3A_3251 : f32 to vector<128x128xf32>
    %select_n3A_3253 = arith.select %lt3A_3249, %broadcast_in_dim3A_3252, %select_n3A_3247 : vector<128x128xi1>, vector<128x128xf32>
    %slice3A_3254 = vector.extract_strided_slice %sub3A {offsets = [6144, 768], sizes = [128, 128], strides = [1, 1]} : vector<8192x1024xf32> to vector<128x128xf32>
    %lt3A_3255 = arith.cmpf olt, %slice3A_3254, %min3A_3250 : vector<128x128xf32>
    %min3A_3256 = arith.minimumf %slice3A_3254, %min3A_3250 : vector<128x128xf32>
    %jit3A_3257 = arith.constant 6.000000e+00 : f32
    %broadcast_in_dim3A_3258 = vector.broadcast %jit3A_3257 : f32 to vector<128x128xf32>
    %select_n3A_3259 = arith.select %lt3A_3255, %broadcast_in_dim3A_3258, %select_n3A_3253 : vector<128x128xi1>, vector<128x128xf32>
    %slice3A_3260 = vector.extract_strided_slice %sub3A {offsets = [6144, 896], sizes = [128, 128], strides = [1, 1]} : vector<8192x1024xf32> to vector<128x128xf32>
    %lt3A_3261 = arith.cmpf olt, %slice3A_3260, %min3A_3256 : vector<128x128xf32>
    %min3A_3262 = arith.minimumf %slice3A_3260, %min3A_3256 : vector<128x128xf32>
    %jit3A_3263 = arith.constant 7.000000e+00 : f32
    %broadcast_in_dim3A_3264 = vector.broadcast %jit3A_3263 : f32 to vector<128x128xf32>
    %select_n3A_3265 = arith.select %lt3A_3261, %broadcast_in_dim3A_3264, %select_n3A_3259 : vector<128x128xi1>, vector<128x128xf32>
    %mul3A_3266 = arith.constant 1.280000e+02 : f32
    %mul3A_3267 = vector.broadcast %mul3A_3266 : f32 to vector<128x128xf32>
    %mul3A_3268 = arith.mulf %select_n3A_3265, %mul3A_3267 : vector<128x128xf32>
    %add3A_3269 = arith.addf %mul3A_3268, %convert_element_type3A : vector<128x128xf32>
    %transpose3A_3270 = tpu.transpose %min3A_3262, [1, 0] : vector<128x128xf32> -> vector<128x128xf32>
    %reduce_min3A_3271 = arith.constant dense<0x7F800000> : vector<128xf32>
    %reduce_min3A_3272 = vector.multi_reduction <minimumf>, %transpose3A_3270, %reduce_min3A_3271 [0] : vector<128x128xf32> to vector<128xf32>
    %broadcast_in_dim3A_3273 = vector.shape_cast %reduce_min3A_3272 : vector<128xf32> to vector<1x128xf32>
    %eq3A_3274 = vector.broadcast %broadcast_in_dim3A_3273 : vector<1x128xf32> to vector<128x128xf32>
    %eq3A_3275 = arith.cmpf oeq, %transpose3A_3270, %eq3A_3274 : vector<128x128xf32>
    %transpose3A_3276 = tpu.transpose %add3A_3269, [1, 0] : vector<128x128xf32> -> vector<128x128xf32>
    %jit3A_3277 = arith.constant 1.024000e+03 : f32
    %broadcast_in_dim3A_3278 = vector.broadcast %jit3A_3277 : f32 to vector<128x128xf32>
    %select_n3A_3279 = arith.select %eq3A_3275, %transpose3A_3276, %broadcast_in_dim3A_3278 : vector<128x128xi1>, vector<128x128xf32>
    %reduce_min3A_3280 = arith.constant dense<0x7F800000> : vector<128xf32>
    %reduce_min3A_3281 = vector.multi_reduction <minimumf>, %select_n3A_3279, %reduce_min3A_3280 [0] : vector<128x128xf32> to vector<128xf32>
    %reduce_sum3A_3282 = vector.shape_cast %broadcast_in_dim3A_3273 : vector<1x128xf32> to vector<1x1x128xf32>
    %reduce_sum3A_3283 = arith.constant dense<0.000000e+00> : vector<1xf32>
    %reduce_sum3A_3284 = vector.multi_reduction <add>, %reduce_sum3A_3282, %reduce_sum3A_3283 [1, 2] : vector<1x1x128xf32> to vector<1xf32>
    %reduce_sum3A_3285 = vector.shape_cast %reduce_sum3A_3284 : vector<1xf32> to vector<1x1x1xf32>
    %reduce_sum3A_3286 = vector.extract %reduce_sum3A_3285[0, 0, 0] : f32 from vector<1x1x1xf32>
    %add3A_3287 = arith.addf %add3A_3220, %reduce_sum3A_3286 : f32
    %slice3A_3288 = vector.extract_strided_slice %sub3A {offsets = [6272, 0], sizes = [128, 128], strides = [1, 1]} : vector<8192x1024xf32> to vector<128x128xf32>
    %broadcast_in_dim3A_3289 = arith.constant 0.000000e+00 : f32
    %broadcast_in_dim3A_3290 = vector.broadcast %broadcast_in_dim3A_3289 : f32 to vector<128x128xf32>
    %slice3A_3291 = vector.extract_strided_slice %sub3A {offsets = [6272, 128], sizes = [128, 128], strides = [1, 1]} : vector<8192x1024xf32> to vector<128x128xf32>
    %lt3A_3292 = arith.cmpf olt, %slice3A_3291, %slice3A_3288 : vector<128x128xf32>
    %min3A_3293 = arith.minimumf %slice3A_3291, %slice3A_3288 : vector<128x128xf32>
    %jit3A_3294 = arith.constant 1.000000e+00 : f32
    %broadcast_in_dim3A_3295 = vector.broadcast %jit3A_3294 : f32 to vector<128x128xf32>
    %select_n3A_3296 = arith.select %lt3A_3292, %broadcast_in_dim3A_3295, %broadcast_in_dim3A_3290 : vector<128x128xi1>, vector<128x128xf32>
    %slice3A_3297 = vector.extract_strided_slice %sub3A {offsets = [6272, 256], sizes = [128, 128], strides = [1, 1]} : vector<8192x1024xf32> to vector<128x128xf32>
    %lt3A_3298 = arith.cmpf olt, %slice3A_3297, %min3A_3293 : vector<128x128xf32>
    %min3A_3299 = arith.minimumf %slice3A_3297, %min3A_3293 : vector<128x128xf32>
    %jit3A_3300 = arith.constant 2.000000e+00 : f32
    %broadcast_in_dim3A_3301 = vector.broadcast %jit3A_3300 : f32 to vector<128x128xf32>
    %select_n3A_3302 = arith.select %lt3A_3298, %broadcast_in_dim3A_3301, %select_n3A_3296 : vector<128x128xi1>, vector<128x128xf32>
    %slice3A_3303 = vector.extract_strided_slice %sub3A {offsets = [6272, 384], sizes = [128, 128], strides = [1, 1]} : vector<8192x1024xf32> to vector<128x128xf32>
    %lt3A_3304 = arith.cmpf olt, %slice3A_3303, %min3A_3299 : vector<128x128xf32>
    %min3A_3305 = arith.minimumf %slice3A_3303, %min3A_3299 : vector<128x128xf32>
    %jit3A_3306 = arith.constant 3.000000e+00 : f32
    %broadcast_in_dim3A_3307 = vector.broadcast %jit3A_3306 : f32 to vector<128x128xf32>
    %select_n3A_3308 = arith.select %lt3A_3304, %broadcast_in_dim3A_3307, %select_n3A_3302 : vector<128x128xi1>, vector<128x128xf32>
    %slice3A_3309 = vector.extract_strided_slice %sub3A {offsets = [6272, 512], sizes = [128, 128], strides = [1, 1]} : vector<8192x1024xf32> to vector<128x128xf32>
    %lt3A_3310 = arith.cmpf olt, %slice3A_3309, %min3A_3305 : vector<128x128xf32>
    %min3A_3311 = arith.minimumf %slice3A_3309, %min3A_3305 : vector<128x128xf32>
    %jit3A_3312 = arith.constant 4.000000e+00 : f32
    %broadcast_in_dim3A_3313 = vector.broadcast %jit3A_3312 : f32 to vector<128x128xf32>
    %select_n3A_3314 = arith.select %lt3A_3310, %broadcast_in_dim3A_3313, %select_n3A_3308 : vector<128x128xi1>, vector<128x128xf32>
    %slice3A_3315 = vector.extract_strided_slice %sub3A {offsets = [6272, 640], sizes = [128, 128], strides = [1, 1]} : vector<8192x1024xf32> to vector<128x128xf32>
    %lt3A_3316 = arith.cmpf olt, %slice3A_3315, %min3A_3311 : vector<128x128xf32>
    %min3A_3317 = arith.minimumf %slice3A_3315, %min3A_3311 : vector<128x128xf32>
    %jit3A_3318 = arith.constant 5.000000e+00 : f32
    %broadcast_in_dim3A_3319 = vector.broadcast %jit3A_3318 : f32 to vector<128x128xf32>
    %select_n3A_3320 = arith.select %lt3A_3316, %broadcast_in_dim3A_3319, %select_n3A_3314 : vector<128x128xi1>, vector<128x128xf32>
    %slice3A_3321 = vector.extract_strided_slice %sub3A {offsets = [6272, 768], sizes = [128, 128], strides = [1, 1]} : vector<8192x1024xf32> to vector<128x128xf32>
    %lt3A_3322 = arith.cmpf olt, %slice3A_3321, %min3A_3317 : vector<128x128xf32>
    %min3A_3323 = arith.minimumf %slice3A_3321, %min3A_3317 : vector<128x128xf32>
    %jit3A_3324 = arith.constant 6.000000e+00 : f32
    %broadcast_in_dim3A_3325 = vector.broadcast %jit3A_3324 : f32 to vector<128x128xf32>
    %select_n3A_3326 = arith.select %lt3A_3322, %broadcast_in_dim3A_3325, %select_n3A_3320 : vector<128x128xi1>, vector<128x128xf32>
    %slice3A_3327 = vector.extract_strided_slice %sub3A {offsets = [6272, 896], sizes = [128, 128], strides = [1, 1]} : vector<8192x1024xf32> to vector<128x128xf32>
    %lt3A_3328 = arith.cmpf olt, %slice3A_3327, %min3A_3323 : vector<128x128xf32>
    %min3A_3329 = arith.minimumf %slice3A_3327, %min3A_3323 : vector<128x128xf32>
    %jit3A_3330 = arith.constant 7.000000e+00 : f32
    %broadcast_in_dim3A_3331 = vector.broadcast %jit3A_3330 : f32 to vector<128x128xf32>
    %select_n3A_3332 = arith.select %lt3A_3328, %broadcast_in_dim3A_3331, %select_n3A_3326 : vector<128x128xi1>, vector<128x128xf32>
    %mul3A_3333 = arith.constant 1.280000e+02 : f32
    %mul3A_3334 = vector.broadcast %mul3A_3333 : f32 to vector<128x128xf32>
    %mul3A_3335 = arith.mulf %select_n3A_3332, %mul3A_3334 : vector<128x128xf32>
    %add3A_3336 = arith.addf %mul3A_3335, %convert_element_type3A : vector<128x128xf32>
    %transpose3A_3337 = tpu.transpose %min3A_3329, [1, 0] : vector<128x128xf32> -> vector<128x128xf32>
    %reduce_min3A_3338 = arith.constant dense<0x7F800000> : vector<128xf32>
    %reduce_min3A_3339 = vector.multi_reduction <minimumf>, %transpose3A_3337, %reduce_min3A_3338 [0] : vector<128x128xf32> to vector<128xf32>
    %broadcast_in_dim3A_3340 = vector.shape_cast %reduce_min3A_3339 : vector<128xf32> to vector<1x128xf32>
    %eq3A_3341 = vector.broadcast %broadcast_in_dim3A_3340 : vector<1x128xf32> to vector<128x128xf32>
    %eq3A_3342 = arith.cmpf oeq, %transpose3A_3337, %eq3A_3341 : vector<128x128xf32>
    %transpose3A_3343 = tpu.transpose %add3A_3336, [1, 0] : vector<128x128xf32> -> vector<128x128xf32>
    %jit3A_3344 = arith.constant 1.024000e+03 : f32
    %broadcast_in_dim3A_3345 = vector.broadcast %jit3A_3344 : f32 to vector<128x128xf32>
    %select_n3A_3346 = arith.select %eq3A_3342, %transpose3A_3343, %broadcast_in_dim3A_3345 : vector<128x128xi1>, vector<128x128xf32>
    %reduce_min3A_3347 = arith.constant dense<0x7F800000> : vector<128xf32>
    %reduce_min3A_3348 = vector.multi_reduction <minimumf>, %select_n3A_3346, %reduce_min3A_3347 [0] : vector<128x128xf32> to vector<128xf32>
    %reduce_sum3A_3349 = vector.shape_cast %broadcast_in_dim3A_3340 : vector<1x128xf32> to vector<1x1x128xf32>
    %reduce_sum3A_3350 = arith.constant dense<0.000000e+00> : vector<1xf32>
    %reduce_sum3A_3351 = vector.multi_reduction <add>, %reduce_sum3A_3349, %reduce_sum3A_3350 [1, 2] : vector<1x1x128xf32> to vector<1xf32>
    %reduce_sum3A_3352 = vector.shape_cast %reduce_sum3A_3351 : vector<1xf32> to vector<1x1x1xf32>
    %reduce_sum3A_3353 = vector.extract %reduce_sum3A_3352[0, 0, 0] : f32 from vector<1x1x1xf32>
    %add3A_3354 = arith.addf %add3A_3287, %reduce_sum3A_3353 : f32
    %slice3A_3355 = vector.extract_strided_slice %sub3A {offsets = [6400, 0], sizes = [128, 128], strides = [1, 1]} : vector<8192x1024xf32> to vector<128x128xf32>
    %broadcast_in_dim3A_3356 = arith.constant 0.000000e+00 : f32
    %broadcast_in_dim3A_3357 = vector.broadcast %broadcast_in_dim3A_3356 : f32 to vector<128x128xf32>
    %slice3A_3358 = vector.extract_strided_slice %sub3A {offsets = [6400, 128], sizes = [128, 128], strides = [1, 1]} : vector<8192x1024xf32> to vector<128x128xf32>
    %lt3A_3359 = arith.cmpf olt, %slice3A_3358, %slice3A_3355 : vector<128x128xf32>
    %min3A_3360 = arith.minimumf %slice3A_3358, %slice3A_3355 : vector<128x128xf32>
    %jit3A_3361 = arith.constant 1.000000e+00 : f32
    %broadcast_in_dim3A_3362 = vector.broadcast %jit3A_3361 : f32 to vector<128x128xf32>
    %select_n3A_3363 = arith.select %lt3A_3359, %broadcast_in_dim3A_3362, %broadcast_in_dim3A_3357 : vector<128x128xi1>, vector<128x128xf32>
    %slice3A_3364 = vector.extract_strided_slice %sub3A {offsets = [6400, 256], sizes = [128, 128], strides = [1, 1]} : vector<8192x1024xf32> to vector<128x128xf32>
    %lt3A_3365 = arith.cmpf olt, %slice3A_3364, %min3A_3360 : vector<128x128xf32>
    %min3A_3366 = arith.minimumf %slice3A_3364, %min3A_3360 : vector<128x128xf32>
    %jit3A_3367 = arith.constant 2.000000e+00 : f32
    %broadcast_in_dim3A_3368 = vector.broadcast %jit3A_3367 : f32 to vector<128x128xf32>
    %select_n3A_3369 = arith.select %lt3A_3365, %broadcast_in_dim3A_3368, %select_n3A_3363 : vector<128x128xi1>, vector<128x128xf32>
    %slice3A_3370 = vector.extract_strided_slice %sub3A {offsets = [6400, 384], sizes = [128, 128], strides = [1, 1]} : vector<8192x1024xf32> to vector<128x128xf32>
    %lt3A_3371 = arith.cmpf olt, %slice3A_3370, %min3A_3366 : vector<128x128xf32>
    %min3A_3372 = arith.minimumf %slice3A_3370, %min3A_3366 : vector<128x128xf32>
    %jit3A_3373 = arith.constant 3.000000e+00 : f32
    %broadcast_in_dim3A_3374 = vector.broadcast %jit3A_3373 : f32 to vector<128x128xf32>
    %select_n3A_3375 = arith.select %lt3A_3371, %broadcast_in_dim3A_3374, %select_n3A_3369 : vector<128x128xi1>, vector<128x128xf32>
    %slice3A_3376 = vector.extract_strided_slice %sub3A {offsets = [6400, 512], sizes = [128, 128], strides = [1, 1]} : vector<8192x1024xf32> to vector<128x128xf32>
    %lt3A_3377 = arith.cmpf olt, %slice3A_3376, %min3A_3372 : vector<128x128xf32>
    %min3A_3378 = arith.minimumf %slice3A_3376, %min3A_3372 : vector<128x128xf32>
    %jit3A_3379 = arith.constant 4.000000e+00 : f32
    %broadcast_in_dim3A_3380 = vector.broadcast %jit3A_3379 : f32 to vector<128x128xf32>
    %select_n3A_3381 = arith.select %lt3A_3377, %broadcast_in_dim3A_3380, %select_n3A_3375 : vector<128x128xi1>, vector<128x128xf32>
    %slice3A_3382 = vector.extract_strided_slice %sub3A {offsets = [6400, 640], sizes = [128, 128], strides = [1, 1]} : vector<8192x1024xf32> to vector<128x128xf32>
    %lt3A_3383 = arith.cmpf olt, %slice3A_3382, %min3A_3378 : vector<128x128xf32>
    %min3A_3384 = arith.minimumf %slice3A_3382, %min3A_3378 : vector<128x128xf32>
    %jit3A_3385 = arith.constant 5.000000e+00 : f32
    %broadcast_in_dim3A_3386 = vector.broadcast %jit3A_3385 : f32 to vector<128x128xf32>
    %select_n3A_3387 = arith.select %lt3A_3383, %broadcast_in_dim3A_3386, %select_n3A_3381 : vector<128x128xi1>, vector<128x128xf32>
    %slice3A_3388 = vector.extract_strided_slice %sub3A {offsets = [6400, 768], sizes = [128, 128], strides = [1, 1]} : vector<8192x1024xf32> to vector<128x128xf32>
    %lt3A_3389 = arith.cmpf olt, %slice3A_3388, %min3A_3384 : vector<128x128xf32>
    %min3A_3390 = arith.minimumf %slice3A_3388, %min3A_3384 : vector<128x128xf32>
    %jit3A_3391 = arith.constant 6.000000e+00 : f32
    %broadcast_in_dim3A_3392 = vector.broadcast %jit3A_3391 : f32 to vector<128x128xf32>
    %select_n3A_3393 = arith.select %lt3A_3389, %broadcast_in_dim3A_3392, %select_n3A_3387 : vector<128x128xi1>, vector<128x128xf32>
    %slice3A_3394 = vector.extract_strided_slice %sub3A {offsets = [6400, 896], sizes = [128, 128], strides = [1, 1]} : vector<8192x1024xf32> to vector<128x128xf32>
    %lt3A_3395 = arith.cmpf olt, %slice3A_3394, %min3A_3390 : vector<128x128xf32>
    %min3A_3396 = arith.minimumf %slice3A_3394, %min3A_3390 : vector<128x128xf32>
    %jit3A_3397 = arith.constant 7.000000e+00 : f32
    %broadcast_in_dim3A_3398 = vector.broadcast %jit3A_3397 : f32 to vector<128x128xf32>
    %select_n3A_3399 = arith.select %lt3A_3395, %broadcast_in_dim3A_3398, %select_n3A_3393 : vector<128x128xi1>, vector<128x128xf32>
    %mul3A_3400 = arith.constant 1.280000e+02 : f32
    %mul3A_3401 = vector.broadcast %mul3A_3400 : f32 to vector<128x128xf32>
    %mul3A_3402 = arith.mulf %select_n3A_3399, %mul3A_3401 : vector<128x128xf32>
    %add3A_3403 = arith.addf %mul3A_3402, %convert_element_type3A : vector<128x128xf32>
    %transpose3A_3404 = tpu.transpose %min3A_3396, [1, 0] : vector<128x128xf32> -> vector<128x128xf32>
    %reduce_min3A_3405 = arith.constant dense<0x7F800000> : vector<128xf32>
    %reduce_min3A_3406 = vector.multi_reduction <minimumf>, %transpose3A_3404, %reduce_min3A_3405 [0] : vector<128x128xf32> to vector<128xf32>
    %broadcast_in_dim3A_3407 = vector.shape_cast %reduce_min3A_3406 : vector<128xf32> to vector<1x128xf32>
    %eq3A_3408 = vector.broadcast %broadcast_in_dim3A_3407 : vector<1x128xf32> to vector<128x128xf32>
    %eq3A_3409 = arith.cmpf oeq, %transpose3A_3404, %eq3A_3408 : vector<128x128xf32>
    %transpose3A_3410 = tpu.transpose %add3A_3403, [1, 0] : vector<128x128xf32> -> vector<128x128xf32>
    %jit3A_3411 = arith.constant 1.024000e+03 : f32
    %broadcast_in_dim3A_3412 = vector.broadcast %jit3A_3411 : f32 to vector<128x128xf32>
    %select_n3A_3413 = arith.select %eq3A_3409, %transpose3A_3410, %broadcast_in_dim3A_3412 : vector<128x128xi1>, vector<128x128xf32>
    %reduce_min3A_3414 = arith.constant dense<0x7F800000> : vector<128xf32>
    %reduce_min3A_3415 = vector.multi_reduction <minimumf>, %select_n3A_3413, %reduce_min3A_3414 [0] : vector<128x128xf32> to vector<128xf32>
    %reduce_sum3A_3416 = vector.shape_cast %broadcast_in_dim3A_3407 : vector<1x128xf32> to vector<1x1x128xf32>
    %reduce_sum3A_3417 = arith.constant dense<0.000000e+00> : vector<1xf32>
    %reduce_sum3A_3418 = vector.multi_reduction <add>, %reduce_sum3A_3416, %reduce_sum3A_3417 [1, 2] : vector<1x1x128xf32> to vector<1xf32>
    %reduce_sum3A_3419 = vector.shape_cast %reduce_sum3A_3418 : vector<1xf32> to vector<1x1x1xf32>
    %reduce_sum3A_3420 = vector.extract %reduce_sum3A_3419[0, 0, 0] : f32 from vector<1x1x1xf32>
    %add3A_3421 = arith.addf %add3A_3354, %reduce_sum3A_3420 : f32
    %slice3A_3422 = vector.extract_strided_slice %sub3A {offsets = [6528, 0], sizes = [128, 128], strides = [1, 1]} : vector<8192x1024xf32> to vector<128x128xf32>
    %broadcast_in_dim3A_3423 = arith.constant 0.000000e+00 : f32
    %broadcast_in_dim3A_3424 = vector.broadcast %broadcast_in_dim3A_3423 : f32 to vector<128x128xf32>
    %slice3A_3425 = vector.extract_strided_slice %sub3A {offsets = [6528, 128], sizes = [128, 128], strides = [1, 1]} : vector<8192x1024xf32> to vector<128x128xf32>
    %lt3A_3426 = arith.cmpf olt, %slice3A_3425, %slice3A_3422 : vector<128x128xf32>
    %min3A_3427 = arith.minimumf %slice3A_3425, %slice3A_3422 : vector<128x128xf32>
    %jit3A_3428 = arith.constant 1.000000e+00 : f32
    %broadcast_in_dim3A_3429 = vector.broadcast %jit3A_3428 : f32 to vector<128x128xf32>
    %select_n3A_3430 = arith.select %lt3A_3426, %broadcast_in_dim3A_3429, %broadcast_in_dim3A_3424 : vector<128x128xi1>, vector<128x128xf32>
    %slice3A_3431 = vector.extract_strided_slice %sub3A {offsets = [6528, 256], sizes = [128, 128], strides = [1, 1]} : vector<8192x1024xf32> to vector<128x128xf32>
    %lt3A_3432 = arith.cmpf olt, %slice3A_3431, %min3A_3427 : vector<128x128xf32>
    %min3A_3433 = arith.minimumf %slice3A_3431, %min3A_3427 : vector<128x128xf32>
    %jit3A_3434 = arith.constant 2.000000e+00 : f32
    %broadcast_in_dim3A_3435 = vector.broadcast %jit3A_3434 : f32 to vector<128x128xf32>
    %select_n3A_3436 = arith.select %lt3A_3432, %broadcast_in_dim3A_3435, %select_n3A_3430 : vector<128x128xi1>, vector<128x128xf32>
    %slice3A_3437 = vector.extract_strided_slice %sub3A {offsets = [6528, 384], sizes = [128, 128], strides = [1, 1]} : vector<8192x1024xf32> to vector<128x128xf32>
    %lt3A_3438 = arith.cmpf olt, %slice3A_3437, %min3A_3433 : vector<128x128xf32>
    %min3A_3439 = arith.minimumf %slice3A_3437, %min3A_3433 : vector<128x128xf32>
    %jit3A_3440 = arith.constant 3.000000e+00 : f32
    %broadcast_in_dim3A_3441 = vector.broadcast %jit3A_3440 : f32 to vector<128x128xf32>
    %select_n3A_3442 = arith.select %lt3A_3438, %broadcast_in_dim3A_3441, %select_n3A_3436 : vector<128x128xi1>, vector<128x128xf32>
    %slice3A_3443 = vector.extract_strided_slice %sub3A {offsets = [6528, 512], sizes = [128, 128], strides = [1, 1]} : vector<8192x1024xf32> to vector<128x128xf32>
    %lt3A_3444 = arith.cmpf olt, %slice3A_3443, %min3A_3439 : vector<128x128xf32>
    %min3A_3445 = arith.minimumf %slice3A_3443, %min3A_3439 : vector<128x128xf32>
    %jit3A_3446 = arith.constant 4.000000e+00 : f32
    %broadcast_in_dim3A_3447 = vector.broadcast %jit3A_3446 : f32 to vector<128x128xf32>
    %select_n3A_3448 = arith.select %lt3A_3444, %broadcast_in_dim3A_3447, %select_n3A_3442 : vector<128x128xi1>, vector<128x128xf32>
    %slice3A_3449 = vector.extract_strided_slice %sub3A {offsets = [6528, 640], sizes = [128, 128], strides = [1, 1]} : vector<8192x1024xf32> to vector<128x128xf32>
    %lt3A_3450 = arith.cmpf olt, %slice3A_3449, %min3A_3445 : vector<128x128xf32>
    %min3A_3451 = arith.minimumf %slice3A_3449, %min3A_3445 : vector<128x128xf32>
    %jit3A_3452 = arith.constant 5.000000e+00 : f32
    %broadcast_in_dim3A_3453 = vector.broadcast %jit3A_3452 : f32 to vector<128x128xf32>
    %select_n3A_3454 = arith.select %lt3A_3450, %broadcast_in_dim3A_3453, %select_n3A_3448 : vector<128x128xi1>, vector<128x128xf32>
    %slice3A_3455 = vector.extract_strided_slice %sub3A {offsets = [6528, 768], sizes = [128, 128], strides = [1, 1]} : vector<8192x1024xf32> to vector<128x128xf32>
    %lt3A_3456 = arith.cmpf olt, %slice3A_3455, %min3A_3451 : vector<128x128xf32>
    %min3A_3457 = arith.minimumf %slice3A_3455, %min3A_3451 : vector<128x128xf32>
    %jit3A_3458 = arith.constant 6.000000e+00 : f32
    %broadcast_in_dim3A_3459 = vector.broadcast %jit3A_3458 : f32 to vector<128x128xf32>
    %select_n3A_3460 = arith.select %lt3A_3456, %broadcast_in_dim3A_3459, %select_n3A_3454 : vector<128x128xi1>, vector<128x128xf32>
    %slice3A_3461 = vector.extract_strided_slice %sub3A {offsets = [6528, 896], sizes = [128, 128], strides = [1, 1]} : vector<8192x1024xf32> to vector<128x128xf32>
    %lt3A_3462 = arith.cmpf olt, %slice3A_3461, %min3A_3457 : vector<128x128xf32>
    %min3A_3463 = arith.minimumf %slice3A_3461, %min3A_3457 : vector<128x128xf32>
    %jit3A_3464 = arith.constant 7.000000e+00 : f32
    %broadcast_in_dim3A_3465 = vector.broadcast %jit3A_3464 : f32 to vector<128x128xf32>
    %select_n3A_3466 = arith.select %lt3A_3462, %broadcast_in_dim3A_3465, %select_n3A_3460 : vector<128x128xi1>, vector<128x128xf32>
    %mul3A_3467 = arith.constant 1.280000e+02 : f32
    %mul3A_3468 = vector.broadcast %mul3A_3467 : f32 to vector<128x128xf32>
    %mul3A_3469 = arith.mulf %select_n3A_3466, %mul3A_3468 : vector<128x128xf32>
    %add3A_3470 = arith.addf %mul3A_3469, %convert_element_type3A : vector<128x128xf32>
    %transpose3A_3471 = tpu.transpose %min3A_3463, [1, 0] : vector<128x128xf32> -> vector<128x128xf32>
    %reduce_min3A_3472 = arith.constant dense<0x7F800000> : vector<128xf32>
    %reduce_min3A_3473 = vector.multi_reduction <minimumf>, %transpose3A_3471, %reduce_min3A_3472 [0] : vector<128x128xf32> to vector<128xf32>
    %broadcast_in_dim3A_3474 = vector.shape_cast %reduce_min3A_3473 : vector<128xf32> to vector<1x128xf32>
    %eq3A_3475 = vector.broadcast %broadcast_in_dim3A_3474 : vector<1x128xf32> to vector<128x128xf32>
    %eq3A_3476 = arith.cmpf oeq, %transpose3A_3471, %eq3A_3475 : vector<128x128xf32>
    %transpose3A_3477 = tpu.transpose %add3A_3470, [1, 0] : vector<128x128xf32> -> vector<128x128xf32>
    %jit3A_3478 = arith.constant 1.024000e+03 : f32
    %broadcast_in_dim3A_3479 = vector.broadcast %jit3A_3478 : f32 to vector<128x128xf32>
    %select_n3A_3480 = arith.select %eq3A_3476, %transpose3A_3477, %broadcast_in_dim3A_3479 : vector<128x128xi1>, vector<128x128xf32>
    %reduce_min3A_3481 = arith.constant dense<0x7F800000> : vector<128xf32>
    %reduce_min3A_3482 = vector.multi_reduction <minimumf>, %select_n3A_3480, %reduce_min3A_3481 [0] : vector<128x128xf32> to vector<128xf32>
    %reduce_sum3A_3483 = vector.shape_cast %broadcast_in_dim3A_3474 : vector<1x128xf32> to vector<1x1x128xf32>
    %reduce_sum3A_3484 = arith.constant dense<0.000000e+00> : vector<1xf32>
    %reduce_sum3A_3485 = vector.multi_reduction <add>, %reduce_sum3A_3483, %reduce_sum3A_3484 [1, 2] : vector<1x1x128xf32> to vector<1xf32>
    %reduce_sum3A_3486 = vector.shape_cast %reduce_sum3A_3485 : vector<1xf32> to vector<1x1x1xf32>
    %reduce_sum3A_3487 = vector.extract %reduce_sum3A_3486[0, 0, 0] : f32 from vector<1x1x1xf32>
    %add3A_3488 = arith.addf %add3A_3421, %reduce_sum3A_3487 : f32
    %slice3A_3489 = vector.extract_strided_slice %sub3A {offsets = [6656, 0], sizes = [128, 128], strides = [1, 1]} : vector<8192x1024xf32> to vector<128x128xf32>
    %broadcast_in_dim3A_3490 = arith.constant 0.000000e+00 : f32
    %broadcast_in_dim3A_3491 = vector.broadcast %broadcast_in_dim3A_3490 : f32 to vector<128x128xf32>
    %slice3A_3492 = vector.extract_strided_slice %sub3A {offsets = [6656, 128], sizes = [128, 128], strides = [1, 1]} : vector<8192x1024xf32> to vector<128x128xf32>
    %lt3A_3493 = arith.cmpf olt, %slice3A_3492, %slice3A_3489 : vector<128x128xf32>
    %min3A_3494 = arith.minimumf %slice3A_3492, %slice3A_3489 : vector<128x128xf32>
    %jit3A_3495 = arith.constant 1.000000e+00 : f32
    %broadcast_in_dim3A_3496 = vector.broadcast %jit3A_3495 : f32 to vector<128x128xf32>
    %select_n3A_3497 = arith.select %lt3A_3493, %broadcast_in_dim3A_3496, %broadcast_in_dim3A_3491 : vector<128x128xi1>, vector<128x128xf32>
    %slice3A_3498 = vector.extract_strided_slice %sub3A {offsets = [6656, 256], sizes = [128, 128], strides = [1, 1]} : vector<8192x1024xf32> to vector<128x128xf32>
    %lt3A_3499 = arith.cmpf olt, %slice3A_3498, %min3A_3494 : vector<128x128xf32>
    %min3A_3500 = arith.minimumf %slice3A_3498, %min3A_3494 : vector<128x128xf32>
    %jit3A_3501 = arith.constant 2.000000e+00 : f32
    %broadcast_in_dim3A_3502 = vector.broadcast %jit3A_3501 : f32 to vector<128x128xf32>
    %select_n3A_3503 = arith.select %lt3A_3499, %broadcast_in_dim3A_3502, %select_n3A_3497 : vector<128x128xi1>, vector<128x128xf32>
    %slice3A_3504 = vector.extract_strided_slice %sub3A {offsets = [6656, 384], sizes = [128, 128], strides = [1, 1]} : vector<8192x1024xf32> to vector<128x128xf32>
    %lt3A_3505 = arith.cmpf olt, %slice3A_3504, %min3A_3500 : vector<128x128xf32>
    %min3A_3506 = arith.minimumf %slice3A_3504, %min3A_3500 : vector<128x128xf32>
    %jit3A_3507 = arith.constant 3.000000e+00 : f32
    %broadcast_in_dim3A_3508 = vector.broadcast %jit3A_3507 : f32 to vector<128x128xf32>
    %select_n3A_3509 = arith.select %lt3A_3505, %broadcast_in_dim3A_3508, %select_n3A_3503 : vector<128x128xi1>, vector<128x128xf32>
    %slice3A_3510 = vector.extract_strided_slice %sub3A {offsets = [6656, 512], sizes = [128, 128], strides = [1, 1]} : vector<8192x1024xf32> to vector<128x128xf32>
    %lt3A_3511 = arith.cmpf olt, %slice3A_3510, %min3A_3506 : vector<128x128xf32>
    %min3A_3512 = arith.minimumf %slice3A_3510, %min3A_3506 : vector<128x128xf32>
    %jit3A_3513 = arith.constant 4.000000e+00 : f32
    %broadcast_in_dim3A_3514 = vector.broadcast %jit3A_3513 : f32 to vector<128x128xf32>
    %select_n3A_3515 = arith.select %lt3A_3511, %broadcast_in_dim3A_3514, %select_n3A_3509 : vector<128x128xi1>, vector<128x128xf32>
    %slice3A_3516 = vector.extract_strided_slice %sub3A {offsets = [6656, 640], sizes = [128, 128], strides = [1, 1]} : vector<8192x1024xf32> to vector<128x128xf32>
    %lt3A_3517 = arith.cmpf olt, %slice3A_3516, %min3A_3512 : vector<128x128xf32>
    %min3A_3518 = arith.minimumf %slice3A_3516, %min3A_3512 : vector<128x128xf32>
    %jit3A_3519 = arith.constant 5.000000e+00 : f32
    %broadcast_in_dim3A_3520 = vector.broadcast %jit3A_3519 : f32 to vector<128x128xf32>
    %select_n3A_3521 = arith.select %lt3A_3517, %broadcast_in_dim3A_3520, %select_n3A_3515 : vector<128x128xi1>, vector<128x128xf32>
    %slice3A_3522 = vector.extract_strided_slice %sub3A {offsets = [6656, 768], sizes = [128, 128], strides = [1, 1]} : vector<8192x1024xf32> to vector<128x128xf32>
    %lt3A_3523 = arith.cmpf olt, %slice3A_3522, %min3A_3518 : vector<128x128xf32>
    %min3A_3524 = arith.minimumf %slice3A_3522, %min3A_3518 : vector<128x128xf32>
    %jit3A_3525 = arith.constant 6.000000e+00 : f32
    %broadcast_in_dim3A_3526 = vector.broadcast %jit3A_3525 : f32 to vector<128x128xf32>
    %select_n3A_3527 = arith.select %lt3A_3523, %broadcast_in_dim3A_3526, %select_n3A_3521 : vector<128x128xi1>, vector<128x128xf32>
    %slice3A_3528 = vector.extract_strided_slice %sub3A {offsets = [6656, 896], sizes = [128, 128], strides = [1, 1]} : vector<8192x1024xf32> to vector<128x128xf32>
    %lt3A_3529 = arith.cmpf olt, %slice3A_3528, %min3A_3524 : vector<128x128xf32>
    %min3A_3530 = arith.minimumf %slice3A_3528, %min3A_3524 : vector<128x128xf32>
    %jit3A_3531 = arith.constant 7.000000e+00 : f32
    %broadcast_in_dim3A_3532 = vector.broadcast %jit3A_3531 : f32 to vector<128x128xf32>
    %select_n3A_3533 = arith.select %lt3A_3529, %broadcast_in_dim3A_3532, %select_n3A_3527 : vector<128x128xi1>, vector<128x128xf32>
    %mul3A_3534 = arith.constant 1.280000e+02 : f32
    %mul3A_3535 = vector.broadcast %mul3A_3534 : f32 to vector<128x128xf32>
    %mul3A_3536 = arith.mulf %select_n3A_3533, %mul3A_3535 : vector<128x128xf32>
    %add3A_3537 = arith.addf %mul3A_3536, %convert_element_type3A : vector<128x128xf32>
    %transpose3A_3538 = tpu.transpose %min3A_3530, [1, 0] : vector<128x128xf32> -> vector<128x128xf32>
    %reduce_min3A_3539 = arith.constant dense<0x7F800000> : vector<128xf32>
    %reduce_min3A_3540 = vector.multi_reduction <minimumf>, %transpose3A_3538, %reduce_min3A_3539 [0] : vector<128x128xf32> to vector<128xf32>
    %broadcast_in_dim3A_3541 = vector.shape_cast %reduce_min3A_3540 : vector<128xf32> to vector<1x128xf32>
    %eq3A_3542 = vector.broadcast %broadcast_in_dim3A_3541 : vector<1x128xf32> to vector<128x128xf32>
    %eq3A_3543 = arith.cmpf oeq, %transpose3A_3538, %eq3A_3542 : vector<128x128xf32>
    %transpose3A_3544 = tpu.transpose %add3A_3537, [1, 0] : vector<128x128xf32> -> vector<128x128xf32>
    %jit3A_3545 = arith.constant 1.024000e+03 : f32
    %broadcast_in_dim3A_3546 = vector.broadcast %jit3A_3545 : f32 to vector<128x128xf32>
    %select_n3A_3547 = arith.select %eq3A_3543, %transpose3A_3544, %broadcast_in_dim3A_3546 : vector<128x128xi1>, vector<128x128xf32>
    %reduce_min3A_3548 = arith.constant dense<0x7F800000> : vector<128xf32>
    %reduce_min3A_3549 = vector.multi_reduction <minimumf>, %select_n3A_3547, %reduce_min3A_3548 [0] : vector<128x128xf32> to vector<128xf32>
    %reduce_sum3A_3550 = vector.shape_cast %broadcast_in_dim3A_3541 : vector<1x128xf32> to vector<1x1x128xf32>
    %reduce_sum3A_3551 = arith.constant dense<0.000000e+00> : vector<1xf32>
    %reduce_sum3A_3552 = vector.multi_reduction <add>, %reduce_sum3A_3550, %reduce_sum3A_3551 [1, 2] : vector<1x1x128xf32> to vector<1xf32>
    %reduce_sum3A_3553 = vector.shape_cast %reduce_sum3A_3552 : vector<1xf32> to vector<1x1x1xf32>
    %reduce_sum3A_3554 = vector.extract %reduce_sum3A_3553[0, 0, 0] : f32 from vector<1x1x1xf32>
    %add3A_3555 = arith.addf %add3A_3488, %reduce_sum3A_3554 : f32
    %slice3A_3556 = vector.extract_strided_slice %sub3A {offsets = [6784, 0], sizes = [128, 128], strides = [1, 1]} : vector<8192x1024xf32> to vector<128x128xf32>
    %broadcast_in_dim3A_3557 = arith.constant 0.000000e+00 : f32
    %broadcast_in_dim3A_3558 = vector.broadcast %broadcast_in_dim3A_3557 : f32 to vector<128x128xf32>
    %slice3A_3559 = vector.extract_strided_slice %sub3A {offsets = [6784, 128], sizes = [128, 128], strides = [1, 1]} : vector<8192x1024xf32> to vector<128x128xf32>
    %lt3A_3560 = arith.cmpf olt, %slice3A_3559, %slice3A_3556 : vector<128x128xf32>
    %min3A_3561 = arith.minimumf %slice3A_3559, %slice3A_3556 : vector<128x128xf32>
    %jit3A_3562 = arith.constant 1.000000e+00 : f32
    %broadcast_in_dim3A_3563 = vector.broadcast %jit3A_3562 : f32 to vector<128x128xf32>
    %select_n3A_3564 = arith.select %lt3A_3560, %broadcast_in_dim3A_3563, %broadcast_in_dim3A_3558 : vector<128x128xi1>, vector<128x128xf32>
    %slice3A_3565 = vector.extract_strided_slice %sub3A {offsets = [6784, 256], sizes = [128, 128], strides = [1, 1]} : vector<8192x1024xf32> to vector<128x128xf32>
    %lt3A_3566 = arith.cmpf olt, %slice3A_3565, %min3A_3561 : vector<128x128xf32>
    %min3A_3567 = arith.minimumf %slice3A_3565, %min3A_3561 : vector<128x128xf32>
    %jit3A_3568 = arith.constant 2.000000e+00 : f32
    %broadcast_in_dim3A_3569 = vector.broadcast %jit3A_3568 : f32 to vector<128x128xf32>
    %select_n3A_3570 = arith.select %lt3A_3566, %broadcast_in_dim3A_3569, %select_n3A_3564 : vector<128x128xi1>, vector<128x128xf32>
    %slice3A_3571 = vector.extract_strided_slice %sub3A {offsets = [6784, 384], sizes = [128, 128], strides = [1, 1]} : vector<8192x1024xf32> to vector<128x128xf32>
    %lt3A_3572 = arith.cmpf olt, %slice3A_3571, %min3A_3567 : vector<128x128xf32>
    %min3A_3573 = arith.minimumf %slice3A_3571, %min3A_3567 : vector<128x128xf32>
    %jit3A_3574 = arith.constant 3.000000e+00 : f32
    %broadcast_in_dim3A_3575 = vector.broadcast %jit3A_3574 : f32 to vector<128x128xf32>
    %select_n3A_3576 = arith.select %lt3A_3572, %broadcast_in_dim3A_3575, %select_n3A_3570 : vector<128x128xi1>, vector<128x128xf32>
    %slice3A_3577 = vector.extract_strided_slice %sub3A {offsets = [6784, 512], sizes = [128, 128], strides = [1, 1]} : vector<8192x1024xf32> to vector<128x128xf32>
    %lt3A_3578 = arith.cmpf olt, %slice3A_3577, %min3A_3573 : vector<128x128xf32>
    %min3A_3579 = arith.minimumf %slice3A_3577, %min3A_3573 : vector<128x128xf32>
    %jit3A_3580 = arith.constant 4.000000e+00 : f32
    %broadcast_in_dim3A_3581 = vector.broadcast %jit3A_3580 : f32 to vector<128x128xf32>
    %select_n3A_3582 = arith.select %lt3A_3578, %broadcast_in_dim3A_3581, %select_n3A_3576 : vector<128x128xi1>, vector<128x128xf32>
    %slice3A_3583 = vector.extract_strided_slice %sub3A {offsets = [6784, 640], sizes = [128, 128], strides = [1, 1]} : vector<8192x1024xf32> to vector<128x128xf32>
    %lt3A_3584 = arith.cmpf olt, %slice3A_3583, %min3A_3579 : vector<128x128xf32>
    %min3A_3585 = arith.minimumf %slice3A_3583, %min3A_3579 : vector<128x128xf32>
    %jit3A_3586 = arith.constant 5.000000e+00 : f32
    %broadcast_in_dim3A_3587 = vector.broadcast %jit3A_3586 : f32 to vector<128x128xf32>
    %select_n3A_3588 = arith.select %lt3A_3584, %broadcast_in_dim3A_3587, %select_n3A_3582 : vector<128x128xi1>, vector<128x128xf32>
    %slice3A_3589 = vector.extract_strided_slice %sub3A {offsets = [6784, 768], sizes = [128, 128], strides = [1, 1]} : vector<8192x1024xf32> to vector<128x128xf32>
    %lt3A_3590 = arith.cmpf olt, %slice3A_3589, %min3A_3585 : vector<128x128xf32>
    %min3A_3591 = arith.minimumf %slice3A_3589, %min3A_3585 : vector<128x128xf32>
    %jit3A_3592 = arith.constant 6.000000e+00 : f32
    %broadcast_in_dim3A_3593 = vector.broadcast %jit3A_3592 : f32 to vector<128x128xf32>
    %select_n3A_3594 = arith.select %lt3A_3590, %broadcast_in_dim3A_3593, %select_n3A_3588 : vector<128x128xi1>, vector<128x128xf32>
    %slice3A_3595 = vector.extract_strided_slice %sub3A {offsets = [6784, 896], sizes = [128, 128], strides = [1, 1]} : vector<8192x1024xf32> to vector<128x128xf32>
    %lt3A_3596 = arith.cmpf olt, %slice3A_3595, %min3A_3591 : vector<128x128xf32>
    %min3A_3597 = arith.minimumf %slice3A_3595, %min3A_3591 : vector<128x128xf32>
    %jit3A_3598 = arith.constant 7.000000e+00 : f32
    %broadcast_in_dim3A_3599 = vector.broadcast %jit3A_3598 : f32 to vector<128x128xf32>
    %select_n3A_3600 = arith.select %lt3A_3596, %broadcast_in_dim3A_3599, %select_n3A_3594 : vector<128x128xi1>, vector<128x128xf32>
    %mul3A_3601 = arith.constant 1.280000e+02 : f32
    %mul3A_3602 = vector.broadcast %mul3A_3601 : f32 to vector<128x128xf32>
    %mul3A_3603 = arith.mulf %select_n3A_3600, %mul3A_3602 : vector<128x128xf32>
    %add3A_3604 = arith.addf %mul3A_3603, %convert_element_type3A : vector<128x128xf32>
    %transpose3A_3605 = tpu.transpose %min3A_3597, [1, 0] : vector<128x128xf32> -> vector<128x128xf32>
    %reduce_min3A_3606 = arith.constant dense<0x7F800000> : vector<128xf32>
    %reduce_min3A_3607 = vector.multi_reduction <minimumf>, %transpose3A_3605, %reduce_min3A_3606 [0] : vector<128x128xf32> to vector<128xf32>
    %broadcast_in_dim3A_3608 = vector.shape_cast %reduce_min3A_3607 : vector<128xf32> to vector<1x128xf32>
    %eq3A_3609 = vector.broadcast %broadcast_in_dim3A_3608 : vector<1x128xf32> to vector<128x128xf32>
    %eq3A_3610 = arith.cmpf oeq, %transpose3A_3605, %eq3A_3609 : vector<128x128xf32>
    %transpose3A_3611 = tpu.transpose %add3A_3604, [1, 0] : vector<128x128xf32> -> vector<128x128xf32>
    %jit3A_3612 = arith.constant 1.024000e+03 : f32
    %broadcast_in_dim3A_3613 = vector.broadcast %jit3A_3612 : f32 to vector<128x128xf32>
    %select_n3A_3614 = arith.select %eq3A_3610, %transpose3A_3611, %broadcast_in_dim3A_3613 : vector<128x128xi1>, vector<128x128xf32>
    %reduce_min3A_3615 = arith.constant dense<0x7F800000> : vector<128xf32>
    %reduce_min3A_3616 = vector.multi_reduction <minimumf>, %select_n3A_3614, %reduce_min3A_3615 [0] : vector<128x128xf32> to vector<128xf32>
    %reduce_sum3A_3617 = vector.shape_cast %broadcast_in_dim3A_3608 : vector<1x128xf32> to vector<1x1x128xf32>
    %reduce_sum3A_3618 = arith.constant dense<0.000000e+00> : vector<1xf32>
    %reduce_sum3A_3619 = vector.multi_reduction <add>, %reduce_sum3A_3617, %reduce_sum3A_3618 [1, 2] : vector<1x1x128xf32> to vector<1xf32>
    %reduce_sum3A_3620 = vector.shape_cast %reduce_sum3A_3619 : vector<1xf32> to vector<1x1x1xf32>
    %reduce_sum3A_3621 = vector.extract %reduce_sum3A_3620[0, 0, 0] : f32 from vector<1x1x1xf32>
    %add3A_3622 = arith.addf %add3A_3555, %reduce_sum3A_3621 : f32
    %slice3A_3623 = vector.extract_strided_slice %sub3A {offsets = [6912, 0], sizes = [128, 128], strides = [1, 1]} : vector<8192x1024xf32> to vector<128x128xf32>
    %broadcast_in_dim3A_3624 = arith.constant 0.000000e+00 : f32
    %broadcast_in_dim3A_3625 = vector.broadcast %broadcast_in_dim3A_3624 : f32 to vector<128x128xf32>
    %slice3A_3626 = vector.extract_strided_slice %sub3A {offsets = [6912, 128], sizes = [128, 128], strides = [1, 1]} : vector<8192x1024xf32> to vector<128x128xf32>
    %lt3A_3627 = arith.cmpf olt, %slice3A_3626, %slice3A_3623 : vector<128x128xf32>
    %min3A_3628 = arith.minimumf %slice3A_3626, %slice3A_3623 : vector<128x128xf32>
    %jit3A_3629 = arith.constant 1.000000e+00 : f32
    %broadcast_in_dim3A_3630 = vector.broadcast %jit3A_3629 : f32 to vector<128x128xf32>
    %select_n3A_3631 = arith.select %lt3A_3627, %broadcast_in_dim3A_3630, %broadcast_in_dim3A_3625 : vector<128x128xi1>, vector<128x128xf32>
    %slice3A_3632 = vector.extract_strided_slice %sub3A {offsets = [6912, 256], sizes = [128, 128], strides = [1, 1]} : vector<8192x1024xf32> to vector<128x128xf32>
    %lt3A_3633 = arith.cmpf olt, %slice3A_3632, %min3A_3628 : vector<128x128xf32>
    %min3A_3634 = arith.minimumf %slice3A_3632, %min3A_3628 : vector<128x128xf32>
    %jit3A_3635 = arith.constant 2.000000e+00 : f32
    %broadcast_in_dim3A_3636 = vector.broadcast %jit3A_3635 : f32 to vector<128x128xf32>
    %select_n3A_3637 = arith.select %lt3A_3633, %broadcast_in_dim3A_3636, %select_n3A_3631 : vector<128x128xi1>, vector<128x128xf32>
    %slice3A_3638 = vector.extract_strided_slice %sub3A {offsets = [6912, 384], sizes = [128, 128], strides = [1, 1]} : vector<8192x1024xf32> to vector<128x128xf32>
    %lt3A_3639 = arith.cmpf olt, %slice3A_3638, %min3A_3634 : vector<128x128xf32>
    %min3A_3640 = arith.minimumf %slice3A_3638, %min3A_3634 : vector<128x128xf32>
    %jit3A_3641 = arith.constant 3.000000e+00 : f32
    %broadcast_in_dim3A_3642 = vector.broadcast %jit3A_3641 : f32 to vector<128x128xf32>
    %select_n3A_3643 = arith.select %lt3A_3639, %broadcast_in_dim3A_3642, %select_n3A_3637 : vector<128x128xi1>, vector<128x128xf32>
    %slice3A_3644 = vector.extract_strided_slice %sub3A {offsets = [6912, 512], sizes = [128, 128], strides = [1, 1]} : vector<8192x1024xf32> to vector<128x128xf32>
    %lt3A_3645 = arith.cmpf olt, %slice3A_3644, %min3A_3640 : vector<128x128xf32>
    %min3A_3646 = arith.minimumf %slice3A_3644, %min3A_3640 : vector<128x128xf32>
    %jit3A_3647 = arith.constant 4.000000e+00 : f32
    %broadcast_in_dim3A_3648 = vector.broadcast %jit3A_3647 : f32 to vector<128x128xf32>
    %select_n3A_3649 = arith.select %lt3A_3645, %broadcast_in_dim3A_3648, %select_n3A_3643 : vector<128x128xi1>, vector<128x128xf32>
    %slice3A_3650 = vector.extract_strided_slice %sub3A {offsets = [6912, 640], sizes = [128, 128], strides = [1, 1]} : vector<8192x1024xf32> to vector<128x128xf32>
    %lt3A_3651 = arith.cmpf olt, %slice3A_3650, %min3A_3646 : vector<128x128xf32>
    %min3A_3652 = arith.minimumf %slice3A_3650, %min3A_3646 : vector<128x128xf32>
    %jit3A_3653 = arith.constant 5.000000e+00 : f32
    %broadcast_in_dim3A_3654 = vector.broadcast %jit3A_3653 : f32 to vector<128x128xf32>
    %select_n3A_3655 = arith.select %lt3A_3651, %broadcast_in_dim3A_3654, %select_n3A_3649 : vector<128x128xi1>, vector<128x128xf32>
    %slice3A_3656 = vector.extract_strided_slice %sub3A {offsets = [6912, 768], sizes = [128, 128], strides = [1, 1]} : vector<8192x1024xf32> to vector<128x128xf32>
    %lt3A_3657 = arith.cmpf olt, %slice3A_3656, %min3A_3652 : vector<128x128xf32>
    %min3A_3658 = arith.minimumf %slice3A_3656, %min3A_3652 : vector<128x128xf32>
    %jit3A_3659 = arith.constant 6.000000e+00 : f32
    %broadcast_in_dim3A_3660 = vector.broadcast %jit3A_3659 : f32 to vector<128x128xf32>
    %select_n3A_3661 = arith.select %lt3A_3657, %broadcast_in_dim3A_3660, %select_n3A_3655 : vector<128x128xi1>, vector<128x128xf32>
    %slice3A_3662 = vector.extract_strided_slice %sub3A {offsets = [6912, 896], sizes = [128, 128], strides = [1, 1]} : vector<8192x1024xf32> to vector<128x128xf32>
    %lt3A_3663 = arith.cmpf olt, %slice3A_3662, %min3A_3658 : vector<128x128xf32>
    %min3A_3664 = arith.minimumf %slice3A_3662, %min3A_3658 : vector<128x128xf32>
    %jit3A_3665 = arith.constant 7.000000e+00 : f32
    %broadcast_in_dim3A_3666 = vector.broadcast %jit3A_3665 : f32 to vector<128x128xf32>
    %select_n3A_3667 = arith.select %lt3A_3663, %broadcast_in_dim3A_3666, %select_n3A_3661 : vector<128x128xi1>, vector<128x128xf32>
    %mul3A_3668 = arith.constant 1.280000e+02 : f32
    %mul3A_3669 = vector.broadcast %mul3A_3668 : f32 to vector<128x128xf32>
    %mul3A_3670 = arith.mulf %select_n3A_3667, %mul3A_3669 : vector<128x128xf32>
    %add3A_3671 = arith.addf %mul3A_3670, %convert_element_type3A : vector<128x128xf32>
    %transpose3A_3672 = tpu.transpose %min3A_3664, [1, 0] : vector<128x128xf32> -> vector<128x128xf32>
    %reduce_min3A_3673 = arith.constant dense<0x7F800000> : vector<128xf32>
    %reduce_min3A_3674 = vector.multi_reduction <minimumf>, %transpose3A_3672, %reduce_min3A_3673 [0] : vector<128x128xf32> to vector<128xf32>
    %broadcast_in_dim3A_3675 = vector.shape_cast %reduce_min3A_3674 : vector<128xf32> to vector<1x128xf32>
    %eq3A_3676 = vector.broadcast %broadcast_in_dim3A_3675 : vector<1x128xf32> to vector<128x128xf32>
    %eq3A_3677 = arith.cmpf oeq, %transpose3A_3672, %eq3A_3676 : vector<128x128xf32>
    %transpose3A_3678 = tpu.transpose %add3A_3671, [1, 0] : vector<128x128xf32> -> vector<128x128xf32>
    %jit3A_3679 = arith.constant 1.024000e+03 : f32
    %broadcast_in_dim3A_3680 = vector.broadcast %jit3A_3679 : f32 to vector<128x128xf32>
    %select_n3A_3681 = arith.select %eq3A_3677, %transpose3A_3678, %broadcast_in_dim3A_3680 : vector<128x128xi1>, vector<128x128xf32>
    %reduce_min3A_3682 = arith.constant dense<0x7F800000> : vector<128xf32>
    %reduce_min3A_3683 = vector.multi_reduction <minimumf>, %select_n3A_3681, %reduce_min3A_3682 [0] : vector<128x128xf32> to vector<128xf32>
    %reduce_sum3A_3684 = vector.shape_cast %broadcast_in_dim3A_3675 : vector<1x128xf32> to vector<1x1x128xf32>
    %reduce_sum3A_3685 = arith.constant dense<0.000000e+00> : vector<1xf32>
    %reduce_sum3A_3686 = vector.multi_reduction <add>, %reduce_sum3A_3684, %reduce_sum3A_3685 [1, 2] : vector<1x1x128xf32> to vector<1xf32>
    %reduce_sum3A_3687 = vector.shape_cast %reduce_sum3A_3686 : vector<1xf32> to vector<1x1x1xf32>
    %reduce_sum3A_3688 = vector.extract %reduce_sum3A_3687[0, 0, 0] : f32 from vector<1x1x1xf32>
    %add3A_3689 = arith.addf %add3A_3622, %reduce_sum3A_3688 : f32
    %slice3A_3690 = vector.extract_strided_slice %sub3A {offsets = [7040, 0], sizes = [128, 128], strides = [1, 1]} : vector<8192x1024xf32> to vector<128x128xf32>
    %broadcast_in_dim3A_3691 = arith.constant 0.000000e+00 : f32
    %broadcast_in_dim3A_3692 = vector.broadcast %broadcast_in_dim3A_3691 : f32 to vector<128x128xf32>
    %slice3A_3693 = vector.extract_strided_slice %sub3A {offsets = [7040, 128], sizes = [128, 128], strides = [1, 1]} : vector<8192x1024xf32> to vector<128x128xf32>
    %lt3A_3694 = arith.cmpf olt, %slice3A_3693, %slice3A_3690 : vector<128x128xf32>
    %min3A_3695 = arith.minimumf %slice3A_3693, %slice3A_3690 : vector<128x128xf32>
    %jit3A_3696 = arith.constant 1.000000e+00 : f32
    %broadcast_in_dim3A_3697 = vector.broadcast %jit3A_3696 : f32 to vector<128x128xf32>
    %select_n3A_3698 = arith.select %lt3A_3694, %broadcast_in_dim3A_3697, %broadcast_in_dim3A_3692 : vector<128x128xi1>, vector<128x128xf32>
    %slice3A_3699 = vector.extract_strided_slice %sub3A {offsets = [7040, 256], sizes = [128, 128], strides = [1, 1]} : vector<8192x1024xf32> to vector<128x128xf32>
    %lt3A_3700 = arith.cmpf olt, %slice3A_3699, %min3A_3695 : vector<128x128xf32>
    %min3A_3701 = arith.minimumf %slice3A_3699, %min3A_3695 : vector<128x128xf32>
    %jit3A_3702 = arith.constant 2.000000e+00 : f32
    %broadcast_in_dim3A_3703 = vector.broadcast %jit3A_3702 : f32 to vector<128x128xf32>
    %select_n3A_3704 = arith.select %lt3A_3700, %broadcast_in_dim3A_3703, %select_n3A_3698 : vector<128x128xi1>, vector<128x128xf32>
    %slice3A_3705 = vector.extract_strided_slice %sub3A {offsets = [7040, 384], sizes = [128, 128], strides = [1, 1]} : vector<8192x1024xf32> to vector<128x128xf32>
    %lt3A_3706 = arith.cmpf olt, %slice3A_3705, %min3A_3701 : vector<128x128xf32>
    %min3A_3707 = arith.minimumf %slice3A_3705, %min3A_3701 : vector<128x128xf32>
    %jit3A_3708 = arith.constant 3.000000e+00 : f32
    %broadcast_in_dim3A_3709 = vector.broadcast %jit3A_3708 : f32 to vector<128x128xf32>
    %select_n3A_3710 = arith.select %lt3A_3706, %broadcast_in_dim3A_3709, %select_n3A_3704 : vector<128x128xi1>, vector<128x128xf32>
    %slice3A_3711 = vector.extract_strided_slice %sub3A {offsets = [7040, 512], sizes = [128, 128], strides = [1, 1]} : vector<8192x1024xf32> to vector<128x128xf32>
    %lt3A_3712 = arith.cmpf olt, %slice3A_3711, %min3A_3707 : vector<128x128xf32>
    %min3A_3713 = arith.minimumf %slice3A_3711, %min3A_3707 : vector<128x128xf32>
    %jit3A_3714 = arith.constant 4.000000e+00 : f32
    %broadcast_in_dim3A_3715 = vector.broadcast %jit3A_3714 : f32 to vector<128x128xf32>
    %select_n3A_3716 = arith.select %lt3A_3712, %broadcast_in_dim3A_3715, %select_n3A_3710 : vector<128x128xi1>, vector<128x128xf32>
    %slice3A_3717 = vector.extract_strided_slice %sub3A {offsets = [7040, 640], sizes = [128, 128], strides = [1, 1]} : vector<8192x1024xf32> to vector<128x128xf32>
    %lt3A_3718 = arith.cmpf olt, %slice3A_3717, %min3A_3713 : vector<128x128xf32>
    %min3A_3719 = arith.minimumf %slice3A_3717, %min3A_3713 : vector<128x128xf32>
    %jit3A_3720 = arith.constant 5.000000e+00 : f32
    %broadcast_in_dim3A_3721 = vector.broadcast %jit3A_3720 : f32 to vector<128x128xf32>
    %select_n3A_3722 = arith.select %lt3A_3718, %broadcast_in_dim3A_3721, %select_n3A_3716 : vector<128x128xi1>, vector<128x128xf32>
    %slice3A_3723 = vector.extract_strided_slice %sub3A {offsets = [7040, 768], sizes = [128, 128], strides = [1, 1]} : vector<8192x1024xf32> to vector<128x128xf32>
    %lt3A_3724 = arith.cmpf olt, %slice3A_3723, %min3A_3719 : vector<128x128xf32>
    %min3A_3725 = arith.minimumf %slice3A_3723, %min3A_3719 : vector<128x128xf32>
    %jit3A_3726 = arith.constant 6.000000e+00 : f32
    %broadcast_in_dim3A_3727 = vector.broadcast %jit3A_3726 : f32 to vector<128x128xf32>
    %select_n3A_3728 = arith.select %lt3A_3724, %broadcast_in_dim3A_3727, %select_n3A_3722 : vector<128x128xi1>, vector<128x128xf32>
    %slice3A_3729 = vector.extract_strided_slice %sub3A {offsets = [7040, 896], sizes = [128, 128], strides = [1, 1]} : vector<8192x1024xf32> to vector<128x128xf32>
    %lt3A_3730 = arith.cmpf olt, %slice3A_3729, %min3A_3725 : vector<128x128xf32>
    %min3A_3731 = arith.minimumf %slice3A_3729, %min3A_3725 : vector<128x128xf32>
    %jit3A_3732 = arith.constant 7.000000e+00 : f32
    %broadcast_in_dim3A_3733 = vector.broadcast %jit3A_3732 : f32 to vector<128x128xf32>
    %select_n3A_3734 = arith.select %lt3A_3730, %broadcast_in_dim3A_3733, %select_n3A_3728 : vector<128x128xi1>, vector<128x128xf32>
    %mul3A_3735 = arith.constant 1.280000e+02 : f32
    %mul3A_3736 = vector.broadcast %mul3A_3735 : f32 to vector<128x128xf32>
    %mul3A_3737 = arith.mulf %select_n3A_3734, %mul3A_3736 : vector<128x128xf32>
    %add3A_3738 = arith.addf %mul3A_3737, %convert_element_type3A : vector<128x128xf32>
    %transpose3A_3739 = tpu.transpose %min3A_3731, [1, 0] : vector<128x128xf32> -> vector<128x128xf32>
    %reduce_min3A_3740 = arith.constant dense<0x7F800000> : vector<128xf32>
    %reduce_min3A_3741 = vector.multi_reduction <minimumf>, %transpose3A_3739, %reduce_min3A_3740 [0] : vector<128x128xf32> to vector<128xf32>
    %broadcast_in_dim3A_3742 = vector.shape_cast %reduce_min3A_3741 : vector<128xf32> to vector<1x128xf32>
    %eq3A_3743 = vector.broadcast %broadcast_in_dim3A_3742 : vector<1x128xf32> to vector<128x128xf32>
    %eq3A_3744 = arith.cmpf oeq, %transpose3A_3739, %eq3A_3743 : vector<128x128xf32>
    %transpose3A_3745 = tpu.transpose %add3A_3738, [1, 0] : vector<128x128xf32> -> vector<128x128xf32>
    %jit3A_3746 = arith.constant 1.024000e+03 : f32
    %broadcast_in_dim3A_3747 = vector.broadcast %jit3A_3746 : f32 to vector<128x128xf32>
    %select_n3A_3748 = arith.select %eq3A_3744, %transpose3A_3745, %broadcast_in_dim3A_3747 : vector<128x128xi1>, vector<128x128xf32>
    %reduce_min3A_3749 = arith.constant dense<0x7F800000> : vector<128xf32>
    %reduce_min3A_3750 = vector.multi_reduction <minimumf>, %select_n3A_3748, %reduce_min3A_3749 [0] : vector<128x128xf32> to vector<128xf32>
    %reduce_sum3A_3751 = vector.shape_cast %broadcast_in_dim3A_3742 : vector<1x128xf32> to vector<1x1x128xf32>
    %reduce_sum3A_3752 = arith.constant dense<0.000000e+00> : vector<1xf32>
    %reduce_sum3A_3753 = vector.multi_reduction <add>, %reduce_sum3A_3751, %reduce_sum3A_3752 [1, 2] : vector<1x1x128xf32> to vector<1xf32>
    %reduce_sum3A_3754 = vector.shape_cast %reduce_sum3A_3753 : vector<1xf32> to vector<1x1x1xf32>
    %reduce_sum3A_3755 = vector.extract %reduce_sum3A_3754[0, 0, 0] : f32 from vector<1x1x1xf32>
    %add3A_3756 = arith.addf %add3A_3689, %reduce_sum3A_3755 : f32
    %slice3A_3757 = vector.extract_strided_slice %sub3A {offsets = [7168, 0], sizes = [128, 128], strides = [1, 1]} : vector<8192x1024xf32> to vector<128x128xf32>
    %broadcast_in_dim3A_3758 = arith.constant 0.000000e+00 : f32
    %broadcast_in_dim3A_3759 = vector.broadcast %broadcast_in_dim3A_3758 : f32 to vector<128x128xf32>
    %slice3A_3760 = vector.extract_strided_slice %sub3A {offsets = [7168, 128], sizes = [128, 128], strides = [1, 1]} : vector<8192x1024xf32> to vector<128x128xf32>
    %lt3A_3761 = arith.cmpf olt, %slice3A_3760, %slice3A_3757 : vector<128x128xf32>
    %min3A_3762 = arith.minimumf %slice3A_3760, %slice3A_3757 : vector<128x128xf32>
    %jit3A_3763 = arith.constant 1.000000e+00 : f32
    %broadcast_in_dim3A_3764 = vector.broadcast %jit3A_3763 : f32 to vector<128x128xf32>
    %select_n3A_3765 = arith.select %lt3A_3761, %broadcast_in_dim3A_3764, %broadcast_in_dim3A_3759 : vector<128x128xi1>, vector<128x128xf32>
    %slice3A_3766 = vector.extract_strided_slice %sub3A {offsets = [7168, 256], sizes = [128, 128], strides = [1, 1]} : vector<8192x1024xf32> to vector<128x128xf32>
    %lt3A_3767 = arith.cmpf olt, %slice3A_3766, %min3A_3762 : vector<128x128xf32>
    %min3A_3768 = arith.minimumf %slice3A_3766, %min3A_3762 : vector<128x128xf32>
    %jit3A_3769 = arith.constant 2.000000e+00 : f32
    %broadcast_in_dim3A_3770 = vector.broadcast %jit3A_3769 : f32 to vector<128x128xf32>
    %select_n3A_3771 = arith.select %lt3A_3767, %broadcast_in_dim3A_3770, %select_n3A_3765 : vector<128x128xi1>, vector<128x128xf32>
    %slice3A_3772 = vector.extract_strided_slice %sub3A {offsets = [7168, 384], sizes = [128, 128], strides = [1, 1]} : vector<8192x1024xf32> to vector<128x128xf32>
    %lt3A_3773 = arith.cmpf olt, %slice3A_3772, %min3A_3768 : vector<128x128xf32>
    %min3A_3774 = arith.minimumf %slice3A_3772, %min3A_3768 : vector<128x128xf32>
    %jit3A_3775 = arith.constant 3.000000e+00 : f32
    %broadcast_in_dim3A_3776 = vector.broadcast %jit3A_3775 : f32 to vector<128x128xf32>
    %select_n3A_3777 = arith.select %lt3A_3773, %broadcast_in_dim3A_3776, %select_n3A_3771 : vector<128x128xi1>, vector<128x128xf32>
    %slice3A_3778 = vector.extract_strided_slice %sub3A {offsets = [7168, 512], sizes = [128, 128], strides = [1, 1]} : vector<8192x1024xf32> to vector<128x128xf32>
    %lt3A_3779 = arith.cmpf olt, %slice3A_3778, %min3A_3774 : vector<128x128xf32>
    %min3A_3780 = arith.minimumf %slice3A_3778, %min3A_3774 : vector<128x128xf32>
    %jit3A_3781 = arith.constant 4.000000e+00 : f32
    %broadcast_in_dim3A_3782 = vector.broadcast %jit3A_3781 : f32 to vector<128x128xf32>
    %select_n3A_3783 = arith.select %lt3A_3779, %broadcast_in_dim3A_3782, %select_n3A_3777 : vector<128x128xi1>, vector<128x128xf32>
    %slice3A_3784 = vector.extract_strided_slice %sub3A {offsets = [7168, 640], sizes = [128, 128], strides = [1, 1]} : vector<8192x1024xf32> to vector<128x128xf32>
    %lt3A_3785 = arith.cmpf olt, %slice3A_3784, %min3A_3780 : vector<128x128xf32>
    %min3A_3786 = arith.minimumf %slice3A_3784, %min3A_3780 : vector<128x128xf32>
    %jit3A_3787 = arith.constant 5.000000e+00 : f32
    %broadcast_in_dim3A_3788 = vector.broadcast %jit3A_3787 : f32 to vector<128x128xf32>
    %select_n3A_3789 = arith.select %lt3A_3785, %broadcast_in_dim3A_3788, %select_n3A_3783 : vector<128x128xi1>, vector<128x128xf32>
    %slice3A_3790 = vector.extract_strided_slice %sub3A {offsets = [7168, 768], sizes = [128, 128], strides = [1, 1]} : vector<8192x1024xf32> to vector<128x128xf32>
    %lt3A_3791 = arith.cmpf olt, %slice3A_3790, %min3A_3786 : vector<128x128xf32>
    %min3A_3792 = arith.minimumf %slice3A_3790, %min3A_3786 : vector<128x128xf32>
    %jit3A_3793 = arith.constant 6.000000e+00 : f32
    %broadcast_in_dim3A_3794 = vector.broadcast %jit3A_3793 : f32 to vector<128x128xf32>
    %select_n3A_3795 = arith.select %lt3A_3791, %broadcast_in_dim3A_3794, %select_n3A_3789 : vector<128x128xi1>, vector<128x128xf32>
    %slice3A_3796 = vector.extract_strided_slice %sub3A {offsets = [7168, 896], sizes = [128, 128], strides = [1, 1]} : vector<8192x1024xf32> to vector<128x128xf32>
    %lt3A_3797 = arith.cmpf olt, %slice3A_3796, %min3A_3792 : vector<128x128xf32>
    %min3A_3798 = arith.minimumf %slice3A_3796, %min3A_3792 : vector<128x128xf32>
    %jit3A_3799 = arith.constant 7.000000e+00 : f32
    %broadcast_in_dim3A_3800 = vector.broadcast %jit3A_3799 : f32 to vector<128x128xf32>
    %select_n3A_3801 = arith.select %lt3A_3797, %broadcast_in_dim3A_3800, %select_n3A_3795 : vector<128x128xi1>, vector<128x128xf32>
    %mul3A_3802 = arith.constant 1.280000e+02 : f32
    %mul3A_3803 = vector.broadcast %mul3A_3802 : f32 to vector<128x128xf32>
    %mul3A_3804 = arith.mulf %select_n3A_3801, %mul3A_3803 : vector<128x128xf32>
    %add3A_3805 = arith.addf %mul3A_3804, %convert_element_type3A : vector<128x128xf32>
    %transpose3A_3806 = tpu.transpose %min3A_3798, [1, 0] : vector<128x128xf32> -> vector<128x128xf32>
    %reduce_min3A_3807 = arith.constant dense<0x7F800000> : vector<128xf32>
    %reduce_min3A_3808 = vector.multi_reduction <minimumf>, %transpose3A_3806, %reduce_min3A_3807 [0] : vector<128x128xf32> to vector<128xf32>
    %broadcast_in_dim3A_3809 = vector.shape_cast %reduce_min3A_3808 : vector<128xf32> to vector<1x128xf32>
    %eq3A_3810 = vector.broadcast %broadcast_in_dim3A_3809 : vector<1x128xf32> to vector<128x128xf32>
    %eq3A_3811 = arith.cmpf oeq, %transpose3A_3806, %eq3A_3810 : vector<128x128xf32>
    %transpose3A_3812 = tpu.transpose %add3A_3805, [1, 0] : vector<128x128xf32> -> vector<128x128xf32>
    %jit3A_3813 = arith.constant 1.024000e+03 : f32
    %broadcast_in_dim3A_3814 = vector.broadcast %jit3A_3813 : f32 to vector<128x128xf32>
    %select_n3A_3815 = arith.select %eq3A_3811, %transpose3A_3812, %broadcast_in_dim3A_3814 : vector<128x128xi1>, vector<128x128xf32>
    %reduce_min3A_3816 = arith.constant dense<0x7F800000> : vector<128xf32>
    %reduce_min3A_3817 = vector.multi_reduction <minimumf>, %select_n3A_3815, %reduce_min3A_3816 [0] : vector<128x128xf32> to vector<128xf32>
    %reduce_sum3A_3818 = vector.shape_cast %broadcast_in_dim3A_3809 : vector<1x128xf32> to vector<1x1x128xf32>
    %reduce_sum3A_3819 = arith.constant dense<0.000000e+00> : vector<1xf32>
    %reduce_sum3A_3820 = vector.multi_reduction <add>, %reduce_sum3A_3818, %reduce_sum3A_3819 [1, 2] : vector<1x1x128xf32> to vector<1xf32>
    %reduce_sum3A_3821 = vector.shape_cast %reduce_sum3A_3820 : vector<1xf32> to vector<1x1x1xf32>
    %reduce_sum3A_3822 = vector.extract %reduce_sum3A_3821[0, 0, 0] : f32 from vector<1x1x1xf32>
    %add3A_3823 = arith.addf %add3A_3756, %reduce_sum3A_3822 : f32
    %slice3A_3824 = vector.extract_strided_slice %sub3A {offsets = [7296, 0], sizes = [128, 128], strides = [1, 1]} : vector<8192x1024xf32> to vector<128x128xf32>
    %broadcast_in_dim3A_3825 = arith.constant 0.000000e+00 : f32
    %broadcast_in_dim3A_3826 = vector.broadcast %broadcast_in_dim3A_3825 : f32 to vector<128x128xf32>
    %slice3A_3827 = vector.extract_strided_slice %sub3A {offsets = [7296, 128], sizes = [128, 128], strides = [1, 1]} : vector<8192x1024xf32> to vector<128x128xf32>
    %lt3A_3828 = arith.cmpf olt, %slice3A_3827, %slice3A_3824 : vector<128x128xf32>
    %min3A_3829 = arith.minimumf %slice3A_3827, %slice3A_3824 : vector<128x128xf32>
    %jit3A_3830 = arith.constant 1.000000e+00 : f32
    %broadcast_in_dim3A_3831 = vector.broadcast %jit3A_3830 : f32 to vector<128x128xf32>
    %select_n3A_3832 = arith.select %lt3A_3828, %broadcast_in_dim3A_3831, %broadcast_in_dim3A_3826 : vector<128x128xi1>, vector<128x128xf32>
    %slice3A_3833 = vector.extract_strided_slice %sub3A {offsets = [7296, 256], sizes = [128, 128], strides = [1, 1]} : vector<8192x1024xf32> to vector<128x128xf32>
    %lt3A_3834 = arith.cmpf olt, %slice3A_3833, %min3A_3829 : vector<128x128xf32>
    %min3A_3835 = arith.minimumf %slice3A_3833, %min3A_3829 : vector<128x128xf32>
    %jit3A_3836 = arith.constant 2.000000e+00 : f32
    %broadcast_in_dim3A_3837 = vector.broadcast %jit3A_3836 : f32 to vector<128x128xf32>
    %select_n3A_3838 = arith.select %lt3A_3834, %broadcast_in_dim3A_3837, %select_n3A_3832 : vector<128x128xi1>, vector<128x128xf32>
    %slice3A_3839 = vector.extract_strided_slice %sub3A {offsets = [7296, 384], sizes = [128, 128], strides = [1, 1]} : vector<8192x1024xf32> to vector<128x128xf32>
    %lt3A_3840 = arith.cmpf olt, %slice3A_3839, %min3A_3835 : vector<128x128xf32>
    %min3A_3841 = arith.minimumf %slice3A_3839, %min3A_3835 : vector<128x128xf32>
    %jit3A_3842 = arith.constant 3.000000e+00 : f32
    %broadcast_in_dim3A_3843 = vector.broadcast %jit3A_3842 : f32 to vector<128x128xf32>
    %select_n3A_3844 = arith.select %lt3A_3840, %broadcast_in_dim3A_3843, %select_n3A_3838 : vector<128x128xi1>, vector<128x128xf32>
    %slice3A_3845 = vector.extract_strided_slice %sub3A {offsets = [7296, 512], sizes = [128, 128], strides = [1, 1]} : vector<8192x1024xf32> to vector<128x128xf32>
    %lt3A_3846 = arith.cmpf olt, %slice3A_3845, %min3A_3841 : vector<128x128xf32>
    %min3A_3847 = arith.minimumf %slice3A_3845, %min3A_3841 : vector<128x128xf32>
    %jit3A_3848 = arith.constant 4.000000e+00 : f32
    %broadcast_in_dim3A_3849 = vector.broadcast %jit3A_3848 : f32 to vector<128x128xf32>
    %select_n3A_3850 = arith.select %lt3A_3846, %broadcast_in_dim3A_3849, %select_n3A_3844 : vector<128x128xi1>, vector<128x128xf32>
    %slice3A_3851 = vector.extract_strided_slice %sub3A {offsets = [7296, 640], sizes = [128, 128], strides = [1, 1]} : vector<8192x1024xf32> to vector<128x128xf32>
    %lt3A_3852 = arith.cmpf olt, %slice3A_3851, %min3A_3847 : vector<128x128xf32>
    %min3A_3853 = arith.minimumf %slice3A_3851, %min3A_3847 : vector<128x128xf32>
    %jit3A_3854 = arith.constant 5.000000e+00 : f32
    %broadcast_in_dim3A_3855 = vector.broadcast %jit3A_3854 : f32 to vector<128x128xf32>
    %select_n3A_3856 = arith.select %lt3A_3852, %broadcast_in_dim3A_3855, %select_n3A_3850 : vector<128x128xi1>, vector<128x128xf32>
    %slice3A_3857 = vector.extract_strided_slice %sub3A {offsets = [7296, 768], sizes = [128, 128], strides = [1, 1]} : vector<8192x1024xf32> to vector<128x128xf32>
    %lt3A_3858 = arith.cmpf olt, %slice3A_3857, %min3A_3853 : vector<128x128xf32>
    %min3A_3859 = arith.minimumf %slice3A_3857, %min3A_3853 : vector<128x128xf32>
    %jit3A_3860 = arith.constant 6.000000e+00 : f32
    %broadcast_in_dim3A_3861 = vector.broadcast %jit3A_3860 : f32 to vector<128x128xf32>
    %select_n3A_3862 = arith.select %lt3A_3858, %broadcast_in_dim3A_3861, %select_n3A_3856 : vector<128x128xi1>, vector<128x128xf32>
    %slice3A_3863 = vector.extract_strided_slice %sub3A {offsets = [7296, 896], sizes = [128, 128], strides = [1, 1]} : vector<8192x1024xf32> to vector<128x128xf32>
    %lt3A_3864 = arith.cmpf olt, %slice3A_3863, %min3A_3859 : vector<128x128xf32>
    %min3A_3865 = arith.minimumf %slice3A_3863, %min3A_3859 : vector<128x128xf32>
    %jit3A_3866 = arith.constant 7.000000e+00 : f32
    %broadcast_in_dim3A_3867 = vector.broadcast %jit3A_3866 : f32 to vector<128x128xf32>
    %select_n3A_3868 = arith.select %lt3A_3864, %broadcast_in_dim3A_3867, %select_n3A_3862 : vector<128x128xi1>, vector<128x128xf32>
    %mul3A_3869 = arith.constant 1.280000e+02 : f32
    %mul3A_3870 = vector.broadcast %mul3A_3869 : f32 to vector<128x128xf32>
    %mul3A_3871 = arith.mulf %select_n3A_3868, %mul3A_3870 : vector<128x128xf32>
    %add3A_3872 = arith.addf %mul3A_3871, %convert_element_type3A : vector<128x128xf32>
    %transpose3A_3873 = tpu.transpose %min3A_3865, [1, 0] : vector<128x128xf32> -> vector<128x128xf32>
    %reduce_min3A_3874 = arith.constant dense<0x7F800000> : vector<128xf32>
    %reduce_min3A_3875 = vector.multi_reduction <minimumf>, %transpose3A_3873, %reduce_min3A_3874 [0] : vector<128x128xf32> to vector<128xf32>
    %broadcast_in_dim3A_3876 = vector.shape_cast %reduce_min3A_3875 : vector<128xf32> to vector<1x128xf32>
    %eq3A_3877 = vector.broadcast %broadcast_in_dim3A_3876 : vector<1x128xf32> to vector<128x128xf32>
    %eq3A_3878 = arith.cmpf oeq, %transpose3A_3873, %eq3A_3877 : vector<128x128xf32>
    %transpose3A_3879 = tpu.transpose %add3A_3872, [1, 0] : vector<128x128xf32> -> vector<128x128xf32>
    %jit3A_3880 = arith.constant 1.024000e+03 : f32
    %broadcast_in_dim3A_3881 = vector.broadcast %jit3A_3880 : f32 to vector<128x128xf32>
    %select_n3A_3882 = arith.select %eq3A_3878, %transpose3A_3879, %broadcast_in_dim3A_3881 : vector<128x128xi1>, vector<128x128xf32>
    %reduce_min3A_3883 = arith.constant dense<0x7F800000> : vector<128xf32>
    %reduce_min3A_3884 = vector.multi_reduction <minimumf>, %select_n3A_3882, %reduce_min3A_3883 [0] : vector<128x128xf32> to vector<128xf32>
    %reduce_sum3A_3885 = vector.shape_cast %broadcast_in_dim3A_3876 : vector<1x128xf32> to vector<1x1x128xf32>
    %reduce_sum3A_3886 = arith.constant dense<0.000000e+00> : vector<1xf32>
    %reduce_sum3A_3887 = vector.multi_reduction <add>, %reduce_sum3A_3885, %reduce_sum3A_3886 [1, 2] : vector<1x1x128xf32> to vector<1xf32>
    %reduce_sum3A_3888 = vector.shape_cast %reduce_sum3A_3887 : vector<1xf32> to vector<1x1x1xf32>
    %reduce_sum3A_3889 = vector.extract %reduce_sum3A_3888[0, 0, 0] : f32 from vector<1x1x1xf32>
    %add3A_3890 = arith.addf %add3A_3823, %reduce_sum3A_3889 : f32
    %slice3A_3891 = vector.extract_strided_slice %sub3A {offsets = [7424, 0], sizes = [128, 128], strides = [1, 1]} : vector<8192x1024xf32> to vector<128x128xf32>
    %broadcast_in_dim3A_3892 = arith.constant 0.000000e+00 : f32
    %broadcast_in_dim3A_3893 = vector.broadcast %broadcast_in_dim3A_3892 : f32 to vector<128x128xf32>
    %slice3A_3894 = vector.extract_strided_slice %sub3A {offsets = [7424, 128], sizes = [128, 128], strides = [1, 1]} : vector<8192x1024xf32> to vector<128x128xf32>
    %lt3A_3895 = arith.cmpf olt, %slice3A_3894, %slice3A_3891 : vector<128x128xf32>
    %min3A_3896 = arith.minimumf %slice3A_3894, %slice3A_3891 : vector<128x128xf32>
    %jit3A_3897 = arith.constant 1.000000e+00 : f32
    %broadcast_in_dim3A_3898 = vector.broadcast %jit3A_3897 : f32 to vector<128x128xf32>
    %select_n3A_3899 = arith.select %lt3A_3895, %broadcast_in_dim3A_3898, %broadcast_in_dim3A_3893 : vector<128x128xi1>, vector<128x128xf32>
    %slice3A_3900 = vector.extract_strided_slice %sub3A {offsets = [7424, 256], sizes = [128, 128], strides = [1, 1]} : vector<8192x1024xf32> to vector<128x128xf32>
    %lt3A_3901 = arith.cmpf olt, %slice3A_3900, %min3A_3896 : vector<128x128xf32>
    %min3A_3902 = arith.minimumf %slice3A_3900, %min3A_3896 : vector<128x128xf32>
    %jit3A_3903 = arith.constant 2.000000e+00 : f32
    %broadcast_in_dim3A_3904 = vector.broadcast %jit3A_3903 : f32 to vector<128x128xf32>
    %select_n3A_3905 = arith.select %lt3A_3901, %broadcast_in_dim3A_3904, %select_n3A_3899 : vector<128x128xi1>, vector<128x128xf32>
    %slice3A_3906 = vector.extract_strided_slice %sub3A {offsets = [7424, 384], sizes = [128, 128], strides = [1, 1]} : vector<8192x1024xf32> to vector<128x128xf32>
    %lt3A_3907 = arith.cmpf olt, %slice3A_3906, %min3A_3902 : vector<128x128xf32>
    %min3A_3908 = arith.minimumf %slice3A_3906, %min3A_3902 : vector<128x128xf32>
    %jit3A_3909 = arith.constant 3.000000e+00 : f32
    %broadcast_in_dim3A_3910 = vector.broadcast %jit3A_3909 : f32 to vector<128x128xf32>
    %select_n3A_3911 = arith.select %lt3A_3907, %broadcast_in_dim3A_3910, %select_n3A_3905 : vector<128x128xi1>, vector<128x128xf32>
    %slice3A_3912 = vector.extract_strided_slice %sub3A {offsets = [7424, 512], sizes = [128, 128], strides = [1, 1]} : vector<8192x1024xf32> to vector<128x128xf32>
    %lt3A_3913 = arith.cmpf olt, %slice3A_3912, %min3A_3908 : vector<128x128xf32>
    %min3A_3914 = arith.minimumf %slice3A_3912, %min3A_3908 : vector<128x128xf32>
    %jit3A_3915 = arith.constant 4.000000e+00 : f32
    %broadcast_in_dim3A_3916 = vector.broadcast %jit3A_3915 : f32 to vector<128x128xf32>
    %select_n3A_3917 = arith.select %lt3A_3913, %broadcast_in_dim3A_3916, %select_n3A_3911 : vector<128x128xi1>, vector<128x128xf32>
    %slice3A_3918 = vector.extract_strided_slice %sub3A {offsets = [7424, 640], sizes = [128, 128], strides = [1, 1]} : vector<8192x1024xf32> to vector<128x128xf32>
    %lt3A_3919 = arith.cmpf olt, %slice3A_3918, %min3A_3914 : vector<128x128xf32>
    %min3A_3920 = arith.minimumf %slice3A_3918, %min3A_3914 : vector<128x128xf32>
    %jit3A_3921 = arith.constant 5.000000e+00 : f32
    %broadcast_in_dim3A_3922 = vector.broadcast %jit3A_3921 : f32 to vector<128x128xf32>
    %select_n3A_3923 = arith.select %lt3A_3919, %broadcast_in_dim3A_3922, %select_n3A_3917 : vector<128x128xi1>, vector<128x128xf32>
    %slice3A_3924 = vector.extract_strided_slice %sub3A {offsets = [7424, 768], sizes = [128, 128], strides = [1, 1]} : vector<8192x1024xf32> to vector<128x128xf32>
    %lt3A_3925 = arith.cmpf olt, %slice3A_3924, %min3A_3920 : vector<128x128xf32>
    %min3A_3926 = arith.minimumf %slice3A_3924, %min3A_3920 : vector<128x128xf32>
    %jit3A_3927 = arith.constant 6.000000e+00 : f32
    %broadcast_in_dim3A_3928 = vector.broadcast %jit3A_3927 : f32 to vector<128x128xf32>
    %select_n3A_3929 = arith.select %lt3A_3925, %broadcast_in_dim3A_3928, %select_n3A_3923 : vector<128x128xi1>, vector<128x128xf32>
    %slice3A_3930 = vector.extract_strided_slice %sub3A {offsets = [7424, 896], sizes = [128, 128], strides = [1, 1]} : vector<8192x1024xf32> to vector<128x128xf32>
    %lt3A_3931 = arith.cmpf olt, %slice3A_3930, %min3A_3926 : vector<128x128xf32>
    %min3A_3932 = arith.minimumf %slice3A_3930, %min3A_3926 : vector<128x128xf32>
    %jit3A_3933 = arith.constant 7.000000e+00 : f32
    %broadcast_in_dim3A_3934 = vector.broadcast %jit3A_3933 : f32 to vector<128x128xf32>
    %select_n3A_3935 = arith.select %lt3A_3931, %broadcast_in_dim3A_3934, %select_n3A_3929 : vector<128x128xi1>, vector<128x128xf32>
    %mul3A_3936 = arith.constant 1.280000e+02 : f32
    %mul3A_3937 = vector.broadcast %mul3A_3936 : f32 to vector<128x128xf32>
    %mul3A_3938 = arith.mulf %select_n3A_3935, %mul3A_3937 : vector<128x128xf32>
    %add3A_3939 = arith.addf %mul3A_3938, %convert_element_type3A : vector<128x128xf32>
    %transpose3A_3940 = tpu.transpose %min3A_3932, [1, 0] : vector<128x128xf32> -> vector<128x128xf32>
    %reduce_min3A_3941 = arith.constant dense<0x7F800000> : vector<128xf32>
    %reduce_min3A_3942 = vector.multi_reduction <minimumf>, %transpose3A_3940, %reduce_min3A_3941 [0] : vector<128x128xf32> to vector<128xf32>
    %broadcast_in_dim3A_3943 = vector.shape_cast %reduce_min3A_3942 : vector<128xf32> to vector<1x128xf32>
    %eq3A_3944 = vector.broadcast %broadcast_in_dim3A_3943 : vector<1x128xf32> to vector<128x128xf32>
    %eq3A_3945 = arith.cmpf oeq, %transpose3A_3940, %eq3A_3944 : vector<128x128xf32>
    %transpose3A_3946 = tpu.transpose %add3A_3939, [1, 0] : vector<128x128xf32> -> vector<128x128xf32>
    %jit3A_3947 = arith.constant 1.024000e+03 : f32
    %broadcast_in_dim3A_3948 = vector.broadcast %jit3A_3947 : f32 to vector<128x128xf32>
    %select_n3A_3949 = arith.select %eq3A_3945, %transpose3A_3946, %broadcast_in_dim3A_3948 : vector<128x128xi1>, vector<128x128xf32>
    %reduce_min3A_3950 = arith.constant dense<0x7F800000> : vector<128xf32>
    %reduce_min3A_3951 = vector.multi_reduction <minimumf>, %select_n3A_3949, %reduce_min3A_3950 [0] : vector<128x128xf32> to vector<128xf32>
    %reduce_sum3A_3952 = vector.shape_cast %broadcast_in_dim3A_3943 : vector<1x128xf32> to vector<1x1x128xf32>
    %reduce_sum3A_3953 = arith.constant dense<0.000000e+00> : vector<1xf32>
    %reduce_sum3A_3954 = vector.multi_reduction <add>, %reduce_sum3A_3952, %reduce_sum3A_3953 [1, 2] : vector<1x1x128xf32> to vector<1xf32>
    %reduce_sum3A_3955 = vector.shape_cast %reduce_sum3A_3954 : vector<1xf32> to vector<1x1x1xf32>
    %reduce_sum3A_3956 = vector.extract %reduce_sum3A_3955[0, 0, 0] : f32 from vector<1x1x1xf32>
    %add3A_3957 = arith.addf %add3A_3890, %reduce_sum3A_3956 : f32
    %slice3A_3958 = vector.extract_strided_slice %sub3A {offsets = [7552, 0], sizes = [128, 128], strides = [1, 1]} : vector<8192x1024xf32> to vector<128x128xf32>
    %broadcast_in_dim3A_3959 = arith.constant 0.000000e+00 : f32
    %broadcast_in_dim3A_3960 = vector.broadcast %broadcast_in_dim3A_3959 : f32 to vector<128x128xf32>
    %slice3A_3961 = vector.extract_strided_slice %sub3A {offsets = [7552, 128], sizes = [128, 128], strides = [1, 1]} : vector<8192x1024xf32> to vector<128x128xf32>
    %lt3A_3962 = arith.cmpf olt, %slice3A_3961, %slice3A_3958 : vector<128x128xf32>
    %min3A_3963 = arith.minimumf %slice3A_3961, %slice3A_3958 : vector<128x128xf32>
    %jit3A_3964 = arith.constant 1.000000e+00 : f32
    %broadcast_in_dim3A_3965 = vector.broadcast %jit3A_3964 : f32 to vector<128x128xf32>
    %select_n3A_3966 = arith.select %lt3A_3962, %broadcast_in_dim3A_3965, %broadcast_in_dim3A_3960 : vector<128x128xi1>, vector<128x128xf32>
    %slice3A_3967 = vector.extract_strided_slice %sub3A {offsets = [7552, 256], sizes = [128, 128], strides = [1, 1]} : vector<8192x1024xf32> to vector<128x128xf32>
    %lt3A_3968 = arith.cmpf olt, %slice3A_3967, %min3A_3963 : vector<128x128xf32>
    %min3A_3969 = arith.minimumf %slice3A_3967, %min3A_3963 : vector<128x128xf32>
    %jit3A_3970 = arith.constant 2.000000e+00 : f32
    %broadcast_in_dim3A_3971 = vector.broadcast %jit3A_3970 : f32 to vector<128x128xf32>
    %select_n3A_3972 = arith.select %lt3A_3968, %broadcast_in_dim3A_3971, %select_n3A_3966 : vector<128x128xi1>, vector<128x128xf32>
    %slice3A_3973 = vector.extract_strided_slice %sub3A {offsets = [7552, 384], sizes = [128, 128], strides = [1, 1]} : vector<8192x1024xf32> to vector<128x128xf32>
    %lt3A_3974 = arith.cmpf olt, %slice3A_3973, %min3A_3969 : vector<128x128xf32>
    %min3A_3975 = arith.minimumf %slice3A_3973, %min3A_3969 : vector<128x128xf32>
    %jit3A_3976 = arith.constant 3.000000e+00 : f32
    %broadcast_in_dim3A_3977 = vector.broadcast %jit3A_3976 : f32 to vector<128x128xf32>
    %select_n3A_3978 = arith.select %lt3A_3974, %broadcast_in_dim3A_3977, %select_n3A_3972 : vector<128x128xi1>, vector<128x128xf32>
    %slice3A_3979 = vector.extract_strided_slice %sub3A {offsets = [7552, 512], sizes = [128, 128], strides = [1, 1]} : vector<8192x1024xf32> to vector<128x128xf32>
    %lt3A_3980 = arith.cmpf olt, %slice3A_3979, %min3A_3975 : vector<128x128xf32>
    %min3A_3981 = arith.minimumf %slice3A_3979, %min3A_3975 : vector<128x128xf32>
    %jit3A_3982 = arith.constant 4.000000e+00 : f32
    %broadcast_in_dim3A_3983 = vector.broadcast %jit3A_3982 : f32 to vector<128x128xf32>
    %select_n3A_3984 = arith.select %lt3A_3980, %broadcast_in_dim3A_3983, %select_n3A_3978 : vector<128x128xi1>, vector<128x128xf32>
    %slice3A_3985 = vector.extract_strided_slice %sub3A {offsets = [7552, 640], sizes = [128, 128], strides = [1, 1]} : vector<8192x1024xf32> to vector<128x128xf32>
    %lt3A_3986 = arith.cmpf olt, %slice3A_3985, %min3A_3981 : vector<128x128xf32>
    %min3A_3987 = arith.minimumf %slice3A_3985, %min3A_3981 : vector<128x128xf32>
    %jit3A_3988 = arith.constant 5.000000e+00 : f32
    %broadcast_in_dim3A_3989 = vector.broadcast %jit3A_3988 : f32 to vector<128x128xf32>
    %select_n3A_3990 = arith.select %lt3A_3986, %broadcast_in_dim3A_3989, %select_n3A_3984 : vector<128x128xi1>, vector<128x128xf32>
    %slice3A_3991 = vector.extract_strided_slice %sub3A {offsets = [7552, 768], sizes = [128, 128], strides = [1, 1]} : vector<8192x1024xf32> to vector<128x128xf32>
    %lt3A_3992 = arith.cmpf olt, %slice3A_3991, %min3A_3987 : vector<128x128xf32>
    %min3A_3993 = arith.minimumf %slice3A_3991, %min3A_3987 : vector<128x128xf32>
    %jit3A_3994 = arith.constant 6.000000e+00 : f32
    %broadcast_in_dim3A_3995 = vector.broadcast %jit3A_3994 : f32 to vector<128x128xf32>
    %select_n3A_3996 = arith.select %lt3A_3992, %broadcast_in_dim3A_3995, %select_n3A_3990 : vector<128x128xi1>, vector<128x128xf32>
    %slice3A_3997 = vector.extract_strided_slice %sub3A {offsets = [7552, 896], sizes = [128, 128], strides = [1, 1]} : vector<8192x1024xf32> to vector<128x128xf32>
    %lt3A_3998 = arith.cmpf olt, %slice3A_3997, %min3A_3993 : vector<128x128xf32>
    %min3A_3999 = arith.minimumf %slice3A_3997, %min3A_3993 : vector<128x128xf32>
    %jit3A_4000 = arith.constant 7.000000e+00 : f32
    %broadcast_in_dim3A_4001 = vector.broadcast %jit3A_4000 : f32 to vector<128x128xf32>
    %select_n3A_4002 = arith.select %lt3A_3998, %broadcast_in_dim3A_4001, %select_n3A_3996 : vector<128x128xi1>, vector<128x128xf32>
    %mul3A_4003 = arith.constant 1.280000e+02 : f32
    %mul3A_4004 = vector.broadcast %mul3A_4003 : f32 to vector<128x128xf32>
    %mul3A_4005 = arith.mulf %select_n3A_4002, %mul3A_4004 : vector<128x128xf32>
    %add3A_4006 = arith.addf %mul3A_4005, %convert_element_type3A : vector<128x128xf32>
    %transpose3A_4007 = tpu.transpose %min3A_3999, [1, 0] : vector<128x128xf32> -> vector<128x128xf32>
    %reduce_min3A_4008 = arith.constant dense<0x7F800000> : vector<128xf32>
    %reduce_min3A_4009 = vector.multi_reduction <minimumf>, %transpose3A_4007, %reduce_min3A_4008 [0] : vector<128x128xf32> to vector<128xf32>
    %broadcast_in_dim3A_4010 = vector.shape_cast %reduce_min3A_4009 : vector<128xf32> to vector<1x128xf32>
    %eq3A_4011 = vector.broadcast %broadcast_in_dim3A_4010 : vector<1x128xf32> to vector<128x128xf32>
    %eq3A_4012 = arith.cmpf oeq, %transpose3A_4007, %eq3A_4011 : vector<128x128xf32>
    %transpose3A_4013 = tpu.transpose %add3A_4006, [1, 0] : vector<128x128xf32> -> vector<128x128xf32>
    %jit3A_4014 = arith.constant 1.024000e+03 : f32
    %broadcast_in_dim3A_4015 = vector.broadcast %jit3A_4014 : f32 to vector<128x128xf32>
    %select_n3A_4016 = arith.select %eq3A_4012, %transpose3A_4013, %broadcast_in_dim3A_4015 : vector<128x128xi1>, vector<128x128xf32>
    %reduce_min3A_4017 = arith.constant dense<0x7F800000> : vector<128xf32>
    %reduce_min3A_4018 = vector.multi_reduction <minimumf>, %select_n3A_4016, %reduce_min3A_4017 [0] : vector<128x128xf32> to vector<128xf32>
    %reduce_sum3A_4019 = vector.shape_cast %broadcast_in_dim3A_4010 : vector<1x128xf32> to vector<1x1x128xf32>
    %reduce_sum3A_4020 = arith.constant dense<0.000000e+00> : vector<1xf32>
    %reduce_sum3A_4021 = vector.multi_reduction <add>, %reduce_sum3A_4019, %reduce_sum3A_4020 [1, 2] : vector<1x1x128xf32> to vector<1xf32>
    %reduce_sum3A_4022 = vector.shape_cast %reduce_sum3A_4021 : vector<1xf32> to vector<1x1x1xf32>
    %reduce_sum3A_4023 = vector.extract %reduce_sum3A_4022[0, 0, 0] : f32 from vector<1x1x1xf32>
    %add3A_4024 = arith.addf %add3A_3957, %reduce_sum3A_4023 : f32
    %slice3A_4025 = vector.extract_strided_slice %sub3A {offsets = [7680, 0], sizes = [128, 128], strides = [1, 1]} : vector<8192x1024xf32> to vector<128x128xf32>
    %broadcast_in_dim3A_4026 = arith.constant 0.000000e+00 : f32
    %broadcast_in_dim3A_4027 = vector.broadcast %broadcast_in_dim3A_4026 : f32 to vector<128x128xf32>
    %slice3A_4028 = vector.extract_strided_slice %sub3A {offsets = [7680, 128], sizes = [128, 128], strides = [1, 1]} : vector<8192x1024xf32> to vector<128x128xf32>
    %lt3A_4029 = arith.cmpf olt, %slice3A_4028, %slice3A_4025 : vector<128x128xf32>
    %min3A_4030 = arith.minimumf %slice3A_4028, %slice3A_4025 : vector<128x128xf32>
    %jit3A_4031 = arith.constant 1.000000e+00 : f32
    %broadcast_in_dim3A_4032 = vector.broadcast %jit3A_4031 : f32 to vector<128x128xf32>
    %select_n3A_4033 = arith.select %lt3A_4029, %broadcast_in_dim3A_4032, %broadcast_in_dim3A_4027 : vector<128x128xi1>, vector<128x128xf32>
    %slice3A_4034 = vector.extract_strided_slice %sub3A {offsets = [7680, 256], sizes = [128, 128], strides = [1, 1]} : vector<8192x1024xf32> to vector<128x128xf32>
    %lt3A_4035 = arith.cmpf olt, %slice3A_4034, %min3A_4030 : vector<128x128xf32>
    %min3A_4036 = arith.minimumf %slice3A_4034, %min3A_4030 : vector<128x128xf32>
    %jit3A_4037 = arith.constant 2.000000e+00 : f32
    %broadcast_in_dim3A_4038 = vector.broadcast %jit3A_4037 : f32 to vector<128x128xf32>
    %select_n3A_4039 = arith.select %lt3A_4035, %broadcast_in_dim3A_4038, %select_n3A_4033 : vector<128x128xi1>, vector<128x128xf32>
    %slice3A_4040 = vector.extract_strided_slice %sub3A {offsets = [7680, 384], sizes = [128, 128], strides = [1, 1]} : vector<8192x1024xf32> to vector<128x128xf32>
    %lt3A_4041 = arith.cmpf olt, %slice3A_4040, %min3A_4036 : vector<128x128xf32>
    %min3A_4042 = arith.minimumf %slice3A_4040, %min3A_4036 : vector<128x128xf32>
    %jit3A_4043 = arith.constant 3.000000e+00 : f32
    %broadcast_in_dim3A_4044 = vector.broadcast %jit3A_4043 : f32 to vector<128x128xf32>
    %select_n3A_4045 = arith.select %lt3A_4041, %broadcast_in_dim3A_4044, %select_n3A_4039 : vector<128x128xi1>, vector<128x128xf32>
    %slice3A_4046 = vector.extract_strided_slice %sub3A {offsets = [7680, 512], sizes = [128, 128], strides = [1, 1]} : vector<8192x1024xf32> to vector<128x128xf32>
    %lt3A_4047 = arith.cmpf olt, %slice3A_4046, %min3A_4042 : vector<128x128xf32>
    %min3A_4048 = arith.minimumf %slice3A_4046, %min3A_4042 : vector<128x128xf32>
    %jit3A_4049 = arith.constant 4.000000e+00 : f32
    %broadcast_in_dim3A_4050 = vector.broadcast %jit3A_4049 : f32 to vector<128x128xf32>
    %select_n3A_4051 = arith.select %lt3A_4047, %broadcast_in_dim3A_4050, %select_n3A_4045 : vector<128x128xi1>, vector<128x128xf32>
    %slice3A_4052 = vector.extract_strided_slice %sub3A {offsets = [7680, 640], sizes = [128, 128], strides = [1, 1]} : vector<8192x1024xf32> to vector<128x128xf32>
    %lt3A_4053 = arith.cmpf olt, %slice3A_4052, %min3A_4048 : vector<128x128xf32>
    %min3A_4054 = arith.minimumf %slice3A_4052, %min3A_4048 : vector<128x128xf32>
    %jit3A_4055 = arith.constant 5.000000e+00 : f32
    %broadcast_in_dim3A_4056 = vector.broadcast %jit3A_4055 : f32 to vector<128x128xf32>
    %select_n3A_4057 = arith.select %lt3A_4053, %broadcast_in_dim3A_4056, %select_n3A_4051 : vector<128x128xi1>, vector<128x128xf32>
    %slice3A_4058 = vector.extract_strided_slice %sub3A {offsets = [7680, 768], sizes = [128, 128], strides = [1, 1]} : vector<8192x1024xf32> to vector<128x128xf32>
    %lt3A_4059 = arith.cmpf olt, %slice3A_4058, %min3A_4054 : vector<128x128xf32>
    %min3A_4060 = arith.minimumf %slice3A_4058, %min3A_4054 : vector<128x128xf32>
    %jit3A_4061 = arith.constant 6.000000e+00 : f32
    %broadcast_in_dim3A_4062 = vector.broadcast %jit3A_4061 : f32 to vector<128x128xf32>
    %select_n3A_4063 = arith.select %lt3A_4059, %broadcast_in_dim3A_4062, %select_n3A_4057 : vector<128x128xi1>, vector<128x128xf32>
    %slice3A_4064 = vector.extract_strided_slice %sub3A {offsets = [7680, 896], sizes = [128, 128], strides = [1, 1]} : vector<8192x1024xf32> to vector<128x128xf32>
    %lt3A_4065 = arith.cmpf olt, %slice3A_4064, %min3A_4060 : vector<128x128xf32>
    %min3A_4066 = arith.minimumf %slice3A_4064, %min3A_4060 : vector<128x128xf32>
    %jit3A_4067 = arith.constant 7.000000e+00 : f32
    %broadcast_in_dim3A_4068 = vector.broadcast %jit3A_4067 : f32 to vector<128x128xf32>
    %select_n3A_4069 = arith.select %lt3A_4065, %broadcast_in_dim3A_4068, %select_n3A_4063 : vector<128x128xi1>, vector<128x128xf32>
    %mul3A_4070 = arith.constant 1.280000e+02 : f32
    %mul3A_4071 = vector.broadcast %mul3A_4070 : f32 to vector<128x128xf32>
    %mul3A_4072 = arith.mulf %select_n3A_4069, %mul3A_4071 : vector<128x128xf32>
    %add3A_4073 = arith.addf %mul3A_4072, %convert_element_type3A : vector<128x128xf32>
    %transpose3A_4074 = tpu.transpose %min3A_4066, [1, 0] : vector<128x128xf32> -> vector<128x128xf32>
    %reduce_min3A_4075 = arith.constant dense<0x7F800000> : vector<128xf32>
    %reduce_min3A_4076 = vector.multi_reduction <minimumf>, %transpose3A_4074, %reduce_min3A_4075 [0] : vector<128x128xf32> to vector<128xf32>
    %broadcast_in_dim3A_4077 = vector.shape_cast %reduce_min3A_4076 : vector<128xf32> to vector<1x128xf32>
    %eq3A_4078 = vector.broadcast %broadcast_in_dim3A_4077 : vector<1x128xf32> to vector<128x128xf32>
    %eq3A_4079 = arith.cmpf oeq, %transpose3A_4074, %eq3A_4078 : vector<128x128xf32>
    %transpose3A_4080 = tpu.transpose %add3A_4073, [1, 0] : vector<128x128xf32> -> vector<128x128xf32>
    %jit3A_4081 = arith.constant 1.024000e+03 : f32
    %broadcast_in_dim3A_4082 = vector.broadcast %jit3A_4081 : f32 to vector<128x128xf32>
    %select_n3A_4083 = arith.select %eq3A_4079, %transpose3A_4080, %broadcast_in_dim3A_4082 : vector<128x128xi1>, vector<128x128xf32>
    %reduce_min3A_4084 = arith.constant dense<0x7F800000> : vector<128xf32>
    %reduce_min3A_4085 = vector.multi_reduction <minimumf>, %select_n3A_4083, %reduce_min3A_4084 [0] : vector<128x128xf32> to vector<128xf32>
    %reduce_sum3A_4086 = vector.shape_cast %broadcast_in_dim3A_4077 : vector<1x128xf32> to vector<1x1x128xf32>
    %reduce_sum3A_4087 = arith.constant dense<0.000000e+00> : vector<1xf32>
    %reduce_sum3A_4088 = vector.multi_reduction <add>, %reduce_sum3A_4086, %reduce_sum3A_4087 [1, 2] : vector<1x1x128xf32> to vector<1xf32>
    %reduce_sum3A_4089 = vector.shape_cast %reduce_sum3A_4088 : vector<1xf32> to vector<1x1x1xf32>
    %reduce_sum3A_4090 = vector.extract %reduce_sum3A_4089[0, 0, 0] : f32 from vector<1x1x1xf32>
    %add3A_4091 = arith.addf %add3A_4024, %reduce_sum3A_4090 : f32
    %slice3A_4092 = vector.extract_strided_slice %sub3A {offsets = [7808, 0], sizes = [128, 128], strides = [1, 1]} : vector<8192x1024xf32> to vector<128x128xf32>
    %broadcast_in_dim3A_4093 = arith.constant 0.000000e+00 : f32
    %broadcast_in_dim3A_4094 = vector.broadcast %broadcast_in_dim3A_4093 : f32 to vector<128x128xf32>
    %slice3A_4095 = vector.extract_strided_slice %sub3A {offsets = [7808, 128], sizes = [128, 128], strides = [1, 1]} : vector<8192x1024xf32> to vector<128x128xf32>
    %lt3A_4096 = arith.cmpf olt, %slice3A_4095, %slice3A_4092 : vector<128x128xf32>
    %min3A_4097 = arith.minimumf %slice3A_4095, %slice3A_4092 : vector<128x128xf32>
    %jit3A_4098 = arith.constant 1.000000e+00 : f32
    %broadcast_in_dim3A_4099 = vector.broadcast %jit3A_4098 : f32 to vector<128x128xf32>
    %select_n3A_4100 = arith.select %lt3A_4096, %broadcast_in_dim3A_4099, %broadcast_in_dim3A_4094 : vector<128x128xi1>, vector<128x128xf32>
    %slice3A_4101 = vector.extract_strided_slice %sub3A {offsets = [7808, 256], sizes = [128, 128], strides = [1, 1]} : vector<8192x1024xf32> to vector<128x128xf32>
    %lt3A_4102 = arith.cmpf olt, %slice3A_4101, %min3A_4097 : vector<128x128xf32>
    %min3A_4103 = arith.minimumf %slice3A_4101, %min3A_4097 : vector<128x128xf32>
    %jit3A_4104 = arith.constant 2.000000e+00 : f32
    %broadcast_in_dim3A_4105 = vector.broadcast %jit3A_4104 : f32 to vector<128x128xf32>
    %select_n3A_4106 = arith.select %lt3A_4102, %broadcast_in_dim3A_4105, %select_n3A_4100 : vector<128x128xi1>, vector<128x128xf32>
    %slice3A_4107 = vector.extract_strided_slice %sub3A {offsets = [7808, 384], sizes = [128, 128], strides = [1, 1]} : vector<8192x1024xf32> to vector<128x128xf32>
    %lt3A_4108 = arith.cmpf olt, %slice3A_4107, %min3A_4103 : vector<128x128xf32>
    %min3A_4109 = arith.minimumf %slice3A_4107, %min3A_4103 : vector<128x128xf32>
    %jit3A_4110 = arith.constant 3.000000e+00 : f32
    %broadcast_in_dim3A_4111 = vector.broadcast %jit3A_4110 : f32 to vector<128x128xf32>
    %select_n3A_4112 = arith.select %lt3A_4108, %broadcast_in_dim3A_4111, %select_n3A_4106 : vector<128x128xi1>, vector<128x128xf32>
    %slice3A_4113 = vector.extract_strided_slice %sub3A {offsets = [7808, 512], sizes = [128, 128], strides = [1, 1]} : vector<8192x1024xf32> to vector<128x128xf32>
    %lt3A_4114 = arith.cmpf olt, %slice3A_4113, %min3A_4109 : vector<128x128xf32>
    %min3A_4115 = arith.minimumf %slice3A_4113, %min3A_4109 : vector<128x128xf32>
    %jit3A_4116 = arith.constant 4.000000e+00 : f32
    %broadcast_in_dim3A_4117 = vector.broadcast %jit3A_4116 : f32 to vector<128x128xf32>
    %select_n3A_4118 = arith.select %lt3A_4114, %broadcast_in_dim3A_4117, %select_n3A_4112 : vector<128x128xi1>, vector<128x128xf32>
    %slice3A_4119 = vector.extract_strided_slice %sub3A {offsets = [7808, 640], sizes = [128, 128], strides = [1, 1]} : vector<8192x1024xf32> to vector<128x128xf32>
    %lt3A_4120 = arith.cmpf olt, %slice3A_4119, %min3A_4115 : vector<128x128xf32>
    %min3A_4121 = arith.minimumf %slice3A_4119, %min3A_4115 : vector<128x128xf32>
    %jit3A_4122 = arith.constant 5.000000e+00 : f32
    %broadcast_in_dim3A_4123 = vector.broadcast %jit3A_4122 : f32 to vector<128x128xf32>
    %select_n3A_4124 = arith.select %lt3A_4120, %broadcast_in_dim3A_4123, %select_n3A_4118 : vector<128x128xi1>, vector<128x128xf32>
    %slice3A_4125 = vector.extract_strided_slice %sub3A {offsets = [7808, 768], sizes = [128, 128], strides = [1, 1]} : vector<8192x1024xf32> to vector<128x128xf32>
    %lt3A_4126 = arith.cmpf olt, %slice3A_4125, %min3A_4121 : vector<128x128xf32>
    %min3A_4127 = arith.minimumf %slice3A_4125, %min3A_4121 : vector<128x128xf32>
    %jit3A_4128 = arith.constant 6.000000e+00 : f32
    %broadcast_in_dim3A_4129 = vector.broadcast %jit3A_4128 : f32 to vector<128x128xf32>
    %select_n3A_4130 = arith.select %lt3A_4126, %broadcast_in_dim3A_4129, %select_n3A_4124 : vector<128x128xi1>, vector<128x128xf32>
    %slice3A_4131 = vector.extract_strided_slice %sub3A {offsets = [7808, 896], sizes = [128, 128], strides = [1, 1]} : vector<8192x1024xf32> to vector<128x128xf32>
    %lt3A_4132 = arith.cmpf olt, %slice3A_4131, %min3A_4127 : vector<128x128xf32>
    %min3A_4133 = arith.minimumf %slice3A_4131, %min3A_4127 : vector<128x128xf32>
    %jit3A_4134 = arith.constant 7.000000e+00 : f32
    %broadcast_in_dim3A_4135 = vector.broadcast %jit3A_4134 : f32 to vector<128x128xf32>
    %select_n3A_4136 = arith.select %lt3A_4132, %broadcast_in_dim3A_4135, %select_n3A_4130 : vector<128x128xi1>, vector<128x128xf32>
    %mul3A_4137 = arith.constant 1.280000e+02 : f32
    %mul3A_4138 = vector.broadcast %mul3A_4137 : f32 to vector<128x128xf32>
    %mul3A_4139 = arith.mulf %select_n3A_4136, %mul3A_4138 : vector<128x128xf32>
    %add3A_4140 = arith.addf %mul3A_4139, %convert_element_type3A : vector<128x128xf32>
    %transpose3A_4141 = tpu.transpose %min3A_4133, [1, 0] : vector<128x128xf32> -> vector<128x128xf32>
    %reduce_min3A_4142 = arith.constant dense<0x7F800000> : vector<128xf32>
    %reduce_min3A_4143 = vector.multi_reduction <minimumf>, %transpose3A_4141, %reduce_min3A_4142 [0] : vector<128x128xf32> to vector<128xf32>
    %broadcast_in_dim3A_4144 = vector.shape_cast %reduce_min3A_4143 : vector<128xf32> to vector<1x128xf32>
    %eq3A_4145 = vector.broadcast %broadcast_in_dim3A_4144 : vector<1x128xf32> to vector<128x128xf32>
    %eq3A_4146 = arith.cmpf oeq, %transpose3A_4141, %eq3A_4145 : vector<128x128xf32>
    %transpose3A_4147 = tpu.transpose %add3A_4140, [1, 0] : vector<128x128xf32> -> vector<128x128xf32>
    %jit3A_4148 = arith.constant 1.024000e+03 : f32
    %broadcast_in_dim3A_4149 = vector.broadcast %jit3A_4148 : f32 to vector<128x128xf32>
    %select_n3A_4150 = arith.select %eq3A_4146, %transpose3A_4147, %broadcast_in_dim3A_4149 : vector<128x128xi1>, vector<128x128xf32>
    %reduce_min3A_4151 = arith.constant dense<0x7F800000> : vector<128xf32>
    %reduce_min3A_4152 = vector.multi_reduction <minimumf>, %select_n3A_4150, %reduce_min3A_4151 [0] : vector<128x128xf32> to vector<128xf32>
    %reduce_sum3A_4153 = vector.shape_cast %broadcast_in_dim3A_4144 : vector<1x128xf32> to vector<1x1x128xf32>
    %reduce_sum3A_4154 = arith.constant dense<0.000000e+00> : vector<1xf32>
    %reduce_sum3A_4155 = vector.multi_reduction <add>, %reduce_sum3A_4153, %reduce_sum3A_4154 [1, 2] : vector<1x1x128xf32> to vector<1xf32>
    %reduce_sum3A_4156 = vector.shape_cast %reduce_sum3A_4155 : vector<1xf32> to vector<1x1x1xf32>
    %reduce_sum3A_4157 = vector.extract %reduce_sum3A_4156[0, 0, 0] : f32 from vector<1x1x1xf32>
    %add3A_4158 = arith.addf %add3A_4091, %reduce_sum3A_4157 : f32
    %slice3A_4159 = vector.extract_strided_slice %sub3A {offsets = [7936, 0], sizes = [128, 128], strides = [1, 1]} : vector<8192x1024xf32> to vector<128x128xf32>
    %broadcast_in_dim3A_4160 = arith.constant 0.000000e+00 : f32
    %broadcast_in_dim3A_4161 = vector.broadcast %broadcast_in_dim3A_4160 : f32 to vector<128x128xf32>
    %slice3A_4162 = vector.extract_strided_slice %sub3A {offsets = [7936, 128], sizes = [128, 128], strides = [1, 1]} : vector<8192x1024xf32> to vector<128x128xf32>
    %lt3A_4163 = arith.cmpf olt, %slice3A_4162, %slice3A_4159 : vector<128x128xf32>
    %min3A_4164 = arith.minimumf %slice3A_4162, %slice3A_4159 : vector<128x128xf32>
    %jit3A_4165 = arith.constant 1.000000e+00 : f32
    %broadcast_in_dim3A_4166 = vector.broadcast %jit3A_4165 : f32 to vector<128x128xf32>
    %select_n3A_4167 = arith.select %lt3A_4163, %broadcast_in_dim3A_4166, %broadcast_in_dim3A_4161 : vector<128x128xi1>, vector<128x128xf32>
    %slice3A_4168 = vector.extract_strided_slice %sub3A {offsets = [7936, 256], sizes = [128, 128], strides = [1, 1]} : vector<8192x1024xf32> to vector<128x128xf32>
    %lt3A_4169 = arith.cmpf olt, %slice3A_4168, %min3A_4164 : vector<128x128xf32>
    %min3A_4170 = arith.minimumf %slice3A_4168, %min3A_4164 : vector<128x128xf32>
    %jit3A_4171 = arith.constant 2.000000e+00 : f32
    %broadcast_in_dim3A_4172 = vector.broadcast %jit3A_4171 : f32 to vector<128x128xf32>
    %select_n3A_4173 = arith.select %lt3A_4169, %broadcast_in_dim3A_4172, %select_n3A_4167 : vector<128x128xi1>, vector<128x128xf32>
    %slice3A_4174 = vector.extract_strided_slice %sub3A {offsets = [7936, 384], sizes = [128, 128], strides = [1, 1]} : vector<8192x1024xf32> to vector<128x128xf32>
    %lt3A_4175 = arith.cmpf olt, %slice3A_4174, %min3A_4170 : vector<128x128xf32>
    %min3A_4176 = arith.minimumf %slice3A_4174, %min3A_4170 : vector<128x128xf32>
    %jit3A_4177 = arith.constant 3.000000e+00 : f32
    %broadcast_in_dim3A_4178 = vector.broadcast %jit3A_4177 : f32 to vector<128x128xf32>
    %select_n3A_4179 = arith.select %lt3A_4175, %broadcast_in_dim3A_4178, %select_n3A_4173 : vector<128x128xi1>, vector<128x128xf32>
    %slice3A_4180 = vector.extract_strided_slice %sub3A {offsets = [7936, 512], sizes = [128, 128], strides = [1, 1]} : vector<8192x1024xf32> to vector<128x128xf32>
    %lt3A_4181 = arith.cmpf olt, %slice3A_4180, %min3A_4176 : vector<128x128xf32>
    %min3A_4182 = arith.minimumf %slice3A_4180, %min3A_4176 : vector<128x128xf32>
    %jit3A_4183 = arith.constant 4.000000e+00 : f32
    %broadcast_in_dim3A_4184 = vector.broadcast %jit3A_4183 : f32 to vector<128x128xf32>
    %select_n3A_4185 = arith.select %lt3A_4181, %broadcast_in_dim3A_4184, %select_n3A_4179 : vector<128x128xi1>, vector<128x128xf32>
    %slice3A_4186 = vector.extract_strided_slice %sub3A {offsets = [7936, 640], sizes = [128, 128], strides = [1, 1]} : vector<8192x1024xf32> to vector<128x128xf32>
    %lt3A_4187 = arith.cmpf olt, %slice3A_4186, %min3A_4182 : vector<128x128xf32>
    %min3A_4188 = arith.minimumf %slice3A_4186, %min3A_4182 : vector<128x128xf32>
    %jit3A_4189 = arith.constant 5.000000e+00 : f32
    %broadcast_in_dim3A_4190 = vector.broadcast %jit3A_4189 : f32 to vector<128x128xf32>
    %select_n3A_4191 = arith.select %lt3A_4187, %broadcast_in_dim3A_4190, %select_n3A_4185 : vector<128x128xi1>, vector<128x128xf32>
    %slice3A_4192 = vector.extract_strided_slice %sub3A {offsets = [7936, 768], sizes = [128, 128], strides = [1, 1]} : vector<8192x1024xf32> to vector<128x128xf32>
    %lt3A_4193 = arith.cmpf olt, %slice3A_4192, %min3A_4188 : vector<128x128xf32>
    %min3A_4194 = arith.minimumf %slice3A_4192, %min3A_4188 : vector<128x128xf32>
    %jit3A_4195 = arith.constant 6.000000e+00 : f32
    %broadcast_in_dim3A_4196 = vector.broadcast %jit3A_4195 : f32 to vector<128x128xf32>
    %select_n3A_4197 = arith.select %lt3A_4193, %broadcast_in_dim3A_4196, %select_n3A_4191 : vector<128x128xi1>, vector<128x128xf32>
    %slice3A_4198 = vector.extract_strided_slice %sub3A {offsets = [7936, 896], sizes = [128, 128], strides = [1, 1]} : vector<8192x1024xf32> to vector<128x128xf32>
    %lt3A_4199 = arith.cmpf olt, %slice3A_4198, %min3A_4194 : vector<128x128xf32>
    %min3A_4200 = arith.minimumf %slice3A_4198, %min3A_4194 : vector<128x128xf32>
    %jit3A_4201 = arith.constant 7.000000e+00 : f32
    %broadcast_in_dim3A_4202 = vector.broadcast %jit3A_4201 : f32 to vector<128x128xf32>
    %select_n3A_4203 = arith.select %lt3A_4199, %broadcast_in_dim3A_4202, %select_n3A_4197 : vector<128x128xi1>, vector<128x128xf32>
    %mul3A_4204 = arith.constant 1.280000e+02 : f32
    %mul3A_4205 = vector.broadcast %mul3A_4204 : f32 to vector<128x128xf32>
    %mul3A_4206 = arith.mulf %select_n3A_4203, %mul3A_4205 : vector<128x128xf32>
    %add3A_4207 = arith.addf %mul3A_4206, %convert_element_type3A : vector<128x128xf32>
    %transpose3A_4208 = tpu.transpose %min3A_4200, [1, 0] : vector<128x128xf32> -> vector<128x128xf32>
    %reduce_min3A_4209 = arith.constant dense<0x7F800000> : vector<128xf32>
    %reduce_min3A_4210 = vector.multi_reduction <minimumf>, %transpose3A_4208, %reduce_min3A_4209 [0] : vector<128x128xf32> to vector<128xf32>
    %broadcast_in_dim3A_4211 = vector.shape_cast %reduce_min3A_4210 : vector<128xf32> to vector<1x128xf32>
    %eq3A_4212 = vector.broadcast %broadcast_in_dim3A_4211 : vector<1x128xf32> to vector<128x128xf32>
    %eq3A_4213 = arith.cmpf oeq, %transpose3A_4208, %eq3A_4212 : vector<128x128xf32>
    %transpose3A_4214 = tpu.transpose %add3A_4207, [1, 0] : vector<128x128xf32> -> vector<128x128xf32>
    %jit3A_4215 = arith.constant 1.024000e+03 : f32
    %broadcast_in_dim3A_4216 = vector.broadcast %jit3A_4215 : f32 to vector<128x128xf32>
    %select_n3A_4217 = arith.select %eq3A_4213, %transpose3A_4214, %broadcast_in_dim3A_4216 : vector<128x128xi1>, vector<128x128xf32>
    %reduce_min3A_4218 = arith.constant dense<0x7F800000> : vector<128xf32>
    %reduce_min3A_4219 = vector.multi_reduction <minimumf>, %select_n3A_4217, %reduce_min3A_4218 [0] : vector<128x128xf32> to vector<128xf32>
    %reduce_sum3A_4220 = vector.shape_cast %broadcast_in_dim3A_4211 : vector<1x128xf32> to vector<1x1x128xf32>
    %reduce_sum3A_4221 = arith.constant dense<0.000000e+00> : vector<1xf32>
    %reduce_sum3A_4222 = vector.multi_reduction <add>, %reduce_sum3A_4220, %reduce_sum3A_4221 [1, 2] : vector<1x1x128xf32> to vector<1xf32>
    %reduce_sum3A_4223 = vector.shape_cast %reduce_sum3A_4222 : vector<1xf32> to vector<1x1x1xf32>
    %reduce_sum3A_4224 = vector.extract %reduce_sum3A_4223[0, 0, 0] : f32 from vector<1x1x1xf32>
    %add3A_4225 = arith.addf %add3A_4158, %reduce_sum3A_4224 : f32
    %slice3A_4226 = vector.extract_strided_slice %sub3A {offsets = [8064, 0], sizes = [128, 128], strides = [1, 1]} : vector<8192x1024xf32> to vector<128x128xf32>
    %broadcast_in_dim3A_4227 = arith.constant 0.000000e+00 : f32
    %broadcast_in_dim3A_4228 = vector.broadcast %broadcast_in_dim3A_4227 : f32 to vector<128x128xf32>
    %slice3A_4229 = vector.extract_strided_slice %sub3A {offsets = [8064, 128], sizes = [128, 128], strides = [1, 1]} : vector<8192x1024xf32> to vector<128x128xf32>
    %lt3A_4230 = arith.cmpf olt, %slice3A_4229, %slice3A_4226 : vector<128x128xf32>
    %min3A_4231 = arith.minimumf %slice3A_4229, %slice3A_4226 : vector<128x128xf32>
    %jit3A_4232 = arith.constant 1.000000e+00 : f32
    %broadcast_in_dim3A_4233 = vector.broadcast %jit3A_4232 : f32 to vector<128x128xf32>
    %select_n3A_4234 = arith.select %lt3A_4230, %broadcast_in_dim3A_4233, %broadcast_in_dim3A_4228 : vector<128x128xi1>, vector<128x128xf32>
    %slice3A_4235 = vector.extract_strided_slice %sub3A {offsets = [8064, 256], sizes = [128, 128], strides = [1, 1]} : vector<8192x1024xf32> to vector<128x128xf32>
    %lt3A_4236 = arith.cmpf olt, %slice3A_4235, %min3A_4231 : vector<128x128xf32>
    %min3A_4237 = arith.minimumf %slice3A_4235, %min3A_4231 : vector<128x128xf32>
    %jit3A_4238 = arith.constant 2.000000e+00 : f32
    %broadcast_in_dim3A_4239 = vector.broadcast %jit3A_4238 : f32 to vector<128x128xf32>
    %select_n3A_4240 = arith.select %lt3A_4236, %broadcast_in_dim3A_4239, %select_n3A_4234 : vector<128x128xi1>, vector<128x128xf32>
    %slice3A_4241 = vector.extract_strided_slice %sub3A {offsets = [8064, 384], sizes = [128, 128], strides = [1, 1]} : vector<8192x1024xf32> to vector<128x128xf32>
    %lt3A_4242 = arith.cmpf olt, %slice3A_4241, %min3A_4237 : vector<128x128xf32>
    %min3A_4243 = arith.minimumf %slice3A_4241, %min3A_4237 : vector<128x128xf32>
    %jit3A_4244 = arith.constant 3.000000e+00 : f32
    %broadcast_in_dim3A_4245 = vector.broadcast %jit3A_4244 : f32 to vector<128x128xf32>
    %select_n3A_4246 = arith.select %lt3A_4242, %broadcast_in_dim3A_4245, %select_n3A_4240 : vector<128x128xi1>, vector<128x128xf32>
    %slice3A_4247 = vector.extract_strided_slice %sub3A {offsets = [8064, 512], sizes = [128, 128], strides = [1, 1]} : vector<8192x1024xf32> to vector<128x128xf32>
    %lt3A_4248 = arith.cmpf olt, %slice3A_4247, %min3A_4243 : vector<128x128xf32>
    %min3A_4249 = arith.minimumf %slice3A_4247, %min3A_4243 : vector<128x128xf32>
    %jit3A_4250 = arith.constant 4.000000e+00 : f32
    %broadcast_in_dim3A_4251 = vector.broadcast %jit3A_4250 : f32 to vector<128x128xf32>
    %select_n3A_4252 = arith.select %lt3A_4248, %broadcast_in_dim3A_4251, %select_n3A_4246 : vector<128x128xi1>, vector<128x128xf32>
    %slice3A_4253 = vector.extract_strided_slice %sub3A {offsets = [8064, 640], sizes = [128, 128], strides = [1, 1]} : vector<8192x1024xf32> to vector<128x128xf32>
    %lt3A_4254 = arith.cmpf olt, %slice3A_4253, %min3A_4249 : vector<128x128xf32>
    %min3A_4255 = arith.minimumf %slice3A_4253, %min3A_4249 : vector<128x128xf32>
    %jit3A_4256 = arith.constant 5.000000e+00 : f32
    %broadcast_in_dim3A_4257 = vector.broadcast %jit3A_4256 : f32 to vector<128x128xf32>
    %select_n3A_4258 = arith.select %lt3A_4254, %broadcast_in_dim3A_4257, %select_n3A_4252 : vector<128x128xi1>, vector<128x128xf32>
    %slice3A_4259 = vector.extract_strided_slice %sub3A {offsets = [8064, 768], sizes = [128, 128], strides = [1, 1]} : vector<8192x1024xf32> to vector<128x128xf32>
    %lt3A_4260 = arith.cmpf olt, %slice3A_4259, %min3A_4255 : vector<128x128xf32>
    %min3A_4261 = arith.minimumf %slice3A_4259, %min3A_4255 : vector<128x128xf32>
    %jit3A_4262 = arith.constant 6.000000e+00 : f32
    %broadcast_in_dim3A_4263 = vector.broadcast %jit3A_4262 : f32 to vector<128x128xf32>
    %select_n3A_4264 = arith.select %lt3A_4260, %broadcast_in_dim3A_4263, %select_n3A_4258 : vector<128x128xi1>, vector<128x128xf32>
    %slice3A_4265 = vector.extract_strided_slice %sub3A {offsets = [8064, 896], sizes = [128, 128], strides = [1, 1]} : vector<8192x1024xf32> to vector<128x128xf32>
    %lt3A_4266 = arith.cmpf olt, %slice3A_4265, %min3A_4261 : vector<128x128xf32>
    %min3A_4267 = arith.minimumf %slice3A_4265, %min3A_4261 : vector<128x128xf32>
    %jit3A_4268 = arith.constant 7.000000e+00 : f32
    %broadcast_in_dim3A_4269 = vector.broadcast %jit3A_4268 : f32 to vector<128x128xf32>
    %select_n3A_4270 = arith.select %lt3A_4266, %broadcast_in_dim3A_4269, %select_n3A_4264 : vector<128x128xi1>, vector<128x128xf32>
    %mul3A_4271 = arith.constant 1.280000e+02 : f32
    %mul3A_4272 = vector.broadcast %mul3A_4271 : f32 to vector<128x128xf32>
    %mul3A_4273 = arith.mulf %select_n3A_4270, %mul3A_4272 : vector<128x128xf32>
    %add3A_4274 = arith.addf %mul3A_4273, %convert_element_type3A : vector<128x128xf32>
    %transpose3A_4275 = tpu.transpose %min3A_4267, [1, 0] : vector<128x128xf32> -> vector<128x128xf32>
    %reduce_min3A_4276 = arith.constant dense<0x7F800000> : vector<128xf32>
    %reduce_min3A_4277 = vector.multi_reduction <minimumf>, %transpose3A_4275, %reduce_min3A_4276 [0] : vector<128x128xf32> to vector<128xf32>
    %broadcast_in_dim3A_4278 = vector.shape_cast %reduce_min3A_4277 : vector<128xf32> to vector<1x128xf32>
    %eq3A_4279 = vector.broadcast %broadcast_in_dim3A_4278 : vector<1x128xf32> to vector<128x128xf32>
    %eq3A_4280 = arith.cmpf oeq, %transpose3A_4275, %eq3A_4279 : vector<128x128xf32>
    %transpose3A_4281 = tpu.transpose %add3A_4274, [1, 0] : vector<128x128xf32> -> vector<128x128xf32>
    %jit3A_4282 = arith.constant 1.024000e+03 : f32
    %broadcast_in_dim3A_4283 = vector.broadcast %jit3A_4282 : f32 to vector<128x128xf32>
    %select_n3A_4284 = arith.select %eq3A_4280, %transpose3A_4281, %broadcast_in_dim3A_4283 : vector<128x128xi1>, vector<128x128xf32>
    %reduce_min3A_4285 = arith.constant dense<0x7F800000> : vector<128xf32>
    %reduce_min3A_4286 = vector.multi_reduction <minimumf>, %select_n3A_4284, %reduce_min3A_4285 [0] : vector<128x128xf32> to vector<128xf32>
    %reduce_sum3A_4287 = vector.shape_cast %broadcast_in_dim3A_4278 : vector<1x128xf32> to vector<1x1x128xf32>
    %reduce_sum3A_4288 = arith.constant dense<0.000000e+00> : vector<1xf32>
    %reduce_sum3A_4289 = vector.multi_reduction <add>, %reduce_sum3A_4287, %reduce_sum3A_4288 [1, 2] : vector<1x1x128xf32> to vector<1xf32>
    %reduce_sum3A_4290 = vector.shape_cast %reduce_sum3A_4289 : vector<1xf32> to vector<1x1x1xf32>
    %reduce_sum3A_4291 = vector.extract %reduce_sum3A_4290[0, 0, 0] : f32 from vector<1x1x1xf32>
    %add3A_4292 = arith.addf %add3A_4225, %reduce_sum3A_4291 : f32
    %concatenate3A = tpu.concatenate %reduce_min3A_66, %reduce_min3A_132, %reduce_min3A_199, %reduce_min3A_266, %reduce_min3A_333, %reduce_min3A_400, %reduce_min3A_467, %reduce_min3A_534, %reduce_min3A_601, %reduce_min3A_668, %reduce_min3A_735, %reduce_min3A_802, %reduce_min3A_869, %reduce_min3A_936, %reduce_min3A_1003, %reduce_min3A_1070, %reduce_min3A_1137, %reduce_min3A_1204, %reduce_min3A_1271, %reduce_min3A_1338, %reduce_min3A_1405, %reduce_min3A_1472, %reduce_min3A_1539, %reduce_min3A_1606, %reduce_min3A_1673, %reduce_min3A_1740, %reduce_min3A_1807, %reduce_min3A_1874, %reduce_min3A_1941, %reduce_min3A_2008, %reduce_min3A_2075, %reduce_min3A_2142, %reduce_min3A_2209, %reduce_min3A_2276, %reduce_min3A_2343, %reduce_min3A_2410, %reduce_min3A_2477, %reduce_min3A_2544, %reduce_min3A_2611, %reduce_min3A_2678, %reduce_min3A_2745, %reduce_min3A_2812, %reduce_min3A_2879, %reduce_min3A_2946, %reduce_min3A_3013, %reduce_min3A_3080, %reduce_min3A_3147, %reduce_min3A_3214, %reduce_min3A_3281, %reduce_min3A_3348, %reduce_min3A_3415, %reduce_min3A_3482, %reduce_min3A_3549, %reduce_min3A_3616, %reduce_min3A_3683, %reduce_min3A_3750, %reduce_min3A_3817, %reduce_min3A_3884, %reduce_min3A_3951, %reduce_min3A_4018, %reduce_min3A_4085, %reduce_min3A_4152, %reduce_min3A_4219, %reduce_min3A_4286 in 0 : vector<128xf32>, vector<128xf32>, vector<128xf32>, vector<128xf32>, vector<128xf32>, vector<128xf32>, vector<128xf32>, vector<128xf32>, vector<128xf32>, vector<128xf32>, vector<128xf32>, vector<128xf32>, vector<128xf32>, vector<128xf32>, vector<128xf32>, vector<128xf32>, vector<128xf32>, vector<128xf32>, vector<128xf32>, vector<128xf32>, vector<128xf32>, vector<128xf32>, vector<128xf32>, vector<128xf32>, vector<128xf32>, vector<128xf32>, vector<128xf32>, vector<128xf32>, vector<128xf32>, vector<128xf32>, vector<128xf32>, vector<128xf32>, vector<128xf32>, vector<128xf32>, vector<128xf32>, vector<128xf32>, vector<128xf32>, vector<128xf32>, vector<128xf32>, vector<128xf32>, vector<128xf32>, vector<128xf32>, vector<128xf32>, vector<128xf32>, vector<128xf32>, vector<128xf32>, vector<128xf32>, vector<128xf32>, vector<128xf32>, vector<128xf32>, vector<128xf32>, vector<128xf32>, vector<128xf32>, vector<128xf32>, vector<128xf32>, vector<128xf32>, vector<128xf32>, vector<128xf32>, vector<128xf32>, vector<128xf32>, vector<128xf32>, vector<128xf32>, vector<128xf32>, vector<128xf32> -> vector<8192xf32>
    %convert_element_type3A_4293 = arith.fptosi %concatenate3A : vector<8192xf32> to vector<8192xi32>
    %swap3A = arith.constant 0 : index
    %swap3A_4294 = vector.load %arg4[%swap3A] : memref<8192xi32, #tpu.memory_space<vmem>>, vector<8192xi32>
    tpu.vector_store %arg4[%swap3A], %convert_element_type3A_4293 {strides = array<i32>} : memref<8192xi32, #tpu.memory_space<vmem>>, vector<8192xi32>,
    %eq3A_4295 = arith.constant 0 : i32
    %eq3A_4296 = arith.cmpi eq, %arg0, %eq3A_4295 : i32
    %convert_element_type3A_4297 = arith.extui %eq3A_4296 : i1 to i32
    %cond3A = arith.constant 0 : i32
    %cond3A_4298 = arith.cmpi ne, %convert_element_type3A_4297, %cond3A : i32
    scf.if %cond3A_4298 {
      %broadcast_in_dim3A_4306 = arith.constant 0.000000e+00 : f32
      %broadcast_in_dim3A_4307 = vector.broadcast %broadcast_in_dim3A_4306 : f32 to vector<1x1xf32>
      %swap3A_4308 = arith.constant 0 : index
      %swap3A_4309 = arith.constant 0 : index
      %swap3A_4310 = vector.load %arg5[%swap3A_4308, %swap3A_4309] : memref<1x1xf32, #tpu.memory_space<vmem>>, vector<1x1xf32>
      tpu.vector_store %arg5[%swap3A_4308, %swap3A_4309], %broadcast_in_dim3A_4307 {strides = array<i32>} : memref<1x1xf32, #tpu.memory_space<vmem>>, vector<1x1xf32>,
    } else {
    }
    %get3A_4299 = arith.constant 0 : index
    %get3A_4300 = arith.constant 0 : index
    %get3A_4301 = vector.load %arg5[%get3A_4299, %get3A_4300] : memref<1x1xf32, #tpu.memory_space<vmem>>, vector<1x1xf32>
    %reshape3A = vector.broadcast %add3A_4292 : f32 to vector<1x1xf32>
    %add3A_4302 = arith.addf %get3A_4301, %reshape3A : vector<1x1xf32>
    %swap3A_4303 = arith.constant 0 : index
    %swap3A_4304 = arith.constant 0 : index
    %swap3A_4305 = vector.load %arg5[%swap3A_4303, %swap3A_4304] : memref<1x1xf32, #tpu.memory_space<vmem>>, vector<1x1xf32>
    tpu.vector_store %arg5[%swap3A_4303, %swap3A_4304], %add3A_4302 {strides = array<i32>} : memref<1x1xf32, #tpu.memory_space<vmem>>, vector<1x1xf32>,
    return
  }
  func.func @transform_0(%arg0: i32) -> (i32, i32) {
    %c0_i32 = arith.constant 0 : i32
    %c0_i32_0 = arith.constant 0 : i32
    return %arg0, %c0_i32 : i32, i32
  }
  func.func @transform_1(%arg0: i32) -> (i32, i32) {
    %c0_i32 = arith.constant 0 : i32
    %c0_i32_0 = arith.constant 0 : i32
    %c0_i32_1 = arith.constant 0 : i32
    return %c0_i32, %c0_i32_0 : i32, i32
  }
  func.func @transform_2(%arg0: i32) -> (i32, i32) {
    %c0_i32 = arith.constant 0 : i32
    %c0_i32_0 = arith.constant 0 : i32
    %c0_i32_1 = arith.constant 0 : i32
    return %c0_i32, %c0_i32_0 : i32, i32
  }
  func.func @transform_3(%arg0: i32) -> i32 {
    %c0_i32 = arith.constant 0 : i32
    return %arg0 : i32
  }
  func.func @transform_4(%arg0: i32) -> (i32, i32) {
    %c0_i32 = arith.constant 0 : i32
    %c0_i32_0 = arith.constant 0 : i32
    %c0_i32_1 = arith.constant 0 : i32
    return %c0_i32, %c0_i32_0 : i32, i32
  }
}

</mosaic_0001>

<sc_bundles>
// kernel: kernel.4.cloned.1.call-start
scs
__scs_entry_jumppad:
0x0: {  	(pc) =	sbr.rel $0x88, $3  }
0x1: {  	(tag) =	ssettag $0x0;
	lr =	simm.s32 $0x1  }
0x2: {  	[smem:$0x3F9F] =	sst lr;
	_ =	strace $0xD0000000  }
0x3: {  	_ = 	snop  }
0x4: {  	_ = 	snop  }
0x5: {  	_ = 	snop  }
0x6: {  	_ = 	snop  }
0x7: {  	_ = 	snop  }
__scs_overlays_trampoline_lowered:
0x8: {  	[smem:$0x3FAE] =	sst s0  }
0x9: {  	[smem:$0x3FAF] =	sst s1  }
0xa: {  	[smem:$0x3FB0] =	sst s2  }
0xb: {  	[smem:$0x3FB1] =	sst s3  }
0xc: {  	[smem:$0x3FB2] =	sst s4  }
0xd: {  	[smem:$0x3FB3] =	sst s5  }
0xe: {  	[smem:$0x3FB4] =	sst s6  }
0xf: {  	[smem:$0x3FB5] =	sst s7  }
0x10: {  	[smem:$0x3FB6] =	sst s8  }
0x11: {  	[smem:$0x3FB7] =	sst s9;
	s0 =	simm.s32 @!p0 $0x0  }
0x12: {  	s1 =	sld [smem:$0x3F9D];
	s0 =	simm.s32 @p0 $0x1  }
0x13: {  	[smem:$0x3FB8] =	sst s0;
	s0 =	simm.s32 @!p1 $0x0  }
0x14: {  	s2 =	sld [smem:$0x3F9C];
	s0 =	simm.s32 @p1 $0x1  }
0x15: {  	[smem:$0x3FB9] =	sst s0;
	s0 =	simm.s32 @!p2 $0x0  }
0x16: {  	s3 =	sld [smem:$0x3FDB];
	s0 =	simm.s32 @p2 $0x1  }
0x17: {  	s4 =	simm.s32 $0x1BF5;
	[smem:$0x3FBB] =	sst s0  }
0x18: {  	s0 =	sld [smem:$0x3F9E];
	_ =	swait.ge [sflag:s4], $0x0  }
0x19: {  	s7 =	sld [smem:$0x3F9F]  }
0x1a: {  	s8 =	sadd.s32 $0xFFFFE003, lr  }
0x1b: {  	s9 =	sadd.s32 $0xFFFFFEF7, lr;
	s5 =	simm.s32 $0xFFFFFFFF;
	p2 =	slt.u32 s8, $0xFFFFF086  }
0x1c: {  	p1 =	slt.u32 s9, $0xF7A;
	s5 =	simm.s32 @!p2 $0x0  }
0x1d: {  	s5 =	simm.s32 @p1 $0x1;
	p0 =	seq.s32 s7, s2  }
0x1e: {  	s7 =	smul.u32 @!p0 $0xF7A, s2;
	p2 =	seq.s32 @!p0 s5, $0x0  }
0x1f: {  	s9 =	smul.u32 $0xF7A, s1;
	s8 =	simm.s32 @!p0 $0x1BF5;
	p2 =	por !p2, p0  }
0x20: {  	[sflag:s8] =	ssyncset.s32 @!p0 $0xFFFFF086;
	s6 =	sadd.s32 @!p0 s3, s7;
	s7 =	simm.s32 @!p0 $0x108  }
0x21: {  	s3 =	sadd.s32 s3, s9;
	s6 =	sadd.s32 @!p0 $0x88, s6;
	s7 =	simm.s32 @p2 $0x1082  }
0x22: {  	[simem:s7], [sflag:s8] =	dma.local @!p0 [hbm:s6], $0xF7A  }
0x23: {  	s9 =	sor.u32 $0xD0000000, s2;
	s6 =	simm.s32 $0x108;
	_ =	swait.ge @!p0 [sflag:s8], $0x0  }
0x24: {  	s3 =	sadd.s32 $0x88, s3;
	s6 =	simm.s32 @!p1 $0x1082;
	[sflag:s4] =	ssyncset.s32 $0xFFFFF086  }
0x25: {  	[simem:s6], [sflag:s4] =	dma.local [hbm:s3], $0xF7A  }
0x26: {  	[smem:$0x3F9F] =	sst s1;
	(tag) =	ssettag s2;
	_ =	strace s9  }
0x27: {  	s1 =	sld [smem:$0x3FAF]  }
0x28: {  	s2 =	sld [smem:$0x3FB0]  }
0x29: {  	s4 =	sld [smem:$0x3FB2]  }
0x2a: {  	p0 =	seq.s32 s5, $0x0;
	s5 =	sld [smem:$0x3FB3]  }
0x2b: {  	s6 =	sld [smem:$0x3FB4]  }
0x2c: {  	s7 =	sld [smem:$0x3FB5]  }
0x2d: {  	s3 =	simm.s32 $0x108;
	s8 =	sld [smem:$0x3FB6]  }
0x2e: {  	s3 =	simm.s32 @!p0 $0x1082;
	s9 =	sld [smem:$0x3FB7]  }
0x2f: {  	lr =	sadd.s32 s0, s3;
	s0 =	sld [smem:$0x3FAE]  }
0x30: {  	s3 =	sld [smem:$0x3FB1]  }
0x31: {  	[smem:$0x3FBA] =	sst s10  }
0x32: {  	s10 =	sld [smem:$0x3FB8];
	_ =	sdelay $0x3  }
0x33: {  	p0 =	seq.s32 s10, $0x1;
	s10 =	sld [smem:$0x3FBA];
	_ =	sdelay $0x3  }
0x34: {  	[smem:$0x3FBA] =	sst s10  }
0x35: {  	s10 =	sld [smem:$0x3FB9];
	_ =	sdelay $0x3  }
0x36: {  	p1 =	seq.s32 s10, $0x1;
	s10 =	sld [smem:$0x3FBA];
	_ =	sdelay $0x3  }
0x37: {  	[smem:$0x3FBA] =	sst s10  }
0x38: {  	s10 =	sld [smem:$0x3FBB]  }
0x39: {  	_ = 	snop;
	(pc) =	sbr.ind lr, $3  }
0x3a: {  	_ = 	snop  }
0x3b: {  	_ = 	snop  }
0x3c: {  	p2 =	seq.s32 s10, $0x1;
	s10 =	sld [smem:$0x3FBA]  }
0x3d: {  	_ =	shalt  }
0x3e: {  	_ =	shalt  }
0x3f: {  	_ =	shalt  }
0x40: {  	_ =	shalt  }
0x41: {  	_ =	shalt  }
0x42: {  	_ =	shalt  }
0x43: {  	_ =	shalt  }
0x44: {  	_ =	shalt  }
0x45: {  	_ =	shalt  }
0x46: {  	_ =	shalt  }
0x47: {  	_ =	shalt  }
0x48: {  	_ =	shalt  }
0x49: {  	_ =	shalt  }
0x4a: {  	_ =	shalt  }
0x4b: {  	_ =	shalt  }
0x4c: {  	_ =	shalt  }
0x4d: {  	_ =	shalt  }
0x4e: {  	_ =	shalt  }
0x4f: {  	_ =	shalt  }
0x50: {  	_ =	shalt  }
0x51: {  	_ =	shalt  }
0x52: {  	_ =	shalt  }
0x53: {  	_ =	shalt  }
0x54: {  	_ =	shalt  }
0x55: {  	_ =	shalt  }
0x56: {  	_ =	shalt  }
0x57: {  	_ =	shalt  }
0x58: {  	_ =	shalt  }
0x59: {  	_ =	shalt  }
0x5a: {  	_ =	shalt  }
0x5b: {  	_ =	shalt  }
0x5c: {  	_ =	shalt  }
0x5d: {  	_ =	shalt  }
0x5e: {  	_ =	shalt  }
0x5f: {  	_ =	shalt  }
0x60: {  	_ =	shalt  }
0x61: {  	_ =	shalt  }
0x62: {  	_ =	shalt  }
0x63: {  	_ =	shalt  }
0x64: {  	_ =	shalt  }
0x65: {  	_ =	shalt  }
0x66: {  	_ =	shalt  }
0x67: {  	_ =	shalt  }
0x68: {  	_ =	shalt  }
0x69: {  	_ =	shalt  }
0x6a: {  	_ =	shalt  }
0x6b: {  	_ =	shalt  }
0x6c: {  	_ =	shalt  }
0x6d: {  	_ =	shalt  }
0x6e: {  	_ =	shalt  }
0x6f: {  	_ =	shalt  }
0x70: {  	_ =	shalt  }
0x71: {  	_ =	shalt  }
0x72: {  	_ =	shalt  }
0x73: {  	_ =	shalt  }
0x74: {  	_ =	shalt  }
0x75: {  	_ =	shalt  }
0x76: {  	_ =	shalt  }
0x77: {  	_ =	shalt  }
0x78: {  	_ =	shalt  }
0x79: {  	_ =	shalt  }
0x7a: {  	_ =	shalt  }
0x7b: {  	_ =	shalt  }
0x7c: {  	_ =	shalt  }
0x7d: {  	_ =	shalt  }
0x7e: {  	_ =	shalt  }
0x7f: {  	_ =	shalt  }
0x80: {  	_ =	shalt  }
0x81: {  	_ =	shalt  }
0x82: {  	_ =	shalt  }
0x83: {  	_ =	shalt  }
0x84: {  	_ =	shalt  }
0x85: {  	_ =	shalt  }
0x86: {  	_ =	shalt  }
0x87: {  	_ =	shalt  }
.Lfunc_end0:
.L_simem_size_0:
called_computation_lowered:
.L_overlay_start_0:
0x88: {  	s2 =	sld [smem:$0x3FD9]  }
0x89: {  	s3 =	sld [smem:$0x3FFE];
	_ =	sdelay $0x1  }
0x8a: {  	s1 =	srdreg.scid  }
0x8b: {  	s0 =	sand.u32 $0x1, s1  }
0x8c: {  	s14 =	sshll.u32 s0, $0xA;
	s2 =	sadd.s32 s3, s2  }
0x8d: {  	s2 =	sadd.s32 s2, s14  }
0x8e: {  	[smem:$0x3FC6] =	sst s2  }
0x8f: {  	_ = 	snop  }
0x90: {  	s2 =	sld [smem:$0x3FD0];
	_ =	sdelay $0x2  }
0x91: {  	s15 =	simm.s32 $0xA;
	s4 =	simm.s32 $0x10  }
0x92: {  	[smem:s4], [sflag:s15] =	dma.local [hbm:s2], $0x1  }
0x93: {  	_ =	swait.eq [sflag:s15], $0x1  }
0x94: {  	[sflag:s15] =	ssyncset.done $0x0  }
0x95: {  	s16 =	sld [smem:$0x10];
	[sflag:s15] =	ssyncadd.s32 $0xFFFFFFFF  }
0x96: {  	s17 =	sld [smem:$0x12];
	(tm) =	ssettm $0x1  }
0x97: {  	s18 =	sld [smem:$0x3FFB];
	_ =	sdelay $0x3  }
0x98: {  	_ =	strace s18  }
0x99: {  	s4 =	sld [smem:$0x3FFC];
	_ =	sdelay $0x3  }
0x9a: {  	_ =	strace s4  }
0x9b: {  	s4 =	sld [smem:$0x3FFD];
	_ =	sdelay $0x3  }
0x9c: {  	_ =	strace s4  }
0x9d: {  	_ =	strace $0x8FFFFFFF  }
0x9e: {  	s19 =	sld [smem:$0x3FDB];
	_ =	sdelay $0x1  }
0x9f: {  	s5 =	simm.s32 $_scs_section_size  }
0xa0: {  	s6 =	simm.s32 $_size__tile_overlayer_lowered;
	s7 =	simm.s32 $_tile_overlayer_lowered  }
0xa1: {  	s22 =	simm.s32 $0x1BFF;
	s21 =	sshll.u32 s7, $0x1;
	s4 =	sadd.s32 s5, s19  }
0xa2: {  	s8 =	simm.s32 $0x0;
	s20 =	sshll.u32 s6, $0x1;
	s6 =	sadd.s32 s21, s4  }
0xa3: {  	[timem:s8], [sflag:s22] =	dma.local [hbm:s6], s20  }
0xa4: {  	_ =	swait.ge [sflag:s22], s20  }
0xa5: {  	s5 =	ssub.s32 $0x0, s20;
	[sflag:s22] =	ssyncset.done $0x0  }
0xa6: {  	[sflag:s22] =	ssyncadd.s32 s5;
	_ =	sdelay $0x1  }
0xa7: {  	s23 =	simm.s32 $0x1B8B  }
0xa8: {  	_ =	swait.ge [sflag:s23], $0x1  }
0xa9: {  	[sflag:s23] =	ssyncset.done $0x0  }
0xaa: {  	s25 =	simm.s32 $0x1B8E;
	s24 =	sld [smem:$0x3FFE];
	[sflag:s23] =	ssyncadd.s32 $0xFFFFFFFF  }
0xab: {  	s26 =	simm.s32 $execute0_lowered;
	[smem:$0x3FD2] =	sst s25  }
0xac: {  	s6 =	sshll.u32 s26, $0x1;
	_ =	strace $0x80000046;
	[dreg:$0x1] =	wrdreg $0xFFFFFFFF  }
0xad: {  	s28 =	simm.s32 $_size_execute0_lowered;
	s4 =	sadd.s32 s4, s6;
	[dreg:$0x0] =	wrdreg $0x0  }
0xae: {  	s6 =	sshll.u32 s28, $0x1;
	[dreg:$0x2] =	wrdreg s4  }
0xaf: {  	[dreg:$0x3] =	wrdreg s6  }
0xb0: {  	[dreg:$0x4] =	wrdreg $0xC0  }
0xb1: {  	_ =	task [dreg:s8], $0x5FFFF  }
0xb2: {  	[dreg:$0x1] =	wrdreg $0xFFFFFFFF  }
0xb3: {  	[dreg:$0x0] =	wrdreg $0x60  }
0xb4: {  	[dreg:$0x2] =	wrdreg s16  }
0xb5: {  	[dreg:$0x3] =	wrdreg s17  }
0xb6: {  	[dreg:$0x4] =	wrdreg s24  }
0xb7: {  	[dreg:$0x5] =	wrdreg $0x9  }
0xb8: {  	_ =	task.clear_ibuf [dreg:s8], $0x6FFFF;
	_ =	strace $0x90000046  }
0xb9: {  	s29 =	simm.s32 $0x9;
	_ =	strace $0x80000048  }
0xba: {  	_ =	swait.ge [sflag:s29], $0x1  }
0xbb: {  	[sflag:s29] =	ssyncadd.s32 $0xFFFFFFFF  }
0xbc: {  	_ =	strace $0x90000048  }
0xbd: {  	_ =	sfence  }
0xbe: {  	s30 =	sld [smem:$0x0];
	_ =	sdelay $0x2  }
0xbf: {  	s31 =	sshll.u32 s1, $0xD;
	s1 =	sshrl.u32 s1, $0x2  }
0xc0: {  	s3 =	sand.u32 $0x4000, s31;
	s1 =	sadd.s32 s1, s30  }
0xc1: {  	s0 =	sor.u32 s3, s0;
	s1 =	sshll.u32 s1, $0x11  }
0xc2: {  	s0 =	sor.u32 s1, s0  }
0xc3: {  	s0 =	sadd.s32 $0x8F2B, s0  }
0xc4: {  	[sflag:s0] =	ssyncadd.remote.s32 $0x1  }
0xc5: {  	_ =	sfence.sel $0xFFFF  }
0xc6: {  	[dreg:$0x0] =	wrdreg $0xFFFFFFFF;
	(pc) =	sbr.abs _section_cstart, $3  }
0xc7: {  	[dreg:$0x1] =	wrdreg $0xFFFFFFFF  }
0xc8: {  	_ =	task.clear_ibuf [dreg:s8], $0x2FFFF;
	_ =	strace $0x9FFFFFFF  }
0xc9: {  	(tm) =	ssettm $0x7FFFFFFF  }
tec
execute0_lowered:
.L_overlay_start_1:
0x0: {  	(tag) =	ssettag $0x1  }
0x1: {  	s1 =	rddreg [dreg:$0x0];
	s2 =	srdreg.scid  }
0x2: {  	s4 =	rddreg [dreg:$0x1];
	s0 =	stileid.u32;
	s19 =	sand.u32 $0x1, s2  }
0x3: {  	s14 =	rddreg [dreg:$0x2];
	s5 =	sshll.u32 s0, $0xA;
	s6 =	sshll.u32 s19, $0x9  }
0x4: {  	s3 =	simm.s32 $0x0;
	s2 =	rddreg [dreg:$0x3];
	s15 =	sor.u32 s6, s5  }
0x5: {  	[smem:$0x7FF] =	sst s3;
	s5 =	sshrl.u32 s15, $0x3  }
0x6: {  	_ =	strace $0x80000047;
	s4 =	sadd.s32 s4, s5;
	s5 =	simm.s32 $0x3  }
0x7: {  	[tilespmem:s3], [sflag:$0x3] =	stream.linear.gather [hbm4b:s4+s3], $0x200, $0x38;
	[tilespmem:$0x10200] =	vst v63  }
0x8: {  	_ =	swait.ge [sflag:s5], $0x200  }
0x9: {  	[sflag:s5] =	ssyncset.done $0x0  }
0xa: {  	s7 =	simm.s32 $0x200;
	s6 =	simm.s32 $0x80;
	[sflag:s5] =	ssyncadd.s32 $0xFFFFFE00  }
0xb: {  	[tilespmem:s7], [sflag:$0x1] =	stream.indirect.gather [hbm4b:s1+s6], $0x80, s3, s6, $0xb8;
	[tilespmem:$0x10200] =	vst v63  }
0xc: {  	s8 =	simm.s32 $0x4200  }
0xd: {  	[tilespmem:s8], [sflag:$0x1] =	stream.indirect.gather [hbm4b:s1+s6], $0x80, s6, s6, $0xb8;
	[tilespmem:$0x10200] =	vst v63  }
0xe: {  	s9 =	simm.s32 $0x100;
	s10 =	simm.s32 $0x8200  }
0xf: {  	[tilespmem:s10], [sflag:$0x1] =	stream.indirect.gather [hbm4b:s1+s6], $0x80, s9, s6, $0xb8;
	[tilespmem:$0x10200] =	vst v63  }
0x10: {  	s11 =	simm.s32 $0x180;
	s12 =	simm.s32 $0xC200;
	s13 =	simm.s32 $0x1  }
0x11: {  	[tilespmem:s12], [sflag:$0x1] =	stream.indirect.gather [hbm4b:s1+s6], $0x80, s11, s6, $0xb8;
	[tilespmem:$0x10200] =	vst v63  }
0x12: {  	s15 =	sshll.u32 s15, $0x4;
	_ =	swait.ge [sflag:s13], $0x4000  }
0x13: {  	s17 =	sadd.s32 s15, s14;
	[sflag:s13] =	ssyncset.done $0x0  }
0x14: {  	s14 =	sadd.s32 $0x400, s17;
	[sflag:s13] =	ssyncadd.s32 $0xFFFFC000  }
0x15: {  	[hbm4b:s14+s3] =	stream.linear.scatter [tilespmem:s7], [sflag:$0x2], $0x4000, $0x38;
	[tilespmem:$0x10200] =	vst v63  }
0x16: {  	_ =	swait.ge [sflag:s13], $0x4000  }
0x17: {  	[sflag:s13] =	ssyncset.done $0x0  }
0x18: {  	s15 =	sadd.s32 $0xC00, s17;
	[sflag:s13] =	ssyncadd.s32 $0xFFFFC000  }
0x19: {  	[hbm4b:s15+s3] =	stream.linear.scatter [tilespmem:s8], [sflag:$0x2], $0x4000, $0x38;
	[tilespmem:$0x10200] =	vst v63  }
0x1a: {  	_ =	swait.ge [sflag:s13], $0x4000  }
0x1b: {  	[sflag:s13] =	ssyncset.done $0x0  }
0x1c: {  	s16 =	sadd.s32 $0x1400, s17;
	[sflag:s13] =	ssyncadd.s32 $0xFFFFC000  }
0x1d: {  	[hbm4b:s16+s3] =	stream.linear.scatter [tilespmem:s10], [sflag:$0x2], $0x4000, $0x38;
	[tilespmem:$0x10200] =	vst v63  }
0x1e: {  	_ =	swait.ge [sflag:s13], $0x4000  }
0x1f: {  	[sflag:s13] =	ssyncset.done $0x0  }
0x20: {  	s18 =	sadd.s32 $0x1C00, s17;
	s17 =	simm.s32 $0x2;
	[sflag:s13] =	ssyncadd.s32 $0xFFFFC000  }
0x21: {  	[hbm4b:s18+s3] =	stream.linear.scatter [tilespmem:s12], [sflag:$0x2], $0x4000, $0x38;
	[tilespmem:$0x10200] =	vst v63  }
0x22: {  	_ =	swait.ge [sflag:s17], $0x4000  }
0x23: {  	s19 =	ssub.s32 $0x2, s19;
	[sflag:s17] =	ssyncset.done $0x0  }
0x24: {  	s20 =	sshrl.u32 s19, $0x1;
	[sflag:s17] =	ssyncadd.s32 $0xFFFFC000  }
0x25: {  	s19 =	ssub.s32 s19, s20;
	_ =	swait.ge [sflag:s17], $0x4000  }
0x26: {  	s19 =	smax.u32 s19, $0x1;
	[sflag:s17] =	ssyncset.done $0x0  }
0x27: {  	p0 =	sne.s32 s19, $0x1;
	[sflag:s17] =	ssyncadd.s32 $0xFFFFC000  }
.Ltmp0:
0x28: {  	_ =	swait.ge [sflag:s17], $0x4000;
	(pc) =	sbr.rel @!p0 .LBB2_2-.Ltmp0, $4  }
0x29: {  	[sflag:s17] =	ssyncset.done $0x0  }
0x2a: {  	[sflag:s17] =	ssyncadd.s32 $0xFFFFC000  }
0x2b: {  	_ =	swait.ge [sflag:s17], $0x4000  }
0x2c: {  	s19 =	sadd.s32 $0xFFFFFFFF, s19;
	[sflag:s17] =	ssyncset.done $0x0  }
.LBB2_1:
0x2d: {  	p0 =	sne.s32 s19, $0x1;
	s19 =	sadd.s32 $0xFFFFFFFF, s19;
	[sflag:s17] =	ssyncadd.s32 $0xFFFFC000  }
0x2e: {  	[tilespmem:s3], [sflag:$0x3] =	stream.linear.gather [hbm4b:s4+s3], $0x200, $0x38;
	[tilespmem:$0x10200] =	vst v63  }
0x2f: {  	_ =	swait.ge [sflag:s5], $0x200  }
0x30: {  	[sflag:s5] =	ssyncset.done $0x0  }
0x31: {  	[sflag:s5] =	ssyncadd.s32 $0xFFFFFE00  }
0x32: {  	[tilespmem:s7], [sflag:$0x1] =	stream.indirect.gather [hbm4b:s1+s6], $0x80, s3, s6, $0xb8;
	[tilespmem:$0x10200] =	vst v63  }
0x33: {  	_ = 	snop  }
0x34: {  	[tilespmem:s8], [sflag:$0x1] =	stream.indirect.gather [hbm4b:s1+s6], $0x80, s6, s6, $0xb8;
	[tilespmem:$0x10200] =	vst v63  }
0x35: {  	_ = 	snop  }
0x36: {  	[tilespmem:s10], [sflag:$0x1] =	stream.indirect.gather [hbm4b:s1+s6], $0x80, s9, s6, $0xb8;
	[tilespmem:$0x10200] =	vst v63  }
0x37: {  	_ = 	snop  }
0x38: {  	[tilespmem:s12], [sflag:$0x1] =	stream.indirect.gather [hbm4b:s1+s6], $0x80, s11, s6, $0xb8;
	[tilespmem:$0x10200] =	vst v63  }
0x39: {  	_ =	swait.ge [sflag:s13], $0x4000  }
0x3a: {  	[sflag:s13] =	ssyncset.done $0x0  }
0x3b: {  	[sflag:s13] =	ssyncadd.s32 $0xFFFFC000  }
0x3c: {  	[hbm4b:s14+s3] =	stream.linear.scatter [tilespmem:s7], [sflag:$0x2], $0x4000, $0x38;
	[tilespmem:$0x10200] =	vst v63  }
0x3d: {  	_ =	swait.ge [sflag:s13], $0x4000  }
0x3e: {  	[sflag:s13] =	ssyncset.done $0x0  }
0x3f: {  	[sflag:s13] =	ssyncadd.s32 $0xFFFFC000  }
0x40: {  	[hbm4b:s15+s3] =	stream.linear.scatter [tilespmem:s8], [sflag:$0x2], $0x4000, $0x38;
	[tilespmem:$0x10200] =	vst v63  }
0x41: {  	_ =	swait.ge [sflag:s13], $0x4000  }
0x42: {  	[sflag:s13] =	ssyncset.done $0x0  }
0x43: {  	[sflag:s13] =	ssyncadd.s32 $0xFFFFC000  }
0x44: {  	[hbm4b:s16+s3] =	stream.linear.scatter [tilespmem:s10], [sflag:$0x2], $0x4000, $0x38;
	[tilespmem:$0x10200] =	vst v63  }
0x45: {  	_ =	swait.ge [sflag:s13], $0x4000  }
0x46: {  	[sflag:s13] =	ssyncset.done $0x0  }
0x47: {  	[sflag:s13] =	ssyncadd.s32 $0xFFFFC000  }
0x48: {  	[hbm4b:s18+s3] =	stream.linear.scatter [tilespmem:s12], [sflag:$0x2], $0x4000, $0x38;
	[tilespmem:$0x10200] =	vst v63  }
0x49: {  	_ =	swait.ge [sflag:s17], $0x4000  }
0x4a: {  	[sflag:s17] =	ssyncset.done $0x0  }
0x4b: {  	[sflag:s17] =	ssyncadd.s32 $0xFFFFC000  }
0x4c: {  	_ =	swait.ge [sflag:s17], $0x4000  }
0x4d: {  	[sflag:s17] =	ssyncset.done $0x0  }
0x4e: {  	[sflag:s17] =	ssyncadd.s32 $0xFFFFC000  }
.Ltmp1:
0x4f: {  	_ =	swait.ge [sflag:s17], $0x4000;
	(pc) =	sbr.rel @p0 .LBB2_1-.Ltmp1, $4  }
0x50: {  	[sflag:s17] =	ssyncset.done $0x0  }
0x51: {  	[sflag:s17] =	ssyncadd.s32 $0xFFFFC000  }
0x52: {  	_ =	swait.ge [sflag:s17], $0x4000  }
0x53: {  	[sflag:s17] =	ssyncset.done $0x0  }
.LBB2_2:
0x54: {  	[sflag:s17] =	ssyncadd.s32 $0xFFFFC000  }
0x55: {  	_ =	sfence.sel $0x180000  }
0x56: {  	[bflag:$0x0] =	sbarrier.arrive $0xFFFF  }
0x57: {  	p0 =	sne.s32 s0, $0x0;
	_ =	strace $0x90000047  }
0x58: {  	s0 =	sadd.s32 @!p0 $0x100000, s2;
	[bflag:$0x2] =	sbarrier.arrive $0xFFFF  }
0x59: {  	[sflag:s0] =	ssyncadd.tile.s32 @!p0 $0x1;
	_ =	shalt  }
.Lfunc_end2:
_tile_overlayer_lowered:
.L_overlay_start_2:
0x5a: {  	(tag) =	ssettag $0x2  }
0x5b: {  	s0 =	rddreg [dreg:$0x0];
	s2 =	stileid.u32  }
0x5c: {  	s1 =	rddreg [dreg:$0x1];
	p0 =	sne.s32 s2, $0x0  }
0x5d: {  	s3 =	rddreg [dreg:$0x2];
	[bflag:$0x3] =	sbarrier.arrive $0xFFFF;
	s2 =	simm.s32 @!p0 $0x1C03  }
0x5e: {  	[timem:s3], [sflag:s2] =	dma.local @!p0 [hbm:s0], s1  }
0x5f: {  	s0 =	simm.s32 @!p0 $0x3  }
0x60: {  	_ =	swait.ge @!p0 [sflag:s0], s1  }
0x61: {  	s1 =	ssub.s32 @!p0 $0x0, s1;
	[sflag:s0] =	ssyncset.done @!p0 $0x0  }
0x62: {  	[sflag:s0] =	ssyncadd.s32 @!p0 s1  }
0x63: {  	[bflag:$0x3] =	sbarrier.arrive $0xFFFF  }
0x64: {  	_ =	shalt  }

</sc_bundles>
